<compile_context>
chip_gen: v7x
topology: tpu7x:2x2x1
jax: 0.10.2.dev20260603
libtpu: 0.0.44.dev20260713+nightly
codegen_flags: <defaults>
</compile_context>

<pallas_src>
import functools

import jax
import jax.numpy as jnp
from jax import lax
from jax.experimental import pallas as pl
from jax.experimental.pallas import tpu as pltpu
from jax.experimental.pallas import tpu_sc as plsc

N = 16384
F = 128
H = 50
H2 = H // 2
G = 100000
GT = 800
HPAD = 64

NC = 2
NS = 16
L = 16
NW = NC * NS
BPW = N // NW
BLK = 1024
IR = 32
PB = 6400

_SELU_ALPHA = 1.6732632423543772848170429916717
_SELU_SCALE = 1.0507009873554804934193349852946


def _rne16(u):
    return u + 0x7FFF + ((u >> 16) & 1)


def _pack_pairs(rows2):
    k2, m = rows2.shape
    u3 = lax.bitcast_convert_type(rows2, jnp.int32).reshape(k2 // 2, 2, m)
    lo = lax.shift_right_logical(_rne16(u3[:, 0, :]), 16)
    hi = _rne16(u3[:, 1, :]) & jnp.int32(-65536)
    return lo | hi


def _tc_body(x_ref, w_ref, b_ref, g_ref, t_ref, act_ref, idx_ref, tab_ref):
    pre = lax.dot_general(w_ref[...], x_ref[...], (((0,), (1,)), ((), ())),
                          preferred_element_type=jnp.float32)
    pre = pre + b_ref[...]
    act = _SELU_SCALE * jnp.where(
        pre > 0, pre, _SELU_ALPHA * (jnp.exp(pre) - 1.0))
    actp = _pack_pairs(act[:H, :])
    actp = jnp.concatenate(
        [actp, jnp.zeros((IR - H2, BLK), jnp.int32)], axis=0)
    act_ref[...] = actp.reshape(IR, BLK // 128, 128)

    g2 = g_ref[0, 0, :].reshape(2, 1, BPW)
    base2 = (g2 >> 7) * (IR * 128) + (g2 & 127)
    hh = lax.broadcasted_iota(jnp.int32, (1, IR, 1), 1) * 128
    idx_ref[...] = (base2 + hh).reshape(2 * IR, BPW).reshape(
        2 * IR * BPW // 128, 128)

    packed = _pack_pairs(t_ref[...])
    full = jnp.concatenate(
        [packed, jnp.zeros((IR - H2, PB), jnp.int32)], axis=0)
    tab_ref[...] = jnp.swapaxes(full.reshape(IR, PB // 128, 128), 0, 1)


def _tc_fused(x, w1p, b1p, gene3, table):
    return pl.pallas_call(
        _tc_body,
        grid=(N // BLK,),
        in_specs=[
            pl.BlockSpec((BLK, F), lambda i: (i, 0)),
            pl.BlockSpec((F, HPAD), lambda i: (0, 0)),
            pl.BlockSpec((HPAD, 1), lambda i: (0, 0)),
            pl.BlockSpec((1, 1, BLK), lambda i: (i, 0, 0)),
            pl.BlockSpec((H, PB), lambda i: (0, i)),
        ],
        out_specs=[
            pl.BlockSpec((IR, BLK // 128, 128), lambda i: (0, i, 0)),
            pl.BlockSpec((2 * IR * BPW // 128, 128), lambda i: (i, 0)),
            pl.BlockSpec((PB // 128, IR, 128), lambda i: (i, 0, 0)),
        ],
        out_shape=[
            jax.ShapeDtypeStruct((IR, N // 128, 128), jnp.int32),
            jax.ShapeDtypeStruct((NW * IR * BPW // 128, 128), jnp.int32),
            jax.ShapeDtypeStruct((GT, IR, 128), jnp.int32),
        ],
    )(x, w1p, b1p, gene3, table)


_sc_mesh = plsc.VectorSubcoreMesh(
    core_axis_name="c", subcore_axis_name="s", num_cores=NC, num_subcores=NS)


@functools.partial(
    pl.kernel,
    out_type=(
        jax.ShapeDtypeStruct((N,), jnp.float32),
        jax.ShapeDtypeStruct((N,), jnp.float32),
        jax.ShapeDtypeStruct((N,), jnp.float32),
    ),
    mesh=_sc_mesh,
    scratch_types=[
        pltpu.VMEM((BPW,), jnp.int32),
        pltpu.VMEM((BPW,), jnp.float32),
        pltpu.VMEM((BPW,), jnp.float32),
        pltpu.VMEM((BPW,), jnp.float32),
        pltpu.SemaphoreType.DMA,
    ],
)
def _sc_scalar(gene_hbm, bias_hbm, phi_hbm, pz_hbm,
               bias_out, phi_out, pz_out,
               idx_v, bias_v, phi_v, pz_v, sem):
    wid = lax.axis_index("s") * NC + lax.axis_index("c")
    base = wid * BPW
    pltpu.sync_copy(gene_hbm.at[pl.ds(base, BPW)], idx_v)
    copies = [
        pltpu.async_copy(bias_hbm.at[idx_v], bias_v, sem),
        pltpu.async_copy(phi_hbm.at[idx_v], phi_v, sem),
        pltpu.async_copy(pz_hbm.at[idx_v], pz_v, sem),
    ]
    for c in copies:
        c.wait()
    pltpu.sync_copy(bias_v, bias_out.at[pl.ds(base, BPW)])
    pltpu.sync_copy(phi_v, phi_out.at[pl.ds(base, BPW)])
    pltpu.sync_copy(pz_v, pz_out.at[pl.ds(base, BPW)])


@functools.partial(
    pl.kernel,
    out_type=jax.ShapeDtypeStruct((N,), jnp.float32),
    mesh=_sc_mesh,
    scratch_types=[
        pltpu.VMEM((H2 * BPW,), jnp.int32),
        pltpu.VMEM((H2 * BPW,), jnp.int32),
        pltpu.VMEM((H2 * BPW,), jnp.int32),
        pltpu.VMEM((BPW,), jnp.float32),
        pltpu.VMEM((BPW,), jnp.float32),
        pltpu.SemaphoreType.DMA,
        pltpu.SemaphoreType.DMA,
    ],
)
def _sc_gather_dot(idx_hbm, act_hbm, table_hbm, bias_hbm,
                   mu_out,
                   idx_v, a_v, w_v, bias_v, mu_v,
                   sem_w, sem_a):
    wid = lax.axis_index("s") * NC + lax.axis_index("c")
    base = wid * BPW

    pltpu.sync_copy(idx_hbm.at[pl.ds(wid * IR * BPW, H2 * BPW)], idx_v)

    w_copies = []
    a_copies = []
    for h2 in range(H2):
        w_copies.append(pltpu.async_copy(
            table_hbm.at[idx_v.at[pl.ds(h2 * BPW, BPW)]],
            w_v.at[pl.ds(h2 * BPW, BPW)], sem_w))
        a_copies.append(pltpu.async_copy(
            act_hbm.at[pl.ds(h2 * N + base, BPW)],
            a_v.at[pl.ds(h2 * BPW, BPW)], sem_a))
    bias_copy = pltpu.async_copy(bias_hbm.at[pl.ds(base, BPW)], bias_v, sem_a)

    mask = jnp.full((L,), -65536, jnp.int32)
    for h2 in range(H2):
        w_copies[h2].wait()
        a_copies[h2].wait()

        def body(j, _):
            sl = pl.ds(h2 * BPW + j * L, L)
            wi = w_v[sl]
            ai = a_v[sl]
            wlo = lax.bitcast_convert_type(wi << 16, jnp.float32)
            whi = lax.bitcast_convert_type(wi & mask, jnp.float32)
            alo = lax.bitcast_convert_type(ai << 16, jnp.float32)
            ahi = lax.bitcast_convert_type(ai & mask, jnp.float32)
            prod = wlo * alo + whi * ahi
            osl = pl.ds(j * L, L)
            if h2 == 0:
                mu_v[osl] = prod
            else:
                mu_v[osl] = mu_v[osl] + prod
            return 0

        lax.fori_loop(0, BPW // L, body, 0)

    bias_copy.wait()

    def bbody(j, _):
        osl = pl.ds(j * L, L)
        mu_v[osl] = mu_v[osl] + bias_v[osl]
        return 0

    lax.fori_loop(0, BPW // L, bbody, 0)

    pltpu.sync_copy(mu_v, mu_out.at[pl.ds(base, BPW)])


def kernel(gene_index_tensor_n, cell_index_tensor_n, cell_features_nf,
           total_obs_reads_per_cell_tensor_n, downsampling_rate_tensor_n,
           W1, b1, readout_weight_hg, readout_bias_g,
           log_phi_e_hi_g, logit_p_zero_e_hi_g):
    del cell_index_tensor_n, total_obs_reads_per_cell_tensor_n
    del downsampling_rate_tensor_n
    gene_i32 = gene_index_tensor_n.astype(jnp.int32)
    gene3 = gene_i32.reshape(N // BLK, 1, BLK)
    w1p = jnp.pad(W1, ((0, 0), (0, HPAD - H)))
    b1p = jnp.pad(b1, (0, HPAD - H)).reshape(HPAD, 1)
    act3, idx4, tab3 = _tc_fused(cell_features_nf, w1p, b1p, gene3,
                                 readout_weight_hg)
    bias_n, phi, pz = _sc_scalar(gene_i32, readout_bias_g,
                                 log_phi_e_hi_g, logit_p_zero_e_hi_g)
    mu = _sc_gather_dot(idx4.reshape(NW * IR * BPW),
                        act3.reshape(IR * N),
                        tab3.reshape(GT * IR * 128), bias_n)
    return mu, phi, pz

# --- scband reference (transcript-rebuilt; emitter-appended) ---
"""Pipeline reference for scband-single-cell-feature-predicted-gene-expression-prior-new-32607391711950 (READ-ONLY COPY).

The authoritative reference and input builder live on the scoring server;
editing this copy changes nothing except your own understanding.
"""

import jax, jax.numpy as jnp
import numpy as np

N = 16384  # batch of cell observations
F = 128    # n cell features
H = 50     # hidden dim
G = 100000 # n_genes

def setup_inputs(seed: int = 0) -> dict:
    key = jax.random.key(seed)
    ks = jax.random.split(key, 10)
    gene_index_tensor_n = jax.random.randint(ks[0], (N,), 0, G, dtype=jnp.int64)
    cell_index_tensor_n = jax.random.randint(ks[1], (N,), 0, N, dtype=jnp.int64)
    cell_features_nf = jax.random.normal(ks[2], (N, F), dtype=jnp.float32)
    total_obs_reads_per_cell_tensor_n = jax.random.uniform(ks[3], (N,), dtype=jnp.float32)
    downsampling_rate_tensor_n = jax.random.uniform(ks[4], (N,), dtype=jnp.float32)
    xavier = 1.0 / np.sqrt(F)
    W1 = jax.random.normal(ks[5], (F, H), dtype=jnp.float32) * xavier
    b1 = jnp.zeros((H,), dtype=jnp.float32)
    readout_weight_hg = xavier * jax.random.normal(ks[6], (H, G), dtype=jnp.float32)
    readout_bias_g = xavier * jax.random.normal(ks[7], (G,), dtype=jnp.float32)
    log_phi_e_hi_g = 0.1 * jax.random.normal(ks[8], (G,), dtype=jnp.float32)
    logit_p_zero_e_hi_g = 0.1 * jax.random.normal(ks[9], (G,), dtype=jnp.float32)
    return {
        'gene_index_tensor_n': gene_index_tensor_n,
        'cell_index_tensor_n': cell_index_tensor_n,
        'cell_features_nf': cell_features_nf,
        'total_obs_reads_per_cell_tensor_n': total_obs_reads_per_cell_tensor_n,
        'downsampling_rate_tensor_n': downsampling_rate_tensor_n,
        'W1': W1,
        'b1': b1,
        'readout_weight_hg': readout_weight_hg,
        'readout_bias_g': readout_bias_g,
        'log_phi_e_hi_g': log_phi_e_hi_g,
        'logit_p_zero_e_hi_g': logit_p_zero_e_hi_g,
    }

def reference(gene_index_tensor_n, cell_index_tensor_n, cell_features_nf,
              total_obs_reads_per_cell_tensor_n, downsampling_rate_tensor_n,
              W1, b1, readout_weight_hg, readout_bias_g,
              log_phi_e_hi_g, logit_p_zero_e_hi_g):
    # hidden MLP with SELU activation (single hidden layer, hidden_dims=(50,))
    activations_nh = jax.nn.selu(cell_features_nf @ W1 + b1)
    # gather per-example readout columns: readout_weight_hg[:, gene_index] -> [H, N]
    W_hn = jnp.take(readout_weight_hg, gene_index_tensor_n, axis=1)
    log_pred_mu_n = jnp.einsum('nh,hn->n', activations_nh, W_hn) \
                    + jnp.take(readout_bias_g, gene_index_tensor_n, axis=0)
    log_phi_e_hi_n = jnp.take(log_phi_e_hi_g, gene_index_tensor_n, axis=0)
    logit_p_zero_e_hi_n = jnp.take(logit_p_zero_e_hi_g, gene_index_tensor_n, axis=0)
    return (log_pred_mu_n, log_phi_e_hi_n, logit_p_zero_e_hi_n)

if __name__ == "__main__":
    import jax
    _d = setup_inputs()
    print(jax.jit(kernel)(*tuple(_d.values())))

</pallas_src>

<mosaic_0001>
#map = affine_map<(d0, d1) -> (0)>
module attributes {stable_mosaic.version = 14 : i64} {
  func.func @_sc_scalar(%arg0: i32, %arg1: i32, %arg2: memref<16384xi32, #tpu.memory_space<hbm>>, %arg3: memref<100000xf32, #tpu.memory_space<hbm>>, %arg4: memref<100000xf32, #tpu.memory_space<hbm>>, %arg5: memref<100000xf32, #tpu.memory_space<hbm>>, %arg6: memref<16384xf32, #tpu.memory_space<hbm>>, %arg7: memref<16384xf32, #tpu.memory_space<hbm>>, %arg8: memref<16384xf32, #tpu.memory_space<hbm>>, %arg9: memref<512xi32, #tpu.memory_space<vmem>>, %arg10: memref<512xf32, #tpu.memory_space<vmem>>, %arg11: memref<512xf32, #tpu.memory_space<vmem>>, %arg12: memref<512xf32, #tpu.memory_space<vmem>>, %arg13: memref<!tpu.dma_semaphore, #tpu.memory_space<semaphore_mem>>) attributes {dimension_semantics = [#tpu.dimension_semantics<core_parallel>, #tpu.dimension_semantics<subcore_parallel>], iteration_bounds = array<i64: 2, 16>, scalar_prefetch = 0 : i64, scratch_operands = 5 : i64, tpu.core_type = #tpu.core_type<sc_vector_subcore>, window_params = [{transform_indices = #map}, {transform_indices = #map}, {transform_indices = #map}, {transform_indices = #map}, {transform_indices = #map}, {transform_indices = #map}, {transform_indices = #map}]} {
    %mul3A = arith.constant 2 : i32
    %mul3A_0 = arith.muli %arg1, %mul3A : i32
    %add3A = arith.addi %mul3A_0, %arg0 : i32
    %mul3A_1 = arith.constant 512 : i32
    %mul3A_2 = arith.muli %add3A, %mul3A_1 : i32
    "tpu.region"() ({
      %run_scoped3A = tpu.sem_alloc : memref<!tpu.dma_semaphore, #tpu.memory_space<semaphore_mem>>
      %dma_start3A_13 = tpu.memref_slice %arg2[%mul3A_2] : memref<16384xi32, #tpu.memory_space<hbm>> -> memref<512xi32, #tpu.memory_space<hbm>>
      %dma_start3A_14 = tpu.memref_slice %arg2[%mul3A_2] : memref<16384xi32, #tpu.memory_space<hbm>> -> memref<512xi32, #tpu.memory_space<hbm>>
      tpu.enqueue_dma source(%dma_start3A_14 : memref<512xi32, #tpu.memory_space<hbm>>) target(%arg9 : memref<512xi32, #tpu.memory_space<vmem>>) target_semaphore(%run_scoped3A : memref<!tpu.dma_semaphore, #tpu.memory_space<semaphore_mem>>)
      %dma_wait3A_15 = tpu.memref_slice %arg2[%mul3A_2] : memref<16384xi32, #tpu.memory_space<hbm>> -> memref<512xi32, #tpu.memory_space<hbm>>
      %dma_wait3A_16 = tpu.memref_slice %arg2[%mul3A_2] : memref<16384xi32, #tpu.memory_space<hbm>> -> memref<512xi32, #tpu.memory_space<hbm>>
      tpu.wait_dma2 semaphore(%run_scoped3A : memref<!tpu.dma_semaphore, #tpu.memory_space<semaphore_mem>>) src(%dma_wait3A_16 : memref<512xi32, #tpu.memory_space<hbm>>) dst(%arg9 : memref<512xi32, #tpu.memory_space<vmem>>)
      tpu.yield
    }) : () -> ()
    %dma_start3A = arith.constant 0 : i32
    %dma_start3A_3 = tpu.memref_slice %arg3[%dma_start3A] : memref<100000xf32, #tpu.memory_space<hbm>> -> memref<100000xf32, #tpu.memory_space<hbm>>
    tpu.enqueue_indirect_dma source(%dma_start3A_3 : memref<100000xf32, #tpu.memory_space<hbm>>) target(%arg10 : memref<512xf32, #tpu.memory_space<vmem>>) offsets(%arg9 : memref<512xi32, #tpu.memory_space<vmem>>) semaphore(%arg13 : memref<!tpu.dma_semaphore, #tpu.memory_space<semaphore_mem>>)
    %dma_start3A_4 = arith.constant 0 : i32
    %dma_start3A_5 = tpu.memref_slice %arg4[%dma_start3A_4] : memref<100000xf32, #tpu.memory_space<hbm>> -> memref<100000xf32, #tpu.memory_space<hbm>>
    tpu.enqueue_indirect_dma source(%dma_start3A_5 : memref<100000xf32, #tpu.memory_space<hbm>>) target(%arg11 : memref<512xf32, #tpu.memory_space<vmem>>) offsets(%arg9 : memref<512xi32, #tpu.memory_space<vmem>>) semaphore(%arg13 : memref<!tpu.dma_semaphore, #tpu.memory_space<semaphore_mem>>)
    %dma_start3A_6 = arith.constant 0 : i32
    %dma_start3A_7 = tpu.memref_slice %arg5[%dma_start3A_6] : memref<100000xf32, #tpu.memory_space<hbm>> -> memref<100000xf32, #tpu.memory_space<hbm>>
    tpu.enqueue_indirect_dma source(%dma_start3A_7 : memref<100000xf32, #tpu.memory_space<hbm>>) target(%arg12 : memref<512xf32, #tpu.memory_space<vmem>>) offsets(%arg9 : memref<512xi32, #tpu.memory_space<vmem>>) semaphore(%arg13 : memref<!tpu.dma_semaphore, #tpu.memory_space<semaphore_mem>>)
    %dma_wait3A = arith.constant 0 : i32
    %dma_wait3A_8 = tpu.memref_slice %arg3[%dma_wait3A] : memref<100000xf32, #tpu.memory_space<hbm>> -> memref<100000xf32, #tpu.memory_space<hbm>>
    tpu.wait_indirect_dma semaphore(%arg13 : memref<!tpu.dma_semaphore, #tpu.memory_space<semaphore_mem>>) src(%dma_wait3A_8 : memref<100000xf32, #tpu.memory_space<hbm>>) dst(%arg10 : memref<512xf32, #tpu.memory_space<vmem>>)
    %dma_wait3A_9 = arith.constant 0 : i32
    %dma_wait3A_10 = tpu.memref_slice %arg4[%dma_wait3A_9] : memref<100000xf32, #tpu.memory_space<hbm>> -> memref<100000xf32, #tpu.memory_space<hbm>>
    tpu.wait_indirect_dma semaphore(%arg13 : memref<!tpu.dma_semaphore, #tpu.memory_space<semaphore_mem>>) src(%dma_wait3A_10 : memref<100000xf32, #tpu.memory_space<hbm>>) dst(%arg11 : memref<512xf32, #tpu.memory_space<vmem>>)
    %dma_wait3A_11 = arith.constant 0 : i32
    %dma_wait3A_12 = tpu.memref_slice %arg5[%dma_wait3A_11] : memref<100000xf32, #tpu.memory_space<hbm>> -> memref<100000xf32, #tpu.memory_space<hbm>>
    tpu.wait_indirect_dma semaphore(%arg13 : memref<!tpu.dma_semaphore, #tpu.memory_space<semaphore_mem>>) src(%dma_wait3A_12 : memref<100000xf32, #tpu.memory_space<hbm>>) dst(%arg12 : memref<512xf32, #tpu.memory_space<vmem>>)
    "tpu.region"() ({
      %run_scoped3A = tpu.sem_alloc : memref<!tpu.dma_semaphore, #tpu.memory_space<semaphore_mem>>
      %dma_start3A_13 = tpu.memref_slice %arg6[%mul3A_2] : memref<16384xf32, #tpu.memory_space<hbm>> -> memref<512xf32, #tpu.memory_space<hbm>>
      %dma_start3A_14 = tpu.memref_slice %arg6[%mul3A_2] : memref<16384xf32, #tpu.memory_space<hbm>> -> memref<512xf32, #tpu.memory_space<hbm>>
      tpu.enqueue_dma source(%arg10 : memref<512xf32, #tpu.memory_space<vmem>>) target(%dma_start3A_14 : memref<512xf32, #tpu.memory_space<hbm>>) target_semaphore(%run_scoped3A : memref<!tpu.dma_semaphore, #tpu.memory_space<semaphore_mem>>)
      %dma_wait3A_15 = tpu.memref_slice %arg6[%mul3A_2] : memref<16384xf32, #tpu.memory_space<hbm>> -> memref<512xf32, #tpu.memory_space<hbm>>
      %dma_wait3A_16 = tpu.memref_slice %arg6[%mul3A_2] : memref<16384xf32, #tpu.memory_space<hbm>> -> memref<512xf32, #tpu.memory_space<hbm>>
      tpu.wait_dma2 semaphore(%run_scoped3A : memref<!tpu.dma_semaphore, #tpu.memory_space<semaphore_mem>>) src(%arg10 : memref<512xf32, #tpu.memory_space<vmem>>) dst(%dma_wait3A_16 : memref<512xf32, #tpu.memory_space<hbm>>)
      tpu.yield
    }) : () -> ()
    "tpu.region"() ({
      %run_scoped3A = tpu.sem_alloc : memref<!tpu.dma_semaphore, #tpu.memory_space<semaphore_mem>>
      %dma_start3A_13 = tpu.memref_slice %arg7[%mul3A_2] : memref<16384xf32, #tpu.memory_space<hbm>> -> memref<512xf32, #tpu.memory_space<hbm>>
      %dma_start3A_14 = tpu.memref_slice %arg7[%mul3A_2] : memref<16384xf32, #tpu.memory_space<hbm>> -> memref<512xf32, #tpu.memory_space<hbm>>
      tpu.enqueue_dma source(%arg11 : memref<512xf32, #tpu.memory_space<vmem>>) target(%dma_start3A_14 : memref<512xf32, #tpu.memory_space<hbm>>) target_semaphore(%run_scoped3A : memref<!tpu.dma_semaphore, #tpu.memory_space<semaphore_mem>>)
      %dma_wait3A_15 = tpu.memref_slice %arg7[%mul3A_2] : memref<16384xf32, #tpu.memory_space<hbm>> -> memref<512xf32, #tpu.memory_space<hbm>>
      %dma_wait3A_16 = tpu.memref_slice %arg7[%mul3A_2] : memref<16384xf32, #tpu.memory_space<hbm>> -> memref<512xf32, #tpu.memory_space<hbm>>
      tpu.wait_dma2 semaphore(%run_scoped3A : memref<!tpu.dma_semaphore, #tpu.memory_space<semaphore_mem>>) src(%arg11 : memref<512xf32, #tpu.memory_space<vmem>>) dst(%dma_wait3A_16 : memref<512xf32, #tpu.memory_space<hbm>>)
      tpu.yield
    }) : () -> ()
    "tpu.region"() ({
      %run_scoped3A = tpu.sem_alloc : memref<!tpu.dma_semaphore, #tpu.memory_space<semaphore_mem>>
      %dma_start3A_13 = tpu.memref_slice %arg8[%mul3A_2] : memref<16384xf32, #tpu.memory_space<hbm>> -> memref<512xf32, #tpu.memory_space<hbm>>
      %dma_start3A_14 = tpu.memref_slice %arg8[%mul3A_2] : memref<16384xf32, #tpu.memory_space<hbm>> -> memref<512xf32, #tpu.memory_space<hbm>>
      tpu.enqueue_dma source(%arg12 : memref<512xf32, #tpu.memory_space<vmem>>) target(%dma_start3A_14 : memref<512xf32, #tpu.memory_space<hbm>>) target_semaphore(%run_scoped3A : memref<!tpu.dma_semaphore, #tpu.memory_space<semaphore_mem>>)
      %dma_wait3A_15 = tpu.memref_slice %arg8[%mul3A_2] : memref<16384xf32, #tpu.memory_space<hbm>> -> memref<512xf32, #tpu.memory_space<hbm>>
      %dma_wait3A_16 = tpu.memref_slice %arg8[%mul3A_2] : memref<16384xf32, #tpu.memory_space<hbm>> -> memref<512xf32, #tpu.memory_space<hbm>>
      tpu.wait_dma2 semaphore(%run_scoped3A : memref<!tpu.dma_semaphore, #tpu.memory_space<semaphore_mem>>) src(%arg12 : memref<512xf32, #tpu.memory_space<vmem>>) dst(%dma_wait3A_16 : memref<512xf32, #tpu.memory_space<hbm>>)
      tpu.yield
    }) : () -> ()
    return
  }
}

#map = affine_map<(d0, d1) -> (0)>
module attributes {stable_mosaic.version = 14 : i64} {
  func.func @_sc_gather_dot(%arg0: i32, %arg1: i32, %arg2: memref<524288xi32, #tpu.memory_space<hbm>>, %arg3: memref<524288xi32, #tpu.memory_space<hbm>>, %arg4: memref<3276800xi32, #tpu.memory_space<hbm>>, %arg5: memref<16384xf32, #tpu.memory_space<hbm>>, %arg6: memref<16384xf32, #tpu.memory_space<hbm>>, %arg7: memref<12800xi32, #tpu.memory_space<vmem>>, %arg8: memref<12800xi32, #tpu.memory_space<vmem>>, %arg9: memref<12800xi32, #tpu.memory_space<vmem>>, %arg10: memref<512xf32, #tpu.memory_space<vmem>>, %arg11: memref<512xf32, #tpu.memory_space<vmem>>, %arg12: memref<!tpu.dma_semaphore, #tpu.memory_space<semaphore_mem>>, %arg13: memref<!tpu.dma_semaphore, #tpu.memory_space<semaphore_mem>>) attributes {dimension_semantics = [#tpu.dimension_semantics<core_parallel>, #tpu.dimension_semantics<subcore_parallel>], iteration_bounds = array<i64: 2, 16>, scalar_prefetch = 0 : i64, scratch_operands = 7 : i64, tpu.core_type = #tpu.core_type<sc_vector_subcore>, window_params = [{transform_indices = #map}, {transform_indices = #map}, {transform_indices = #map}, {transform_indices = #map}, {transform_indices = #map}]} {
    %mul3A = arith.constant 2 : i32
    %mul3A_0 = arith.muli %arg1, %mul3A : i32
    %add3A = arith.addi %mul3A_0, %arg0 : i32
    %mul3A_1 = arith.constant 512 : i32
    %mul3A_2 = arith.muli %add3A, %mul3A_1 : i32
    %mul3A_3 = arith.constant 32 : i32
    %mul3A_4 = arith.muli %add3A, %mul3A_3 : i32
    %mul3A_5 = arith.constant 512 : i32
    %mul3A_6 = arith.muli %mul3A_4, %mul3A_5 : i32
    "tpu.region"() ({
      %run_scoped3A = tpu.sem_alloc : memref<!tpu.dma_semaphore, #tpu.memory_space<semaphore_mem>>
      %dma_start3A_841 = tpu.memref_slice %arg2[%mul3A_6] : memref<524288xi32, #tpu.memory_space<hbm>> -> memref<12800xi32, #tpu.memory_space<hbm>>
      %dma_start3A_842 = tpu.memref_slice %arg2[%mul3A_6] : memref<524288xi32, #tpu.memory_space<hbm>> -> memref<12800xi32, #tpu.memory_space<hbm>>
      tpu.enqueue_dma source(%dma_start3A_842 : memref<12800xi32, #tpu.memory_space<hbm>>) target(%arg7 : memref<12800xi32, #tpu.memory_space<vmem>>) target_semaphore(%run_scoped3A : memref<!tpu.dma_semaphore, #tpu.memory_space<semaphore_mem>>)
      %dma_wait3A_843 = tpu.memref_slice %arg2[%mul3A_6] : memref<524288xi32, #tpu.memory_space<hbm>> -> memref<12800xi32, #tpu.memory_space<hbm>>
      %dma_wait3A_844 = tpu.memref_slice %arg2[%mul3A_6] : memref<524288xi32, #tpu.memory_space<hbm>> -> memref<12800xi32, #tpu.memory_space<hbm>>
      tpu.wait_dma2 semaphore(%run_scoped3A : memref<!tpu.dma_semaphore, #tpu.memory_space<semaphore_mem>>) src(%dma_wait3A_844 : memref<12800xi32, #tpu.memory_space<hbm>>) dst(%arg7 : memref<12800xi32, #tpu.memory_space<vmem>>)
      tpu.yield
    }) : () -> ()
    %dma_start3A = arith.constant 0 : i32
    %dma_start3A_7 = tpu.memref_slice %arg9[%dma_start3A] : memref<12800xi32, #tpu.memory_space<vmem>> -> memref<512xi32, #tpu.memory_space<vmem>>
    %dma_start3A_8 = arith.constant 0 : i32
    %dma_start3A_9 = tpu.memref_slice %arg7[%dma_start3A_8] : memref<12800xi32, #tpu.memory_space<vmem>> -> memref<512xi32, #tpu.memory_space<vmem>>
    %dma_start3A_10 = arith.constant 0 : i32
    %dma_start3A_11 = tpu.memref_slice %arg4[%dma_start3A_10] : memref<3276800xi32, #tpu.memory_space<hbm>> -> memref<3276800xi32, #tpu.memory_space<hbm>>
    tpu.enqueue_indirect_dma source(%dma_start3A_11 : memref<3276800xi32, #tpu.memory_space<hbm>>) target(%dma_start3A_7 : memref<512xi32, #tpu.memory_space<vmem>>) offsets(%dma_start3A_9 : memref<512xi32, #tpu.memory_space<vmem>>) semaphore(%arg12 : memref<!tpu.dma_semaphore, #tpu.memory_space<semaphore_mem>>)
    %add3A_12 = arith.constant 0 : i32
    %add3A_13 = arith.addi %add3A_12, %mul3A_2 : i32
    %dma_start3A_14 = arith.constant 0 : i32
    %dma_start3A_15 = tpu.memref_slice %arg8[%dma_start3A_14] : memref<12800xi32, #tpu.memory_space<vmem>> -> memref<512xi32, #tpu.memory_space<vmem>>
    %dma_start3A_16 = tpu.memref_slice %arg3[%add3A_13] : memref<524288xi32, #tpu.memory_space<hbm>> -> memref<512xi32, #tpu.memory_space<hbm>>
    %dma_start3A_17 = arith.constant 0 : i32
    %dma_start3A_18 = tpu.memref_slice %arg8[%dma_start3A_17] : memref<12800xi32, #tpu.memory_space<vmem>> -> memref<512xi32, #tpu.memory_space<vmem>>
    %dma_start3A_19 = tpu.memref_slice %arg3[%add3A_13] : memref<524288xi32, #tpu.memory_space<hbm>> -> memref<512xi32, #tpu.memory_space<hbm>>
    tpu.enqueue_dma source(%dma_start3A_19 : memref<512xi32, #tpu.memory_space<hbm>>) target(%dma_start3A_18 : memref<512xi32, #tpu.memory_space<vmem>>) target_semaphore(%arg13 : memref<!tpu.dma_semaphore, #tpu.memory_space<semaphore_mem>>)
    %dma_start3A_20 = arith.constant 512 : i32
    %dma_start3A_21 = tpu.memref_slice %arg9[%dma_start3A_20] : memref<12800xi32, #tpu.memory_space<vmem>> -> memref<512xi32, #tpu.memory_space<vmem>>
    %dma_start3A_22 = arith.constant 512 : i32
    %dma_start3A_23 = tpu.memref_slice %arg7[%dma_start3A_22] : memref<12800xi32, #tpu.memory_space<vmem>> -> memref<512xi32, #tpu.memory_space<vmem>>
    %dma_start3A_24 = arith.constant 0 : i32
    %dma_start3A_25 = tpu.memref_slice %arg4[%dma_start3A_24] : memref<3276800xi32, #tpu.memory_space<hbm>> -> memref<3276800xi32, #tpu.memory_space<hbm>>
    tpu.enqueue_indirect_dma source(%dma_start3A_25 : memref<3276800xi32, #tpu.memory_space<hbm>>) target(%dma_start3A_21 : memref<512xi32, #tpu.memory_space<vmem>>) offsets(%dma_start3A_23 : memref<512xi32, #tpu.memory_space<vmem>>) semaphore(%arg12 : memref<!tpu.dma_semaphore, #tpu.memory_space<semaphore_mem>>)
    %add3A_26 = arith.constant 16384 : i32
    %add3A_27 = arith.addi %add3A_26, %mul3A_2 : i32
    %dma_start3A_28 = arith.constant 512 : i32
    %dma_start3A_29 = tpu.memref_slice %arg8[%dma_start3A_28] : memref<12800xi32, #tpu.memory_space<vmem>> -> memref<512xi32, #tpu.memory_space<vmem>>
    %dma_start3A_30 = tpu.memref_slice %arg3[%add3A_27] : memref<524288xi32, #tpu.memory_space<hbm>> -> memref<512xi32, #tpu.memory_space<hbm>>
    %dma_start3A_31 = arith.constant 512 : i32
    %dma_start3A_32 = tpu.memref_slice %arg8[%dma_start3A_31] : memref<12800xi32, #tpu.memory_space<vmem>> -> memref<512xi32, #tpu.memory_space<vmem>>
    %dma_start3A_33 = tpu.memref_slice %arg3[%add3A_27] : memref<524288xi32, #tpu.memory_space<hbm>> -> memref<512xi32, #tpu.memory_space<hbm>>
    tpu.enqueue_dma source(%dma_start3A_33 : memref<512xi32, #tpu.memory_space<hbm>>) target(%dma_start3A_32 : memref<512xi32, #tpu.memory_space<vmem>>) target_semaphore(%arg13 : memref<!tpu.dma_semaphore, #tpu.memory_space<semaphore_mem>>)
    %dma_start3A_34 = arith.constant 1024 : i32
    %dma_start3A_35 = tpu.memref_slice %arg9[%dma_start3A_34] : memref<12800xi32, #tpu.memory_space<vmem>> -> memref<512xi32, #tpu.memory_space<vmem>>
    %dma_start3A_36 = arith.constant 1024 : i32
    %dma_start3A_37 = tpu.memref_slice %arg7[%dma_start3A_36] : memref<12800xi32, #tpu.memory_space<vmem>> -> memref<512xi32, #tpu.memory_space<vmem>>
    %dma_start3A_38 = arith.constant 0 : i32
    %dma_start3A_39 = tpu.memref_slice %arg4[%dma_start3A_38] : memref<3276800xi32, #tpu.memory_space<hbm>> -> memref<3276800xi32, #tpu.memory_space<hbm>>
    tpu.enqueue_indirect_dma source(%dma_start3A_39 : memref<3276800xi32, #tpu.memory_space<hbm>>) target(%dma_start3A_35 : memref<512xi32, #tpu.memory_space<vmem>>) offsets(%dma_start3A_37 : memref<512xi32, #tpu.memory_space<vmem>>) semaphore(%arg12 : memref<!tpu.dma_semaphore, #tpu.memory_space<semaphore_mem>>)
    %add3A_40 = arith.constant 32768 : i32
    %add3A_41 = arith.addi %add3A_40, %mul3A_2 : i32
    %dma_start3A_42 = arith.constant 1024 : i32
    %dma_start3A_43 = tpu.memref_slice %arg8[%dma_start3A_42] : memref<12800xi32, #tpu.memory_space<vmem>> -> memref<512xi32, #tpu.memory_space<vmem>>
    %dma_start3A_44 = tpu.memref_slice %arg3[%add3A_41] : memref<524288xi32, #tpu.memory_space<hbm>> -> memref<512xi32, #tpu.memory_space<hbm>>
    %dma_start3A_45 = arith.constant 1024 : i32
    %dma_start3A_46 = tpu.memref_slice %arg8[%dma_start3A_45] : memref<12800xi32, #tpu.memory_space<vmem>> -> memref<512xi32, #tpu.memory_space<vmem>>
    %dma_start3A_47 = tpu.memref_slice %arg3[%add3A_41] : memref<524288xi32, #tpu.memory_space<hbm>> -> memref<512xi32, #tpu.memory_space<hbm>>
    tpu.enqueue_dma source(%dma_start3A_47 : memref<512xi32, #tpu.memory_space<hbm>>) target(%dma_start3A_46 : memref<512xi32, #tpu.memory_space<vmem>>) target_semaphore(%arg13 : memref<!tpu.dma_semaphore, #tpu.memory_space<semaphore_mem>>)
    %dma_start3A_48 = arith.constant 1536 : i32
    %dma_start3A_49 = tpu.memref_slice %arg9[%dma_start3A_48] : memref<12800xi32, #tpu.memory_space<vmem>> -> memref<512xi32, #tpu.memory_space<vmem>>
    %dma_start3A_50 = arith.constant 1536 : i32
    %dma_start3A_51 = tpu.memref_slice %arg7[%dma_start3A_50] : memref<12800xi32, #tpu.memory_space<vmem>> -> memref<512xi32, #tpu.memory_space<vmem>>
    %dma_start3A_52 = arith.constant 0 : i32
    %dma_start3A_53 = tpu.memref_slice %arg4[%dma_start3A_52] : memref<3276800xi32, #tpu.memory_space<hbm>> -> memref<3276800xi32, #tpu.memory_space<hbm>>
    tpu.enqueue_indirect_dma source(%dma_start3A_53 : memref<3276800xi32, #tpu.memory_space<hbm>>) target(%dma_start3A_49 : memref<512xi32, #tpu.memory_space<vmem>>) offsets(%dma_start3A_51 : memref<512xi32, #tpu.memory_space<vmem>>) semaphore(%arg12 : memref<!tpu.dma_semaphore, #tpu.memory_space<semaphore_mem>>)
    %add3A_54 = arith.constant 49152 : i32
    %add3A_55 = arith.addi %add3A_54, %mul3A_2 : i32
    %dma_start3A_56 = arith.constant 1536 : i32
    %dma_start3A_57 = tpu.memref_slice %arg8[%dma_start3A_56] : memref<12800xi32, #tpu.memory_space<vmem>> -> memref<512xi32, #tpu.memory_space<vmem>>
    %dma_start3A_58 = tpu.memref_slice %arg3[%add3A_55] : memref<524288xi32, #tpu.memory_space<hbm>> -> memref<512xi32, #tpu.memory_space<hbm>>
    %dma_start3A_59 = arith.constant 1536 : i32
    %dma_start3A_60 = tpu.memref_slice %arg8[%dma_start3A_59] : memref<12800xi32, #tpu.memory_space<vmem>> -> memref<512xi32, #tpu.memory_space<vmem>>
    %dma_start3A_61 = tpu.memref_slice %arg3[%add3A_55] : memref<524288xi32, #tpu.memory_space<hbm>> -> memref<512xi32, #tpu.memory_space<hbm>>
    tpu.enqueue_dma source(%dma_start3A_61 : memref<512xi32, #tpu.memory_space<hbm>>) target(%dma_start3A_60 : memref<512xi32, #tpu.memory_space<vmem>>) target_semaphore(%arg13 : memref<!tpu.dma_semaphore, #tpu.memory_space<semaphore_mem>>)
    %dma_start3A_62 = arith.constant 2048 : i32
    %dma_start3A_63 = tpu.memref_slice %arg9[%dma_start3A_62] : memref<12800xi32, #tpu.memory_space<vmem>> -> memref<512xi32, #tpu.memory_space<vmem>>
    %dma_start3A_64 = arith.constant 2048 : i32
    %dma_start3A_65 = tpu.memref_slice %arg7[%dma_start3A_64] : memref<12800xi32, #tpu.memory_space<vmem>> -> memref<512xi32, #tpu.memory_space<vmem>>
    %dma_start3A_66 = arith.constant 0 : i32
    %dma_start3A_67 = tpu.memref_slice %arg4[%dma_start3A_66] : memref<3276800xi32, #tpu.memory_space<hbm>> -> memref<3276800xi32, #tpu.memory_space<hbm>>
    tpu.enqueue_indirect_dma source(%dma_start3A_67 : memref<3276800xi32, #tpu.memory_space<hbm>>) target(%dma_start3A_63 : memref<512xi32, #tpu.memory_space<vmem>>) offsets(%dma_start3A_65 : memref<512xi32, #tpu.memory_space<vmem>>) semaphore(%arg12 : memref<!tpu.dma_semaphore, #tpu.memory_space<semaphore_mem>>)
    %add3A_68 = arith.constant 65536 : i32
    %add3A_69 = arith.addi %add3A_68, %mul3A_2 : i32
    %dma_start3A_70 = arith.constant 2048 : i32
    %dma_start3A_71 = tpu.memref_slice %arg8[%dma_start3A_70] : memref<12800xi32, #tpu.memory_space<vmem>> -> memref<512xi32, #tpu.memory_space<vmem>>
    %dma_start3A_72 = tpu.memref_slice %arg3[%add3A_69] : memref<524288xi32, #tpu.memory_space<hbm>> -> memref<512xi32, #tpu.memory_space<hbm>>
    %dma_start3A_73 = arith.constant 2048 : i32
    %dma_start3A_74 = tpu.memref_slice %arg8[%dma_start3A_73] : memref<12800xi32, #tpu.memory_space<vmem>> -> memref<512xi32, #tpu.memory_space<vmem>>
    %dma_start3A_75 = tpu.memref_slice %arg3[%add3A_69] : memref<524288xi32, #tpu.memory_space<hbm>> -> memref<512xi32, #tpu.memory_space<hbm>>
    tpu.enqueue_dma source(%dma_start3A_75 : memref<512xi32, #tpu.memory_space<hbm>>) target(%dma_start3A_74 : memref<512xi32, #tpu.memory_space<vmem>>) target_semaphore(%arg13 : memref<!tpu.dma_semaphore, #tpu.memory_space<semaphore_mem>>)
    %dma_start3A_76 = arith.constant 2560 : i32
    %dma_start3A_77 = tpu.memref_slice %arg9[%dma_start3A_76] : memref<12800xi32, #tpu.memory_space<vmem>> -> memref<512xi32, #tpu.memory_space<vmem>>
    %dma_start3A_78 = arith.constant 2560 : i32
    %dma_start3A_79 = tpu.memref_slice %arg7[%dma_start3A_78] : memref<12800xi32, #tpu.memory_space<vmem>> -> memref<512xi32, #tpu.memory_space<vmem>>
    %dma_start3A_80 = arith.constant 0 : i32
    %dma_start3A_81 = tpu.memref_slice %arg4[%dma_start3A_80] : memref<3276800xi32, #tpu.memory_space<hbm>> -> memref<3276800xi32, #tpu.memory_space<hbm>>
    tpu.enqueue_indirect_dma source(%dma_start3A_81 : memref<3276800xi32, #tpu.memory_space<hbm>>) target(%dma_start3A_77 : memref<512xi32, #tpu.memory_space<vmem>>) offsets(%dma_start3A_79 : memref<512xi32, #tpu.memory_space<vmem>>) semaphore(%arg12 : memref<!tpu.dma_semaphore, #tpu.memory_space<semaphore_mem>>)
    %add3A_82 = arith.constant 81920 : i32
    %add3A_83 = arith.addi %add3A_82, %mul3A_2 : i32
    %dma_start3A_84 = arith.constant 2560 : i32
    %dma_start3A_85 = tpu.memref_slice %arg8[%dma_start3A_84] : memref<12800xi32, #tpu.memory_space<vmem>> -> memref<512xi32, #tpu.memory_space<vmem>>
    %dma_start3A_86 = tpu.memref_slice %arg3[%add3A_83] : memref<524288xi32, #tpu.memory_space<hbm>> -> memref<512xi32, #tpu.memory_space<hbm>>
    %dma_start3A_87 = arith.constant 2560 : i32
    %dma_start3A_88 = tpu.memref_slice %arg8[%dma_start3A_87] : memref<12800xi32, #tpu.memory_space<vmem>> -> memref<512xi32, #tpu.memory_space<vmem>>
    %dma_start3A_89 = tpu.memref_slice %arg3[%add3A_83] : memref<524288xi32, #tpu.memory_space<hbm>> -> memref<512xi32, #tpu.memory_space<hbm>>
    tpu.enqueue_dma source(%dma_start3A_89 : memref<512xi32, #tpu.memory_space<hbm>>) target(%dma_start3A_88 : memref<512xi32, #tpu.memory_space<vmem>>) target_semaphore(%arg13 : memref<!tpu.dma_semaphore, #tpu.memory_space<semaphore_mem>>)
    %dma_start3A_90 = arith.constant 3072 : i32
    %dma_start3A_91 = tpu.memref_slice %arg9[%dma_start3A_90] : memref<12800xi32, #tpu.memory_space<vmem>> -> memref<512xi32, #tpu.memory_space<vmem>>
    %dma_start3A_92 = arith.constant 3072 : i32
    %dma_start3A_93 = tpu.memref_slice %arg7[%dma_start3A_92] : memref<12800xi32, #tpu.memory_space<vmem>> -> memref<512xi32, #tpu.memory_space<vmem>>
    %dma_start3A_94 = arith.constant 0 : i32
    %dma_start3A_95 = tpu.memref_slice %arg4[%dma_start3A_94] : memref<3276800xi32, #tpu.memory_space<hbm>> -> memref<3276800xi32, #tpu.memory_space<hbm>>
    tpu.enqueue_indirect_dma source(%dma_start3A_95 : memref<3276800xi32, #tpu.memory_space<hbm>>) target(%dma_start3A_91 : memref<512xi32, #tpu.memory_space<vmem>>) offsets(%dma_start3A_93 : memref<512xi32, #tpu.memory_space<vmem>>) semaphore(%arg12 : memref<!tpu.dma_semaphore, #tpu.memory_space<semaphore_mem>>)
    %add3A_96 = arith.constant 98304 : i32
    %add3A_97 = arith.addi %add3A_96, %mul3A_2 : i32
    %dma_start3A_98 = arith.constant 3072 : i32
    %dma_start3A_99 = tpu.memref_slice %arg8[%dma_start3A_98] : memref<12800xi32, #tpu.memory_space<vmem>> -> memref<512xi32, #tpu.memory_space<vmem>>
    %dma_start3A_100 = tpu.memref_slice %arg3[%add3A_97] : memref<524288xi32, #tpu.memory_space<hbm>> -> memref<512xi32, #tpu.memory_space<hbm>>
    %dma_start3A_101 = arith.constant 3072 : i32
    %dma_start3A_102 = tpu.memref_slice %arg8[%dma_start3A_101] : memref<12800xi32, #tpu.memory_space<vmem>> -> memref<512xi32, #tpu.memory_space<vmem>>
    %dma_start3A_103 = tpu.memref_slice %arg3[%add3A_97] : memref<524288xi32, #tpu.memory_space<hbm>> -> memref<512xi32, #tpu.memory_space<hbm>>
    tpu.enqueue_dma source(%dma_start3A_103 : memref<512xi32, #tpu.memory_space<hbm>>) target(%dma_start3A_102 : memref<512xi32, #tpu.memory_space<vmem>>) target_semaphore(%arg13 : memref<!tpu.dma_semaphore, #tpu.memory_space<semaphore_mem>>)
    %dma_start3A_104 = arith.constant 3584 : i32
    %dma_start3A_105 = tpu.memref_slice %arg9[%dma_start3A_104] : memref<12800xi32, #tpu.memory_space<vmem>> -> memref<512xi32, #tpu.memory_space<vmem>>
    %dma_start3A_106 = arith.constant 3584 : i32
    %dma_start3A_107 = tpu.memref_slice %arg7[%dma_start3A_106] : memref<12800xi32, #tpu.memory_space<vmem>> -> memref<512xi32, #tpu.memory_space<vmem>>
    %dma_start3A_108 = arith.constant 0 : i32
    %dma_start3A_109 = tpu.memref_slice %arg4[%dma_start3A_108] : memref<3276800xi32, #tpu.memory_space<hbm>> -> memref<3276800xi32, #tpu.memory_space<hbm>>
    tpu.enqueue_indirect_dma source(%dma_start3A_109 : memref<3276800xi32, #tpu.memory_space<hbm>>) target(%dma_start3A_105 : memref<512xi32, #tpu.memory_space<vmem>>) offsets(%dma_start3A_107 : memref<512xi32, #tpu.memory_space<vmem>>) semaphore(%arg12 : memref<!tpu.dma_semaphore, #tpu.memory_space<semaphore_mem>>)
    %add3A_110 = arith.constant 114688 : i32
    %add3A_111 = arith.addi %add3A_110, %mul3A_2 : i32
    %dma_start3A_112 = arith.constant 3584 : i32
    %dma_start3A_113 = tpu.memref_slice %arg8[%dma_start3A_112] : memref<12800xi32, #tpu.memory_space<vmem>> -> memref<512xi32, #tpu.memory_space<vmem>>
    %dma_start3A_114 = tpu.memref_slice %arg3[%add3A_111] : memref<524288xi32, #tpu.memory_space<hbm>> -> memref<512xi32, #tpu.memory_space<hbm>>
    %dma_start3A_115 = arith.constant 3584 : i32
    %dma_start3A_116 = tpu.memref_slice %arg8[%dma_start3A_115] : memref<12800xi32, #tpu.memory_space<vmem>> -> memref<512xi32, #tpu.memory_space<vmem>>
    %dma_start3A_117 = tpu.memref_slice %arg3[%add3A_111] : memref<524288xi32, #tpu.memory_space<hbm>> -> memref<512xi32, #tpu.memory_space<hbm>>
    tpu.enqueue_dma source(%dma_start3A_117 : memref<512xi32, #tpu.memory_space<hbm>>) target(%dma_start3A_116 : memref<512xi32, #tpu.memory_space<vmem>>) target_semaphore(%arg13 : memref<!tpu.dma_semaphore, #tpu.memory_space<semaphore_mem>>)
    %dma_start3A_118 = arith.constant 4096 : i32
    %dma_start3A_119 = tpu.memref_slice %arg9[%dma_start3A_118] : memref<12800xi32, #tpu.memory_space<vmem>> -> memref<512xi32, #tpu.memory_space<vmem>>
    %dma_start3A_120 = arith.constant 4096 : i32
    %dma_start3A_121 = tpu.memref_slice %arg7[%dma_start3A_120] : memref<12800xi32, #tpu.memory_space<vmem>> -> memref<512xi32, #tpu.memory_space<vmem>>
    %dma_start3A_122 = arith.constant 0 : i32
    %dma_start3A_123 = tpu.memref_slice %arg4[%dma_start3A_122] : memref<3276800xi32, #tpu.memory_space<hbm>> -> memref<3276800xi32, #tpu.memory_space<hbm>>
    tpu.enqueue_indirect_dma source(%dma_start3A_123 : memref<3276800xi32, #tpu.memory_space<hbm>>) target(%dma_start3A_119 : memref<512xi32, #tpu.memory_space<vmem>>) offsets(%dma_start3A_121 : memref<512xi32, #tpu.memory_space<vmem>>) semaphore(%arg12 : memref<!tpu.dma_semaphore, #tpu.memory_space<semaphore_mem>>)
    %add3A_124 = arith.constant 131072 : i32
    %add3A_125 = arith.addi %add3A_124, %mul3A_2 : i32
    %dma_start3A_126 = arith.constant 4096 : i32
    %dma_start3A_127 = tpu.memref_slice %arg8[%dma_start3A_126] : memref<12800xi32, #tpu.memory_space<vmem>> -> memref<512xi32, #tpu.memory_space<vmem>>
    %dma_start3A_128 = tpu.memref_slice %arg3[%add3A_125] : memref<524288xi32, #tpu.memory_space<hbm>> -> memref<512xi32, #tpu.memory_space<hbm>>
    %dma_start3A_129 = arith.constant 4096 : i32
    %dma_start3A_130 = tpu.memref_slice %arg8[%dma_start3A_129] : memref<12800xi32, #tpu.memory_space<vmem>> -> memref<512xi32, #tpu.memory_space<vmem>>
    %dma_start3A_131 = tpu.memref_slice %arg3[%add3A_125] : memref<524288xi32, #tpu.memory_space<hbm>> -> memref<512xi32, #tpu.memory_space<hbm>>
    tpu.enqueue_dma source(%dma_start3A_131 : memref<512xi32, #tpu.memory_space<hbm>>) target(%dma_start3A_130 : memref<512xi32, #tpu.memory_space<vmem>>) target_semaphore(%arg13 : memref<!tpu.dma_semaphore, #tpu.memory_space<semaphore_mem>>)
    %dma_start3A_132 = arith.constant 4608 : i32
    %dma_start3A_133 = tpu.memref_slice %arg9[%dma_start3A_132] : memref<12800xi32, #tpu.memory_space<vmem>> -> memref<512xi32, #tpu.memory_space<vmem>>
    %dma_start3A_134 = arith.constant 4608 : i32
    %dma_start3A_135 = tpu.memref_slice %arg7[%dma_start3A_134] : memref<12800xi32, #tpu.memory_space<vmem>> -> memref<512xi32, #tpu.memory_space<vmem>>
    %dma_start3A_136 = arith.constant 0 : i32
    %dma_start3A_137 = tpu.memref_slice %arg4[%dma_start3A_136] : memref<3276800xi32, #tpu.memory_space<hbm>> -> memref<3276800xi32, #tpu.memory_space<hbm>>
    tpu.enqueue_indirect_dma source(%dma_start3A_137 : memref<3276800xi32, #tpu.memory_space<hbm>>) target(%dma_start3A_133 : memref<512xi32, #tpu.memory_space<vmem>>) offsets(%dma_start3A_135 : memref<512xi32, #tpu.memory_space<vmem>>) semaphore(%arg12 : memref<!tpu.dma_semaphore, #tpu.memory_space<semaphore_mem>>)
    %add3A_138 = arith.constant 147456 : i32
    %add3A_139 = arith.addi %add3A_138, %mul3A_2 : i32
    %dma_start3A_140 = arith.constant 4608 : i32
    %dma_start3A_141 = tpu.memref_slice %arg8[%dma_start3A_140] : memref<12800xi32, #tpu.memory_space<vmem>> -> memref<512xi32, #tpu.memory_space<vmem>>
    %dma_start3A_142 = tpu.memref_slice %arg3[%add3A_139] : memref<524288xi32, #tpu.memory_space<hbm>> -> memref<512xi32, #tpu.memory_space<hbm>>
    %dma_start3A_143 = arith.constant 4608 : i32
    %dma_start3A_144 = tpu.memref_slice %arg8[%dma_start3A_143] : memref<12800xi32, #tpu.memory_space<vmem>> -> memref<512xi32, #tpu.memory_space<vmem>>
    %dma_start3A_145 = tpu.memref_slice %arg3[%add3A_139] : memref<524288xi32, #tpu.memory_space<hbm>> -> memref<512xi32, #tpu.memory_space<hbm>>
    tpu.enqueue_dma source(%dma_start3A_145 : memref<512xi32, #tpu.memory_space<hbm>>) target(%dma_start3A_144 : memref<512xi32, #tpu.memory_space<vmem>>) target_semaphore(%arg13 : memref<!tpu.dma_semaphore, #tpu.memory_space<semaphore_mem>>)
    %dma_start3A_146 = arith.constant 5120 : i32
    %dma_start3A_147 = tpu.memref_slice %arg9[%dma_start3A_146] : memref<12800xi32, #tpu.memory_space<vmem>> -> memref<512xi32, #tpu.memory_space<vmem>>
    %dma_start3A_148 = arith.constant 5120 : i32
    %dma_start3A_149 = tpu.memref_slice %arg7[%dma_start3A_148] : memref<12800xi32, #tpu.memory_space<vmem>> -> memref<512xi32, #tpu.memory_space<vmem>>
    %dma_start3A_150 = arith.constant 0 : i32
    %dma_start3A_151 = tpu.memref_slice %arg4[%dma_start3A_150] : memref<3276800xi32, #tpu.memory_space<hbm>> -> memref<3276800xi32, #tpu.memory_space<hbm>>
    tpu.enqueue_indirect_dma source(%dma_start3A_151 : memref<3276800xi32, #tpu.memory_space<hbm>>) target(%dma_start3A_147 : memref<512xi32, #tpu.memory_space<vmem>>) offsets(%dma_start3A_149 : memref<512xi32, #tpu.memory_space<vmem>>) semaphore(%arg12 : memref<!tpu.dma_semaphore, #tpu.memory_space<semaphore_mem>>)
    %add3A_152 = arith.constant 163840 : i32
    %add3A_153 = arith.addi %add3A_152, %mul3A_2 : i32
    %dma_start3A_154 = arith.constant 5120 : i32
    %dma_start3A_155 = tpu.memref_slice %arg8[%dma_start3A_154] : memref<12800xi32, #tpu.memory_space<vmem>> -> memref<512xi32, #tpu.memory_space<vmem>>
    %dma_start3A_156 = tpu.memref_slice %arg3[%add3A_153] : memref<524288xi32, #tpu.memory_space<hbm>> -> memref<512xi32, #tpu.memory_space<hbm>>
    %dma_start3A_157 = arith.constant 5120 : i32
    %dma_start3A_158 = tpu.memref_slice %arg8[%dma_start3A_157] : memref<12800xi32, #tpu.memory_space<vmem>> -> memref<512xi32, #tpu.memory_space<vmem>>
    %dma_start3A_159 = tpu.memref_slice %arg3[%add3A_153] : memref<524288xi32, #tpu.memory_space<hbm>> -> memref<512xi32, #tpu.memory_space<hbm>>
    tpu.enqueue_dma source(%dma_start3A_159 : memref<512xi32, #tpu.memory_space<hbm>>) target(%dma_start3A_158 : memref<512xi32, #tpu.memory_space<vmem>>) target_semaphore(%arg13 : memref<!tpu.dma_semaphore, #tpu.memory_space<semaphore_mem>>)
    %dma_start3A_160 = arith.constant 5632 : i32
    %dma_start3A_161 = tpu.memref_slice %arg9[%dma_start3A_160] : memref<12800xi32, #tpu.memory_space<vmem>> -> memref<512xi32, #tpu.memory_space<vmem>>
    %dma_start3A_162 = arith.constant 5632 : i32
    %dma_start3A_163 = tpu.memref_slice %arg7[%dma_start3A_162] : memref<12800xi32, #tpu.memory_space<vmem>> -> memref<512xi32, #tpu.memory_space<vmem>>
    %dma_start3A_164 = arith.constant 0 : i32
    %dma_start3A_165 = tpu.memref_slice %arg4[%dma_start3A_164] : memref<3276800xi32, #tpu.memory_space<hbm>> -> memref<3276800xi32, #tpu.memory_space<hbm>>
    tpu.enqueue_indirect_dma source(%dma_start3A_165 : memref<3276800xi32, #tpu.memory_space<hbm>>) target(%dma_start3A_161 : memref<512xi32, #tpu.memory_space<vmem>>) offsets(%dma_start3A_163 : memref<512xi32, #tpu.memory_space<vmem>>) semaphore(%arg12 : memref<!tpu.dma_semaphore, #tpu.memory_space<semaphore_mem>>)
    %add3A_166 = arith.constant 180224 : i32
    %add3A_167 = arith.addi %add3A_166, %mul3A_2 : i32
    %dma_start3A_168 = arith.constant 5632 : i32
    %dma_start3A_169 = tpu.memref_slice %arg8[%dma_start3A_168] : memref<12800xi32, #tpu.memory_space<vmem>> -> memref<512xi32, #tpu.memory_space<vmem>>
    %dma_start3A_170 = tpu.memref_slice %arg3[%add3A_167] : memref<524288xi32, #tpu.memory_space<hbm>> -> memref<512xi32, #tpu.memory_space<hbm>>
    %dma_start3A_171 = arith.constant 5632 : i32
    %dma_start3A_172 = tpu.memref_slice %arg8[%dma_start3A_171] : memref<12800xi32, #tpu.memory_space<vmem>> -> memref<512xi32, #tpu.memory_space<vmem>>
    %dma_start3A_173 = tpu.memref_slice %arg3[%add3A_167] : memref<524288xi32, #tpu.memory_space<hbm>> -> memref<512xi32, #tpu.memory_space<hbm>>
    tpu.enqueue_dma source(%dma_start3A_173 : memref<512xi32, #tpu.memory_space<hbm>>) target(%dma_start3A_172 : memref<512xi32, #tpu.memory_space<vmem>>) target_semaphore(%arg13 : memref<!tpu.dma_semaphore, #tpu.memory_space<semaphore_mem>>)
    %dma_start3A_174 = arith.constant 6144 : i32
    %dma_start3A_175 = tpu.memref_slice %arg9[%dma_start3A_174] : memref<12800xi32, #tpu.memory_space<vmem>> -> memref<512xi32, #tpu.memory_space<vmem>>
    %dma_start3A_176 = arith.constant 6144 : i32
    %dma_start3A_177 = tpu.memref_slice %arg7[%dma_start3A_176] : memref<12800xi32, #tpu.memory_space<vmem>> -> memref<512xi32, #tpu.memory_space<vmem>>
    %dma_start3A_178 = arith.constant 0 : i32
    %dma_start3A_179 = tpu.memref_slice %arg4[%dma_start3A_178] : memref<3276800xi32, #tpu.memory_space<hbm>> -> memref<3276800xi32, #tpu.memory_space<hbm>>
    tpu.enqueue_indirect_dma source(%dma_start3A_179 : memref<3276800xi32, #tpu.memory_space<hbm>>) target(%dma_start3A_175 : memref<512xi32, #tpu.memory_space<vmem>>) offsets(%dma_start3A_177 : memref<512xi32, #tpu.memory_space<vmem>>) semaphore(%arg12 : memref<!tpu.dma_semaphore, #tpu.memory_space<semaphore_mem>>)
    %add3A_180 = arith.constant 196608 : i32
    %add3A_181 = arith.addi %add3A_180, %mul3A_2 : i32
    %dma_start3A_182 = arith.constant 6144 : i32
    %dma_start3A_183 = tpu.memref_slice %arg8[%dma_start3A_182] : memref<12800xi32, #tpu.memory_space<vmem>> -> memref<512xi32, #tpu.memory_space<vmem>>
    %dma_start3A_184 = tpu.memref_slice %arg3[%add3A_181] : memref<524288xi32, #tpu.memory_space<hbm>> -> memref<512xi32, #tpu.memory_space<hbm>>
    %dma_start3A_185 = arith.constant 6144 : i32
    %dma_start3A_186 = tpu.memref_slice %arg8[%dma_start3A_185] : memref<12800xi32, #tpu.memory_space<vmem>> -> memref<512xi32, #tpu.memory_space<vmem>>
    %dma_start3A_187 = tpu.memref_slice %arg3[%add3A_181] : memref<524288xi32, #tpu.memory_space<hbm>> -> memref<512xi32, #tpu.memory_space<hbm>>
    tpu.enqueue_dma source(%dma_start3A_187 : memref<512xi32, #tpu.memory_space<hbm>>) target(%dma_start3A_186 : memref<512xi32, #tpu.memory_space<vmem>>) target_semaphore(%arg13 : memref<!tpu.dma_semaphore, #tpu.memory_space<semaphore_mem>>)
    %dma_start3A_188 = arith.constant 6656 : i32
    %dma_start3A_189 = tpu.memref_slice %arg9[%dma_start3A_188] : memref<12800xi32, #tpu.memory_space<vmem>> -> memref<512xi32, #tpu.memory_space<vmem>>
    %dma_start3A_190 = arith.constant 6656 : i32
    %dma_start3A_191 = tpu.memref_slice %arg7[%dma_start3A_190] : memref<12800xi32, #tpu.memory_space<vmem>> -> memref<512xi32, #tpu.memory_space<vmem>>
    %dma_start3A_192 = arith.constant 0 : i32
    %dma_start3A_193 = tpu.memref_slice %arg4[%dma_start3A_192] : memref<3276800xi32, #tpu.memory_space<hbm>> -> memref<3276800xi32, #tpu.memory_space<hbm>>
    tpu.enqueue_indirect_dma source(%dma_start3A_193 : memref<3276800xi32, #tpu.memory_space<hbm>>) target(%dma_start3A_189 : memref<512xi32, #tpu.memory_space<vmem>>) offsets(%dma_start3A_191 : memref<512xi32, #tpu.memory_space<vmem>>) semaphore(%arg12 : memref<!tpu.dma_semaphore, #tpu.memory_space<semaphore_mem>>)
    %add3A_194 = arith.constant 212992 : i32
    %add3A_195 = arith.addi %add3A_194, %mul3A_2 : i32
    %dma_start3A_196 = arith.constant 6656 : i32
    %dma_start3A_197 = tpu.memref_slice %arg8[%dma_start3A_196] : memref<12800xi32, #tpu.memory_space<vmem>> -> memref<512xi32, #tpu.memory_space<vmem>>
    %dma_start3A_198 = tpu.memref_slice %arg3[%add3A_195] : memref<524288xi32, #tpu.memory_space<hbm>> -> memref<512xi32, #tpu.memory_space<hbm>>
    %dma_start3A_199 = arith.constant 6656 : i32
    %dma_start3A_200 = tpu.memref_slice %arg8[%dma_start3A_199] : memref<12800xi32, #tpu.memory_space<vmem>> -> memref<512xi32, #tpu.memory_space<vmem>>
    %dma_start3A_201 = tpu.memref_slice %arg3[%add3A_195] : memref<524288xi32, #tpu.memory_space<hbm>> -> memref<512xi32, #tpu.memory_space<hbm>>
    tpu.enqueue_dma source(%dma_start3A_201 : memref<512xi32, #tpu.memory_space<hbm>>) target(%dma_start3A_200 : memref<512xi32, #tpu.memory_space<vmem>>) target_semaphore(%arg13 : memref<!tpu.dma_semaphore, #tpu.memory_space<semaphore_mem>>)
    %dma_start3A_202 = arith.constant 7168 : i32
    %dma_start3A_203 = tpu.memref_slice %arg9[%dma_start3A_202] : memref<12800xi32, #tpu.memory_space<vmem>> -> memref<512xi32, #tpu.memory_space<vmem>>
    %dma_start3A_204 = arith.constant 7168 : i32
    %dma_start3A_205 = tpu.memref_slice %arg7[%dma_start3A_204] : memref<12800xi32, #tpu.memory_space<vmem>> -> memref<512xi32, #tpu.memory_space<vmem>>
    %dma_start3A_206 = arith.constant 0 : i32
    %dma_start3A_207 = tpu.memref_slice %arg4[%dma_start3A_206] : memref<3276800xi32, #tpu.memory_space<hbm>> -> memref<3276800xi32, #tpu.memory_space<hbm>>
    tpu.enqueue_indirect_dma source(%dma_start3A_207 : memref<3276800xi32, #tpu.memory_space<hbm>>) target(%dma_start3A_203 : memref<512xi32, #tpu.memory_space<vmem>>) offsets(%dma_start3A_205 : memref<512xi32, #tpu.memory_space<vmem>>) semaphore(%arg12 : memref<!tpu.dma_semaphore, #tpu.memory_space<semaphore_mem>>)
    %add3A_208 = arith.constant 229376 : i32
    %add3A_209 = arith.addi %add3A_208, %mul3A_2 : i32
    %dma_start3A_210 = arith.constant 7168 : i32
    %dma_start3A_211 = tpu.memref_slice %arg8[%dma_start3A_210] : memref<12800xi32, #tpu.memory_space<vmem>> -> memref<512xi32, #tpu.memory_space<vmem>>
    %dma_start3A_212 = tpu.memref_slice %arg3[%add3A_209] : memref<524288xi32, #tpu.memory_space<hbm>> -> memref<512xi32, #tpu.memory_space<hbm>>
    %dma_start3A_213 = arith.constant 7168 : i32
    %dma_start3A_214 = tpu.memref_slice %arg8[%dma_start3A_213] : memref<12800xi32, #tpu.memory_space<vmem>> -> memref<512xi32, #tpu.memory_space<vmem>>
    %dma_start3A_215 = tpu.memref_slice %arg3[%add3A_209] : memref<524288xi32, #tpu.memory_space<hbm>> -> memref<512xi32, #tpu.memory_space<hbm>>
    tpu.enqueue_dma source(%dma_start3A_215 : memref<512xi32, #tpu.memory_space<hbm>>) target(%dma_start3A_214 : memref<512xi32, #tpu.memory_space<vmem>>) target_semaphore(%arg13 : memref<!tpu.dma_semaphore, #tpu.memory_space<semaphore_mem>>)
    %dma_start3A_216 = arith.constant 7680 : i32
    %dma_start3A_217 = tpu.memref_slice %arg9[%dma_start3A_216] : memref<12800xi32, #tpu.memory_space<vmem>> -> memref<512xi32, #tpu.memory_space<vmem>>
    %dma_start3A_218 = arith.constant 7680 : i32
    %dma_start3A_219 = tpu.memref_slice %arg7[%dma_start3A_218] : memref<12800xi32, #tpu.memory_space<vmem>> -> memref<512xi32, #tpu.memory_space<vmem>>
    %dma_start3A_220 = arith.constant 0 : i32
    %dma_start3A_221 = tpu.memref_slice %arg4[%dma_start3A_220] : memref<3276800xi32, #tpu.memory_space<hbm>> -> memref<3276800xi32, #tpu.memory_space<hbm>>
    tpu.enqueue_indirect_dma source(%dma_start3A_221 : memref<3276800xi32, #tpu.memory_space<hbm>>) target(%dma_start3A_217 : memref<512xi32, #tpu.memory_space<vmem>>) offsets(%dma_start3A_219 : memref<512xi32, #tpu.memory_space<vmem>>) semaphore(%arg12 : memref<!tpu.dma_semaphore, #tpu.memory_space<semaphore_mem>>)
    %add3A_222 = arith.constant 245760 : i32
    %add3A_223 = arith.addi %add3A_222, %mul3A_2 : i32
    %dma_start3A_224 = arith.constant 7680 : i32
    %dma_start3A_225 = tpu.memref_slice %arg8[%dma_start3A_224] : memref<12800xi32, #tpu.memory_space<vmem>> -> memref<512xi32, #tpu.memory_space<vmem>>
    %dma_start3A_226 = tpu.memref_slice %arg3[%add3A_223] : memref<524288xi32, #tpu.memory_space<hbm>> -> memref<512xi32, #tpu.memory_space<hbm>>
    %dma_start3A_227 = arith.constant 7680 : i32
    %dma_start3A_228 = tpu.memref_slice %arg8[%dma_start3A_227] : memref<12800xi32, #tpu.memory_space<vmem>> -> memref<512xi32, #tpu.memory_space<vmem>>
    %dma_start3A_229 = tpu.memref_slice %arg3[%add3A_223] : memref<524288xi32, #tpu.memory_space<hbm>> -> memref<512xi32, #tpu.memory_space<hbm>>
    tpu.enqueue_dma source(%dma_start3A_229 : memref<512xi32, #tpu.memory_space<hbm>>) target(%dma_start3A_228 : memref<512xi32, #tpu.memory_space<vmem>>) target_semaphore(%arg13 : memref<!tpu.dma_semaphore, #tpu.memory_space<semaphore_mem>>)
    %dma_start3A_230 = arith.constant 8192 : i32
    %dma_start3A_231 = tpu.memref_slice %arg9[%dma_start3A_230] : memref<12800xi32, #tpu.memory_space<vmem>> -> memref<512xi32, #tpu.memory_space<vmem>>
    %dma_start3A_232 = arith.constant 8192 : i32
    %dma_start3A_233 = tpu.memref_slice %arg7[%dma_start3A_232] : memref<12800xi32, #tpu.memory_space<vmem>> -> memref<512xi32, #tpu.memory_space<vmem>>
    %dma_start3A_234 = arith.constant 0 : i32
    %dma_start3A_235 = tpu.memref_slice %arg4[%dma_start3A_234] : memref<3276800xi32, #tpu.memory_space<hbm>> -> memref<3276800xi32, #tpu.memory_space<hbm>>
    tpu.enqueue_indirect_dma source(%dma_start3A_235 : memref<3276800xi32, #tpu.memory_space<hbm>>) target(%dma_start3A_231 : memref<512xi32, #tpu.memory_space<vmem>>) offsets(%dma_start3A_233 : memref<512xi32, #tpu.memory_space<vmem>>) semaphore(%arg12 : memref<!tpu.dma_semaphore, #tpu.memory_space<semaphore_mem>>)
    %add3A_236 = arith.constant 262144 : i32
    %add3A_237 = arith.addi %add3A_236, %mul3A_2 : i32
    %dma_start3A_238 = arith.constant 8192 : i32
    %dma_start3A_239 = tpu.memref_slice %arg8[%dma_start3A_238] : memref<12800xi32, #tpu.memory_space<vmem>> -> memref<512xi32, #tpu.memory_space<vmem>>
    %dma_start3A_240 = tpu.memref_slice %arg3[%add3A_237] : memref<524288xi32, #tpu.memory_space<hbm>> -> memref<512xi32, #tpu.memory_space<hbm>>
    %dma_start3A_241 = arith.constant 8192 : i32
    %dma_start3A_242 = tpu.memref_slice %arg8[%dma_start3A_241] : memref<12800xi32, #tpu.memory_space<vmem>> -> memref<512xi32, #tpu.memory_space<vmem>>
    %dma_start3A_243 = tpu.memref_slice %arg3[%add3A_237] : memref<524288xi32, #tpu.memory_space<hbm>> -> memref<512xi32, #tpu.memory_space<hbm>>
    tpu.enqueue_dma source(%dma_start3A_243 : memref<512xi32, #tpu.memory_space<hbm>>) target(%dma_start3A_242 : memref<512xi32, #tpu.memory_space<vmem>>) target_semaphore(%arg13 : memref<!tpu.dma_semaphore, #tpu.memory_space<semaphore_mem>>)
    %dma_start3A_244 = arith.constant 8704 : i32
    %dma_start3A_245 = tpu.memref_slice %arg9[%dma_start3A_244] : memref<12800xi32, #tpu.memory_space<vmem>> -> memref<512xi32, #tpu.memory_space<vmem>>
    %dma_start3A_246 = arith.constant 8704 : i32
    %dma_start3A_247 = tpu.memref_slice %arg7[%dma_start3A_246] : memref<12800xi32, #tpu.memory_space<vmem>> -> memref<512xi32, #tpu.memory_space<vmem>>
    %dma_start3A_248 = arith.constant 0 : i32
    %dma_start3A_249 = tpu.memref_slice %arg4[%dma_start3A_248] : memref<3276800xi32, #tpu.memory_space<hbm>> -> memref<3276800xi32, #tpu.memory_space<hbm>>
    tpu.enqueue_indirect_dma source(%dma_start3A_249 : memref<3276800xi32, #tpu.memory_space<hbm>>) target(%dma_start3A_245 : memref<512xi32, #tpu.memory_space<vmem>>) offsets(%dma_start3A_247 : memref<512xi32, #tpu.memory_space<vmem>>) semaphore(%arg12 : memref<!tpu.dma_semaphore, #tpu.memory_space<semaphore_mem>>)
    %add3A_250 = arith.constant 278528 : i32
    %add3A_251 = arith.addi %add3A_250, %mul3A_2 : i32
    %dma_start3A_252 = arith.constant 8704 : i32
    %dma_start3A_253 = tpu.memref_slice %arg8[%dma_start3A_252] : memref<12800xi32, #tpu.memory_space<vmem>> -> memref<512xi32, #tpu.memory_space<vmem>>
    %dma_start3A_254 = tpu.memref_slice %arg3[%add3A_251] : memref<524288xi32, #tpu.memory_space<hbm>> -> memref<512xi32, #tpu.memory_space<hbm>>
    %dma_start3A_255 = arith.constant 8704 : i32
    %dma_start3A_256 = tpu.memref_slice %arg8[%dma_start3A_255] : memref<12800xi32, #tpu.memory_space<vmem>> -> memref<512xi32, #tpu.memory_space<vmem>>
    %dma_start3A_257 = tpu.memref_slice %arg3[%add3A_251] : memref<524288xi32, #tpu.memory_space<hbm>> -> memref<512xi32, #tpu.memory_space<hbm>>
    tpu.enqueue_dma source(%dma_start3A_257 : memref<512xi32, #tpu.memory_space<hbm>>) target(%dma_start3A_256 : memref<512xi32, #tpu.memory_space<vmem>>) target_semaphore(%arg13 : memref<!tpu.dma_semaphore, #tpu.memory_space<semaphore_mem>>)
    %dma_start3A_258 = arith.constant 9216 : i32
    %dma_start3A_259 = tpu.memref_slice %arg9[%dma_start3A_258] : memref<12800xi32, #tpu.memory_space<vmem>> -> memref<512xi32, #tpu.memory_space<vmem>>
    %dma_start3A_260 = arith.constant 9216 : i32
    %dma_start3A_261 = tpu.memref_slice %arg7[%dma_start3A_260] : memref<12800xi32, #tpu.memory_space<vmem>> -> memref<512xi32, #tpu.memory_space<vmem>>
    %dma_start3A_262 = arith.constant 0 : i32
    %dma_start3A_263 = tpu.memref_slice %arg4[%dma_start3A_262] : memref<3276800xi32, #tpu.memory_space<hbm>> -> memref<3276800xi32, #tpu.memory_space<hbm>>
    tpu.enqueue_indirect_dma source(%dma_start3A_263 : memref<3276800xi32, #tpu.memory_space<hbm>>) target(%dma_start3A_259 : memref<512xi32, #tpu.memory_space<vmem>>) offsets(%dma_start3A_261 : memref<512xi32, #tpu.memory_space<vmem>>) semaphore(%arg12 : memref<!tpu.dma_semaphore, #tpu.memory_space<semaphore_mem>>)
    %add3A_264 = arith.constant 294912 : i32
    %add3A_265 = arith.addi %add3A_264, %mul3A_2 : i32
    %dma_start3A_266 = arith.constant 9216 : i32
    %dma_start3A_267 = tpu.memref_slice %arg8[%dma_start3A_266] : memref<12800xi32, #tpu.memory_space<vmem>> -> memref<512xi32, #tpu.memory_space<vmem>>
    %dma_start3A_268 = tpu.memref_slice %arg3[%add3A_265] : memref<524288xi32, #tpu.memory_space<hbm>> -> memref<512xi32, #tpu.memory_space<hbm>>
    %dma_start3A_269 = arith.constant 9216 : i32
    %dma_start3A_270 = tpu.memref_slice %arg8[%dma_start3A_269] : memref<12800xi32, #tpu.memory_space<vmem>> -> memref<512xi32, #tpu.memory_space<vmem>>
    %dma_start3A_271 = tpu.memref_slice %arg3[%add3A_265] : memref<524288xi32, #tpu.memory_space<hbm>> -> memref<512xi32, #tpu.memory_space<hbm>>
    tpu.enqueue_dma source(%dma_start3A_271 : memref<512xi32, #tpu.memory_space<hbm>>) target(%dma_start3A_270 : memref<512xi32, #tpu.memory_space<vmem>>) target_semaphore(%arg13 : memref<!tpu.dma_semaphore, #tpu.memory_space<semaphore_mem>>)
    %dma_start3A_272 = arith.constant 9728 : i32
    %dma_start3A_273 = tpu.memref_slice %arg9[%dma_start3A_272] : memref<12800xi32, #tpu.memory_space<vmem>> -> memref<512xi32, #tpu.memory_space<vmem>>
    %dma_start3A_274 = arith.constant 9728 : i32
    %dma_start3A_275 = tpu.memref_slice %arg7[%dma_start3A_274] : memref<12800xi32, #tpu.memory_space<vmem>> -> memref<512xi32, #tpu.memory_space<vmem>>
    %dma_start3A_276 = arith.constant 0 : i32
    %dma_start3A_277 = tpu.memref_slice %arg4[%dma_start3A_276] : memref<3276800xi32, #tpu.memory_space<hbm>> -> memref<3276800xi32, #tpu.memory_space<hbm>>
    tpu.enqueue_indirect_dma source(%dma_start3A_277 : memref<3276800xi32, #tpu.memory_space<hbm>>) target(%dma_start3A_273 : memref<512xi32, #tpu.memory_space<vmem>>) offsets(%dma_start3A_275 : memref<512xi32, #tpu.memory_space<vmem>>) semaphore(%arg12 : memref<!tpu.dma_semaphore, #tpu.memory_space<semaphore_mem>>)
    %add3A_278 = arith.constant 311296 : i32
    %add3A_279 = arith.addi %add3A_278, %mul3A_2 : i32
    %dma_start3A_280 = arith.constant 9728 : i32
    %dma_start3A_281 = tpu.memref_slice %arg8[%dma_start3A_280] : memref<12800xi32, #tpu.memory_space<vmem>> -> memref<512xi32, #tpu.memory_space<vmem>>
    %dma_start3A_282 = tpu.memref_slice %arg3[%add3A_279] : memref<524288xi32, #tpu.memory_space<hbm>> -> memref<512xi32, #tpu.memory_space<hbm>>
    %dma_start3A_283 = arith.constant 9728 : i32
    %dma_start3A_284 = tpu.memref_slice %arg8[%dma_start3A_283] : memref<12800xi32, #tpu.memory_space<vmem>> -> memref<512xi32, #tpu.memory_space<vmem>>
    %dma_start3A_285 = tpu.memref_slice %arg3[%add3A_279] : memref<524288xi32, #tpu.memory_space<hbm>> -> memref<512xi32, #tpu.memory_space<hbm>>
    tpu.enqueue_dma source(%dma_start3A_285 : memref<512xi32, #tpu.memory_space<hbm>>) target(%dma_start3A_284 : memref<512xi32, #tpu.memory_space<vmem>>) target_semaphore(%arg13 : memref<!tpu.dma_semaphore, #tpu.memory_space<semaphore_mem>>)
    %dma_start3A_286 = arith.constant 10240 : i32
    %dma_start3A_287 = tpu.memref_slice %arg9[%dma_start3A_286] : memref<12800xi32, #tpu.memory_space<vmem>> -> memref<512xi32, #tpu.memory_space<vmem>>
    %dma_start3A_288 = arith.constant 10240 : i32
    %dma_start3A_289 = tpu.memref_slice %arg7[%dma_start3A_288] : memref<12800xi32, #tpu.memory_space<vmem>> -> memref<512xi32, #tpu.memory_space<vmem>>
    %dma_start3A_290 = arith.constant 0 : i32
    %dma_start3A_291 = tpu.memref_slice %arg4[%dma_start3A_290] : memref<3276800xi32, #tpu.memory_space<hbm>> -> memref<3276800xi32, #tpu.memory_space<hbm>>
    tpu.enqueue_indirect_dma source(%dma_start3A_291 : memref<3276800xi32, #tpu.memory_space<hbm>>) target(%dma_start3A_287 : memref<512xi32, #tpu.memory_space<vmem>>) offsets(%dma_start3A_289 : memref<512xi32, #tpu.memory_space<vmem>>) semaphore(%arg12 : memref<!tpu.dma_semaphore, #tpu.memory_space<semaphore_mem>>)
    %add3A_292 = arith.constant 327680 : i32
    %add3A_293 = arith.addi %add3A_292, %mul3A_2 : i32
    %dma_start3A_294 = arith.constant 10240 : i32
    %dma_start3A_295 = tpu.memref_slice %arg8[%dma_start3A_294] : memref<12800xi32, #tpu.memory_space<vmem>> -> memref<512xi32, #tpu.memory_space<vmem>>
    %dma_start3A_296 = tpu.memref_slice %arg3[%add3A_293] : memref<524288xi32, #tpu.memory_space<hbm>> -> memref<512xi32, #tpu.memory_space<hbm>>
    %dma_start3A_297 = arith.constant 10240 : i32
    %dma_start3A_298 = tpu.memref_slice %arg8[%dma_start3A_297] : memref<12800xi32, #tpu.memory_space<vmem>> -> memref<512xi32, #tpu.memory_space<vmem>>
    %dma_start3A_299 = tpu.memref_slice %arg3[%add3A_293] : memref<524288xi32, #tpu.memory_space<hbm>> -> memref<512xi32, #tpu.memory_space<hbm>>
    tpu.enqueue_dma source(%dma_start3A_299 : memref<512xi32, #tpu.memory_space<hbm>>) target(%dma_start3A_298 : memref<512xi32, #tpu.memory_space<vmem>>) target_semaphore(%arg13 : memref<!tpu.dma_semaphore, #tpu.memory_space<semaphore_mem>>)
    %dma_start3A_300 = arith.constant 10752 : i32
    %dma_start3A_301 = tpu.memref_slice %arg9[%dma_start3A_300] : memref<12800xi32, #tpu.memory_space<vmem>> -> memref<512xi32, #tpu.memory_space<vmem>>
    %dma_start3A_302 = arith.constant 10752 : i32
    %dma_start3A_303 = tpu.memref_slice %arg7[%dma_start3A_302] : memref<12800xi32, #tpu.memory_space<vmem>> -> memref<512xi32, #tpu.memory_space<vmem>>
    %dma_start3A_304 = arith.constant 0 : i32
    %dma_start3A_305 = tpu.memref_slice %arg4[%dma_start3A_304] : memref<3276800xi32, #tpu.memory_space<hbm>> -> memref<3276800xi32, #tpu.memory_space<hbm>>
    tpu.enqueue_indirect_dma source(%dma_start3A_305 : memref<3276800xi32, #tpu.memory_space<hbm>>) target(%dma_start3A_301 : memref<512xi32, #tpu.memory_space<vmem>>) offsets(%dma_start3A_303 : memref<512xi32, #tpu.memory_space<vmem>>) semaphore(%arg12 : memref<!tpu.dma_semaphore, #tpu.memory_space<semaphore_mem>>)
    %add3A_306 = arith.constant 344064 : i32
    %add3A_307 = arith.addi %add3A_306, %mul3A_2 : i32
    %dma_start3A_308 = arith.constant 10752 : i32
    %dma_start3A_309 = tpu.memref_slice %arg8[%dma_start3A_308] : memref<12800xi32, #tpu.memory_space<vmem>> -> memref<512xi32, #tpu.memory_space<vmem>>
    %dma_start3A_310 = tpu.memref_slice %arg3[%add3A_307] : memref<524288xi32, #tpu.memory_space<hbm>> -> memref<512xi32, #tpu.memory_space<hbm>>
    %dma_start3A_311 = arith.constant 10752 : i32
    %dma_start3A_312 = tpu.memref_slice %arg8[%dma_start3A_311] : memref<12800xi32, #tpu.memory_space<vmem>> -> memref<512xi32, #tpu.memory_space<vmem>>
    %dma_start3A_313 = tpu.memref_slice %arg3[%add3A_307] : memref<524288xi32, #tpu.memory_space<hbm>> -> memref<512xi32, #tpu.memory_space<hbm>>
    tpu.enqueue_dma source(%dma_start3A_313 : memref<512xi32, #tpu.memory_space<hbm>>) target(%dma_start3A_312 : memref<512xi32, #tpu.memory_space<vmem>>) target_semaphore(%arg13 : memref<!tpu.dma_semaphore, #tpu.memory_space<semaphore_mem>>)
    %dma_start3A_314 = arith.constant 11264 : i32
    %dma_start3A_315 = tpu.memref_slice %arg9[%dma_start3A_314] : memref<12800xi32, #tpu.memory_space<vmem>> -> memref<512xi32, #tpu.memory_space<vmem>>
    %dma_start3A_316 = arith.constant 11264 : i32
    %dma_start3A_317 = tpu.memref_slice %arg7[%dma_start3A_316] : memref<12800xi32, #tpu.memory_space<vmem>> -> memref<512xi32, #tpu.memory_space<vmem>>
    %dma_start3A_318 = arith.constant 0 : i32
    %dma_start3A_319 = tpu.memref_slice %arg4[%dma_start3A_318] : memref<3276800xi32, #tpu.memory_space<hbm>> -> memref<3276800xi32, #tpu.memory_space<hbm>>
    tpu.enqueue_indirect_dma source(%dma_start3A_319 : memref<3276800xi32, #tpu.memory_space<hbm>>) target(%dma_start3A_315 : memref<512xi32, #tpu.memory_space<vmem>>) offsets(%dma_start3A_317 : memref<512xi32, #tpu.memory_space<vmem>>) semaphore(%arg12 : memref<!tpu.dma_semaphore, #tpu.memory_space<semaphore_mem>>)
    %add3A_320 = arith.constant 360448 : i32
    %add3A_321 = arith.addi %add3A_320, %mul3A_2 : i32
    %dma_start3A_322 = arith.constant 11264 : i32
    %dma_start3A_323 = tpu.memref_slice %arg8[%dma_start3A_322] : memref<12800xi32, #tpu.memory_space<vmem>> -> memref<512xi32, #tpu.memory_space<vmem>>
    %dma_start3A_324 = tpu.memref_slice %arg3[%add3A_321] : memref<524288xi32, #tpu.memory_space<hbm>> -> memref<512xi32, #tpu.memory_space<hbm>>
    %dma_start3A_325 = arith.constant 11264 : i32
    %dma_start3A_326 = tpu.memref_slice %arg8[%dma_start3A_325] : memref<12800xi32, #tpu.memory_space<vmem>> -> memref<512xi32, #tpu.memory_space<vmem>>
    %dma_start3A_327 = tpu.memref_slice %arg3[%add3A_321] : memref<524288xi32, #tpu.memory_space<hbm>> -> memref<512xi32, #tpu.memory_space<hbm>>
    tpu.enqueue_dma source(%dma_start3A_327 : memref<512xi32, #tpu.memory_space<hbm>>) target(%dma_start3A_326 : memref<512xi32, #tpu.memory_space<vmem>>) target_semaphore(%arg13 : memref<!tpu.dma_semaphore, #tpu.memory_space<semaphore_mem>>)
    %dma_start3A_328 = arith.constant 11776 : i32
    %dma_start3A_329 = tpu.memref_slice %arg9[%dma_start3A_328] : memref<12800xi32, #tpu.memory_space<vmem>> -> memref<512xi32, #tpu.memory_space<vmem>>
    %dma_start3A_330 = arith.constant 11776 : i32
    %dma_start3A_331 = tpu.memref_slice %arg7[%dma_start3A_330] : memref<12800xi32, #tpu.memory_space<vmem>> -> memref<512xi32, #tpu.memory_space<vmem>>
    %dma_start3A_332 = arith.constant 0 : i32
    %dma_start3A_333 = tpu.memref_slice %arg4[%dma_start3A_332] : memref<3276800xi32, #tpu.memory_space<hbm>> -> memref<3276800xi32, #tpu.memory_space<hbm>>
    tpu.enqueue_indirect_dma source(%dma_start3A_333 : memref<3276800xi32, #tpu.memory_space<hbm>>) target(%dma_start3A_329 : memref<512xi32, #tpu.memory_space<vmem>>) offsets(%dma_start3A_331 : memref<512xi32, #tpu.memory_space<vmem>>) semaphore(%arg12 : memref<!tpu.dma_semaphore, #tpu.memory_space<semaphore_mem>>)
    %add3A_334 = arith.constant 376832 : i32
    %add3A_335 = arith.addi %add3A_334, %mul3A_2 : i32
    %dma_start3A_336 = arith.constant 11776 : i32
    %dma_start3A_337 = tpu.memref_slice %arg8[%dma_start3A_336] : memref<12800xi32, #tpu.memory_space<vmem>> -> memref<512xi32, #tpu.memory_space<vmem>>
    %dma_start3A_338 = tpu.memref_slice %arg3[%add3A_335] : memref<524288xi32, #tpu.memory_space<hbm>> -> memref<512xi32, #tpu.memory_space<hbm>>
    %dma_start3A_339 = arith.constant 11776 : i32
    %dma_start3A_340 = tpu.memref_slice %arg8[%dma_start3A_339] : memref<12800xi32, #tpu.memory_space<vmem>> -> memref<512xi32, #tpu.memory_space<vmem>>
    %dma_start3A_341 = tpu.memref_slice %arg3[%add3A_335] : memref<524288xi32, #tpu.memory_space<hbm>> -> memref<512xi32, #tpu.memory_space<hbm>>
    tpu.enqueue_dma source(%dma_start3A_341 : memref<512xi32, #tpu.memory_space<hbm>>) target(%dma_start3A_340 : memref<512xi32, #tpu.memory_space<vmem>>) target_semaphore(%arg13 : memref<!tpu.dma_semaphore, #tpu.memory_space<semaphore_mem>>)
    %dma_start3A_342 = arith.constant 12288 : i32
    %dma_start3A_343 = tpu.memref_slice %arg9[%dma_start3A_342] : memref<12800xi32, #tpu.memory_space<vmem>> -> memref<512xi32, #tpu.memory_space<vmem>>
    %dma_start3A_344 = arith.constant 12288 : i32
    %dma_start3A_345 = tpu.memref_slice %arg7[%dma_start3A_344] : memref<12800xi32, #tpu.memory_space<vmem>> -> memref<512xi32, #tpu.memory_space<vmem>>
    %dma_start3A_346 = arith.constant 0 : i32
    %dma_start3A_347 = tpu.memref_slice %arg4[%dma_start3A_346] : memref<3276800xi32, #tpu.memory_space<hbm>> -> memref<3276800xi32, #tpu.memory_space<hbm>>
    tpu.enqueue_indirect_dma source(%dma_start3A_347 : memref<3276800xi32, #tpu.memory_space<hbm>>) target(%dma_start3A_343 : memref<512xi32, #tpu.memory_space<vmem>>) offsets(%dma_start3A_345 : memref<512xi32, #tpu.memory_space<vmem>>) semaphore(%arg12 : memref<!tpu.dma_semaphore, #tpu.memory_space<semaphore_mem>>)
    %add3A_348 = arith.constant 393216 : i32
    %add3A_349 = arith.addi %add3A_348, %mul3A_2 : i32
    %dma_start3A_350 = arith.constant 12288 : i32
    %dma_start3A_351 = tpu.memref_slice %arg8[%dma_start3A_350] : memref<12800xi32, #tpu.memory_space<vmem>> -> memref<512xi32, #tpu.memory_space<vmem>>
    %dma_start3A_352 = tpu.memref_slice %arg3[%add3A_349] : memref<524288xi32, #tpu.memory_space<hbm>> -> memref<512xi32, #tpu.memory_space<hbm>>
    %dma_start3A_353 = arith.constant 12288 : i32
    %dma_start3A_354 = tpu.memref_slice %arg8[%dma_start3A_353] : memref<12800xi32, #tpu.memory_space<vmem>> -> memref<512xi32, #tpu.memory_space<vmem>>
    %dma_start3A_355 = tpu.memref_slice %arg3[%add3A_349] : memref<524288xi32, #tpu.memory_space<hbm>> -> memref<512xi32, #tpu.memory_space<hbm>>
    tpu.enqueue_dma source(%dma_start3A_355 : memref<512xi32, #tpu.memory_space<hbm>>) target(%dma_start3A_354 : memref<512xi32, #tpu.memory_space<vmem>>) target_semaphore(%arg13 : memref<!tpu.dma_semaphore, #tpu.memory_space<semaphore_mem>>)
    %dma_start3A_356 = tpu.memref_slice %arg5[%mul3A_2] : memref<16384xf32, #tpu.memory_space<hbm>> -> memref<512xf32, #tpu.memory_space<hbm>>
    %dma_start3A_357 = tpu.memref_slice %arg5[%mul3A_2] : memref<16384xf32, #tpu.memory_space<hbm>> -> memref<512xf32, #tpu.memory_space<hbm>>
    tpu.enqueue_dma source(%dma_start3A_357 : memref<512xf32, #tpu.memory_space<hbm>>) target(%arg10 : memref<512xf32, #tpu.memory_space<vmem>>) target_semaphore(%arg13 : memref<!tpu.dma_semaphore, #tpu.memory_space<semaphore_mem>>)
    %broadcast_in_dim3A = arith.constant -65536 : i32
    %broadcast_in_dim3A_358 = vector.broadcast %broadcast_in_dim3A : i32 to vector<16xi32>
    %dma_wait3A = arith.constant 0 : i32
    %dma_wait3A_359 = tpu.memref_slice %arg9[%dma_wait3A] : memref<12800xi32, #tpu.memory_space<vmem>> -> memref<512xi32, #tpu.memory_space<vmem>>
    %dma_wait3A_360 = arith.constant 0 : i32
    %dma_wait3A_361 = tpu.memref_slice %arg7[%dma_wait3A_360] : memref<12800xi32, #tpu.memory_space<vmem>> -> memref<512xi32, #tpu.memory_space<vmem>>
    %dma_wait3A_362 = arith.constant 0 : i32
    %dma_wait3A_363 = tpu.memref_slice %arg4[%dma_wait3A_362] : memref<3276800xi32, #tpu.memory_space<hbm>> -> memref<3276800xi32, #tpu.memory_space<hbm>>
    tpu.wait_indirect_dma semaphore(%arg12 : memref<!tpu.dma_semaphore, #tpu.memory_space<semaphore_mem>>) src(%dma_wait3A_363 : memref<3276800xi32, #tpu.memory_space<hbm>>) dst(%dma_wait3A_359 : memref<512xi32, #tpu.memory_space<vmem>>)
    %dma_wait3A_364 = arith.constant 0 : i32
    %dma_wait3A_365 = tpu.memref_slice %arg8[%dma_wait3A_364] : memref<12800xi32, #tpu.memory_space<vmem>> -> memref<512xi32, #tpu.memory_space<vmem>>
    %dma_wait3A_366 = tpu.memref_slice %arg3[%add3A_13] : memref<524288xi32, #tpu.memory_space<hbm>> -> memref<512xi32, #tpu.memory_space<hbm>>
    %dma_wait3A_367 = arith.constant 0 : i32
    %dma_wait3A_368 = tpu.memref_slice %arg8[%dma_wait3A_367] : memref<12800xi32, #tpu.memory_space<vmem>> -> memref<512xi32, #tpu.memory_space<vmem>>
    %dma_wait3A_369 = tpu.memref_slice %arg3[%add3A_13] : memref<524288xi32, #tpu.memory_space<hbm>> -> memref<512xi32, #tpu.memory_space<hbm>>
    tpu.wait_dma2 semaphore(%arg13 : memref<!tpu.dma_semaphore, #tpu.memory_space<semaphore_mem>>) src(%dma_wait3A_369 : memref<512xi32, #tpu.memory_space<hbm>>) dst(%dma_wait3A_368 : memref<512xi32, #tpu.memory_space<vmem>>)
    %scan3A = arith.constant 0 : i32
    %scan3A_370 = arith.constant 0 : i32
    %scan3A_371 = arith.constant 32 : i32
    %scan3A_372 = arith.addi %scan3A_370, %scan3A_371 : i32
    %scan3A_373 = arith.constant 1 : i32
    %scan3A_374 = scf.for %scan3A_841 = %scan3A_370 to %scan3A_372 step %scan3A_373 iter_args(%scan3A_842 = %scan3A) -> (i32)  : i32 {
      %mul3A_843 = arith.constant 16 : i32
      %mul3A_844 = arith.muli %scan3A_841, %mul3A_843 : i32
      %add3A_845 = arith.constant 0 : i32
      %add3A_846 = arith.addi %add3A_845, %mul3A_844 : i32
      %get3A = arith.index_cast %add3A_846 : i32 to index
      %get3A_847 = tpu.vector_load %arg9[%get3A] {strides = array<i32>} : memref<12800xi32, #tpu.memory_space<vmem>>, vector<16xi32>,
      %get3A_848 = vector.shape_cast %get3A_847 : vector<16xi32> to vector<16xi32>
      %get3A_849 = arith.index_cast %add3A_846 : i32 to index
      %get3A_850 = tpu.vector_load %arg8[%get3A_849] {strides = array<i32>} : memref<12800xi32, #tpu.memory_space<vmem>>, vector<16xi32>,
      %get3A_851 = vector.shape_cast %get3A_850 : vector<16xi32> to vector<16xi32>
      %shift_left3A = arith.constant 16 : i32
      %shift_left3A_852 = vector.broadcast %shift_left3A : i32 to vector<16xi32>
      %shift_left3A_853 = arith.shli %get3A_848, %shift_left3A_852 : vector<16xi32>
      %bitcast_convert_type3A = tpu.bitcast %shift_left3A_853 : vector<16xi32> -> vector<16xf32>
      %and3A = arith.andi %get3A_848, %broadcast_in_dim3A_358 : vector<16xi32>
      %bitcast_convert_type3A_854 = tpu.bitcast %and3A : vector<16xi32> -> vector<16xf32>
      %shift_left3A_855 = arith.constant 16 : i32
      %shift_left3A_856 = vector.broadcast %shift_left3A_855 : i32 to vector<16xi32>
      %shift_left3A_857 = arith.shli %get3A_851, %shift_left3A_856 : vector<16xi32>
      %bitcast_convert_type3A_858 = tpu.bitcast %shift_left3A_857 : vector<16xi32> -> vector<16xf32>
      %and3A_859 = arith.andi %get3A_851, %broadcast_in_dim3A_358 : vector<16xi32>
      %bitcast_convert_type3A_860 = tpu.bitcast %and3A_859 : vector<16xi32> -> vector<16xf32>
      %mul3A_861 = arith.mulf %bitcast_convert_type3A, %bitcast_convert_type3A_858 : vector<16xf32>
      %mul3A_862 = arith.mulf %bitcast_convert_type3A_854, %bitcast_convert_type3A_860 : vector<16xf32>
      %add3A_863 = arith.addf %mul3A_861, %mul3A_862 : vector<16xf32>
      %mul3A_864 = arith.constant 16 : i32
      %mul3A_865 = arith.muli %scan3A_841, %mul3A_864 : i32
      %swap3A = arith.index_cast %mul3A_865 : i32 to index
      %swap3A_866 = tpu.vector_load %arg11[%swap3A] {strides = array<i32>} : memref<512xf32, #tpu.memory_space<vmem>>, vector<16xf32>,
      %swap3A_867 = vector.shape_cast %swap3A_866 : vector<16xf32> to vector<16xf32>
      %swap3A_868 = vector.shape_cast %add3A_863 : vector<16xf32> to vector<16xf32>
      tpu.vector_store %arg11[%swap3A], %swap3A_868 {strides = array<i32>} : memref<512xf32, #tpu.memory_space<vmem>>, vector<16xf32>,
      %scan3A_869 = arith.constant 0 : i32
      scf.yield %scan3A_869 : i32
    }
    %scan3A_375 = arith.constant 32 : i32
    %dma_wait3A_376 = arith.constant 512 : i32
    %dma_wait3A_377 = tpu.memref_slice %arg9[%dma_wait3A_376] : memref<12800xi32, #tpu.memory_space<vmem>> -> memref<512xi32, #tpu.memory_space<vmem>>
    %dma_wait3A_378 = arith.constant 512 : i32
    %dma_wait3A_379 = tpu.memref_slice %arg7[%dma_wait3A_378] : memref<12800xi32, #tpu.memory_space<vmem>> -> memref<512xi32, #tpu.memory_space<vmem>>
    %dma_wait3A_380 = arith.constant 0 : i32
    %dma_wait3A_381 = tpu.memref_slice %arg4[%dma_wait3A_380] : memref<3276800xi32, #tpu.memory_space<hbm>> -> memref<3276800xi32, #tpu.memory_space<hbm>>
    tpu.wait_indirect_dma semaphore(%arg12 : memref<!tpu.dma_semaphore, #tpu.memory_space<semaphore_mem>>) src(%dma_wait3A_381 : memref<3276800xi32, #tpu.memory_space<hbm>>) dst(%dma_wait3A_377 : memref<512xi32, #tpu.memory_space<vmem>>)
    %dma_wait3A_382 = arith.constant 512 : i32
    %dma_wait3A_383 = tpu.memref_slice %arg8[%dma_wait3A_382] : memref<12800xi32, #tpu.memory_space<vmem>> -> memref<512xi32, #tpu.memory_space<vmem>>
    %dma_wait3A_384 = tpu.memref_slice %arg3[%add3A_27] : memref<524288xi32, #tpu.memory_space<hbm>> -> memref<512xi32, #tpu.memory_space<hbm>>
    %dma_wait3A_385 = arith.constant 512 : i32
    %dma_wait3A_386 = tpu.memref_slice %arg8[%dma_wait3A_385] : memref<12800xi32, #tpu.memory_space<vmem>> -> memref<512xi32, #tpu.memory_space<vmem>>
    %dma_wait3A_387 = tpu.memref_slice %arg3[%add3A_27] : memref<524288xi32, #tpu.memory_space<hbm>> -> memref<512xi32, #tpu.memory_space<hbm>>
    tpu.wait_dma2 semaphore(%arg13 : memref<!tpu.dma_semaphore, #tpu.memory_space<semaphore_mem>>) src(%dma_wait3A_387 : memref<512xi32, #tpu.memory_space<hbm>>) dst(%dma_wait3A_386 : memref<512xi32, #tpu.memory_space<vmem>>)
    %scan3A_388 = arith.constant 0 : i32
    %scan3A_389 = arith.constant 0 : i32
    %scan3A_390 = arith.constant 32 : i32
    %scan3A_391 = arith.addi %scan3A_389, %scan3A_390 : i32
    %scan3A_392 = arith.constant 1 : i32
    %scan3A_393 = scf.for %scan3A_841 = %scan3A_389 to %scan3A_391 step %scan3A_392 iter_args(%scan3A_842 = %scan3A_388) -> (i32)  : i32 {
      %mul3A_843 = arith.constant 16 : i32
      %mul3A_844 = arith.muli %scan3A_841, %mul3A_843 : i32
      %add3A_845 = arith.constant 512 : i32
      %add3A_846 = arith.addi %add3A_845, %mul3A_844 : i32
      %get3A = arith.index_cast %add3A_846 : i32 to index
      %get3A_847 = tpu.vector_load %arg9[%get3A] {strides = array<i32>} : memref<12800xi32, #tpu.memory_space<vmem>>, vector<16xi32>,
      %get3A_848 = vector.shape_cast %get3A_847 : vector<16xi32> to vector<16xi32>
      %get3A_849 = arith.index_cast %add3A_846 : i32 to index
      %get3A_850 = tpu.vector_load %arg8[%get3A_849] {strides = array<i32>} : memref<12800xi32, #tpu.memory_space<vmem>>, vector<16xi32>,
      %get3A_851 = vector.shape_cast %get3A_850 : vector<16xi32> to vector<16xi32>
      %shift_left3A = arith.constant 16 : i32
      %shift_left3A_852 = vector.broadcast %shift_left3A : i32 to vector<16xi32>
      %shift_left3A_853 = arith.shli %get3A_848, %shift_left3A_852 : vector<16xi32>
      %bitcast_convert_type3A = tpu.bitcast %shift_left3A_853 : vector<16xi32> -> vector<16xf32>
      %and3A = arith.andi %get3A_848, %broadcast_in_dim3A_358 : vector<16xi32>
      %bitcast_convert_type3A_854 = tpu.bitcast %and3A : vector<16xi32> -> vector<16xf32>
      %shift_left3A_855 = arith.constant 16 : i32
      %shift_left3A_856 = vector.broadcast %shift_left3A_855 : i32 to vector<16xi32>
      %shift_left3A_857 = arith.shli %get3A_851, %shift_left3A_856 : vector<16xi32>
      %bitcast_convert_type3A_858 = tpu.bitcast %shift_left3A_857 : vector<16xi32> -> vector<16xf32>
      %and3A_859 = arith.andi %get3A_851, %broadcast_in_dim3A_358 : vector<16xi32>
      %bitcast_convert_type3A_860 = tpu.bitcast %and3A_859 : vector<16xi32> -> vector<16xf32>
      %mul3A_861 = arith.mulf %bitcast_convert_type3A, %bitcast_convert_type3A_858 : vector<16xf32>
      %mul3A_862 = arith.mulf %bitcast_convert_type3A_854, %bitcast_convert_type3A_860 : vector<16xf32>
      %add3A_863 = arith.addf %mul3A_861, %mul3A_862 : vector<16xf32>
      %mul3A_864 = arith.constant 16 : i32
      %mul3A_865 = arith.muli %scan3A_841, %mul3A_864 : i32
      %get3A_866 = arith.index_cast %mul3A_865 : i32 to index
      %get3A_867 = tpu.vector_load %arg11[%get3A_866] {strides = array<i32>} : memref<512xf32, #tpu.memory_space<vmem>>, vector<16xf32>,
      %get3A_868 = vector.shape_cast %get3A_867 : vector<16xf32> to vector<16xf32>
      %add3A_869 = arith.addf %get3A_868, %add3A_863 : vector<16xf32>
      %swap3A = arith.index_cast %mul3A_865 : i32 to index
      %swap3A_870 = tpu.vector_load %arg11[%swap3A] {strides = array<i32>} : memref<512xf32, #tpu.memory_space<vmem>>, vector<16xf32>,
      %swap3A_871 = vector.shape_cast %swap3A_870 : vector<16xf32> to vector<16xf32>
      %swap3A_872 = vector.shape_cast %add3A_869 : vector<16xf32> to vector<16xf32>
      tpu.vector_store %arg11[%swap3A], %swap3A_872 {strides = array<i32>} : memref<512xf32, #tpu.memory_space<vmem>>, vector<16xf32>,
      %scan3A_873 = arith.constant 0 : i32
      scf.yield %scan3A_873 : i32
    }
    %scan3A_394 = arith.constant 32 : i32
    %dma_wait3A_395 = arith.constant 1024 : i32
    %dma_wait3A_396 = tpu.memref_slice %arg9[%dma_wait3A_395] : memref<12800xi32, #tpu.memory_space<vmem>> -> memref<512xi32, #tpu.memory_space<vmem>>
    %dma_wait3A_397 = arith.constant 1024 : i32
    %dma_wait3A_398 = tpu.memref_slice %arg7[%dma_wait3A_397] : memref<12800xi32, #tpu.memory_space<vmem>> -> memref<512xi32, #tpu.memory_space<vmem>>
    %dma_wait3A_399 = arith.constant 0 : i32
    %dma_wait3A_400 = tpu.memref_slice %arg4[%dma_wait3A_399] : memref<3276800xi32, #tpu.memory_space<hbm>> -> memref<3276800xi32, #tpu.memory_space<hbm>>
    tpu.wait_indirect_dma semaphore(%arg12 : memref<!tpu.dma_semaphore, #tpu.memory_space<semaphore_mem>>) src(%dma_wait3A_400 : memref<3276800xi32, #tpu.memory_space<hbm>>) dst(%dma_wait3A_396 : memref<512xi32, #tpu.memory_space<vmem>>)
    %dma_wait3A_401 = arith.constant 1024 : i32
    %dma_wait3A_402 = tpu.memref_slice %arg8[%dma_wait3A_401] : memref<12800xi32, #tpu.memory_space<vmem>> -> memref<512xi32, #tpu.memory_space<vmem>>
    %dma_wait3A_403 = tpu.memref_slice %arg3[%add3A_41] : memref<524288xi32, #tpu.memory_space<hbm>> -> memref<512xi32, #tpu.memory_space<hbm>>
    %dma_wait3A_404 = arith.constant 1024 : i32
    %dma_wait3A_405 = tpu.memref_slice %arg8[%dma_wait3A_404] : memref<12800xi32, #tpu.memory_space<vmem>> -> memref<512xi32, #tpu.memory_space<vmem>>
    %dma_wait3A_406 = tpu.memref_slice %arg3[%add3A_41] : memref<524288xi32, #tpu.memory_space<hbm>> -> memref<512xi32, #tpu.memory_space<hbm>>
    tpu.wait_dma2 semaphore(%arg13 : memref<!tpu.dma_semaphore, #tpu.memory_space<semaphore_mem>>) src(%dma_wait3A_406 : memref<512xi32, #tpu.memory_space<hbm>>) dst(%dma_wait3A_405 : memref<512xi32, #tpu.memory_space<vmem>>)
    %scan3A_407 = arith.constant 0 : i32
    %scan3A_408 = arith.constant 0 : i32
    %scan3A_409 = arith.constant 32 : i32
    %scan3A_410 = arith.addi %scan3A_408, %scan3A_409 : i32
    %scan3A_411 = arith.constant 1 : i32
    %scan3A_412 = scf.for %scan3A_841 = %scan3A_408 to %scan3A_410 step %scan3A_411 iter_args(%scan3A_842 = %scan3A_407) -> (i32)  : i32 {
      %mul3A_843 = arith.constant 16 : i32
      %mul3A_844 = arith.muli %scan3A_841, %mul3A_843 : i32
      %add3A_845 = arith.constant 1024 : i32
      %add3A_846 = arith.addi %add3A_845, %mul3A_844 : i32
      %get3A = arith.index_cast %add3A_846 : i32 to index
      %get3A_847 = tpu.vector_load %arg9[%get3A] {strides = array<i32>} : memref<12800xi32, #tpu.memory_space<vmem>>, vector<16xi32>,
      %get3A_848 = vector.shape_cast %get3A_847 : vector<16xi32> to vector<16xi32>
      %get3A_849 = arith.index_cast %add3A_846 : i32 to index
      %get3A_850 = tpu.vector_load %arg8[%get3A_849] {strides = array<i32>} : memref<12800xi32, #tpu.memory_space<vmem>>, vector<16xi32>,
      %get3A_851 = vector.shape_cast %get3A_850 : vector<16xi32> to vector<16xi32>
      %shift_left3A = arith.constant 16 : i32
      %shift_left3A_852 = vector.broadcast %shift_left3A : i32 to vector<16xi32>
      %shift_left3A_853 = arith.shli %get3A_848, %shift_left3A_852 : vector<16xi32>
      %bitcast_convert_type3A = tpu.bitcast %shift_left3A_853 : vector<16xi32> -> vector<16xf32>
      %and3A = arith.andi %get3A_848, %broadcast_in_dim3A_358 : vector<16xi32>
      %bitcast_convert_type3A_854 = tpu.bitcast %and3A : vector<16xi32> -> vector<16xf32>
      %shift_left3A_855 = arith.constant 16 : i32
      %shift_left3A_856 = vector.broadcast %shift_left3A_855 : i32 to vector<16xi32>
      %shift_left3A_857 = arith.shli %get3A_851, %shift_left3A_856 : vector<16xi32>
      %bitcast_convert_type3A_858 = tpu.bitcast %shift_left3A_857 : vector<16xi32> -> vector<16xf32>
      %and3A_859 = arith.andi %get3A_851, %broadcast_in_dim3A_358 : vector<16xi32>
      %bitcast_convert_type3A_860 = tpu.bitcast %and3A_859 : vector<16xi32> -> vector<16xf32>
      %mul3A_861 = arith.mulf %bitcast_convert_type3A, %bitcast_convert_type3A_858 : vector<16xf32>
      %mul3A_862 = arith.mulf %bitcast_convert_type3A_854, %bitcast_convert_type3A_860 : vector<16xf32>
      %add3A_863 = arith.addf %mul3A_861, %mul3A_862 : vector<16xf32>
      %mul3A_864 = arith.constant 16 : i32
      %mul3A_865 = arith.muli %scan3A_841, %mul3A_864 : i32
      %get3A_866 = arith.index_cast %mul3A_865 : i32 to index
      %get3A_867 = tpu.vector_load %arg11[%get3A_866] {strides = array<i32>} : memref<512xf32, #tpu.memory_space<vmem>>, vector<16xf32>,
      %get3A_868 = vector.shape_cast %get3A_867 : vector<16xf32> to vector<16xf32>
      %add3A_869 = arith.addf %get3A_868, %add3A_863 : vector<16xf32>
      %swap3A = arith.index_cast %mul3A_865 : i32 to index
      %swap3A_870 = tpu.vector_load %arg11[%swap3A] {strides = array<i32>} : memref<512xf32, #tpu.memory_space<vmem>>, vector<16xf32>,
      %swap3A_871 = vector.shape_cast %swap3A_870 : vector<16xf32> to vector<16xf32>
      %swap3A_872 = vector.shape_cast %add3A_869 : vector<16xf32> to vector<16xf32>
      tpu.vector_store %arg11[%swap3A], %swap3A_872 {strides = array<i32>} : memref<512xf32, #tpu.memory_space<vmem>>, vector<16xf32>,
      %scan3A_873 = arith.constant 0 : i32
      scf.yield %scan3A_873 : i32
    }
    %scan3A_413 = arith.constant 32 : i32
    %dma_wait3A_414 = arith.constant 1536 : i32
    %dma_wait3A_415 = tpu.memref_slice %arg9[%dma_wait3A_414] : memref<12800xi32, #tpu.memory_space<vmem>> -> memref<512xi32, #tpu.memory_space<vmem>>
    %dma_wait3A_416 = arith.constant 1536 : i32
    %dma_wait3A_417 = tpu.memref_slice %arg7[%dma_wait3A_416] : memref<12800xi32, #tpu.memory_space<vmem>> -> memref<512xi32, #tpu.memory_space<vmem>>
    %dma_wait3A_418 = arith.constant 0 : i32
    %dma_wait3A_419 = tpu.memref_slice %arg4[%dma_wait3A_418] : memref<3276800xi32, #tpu.memory_space<hbm>> -> memref<3276800xi32, #tpu.memory_space<hbm>>
    tpu.wait_indirect_dma semaphore(%arg12 : memref<!tpu.dma_semaphore, #tpu.memory_space<semaphore_mem>>) src(%dma_wait3A_419 : memref<3276800xi32, #tpu.memory_space<hbm>>) dst(%dma_wait3A_415 : memref<512xi32, #tpu.memory_space<vmem>>)
    %dma_wait3A_420 = arith.constant 1536 : i32
    %dma_wait3A_421 = tpu.memref_slice %arg8[%dma_wait3A_420] : memref<12800xi32, #tpu.memory_space<vmem>> -> memref<512xi32, #tpu.memory_space<vmem>>
    %dma_wait3A_422 = tpu.memref_slice %arg3[%add3A_55] : memref<524288xi32, #tpu.memory_space<hbm>> -> memref<512xi32, #tpu.memory_space<hbm>>
    %dma_wait3A_423 = arith.constant 1536 : i32
    %dma_wait3A_424 = tpu.memref_slice %arg8[%dma_wait3A_423] : memref<12800xi32, #tpu.memory_space<vmem>> -> memref<512xi32, #tpu.memory_space<vmem>>
    %dma_wait3A_425 = tpu.memref_slice %arg3[%add3A_55] : memref<524288xi32, #tpu.memory_space<hbm>> -> memref<512xi32, #tpu.memory_space<hbm>>
    tpu.wait_dma2 semaphore(%arg13 : memref<!tpu.dma_semaphore, #tpu.memory_space<semaphore_mem>>) src(%dma_wait3A_425 : memref<512xi32, #tpu.memory_space<hbm>>) dst(%dma_wait3A_424 : memref<512xi32, #tpu.memory_space<vmem>>)
    %scan3A_426 = arith.constant 0 : i32
    %scan3A_427 = arith.constant 0 : i32
    %scan3A_428 = arith.constant 32 : i32
    %scan3A_429 = arith.addi %scan3A_427, %scan3A_428 : i32
    %scan3A_430 = arith.constant 1 : i32
    %scan3A_431 = scf.for %scan3A_841 = %scan3A_427 to %scan3A_429 step %scan3A_430 iter_args(%scan3A_842 = %scan3A_426) -> (i32)  : i32 {
      %mul3A_843 = arith.constant 16 : i32
      %mul3A_844 = arith.muli %scan3A_841, %mul3A_843 : i32
      %add3A_845 = arith.constant 1536 : i32
      %add3A_846 = arith.addi %add3A_845, %mul3A_844 : i32
      %get3A = arith.index_cast %add3A_846 : i32 to index
      %get3A_847 = tpu.vector_load %arg9[%get3A] {strides = array<i32>} : memref<12800xi32, #tpu.memory_space<vmem>>, vector<16xi32>,
      %get3A_848 = vector.shape_cast %get3A_847 : vector<16xi32> to vector<16xi32>
      %get3A_849 = arith.index_cast %add3A_846 : i32 to index
      %get3A_850 = tpu.vector_load %arg8[%get3A_849] {strides = array<i32>} : memref<12800xi32, #tpu.memory_space<vmem>>, vector<16xi32>,
      %get3A_851 = vector.shape_cast %get3A_850 : vector<16xi32> to vector<16xi32>
      %shift_left3A = arith.constant 16 : i32
      %shift_left3A_852 = vector.broadcast %shift_left3A : i32 to vector<16xi32>
      %shift_left3A_853 = arith.shli %get3A_848, %shift_left3A_852 : vector<16xi32>
      %bitcast_convert_type3A = tpu.bitcast %shift_left3A_853 : vector<16xi32> -> vector<16xf32>
      %and3A = arith.andi %get3A_848, %broadcast_in_dim3A_358 : vector<16xi32>
      %bitcast_convert_type3A_854 = tpu.bitcast %and3A : vector<16xi32> -> vector<16xf32>
      %shift_left3A_855 = arith.constant 16 : i32
      %shift_left3A_856 = vector.broadcast %shift_left3A_855 : i32 to vector<16xi32>
      %shift_left3A_857 = arith.shli %get3A_851, %shift_left3A_856 : vector<16xi32>
      %bitcast_convert_type3A_858 = tpu.bitcast %shift_left3A_857 : vector<16xi32> -> vector<16xf32>
      %and3A_859 = arith.andi %get3A_851, %broadcast_in_dim3A_358 : vector<16xi32>
      %bitcast_convert_type3A_860 = tpu.bitcast %and3A_859 : vector<16xi32> -> vector<16xf32>
      %mul3A_861 = arith.mulf %bitcast_convert_type3A, %bitcast_convert_type3A_858 : vector<16xf32>
      %mul3A_862 = arith.mulf %bitcast_convert_type3A_854, %bitcast_convert_type3A_860 : vector<16xf32>
      %add3A_863 = arith.addf %mul3A_861, %mul3A_862 : vector<16xf32>
      %mul3A_864 = arith.constant 16 : i32
      %mul3A_865 = arith.muli %scan3A_841, %mul3A_864 : i32
      %get3A_866 = arith.index_cast %mul3A_865 : i32 to index
      %get3A_867 = tpu.vector_load %arg11[%get3A_866] {strides = array<i32>} : memref<512xf32, #tpu.memory_space<vmem>>, vector<16xf32>,
      %get3A_868 = vector.shape_cast %get3A_867 : vector<16xf32> to vector<16xf32>
      %add3A_869 = arith.addf %get3A_868, %add3A_863 : vector<16xf32>
      %swap3A = arith.index_cast %mul3A_865 : i32 to index
      %swap3A_870 = tpu.vector_load %arg11[%swap3A] {strides = array<i32>} : memref<512xf32, #tpu.memory_space<vmem>>, vector<16xf32>,
      %swap3A_871 = vector.shape_cast %swap3A_870 : vector<16xf32> to vector<16xf32>
      %swap3A_872 = vector.shape_cast %add3A_869 : vector<16xf32> to vector<16xf32>
      tpu.vector_store %arg11[%swap3A], %swap3A_872 {strides = array<i32>} : memref<512xf32, #tpu.memory_space<vmem>>, vector<16xf32>,
      %scan3A_873 = arith.constant 0 : i32
      scf.yield %scan3A_873 : i32
    }
    %scan3A_432 = arith.constant 32 : i32
    %dma_wait3A_433 = arith.constant 2048 : i32
    %dma_wait3A_434 = tpu.memref_slice %arg9[%dma_wait3A_433] : memref<12800xi32, #tpu.memory_space<vmem>> -> memref<512xi32, #tpu.memory_space<vmem>>
    %dma_wait3A_435 = arith.constant 2048 : i32
    %dma_wait3A_436 = tpu.memref_slice %arg7[%dma_wait3A_435] : memref<12800xi32, #tpu.memory_space<vmem>> -> memref<512xi32, #tpu.memory_space<vmem>>
    %dma_wait3A_437 = arith.constant 0 : i32
    %dma_wait3A_438 = tpu.memref_slice %arg4[%dma_wait3A_437] : memref<3276800xi32, #tpu.memory_space<hbm>> -> memref<3276800xi32, #tpu.memory_space<hbm>>
    tpu.wait_indirect_dma semaphore(%arg12 : memref<!tpu.dma_semaphore, #tpu.memory_space<semaphore_mem>>) src(%dma_wait3A_438 : memref<3276800xi32, #tpu.memory_space<hbm>>) dst(%dma_wait3A_434 : memref<512xi32, #tpu.memory_space<vmem>>)
    %dma_wait3A_439 = arith.constant 2048 : i32
    %dma_wait3A_440 = tpu.memref_slice %arg8[%dma_wait3A_439] : memref<12800xi32, #tpu.memory_space<vmem>> -> memref<512xi32, #tpu.memory_space<vmem>>
    %dma_wait3A_441 = tpu.memref_slice %arg3[%add3A_69] : memref<524288xi32, #tpu.memory_space<hbm>> -> memref<512xi32, #tpu.memory_space<hbm>>
    %dma_wait3A_442 = arith.constant 2048 : i32
    %dma_wait3A_443 = tpu.memref_slice %arg8[%dma_wait3A_442] : memref<12800xi32, #tpu.memory_space<vmem>> -> memref<512xi32, #tpu.memory_space<vmem>>
    %dma_wait3A_444 = tpu.memref_slice %arg3[%add3A_69] : memref<524288xi32, #tpu.memory_space<hbm>> -> memref<512xi32, #tpu.memory_space<hbm>>
    tpu.wait_dma2 semaphore(%arg13 : memref<!tpu.dma_semaphore, #tpu.memory_space<semaphore_mem>>) src(%dma_wait3A_444 : memref<512xi32, #tpu.memory_space<hbm>>) dst(%dma_wait3A_443 : memref<512xi32, #tpu.memory_space<vmem>>)
    %scan3A_445 = arith.constant 0 : i32
    %scan3A_446 = arith.constant 0 : i32
    %scan3A_447 = arith.constant 32 : i32
    %scan3A_448 = arith.addi %scan3A_446, %scan3A_447 : i32
    %scan3A_449 = arith.constant 1 : i32
    %scan3A_450 = scf.for %scan3A_841 = %scan3A_446 to %scan3A_448 step %scan3A_449 iter_args(%scan3A_842 = %scan3A_445) -> (i32)  : i32 {
      %mul3A_843 = arith.constant 16 : i32
      %mul3A_844 = arith.muli %scan3A_841, %mul3A_843 : i32
      %add3A_845 = arith.constant 2048 : i32
      %add3A_846 = arith.addi %add3A_845, %mul3A_844 : i32
      %get3A = arith.index_cast %add3A_846 : i32 to index
      %get3A_847 = tpu.vector_load %arg9[%get3A] {strides = array<i32>} : memref<12800xi32, #tpu.memory_space<vmem>>, vector<16xi32>,
      %get3A_848 = vector.shape_cast %get3A_847 : vector<16xi32> to vector<16xi32>
      %get3A_849 = arith.index_cast %add3A_846 : i32 to index
      %get3A_850 = tpu.vector_load %arg8[%get3A_849] {strides = array<i32>} : memref<12800xi32, #tpu.memory_space<vmem>>, vector<16xi32>,
      %get3A_851 = vector.shape_cast %get3A_850 : vector<16xi32> to vector<16xi32>
      %shift_left3A = arith.constant 16 : i32
      %shift_left3A_852 = vector.broadcast %shift_left3A : i32 to vector<16xi32>
      %shift_left3A_853 = arith.shli %get3A_848, %shift_left3A_852 : vector<16xi32>
      %bitcast_convert_type3A = tpu.bitcast %shift_left3A_853 : vector<16xi32> -> vector<16xf32>
      %and3A = arith.andi %get3A_848, %broadcast_in_dim3A_358 : vector<16xi32>
      %bitcast_convert_type3A_854 = tpu.bitcast %and3A : vector<16xi32> -> vector<16xf32>
      %shift_left3A_855 = arith.constant 16 : i32
      %shift_left3A_856 = vector.broadcast %shift_left3A_855 : i32 to vector<16xi32>
      %shift_left3A_857 = arith.shli %get3A_851, %shift_left3A_856 : vector<16xi32>
      %bitcast_convert_type3A_858 = tpu.bitcast %shift_left3A_857 : vector<16xi32> -> vector<16xf32>
      %and3A_859 = arith.andi %get3A_851, %broadcast_in_dim3A_358 : vector<16xi32>
      %bitcast_convert_type3A_860 = tpu.bitcast %and3A_859 : vector<16xi32> -> vector<16xf32>
      %mul3A_861 = arith.mulf %bitcast_convert_type3A, %bitcast_convert_type3A_858 : vector<16xf32>
      %mul3A_862 = arith.mulf %bitcast_convert_type3A_854, %bitcast_convert_type3A_860 : vector<16xf32>
      %add3A_863 = arith.addf %mul3A_861, %mul3A_862 : vector<16xf32>
      %mul3A_864 = arith.constant 16 : i32
      %mul3A_865 = arith.muli %scan3A_841, %mul3A_864 : i32
      %get3A_866 = arith.index_cast %mul3A_865 : i32 to index
      %get3A_867 = tpu.vector_load %arg11[%get3A_866] {strides = array<i32>} : memref<512xf32, #tpu.memory_space<vmem>>, vector<16xf32>,
      %get3A_868 = vector.shape_cast %get3A_867 : vector<16xf32> to vector<16xf32>
      %add3A_869 = arith.addf %get3A_868, %add3A_863 : vector<16xf32>
      %swap3A = arith.index_cast %mul3A_865 : i32 to index
      %swap3A_870 = tpu.vector_load %arg11[%swap3A] {strides = array<i32>} : memref<512xf32, #tpu.memory_space<vmem>>, vector<16xf32>,
      %swap3A_871 = vector.shape_cast %swap3A_870 : vector<16xf32> to vector<16xf32>
      %swap3A_872 = vector.shape_cast %add3A_869 : vector<16xf32> to vector<16xf32>
      tpu.vector_store %arg11[%swap3A], %swap3A_872 {strides = array<i32>} : memref<512xf32, #tpu.memory_space<vmem>>, vector<16xf32>,
      %scan3A_873 = arith.constant 0 : i32
      scf.yield %scan3A_873 : i32
    }
    %scan3A_451 = arith.constant 32 : i32
    %dma_wait3A_452 = arith.constant 2560 : i32
    %dma_wait3A_453 = tpu.memref_slice %arg9[%dma_wait3A_452] : memref<12800xi32, #tpu.memory_space<vmem>> -> memref<512xi32, #tpu.memory_space<vmem>>
    %dma_wait3A_454 = arith.constant 2560 : i32
    %dma_wait3A_455 = tpu.memref_slice %arg7[%dma_wait3A_454] : memref<12800xi32, #tpu.memory_space<vmem>> -> memref<512xi32, #tpu.memory_space<vmem>>
    %dma_wait3A_456 = arith.constant 0 : i32
    %dma_wait3A_457 = tpu.memref_slice %arg4[%dma_wait3A_456] : memref<3276800xi32, #tpu.memory_space<hbm>> -> memref<3276800xi32, #tpu.memory_space<hbm>>
    tpu.wait_indirect_dma semaphore(%arg12 : memref<!tpu.dma_semaphore, #tpu.memory_space<semaphore_mem>>) src(%dma_wait3A_457 : memref<3276800xi32, #tpu.memory_space<hbm>>) dst(%dma_wait3A_453 : memref<512xi32, #tpu.memory_space<vmem>>)
    %dma_wait3A_458 = arith.constant 2560 : i32
    %dma_wait3A_459 = tpu.memref_slice %arg8[%dma_wait3A_458] : memref<12800xi32, #tpu.memory_space<vmem>> -> memref<512xi32, #tpu.memory_space<vmem>>
    %dma_wait3A_460 = tpu.memref_slice %arg3[%add3A_83] : memref<524288xi32, #tpu.memory_space<hbm>> -> memref<512xi32, #tpu.memory_space<hbm>>
    %dma_wait3A_461 = arith.constant 2560 : i32
    %dma_wait3A_462 = tpu.memref_slice %arg8[%dma_wait3A_461] : memref<12800xi32, #tpu.memory_space<vmem>> -> memref<512xi32, #tpu.memory_space<vmem>>
    %dma_wait3A_463 = tpu.memref_slice %arg3[%add3A_83] : memref<524288xi32, #tpu.memory_space<hbm>> -> memref<512xi32, #tpu.memory_space<hbm>>
    tpu.wait_dma2 semaphore(%arg13 : memref<!tpu.dma_semaphore, #tpu.memory_space<semaphore_mem>>) src(%dma_wait3A_463 : memref<512xi32, #tpu.memory_space<hbm>>) dst(%dma_wait3A_462 : memref<512xi32, #tpu.memory_space<vmem>>)
    %scan3A_464 = arith.constant 0 : i32
    %scan3A_465 = arith.constant 0 : i32
    %scan3A_466 = arith.constant 32 : i32
    %scan3A_467 = arith.addi %scan3A_465, %scan3A_466 : i32
    %scan3A_468 = arith.constant 1 : i32
    %scan3A_469 = scf.for %scan3A_841 = %scan3A_465 to %scan3A_467 step %scan3A_468 iter_args(%scan3A_842 = %scan3A_464) -> (i32)  : i32 {
      %mul3A_843 = arith.constant 16 : i32
      %mul3A_844 = arith.muli %scan3A_841, %mul3A_843 : i32
      %add3A_845 = arith.constant 2560 : i32
      %add3A_846 = arith.addi %add3A_845, %mul3A_844 : i32
      %get3A = arith.index_cast %add3A_846 : i32 to index
      %get3A_847 = tpu.vector_load %arg9[%get3A] {strides = array<i32>} : memref<12800xi32, #tpu.memory_space<vmem>>, vector<16xi32>,
      %get3A_848 = vector.shape_cast %get3A_847 : vector<16xi32> to vector<16xi32>
      %get3A_849 = arith.index_cast %add3A_846 : i32 to index
      %get3A_850 = tpu.vector_load %arg8[%get3A_849] {strides = array<i32>} : memref<12800xi32, #tpu.memory_space<vmem>>, vector<16xi32>,
      %get3A_851 = vector.shape_cast %get3A_850 : vector<16xi32> to vector<16xi32>
      %shift_left3A = arith.constant 16 : i32
      %shift_left3A_852 = vector.broadcast %shift_left3A : i32 to vector<16xi32>
      %shift_left3A_853 = arith.shli %get3A_848, %shift_left3A_852 : vector<16xi32>
      %bitcast_convert_type3A = tpu.bitcast %shift_left3A_853 : vector<16xi32> -> vector<16xf32>
      %and3A = arith.andi %get3A_848, %broadcast_in_dim3A_358 : vector<16xi32>
      %bitcast_convert_type3A_854 = tpu.bitcast %and3A : vector<16xi32> -> vector<16xf32>
      %shift_left3A_855 = arith.constant 16 : i32
      %shift_left3A_856 = vector.broadcast %shift_left3A_855 : i32 to vector<16xi32>
      %shift_left3A_857 = arith.shli %get3A_851, %shift_left3A_856 : vector<16xi32>
      %bitcast_convert_type3A_858 = tpu.bitcast %shift_left3A_857 : vector<16xi32> -> vector<16xf32>
      %and3A_859 = arith.andi %get3A_851, %broadcast_in_dim3A_358 : vector<16xi32>
      %bitcast_convert_type3A_860 = tpu.bitcast %and3A_859 : vector<16xi32> -> vector<16xf32>
      %mul3A_861 = arith.mulf %bitcast_convert_type3A, %bitcast_convert_type3A_858 : vector<16xf32>
      %mul3A_862 = arith.mulf %bitcast_convert_type3A_854, %bitcast_convert_type3A_860 : vector<16xf32>
      %add3A_863 = arith.addf %mul3A_861, %mul3A_862 : vector<16xf32>
      %mul3A_864 = arith.constant 16 : i32
      %mul3A_865 = arith.muli %scan3A_841, %mul3A_864 : i32
      %get3A_866 = arith.index_cast %mul3A_865 : i32 to index
      %get3A_867 = tpu.vector_load %arg11[%get3A_866] {strides = array<i32>} : memref<512xf32, #tpu.memory_space<vmem>>, vector<16xf32>,
      %get3A_868 = vector.shape_cast %get3A_867 : vector<16xf32> to vector<16xf32>
      %add3A_869 = arith.addf %get3A_868, %add3A_863 : vector<16xf32>
      %swap3A = arith.index_cast %mul3A_865 : i32 to index
      %swap3A_870 = tpu.vector_load %arg11[%swap3A] {strides = array<i32>} : memref<512xf32, #tpu.memory_space<vmem>>, vector<16xf32>,
      %swap3A_871 = vector.shape_cast %swap3A_870 : vector<16xf32> to vector<16xf32>
      %swap3A_872 = vector.shape_cast %add3A_869 : vector<16xf32> to vector<16xf32>
      tpu.vector_store %arg11[%swap3A], %swap3A_872 {strides = array<i32>} : memref<512xf32, #tpu.memory_space<vmem>>, vector<16xf32>,
      %scan3A_873 = arith.constant 0 : i32
      scf.yield %scan3A_873 : i32
    }
    %scan3A_470 = arith.constant 32 : i32
    %dma_wait3A_471 = arith.constant 3072 : i32
    %dma_wait3A_472 = tpu.memref_slice %arg9[%dma_wait3A_471] : memref<12800xi32, #tpu.memory_space<vmem>> -> memref<512xi32, #tpu.memory_space<vmem>>
    %dma_wait3A_473 = arith.constant 3072 : i32
    %dma_wait3A_474 = tpu.memref_slice %arg7[%dma_wait3A_473] : memref<12800xi32, #tpu.memory_space<vmem>> -> memref<512xi32, #tpu.memory_space<vmem>>
    %dma_wait3A_475 = arith.constant 0 : i32
    %dma_wait3A_476 = tpu.memref_slice %arg4[%dma_wait3A_475] : memref<3276800xi32, #tpu.memory_space<hbm>> -> memref<3276800xi32, #tpu.memory_space<hbm>>
    tpu.wait_indirect_dma semaphore(%arg12 : memref<!tpu.dma_semaphore, #tpu.memory_space<semaphore_mem>>) src(%dma_wait3A_476 : memref<3276800xi32, #tpu.memory_space<hbm>>) dst(%dma_wait3A_472 : memref<512xi32, #tpu.memory_space<vmem>>)
    %dma_wait3A_477 = arith.constant 3072 : i32
    %dma_wait3A_478 = tpu.memref_slice %arg8[%dma_wait3A_477] : memref<12800xi32, #tpu.memory_space<vmem>> -> memref<512xi32, #tpu.memory_space<vmem>>
    %dma_wait3A_479 = tpu.memref_slice %arg3[%add3A_97] : memref<524288xi32, #tpu.memory_space<hbm>> -> memref<512xi32, #tpu.memory_space<hbm>>
    %dma_wait3A_480 = arith.constant 3072 : i32
    %dma_wait3A_481 = tpu.memref_slice %arg8[%dma_wait3A_480] : memref<12800xi32, #tpu.memory_space<vmem>> -> memref<512xi32, #tpu.memory_space<vmem>>
    %dma_wait3A_482 = tpu.memref_slice %arg3[%add3A_97] : memref<524288xi32, #tpu.memory_space<hbm>> -> memref<512xi32, #tpu.memory_space<hbm>>
    tpu.wait_dma2 semaphore(%arg13 : memref<!tpu.dma_semaphore, #tpu.memory_space<semaphore_mem>>) src(%dma_wait3A_482 : memref<512xi32, #tpu.memory_space<hbm>>) dst(%dma_wait3A_481 : memref<512xi32, #tpu.memory_space<vmem>>)
    %scan3A_483 = arith.constant 0 : i32
    %scan3A_484 = arith.constant 0 : i32
    %scan3A_485 = arith.constant 32 : i32
    %scan3A_486 = arith.addi %scan3A_484, %scan3A_485 : i32
    %scan3A_487 = arith.constant 1 : i32
    %scan3A_488 = scf.for %scan3A_841 = %scan3A_484 to %scan3A_486 step %scan3A_487 iter_args(%scan3A_842 = %scan3A_483) -> (i32)  : i32 {
      %mul3A_843 = arith.constant 16 : i32
      %mul3A_844 = arith.muli %scan3A_841, %mul3A_843 : i32
      %add3A_845 = arith.constant 3072 : i32
      %add3A_846 = arith.addi %add3A_845, %mul3A_844 : i32
      %get3A = arith.index_cast %add3A_846 : i32 to index
      %get3A_847 = tpu.vector_load %arg9[%get3A] {strides = array<i32>} : memref<12800xi32, #tpu.memory_space<vmem>>, vector<16xi32>,
      %get3A_848 = vector.shape_cast %get3A_847 : vector<16xi32> to vector<16xi32>
      %get3A_849 = arith.index_cast %add3A_846 : i32 to index
      %get3A_850 = tpu.vector_load %arg8[%get3A_849] {strides = array<i32>} : memref<12800xi32, #tpu.memory_space<vmem>>, vector<16xi32>,
      %get3A_851 = vector.shape_cast %get3A_850 : vector<16xi32> to vector<16xi32>
      %shift_left3A = arith.constant 16 : i32
      %shift_left3A_852 = vector.broadcast %shift_left3A : i32 to vector<16xi32>
      %shift_left3A_853 = arith.shli %get3A_848, %shift_left3A_852 : vector<16xi32>
      %bitcast_convert_type3A = tpu.bitcast %shift_left3A_853 : vector<16xi32> -> vector<16xf32>
      %and3A = arith.andi %get3A_848, %broadcast_in_dim3A_358 : vector<16xi32>
      %bitcast_convert_type3A_854 = tpu.bitcast %and3A : vector<16xi32> -> vector<16xf32>
      %shift_left3A_855 = arith.constant 16 : i32
      %shift_left3A_856 = vector.broadcast %shift_left3A_855 : i32 to vector<16xi32>
      %shift_left3A_857 = arith.shli %get3A_851, %shift_left3A_856 : vector<16xi32>
      %bitcast_convert_type3A_858 = tpu.bitcast %shift_left3A_857 : vector<16xi32> -> vector<16xf32>
      %and3A_859 = arith.andi %get3A_851, %broadcast_in_dim3A_358 : vector<16xi32>
      %bitcast_convert_type3A_860 = tpu.bitcast %and3A_859 : vector<16xi32> -> vector<16xf32>
      %mul3A_861 = arith.mulf %bitcast_convert_type3A, %bitcast_convert_type3A_858 : vector<16xf32>
      %mul3A_862 = arith.mulf %bitcast_convert_type3A_854, %bitcast_convert_type3A_860 : vector<16xf32>
      %add3A_863 = arith.addf %mul3A_861, %mul3A_862 : vector<16xf32>
      %mul3A_864 = arith.constant 16 : i32
      %mul3A_865 = arith.muli %scan3A_841, %mul3A_864 : i32
      %get3A_866 = arith.index_cast %mul3A_865 : i32 to index
      %get3A_867 = tpu.vector_load %arg11[%get3A_866] {strides = array<i32>} : memref<512xf32, #tpu.memory_space<vmem>>, vector<16xf32>,
      %get3A_868 = vector.shape_cast %get3A_867 : vector<16xf32> to vector<16xf32>
      %add3A_869 = arith.addf %get3A_868, %add3A_863 : vector<16xf32>
      %swap3A = arith.index_cast %mul3A_865 : i32 to index
      %swap3A_870 = tpu.vector_load %arg11[%swap3A] {strides = array<i32>} : memref<512xf32, #tpu.memory_space<vmem>>, vector<16xf32>,
      %swap3A_871 = vector.shape_cast %swap3A_870 : vector<16xf32> to vector<16xf32>
      %swap3A_872 = vector.shape_cast %add3A_869 : vector<16xf32> to vector<16xf32>
      tpu.vector_store %arg11[%swap3A], %swap3A_872 {strides = array<i32>} : memref<512xf32, #tpu.memory_space<vmem>>, vector<16xf32>,
      %scan3A_873 = arith.constant 0 : i32
      scf.yield %scan3A_873 : i32
    }
    %scan3A_489 = arith.constant 32 : i32
    %dma_wait3A_490 = arith.constant 3584 : i32
    %dma_wait3A_491 = tpu.memref_slice %arg9[%dma_wait3A_490] : memref<12800xi32, #tpu.memory_space<vmem>> -> memref<512xi32, #tpu.memory_space<vmem>>
    %dma_wait3A_492 = arith.constant 3584 : i32
    %dma_wait3A_493 = tpu.memref_slice %arg7[%dma_wait3A_492] : memref<12800xi32, #tpu.memory_space<vmem>> -> memref<512xi32, #tpu.memory_space<vmem>>
    %dma_wait3A_494 = arith.constant 0 : i32
    %dma_wait3A_495 = tpu.memref_slice %arg4[%dma_wait3A_494] : memref<3276800xi32, #tpu.memory_space<hbm>> -> memref<3276800xi32, #tpu.memory_space<hbm>>
    tpu.wait_indirect_dma semaphore(%arg12 : memref<!tpu.dma_semaphore, #tpu.memory_space<semaphore_mem>>) src(%dma_wait3A_495 : memref<3276800xi32, #tpu.memory_space<hbm>>) dst(%dma_wait3A_491 : memref<512xi32, #tpu.memory_space<vmem>>)
    %dma_wait3A_496 = arith.constant 3584 : i32
    %dma_wait3A_497 = tpu.memref_slice %arg8[%dma_wait3A_496] : memref<12800xi32, #tpu.memory_space<vmem>> -> memref<512xi32, #tpu.memory_space<vmem>>
    %dma_wait3A_498 = tpu.memref_slice %arg3[%add3A_111] : memref<524288xi32, #tpu.memory_space<hbm>> -> memref<512xi32, #tpu.memory_space<hbm>>
    %dma_wait3A_499 = arith.constant 3584 : i32
    %dma_wait3A_500 = tpu.memref_slice %arg8[%dma_wait3A_499] : memref<12800xi32, #tpu.memory_space<vmem>> -> memref<512xi32, #tpu.memory_space<vmem>>
    %dma_wait3A_501 = tpu.memref_slice %arg3[%add3A_111] : memref<524288xi32, #tpu.memory_space<hbm>> -> memref<512xi32, #tpu.memory_space<hbm>>
    tpu.wait_dma2 semaphore(%arg13 : memref<!tpu.dma_semaphore, #tpu.memory_space<semaphore_mem>>) src(%dma_wait3A_501 : memref<512xi32, #tpu.memory_space<hbm>>) dst(%dma_wait3A_500 : memref<512xi32, #tpu.memory_space<vmem>>)
    %scan3A_502 = arith.constant 0 : i32
    %scan3A_503 = arith.constant 0 : i32
    %scan3A_504 = arith.constant 32 : i32
    %scan3A_505 = arith.addi %scan3A_503, %scan3A_504 : i32
    %scan3A_506 = arith.constant 1 : i32
    %scan3A_507 = scf.for %scan3A_841 = %scan3A_503 to %scan3A_505 step %scan3A_506 iter_args(%scan3A_842 = %scan3A_502) -> (i32)  : i32 {
      %mul3A_843 = arith.constant 16 : i32
      %mul3A_844 = arith.muli %scan3A_841, %mul3A_843 : i32
      %add3A_845 = arith.constant 3584 : i32
      %add3A_846 = arith.addi %add3A_845, %mul3A_844 : i32
      %get3A = arith.index_cast %add3A_846 : i32 to index
      %get3A_847 = tpu.vector_load %arg9[%get3A] {strides = array<i32>} : memref<12800xi32, #tpu.memory_space<vmem>>, vector<16xi32>,
      %get3A_848 = vector.shape_cast %get3A_847 : vector<16xi32> to vector<16xi32>
      %get3A_849 = arith.index_cast %add3A_846 : i32 to index
      %get3A_850 = tpu.vector_load %arg8[%get3A_849] {strides = array<i32>} : memref<12800xi32, #tpu.memory_space<vmem>>, vector<16xi32>,
      %get3A_851 = vector.shape_cast %get3A_850 : vector<16xi32> to vector<16xi32>
      %shift_left3A = arith.constant 16 : i32
      %shift_left3A_852 = vector.broadcast %shift_left3A : i32 to vector<16xi32>
      %shift_left3A_853 = arith.shli %get3A_848, %shift_left3A_852 : vector<16xi32>
      %bitcast_convert_type3A = tpu.bitcast %shift_left3A_853 : vector<16xi32> -> vector<16xf32>
      %and3A = arith.andi %get3A_848, %broadcast_in_dim3A_358 : vector<16xi32>
      %bitcast_convert_type3A_854 = tpu.bitcast %and3A : vector<16xi32> -> vector<16xf32>
      %shift_left3A_855 = arith.constant 16 : i32
      %shift_left3A_856 = vector.broadcast %shift_left3A_855 : i32 to vector<16xi32>
      %shift_left3A_857 = arith.shli %get3A_851, %shift_left3A_856 : vector<16xi32>
      %bitcast_convert_type3A_858 = tpu.bitcast %shift_left3A_857 : vector<16xi32> -> vector<16xf32>
      %and3A_859 = arith.andi %get3A_851, %broadcast_in_dim3A_358 : vector<16xi32>
      %bitcast_convert_type3A_860 = tpu.bitcast %and3A_859 : vector<16xi32> -> vector<16xf32>
      %mul3A_861 = arith.mulf %bitcast_convert_type3A, %bitcast_convert_type3A_858 : vector<16xf32>
      %mul3A_862 = arith.mulf %bitcast_convert_type3A_854, %bitcast_convert_type3A_860 : vector<16xf32>
      %add3A_863 = arith.addf %mul3A_861, %mul3A_862 : vector<16xf32>
      %mul3A_864 = arith.constant 16 : i32
      %mul3A_865 = arith.muli %scan3A_841, %mul3A_864 : i32
      %get3A_866 = arith.index_cast %mul3A_865 : i32 to index
      %get3A_867 = tpu.vector_load %arg11[%get3A_866] {strides = array<i32>} : memref<512xf32, #tpu.memory_space<vmem>>, vector<16xf32>,
      %get3A_868 = vector.shape_cast %get3A_867 : vector<16xf32> to vector<16xf32>
      %add3A_869 = arith.addf %get3A_868, %add3A_863 : vector<16xf32>
      %swap3A = arith.index_cast %mul3A_865 : i32 to index
      %swap3A_870 = tpu.vector_load %arg11[%swap3A] {strides = array<i32>} : memref<512xf32, #tpu.memory_space<vmem>>, vector<16xf32>,
      %swap3A_871 = vector.shape_cast %swap3A_870 : vector<16xf32> to vector<16xf32>
      %swap3A_872 = vector.shape_cast %add3A_869 : vector<16xf32> to vector<16xf32>
      tpu.vector_store %arg11[%swap3A], %swap3A_872 {strides = array<i32>} : memref<512xf32, #tpu.memory_space<vmem>>, vector<16xf32>,
      %scan3A_873 = arith.constant 0 : i32
      scf.yield %scan3A_873 : i32
    }
    %scan3A_508 = arith.constant 32 : i32
    %dma_wait3A_509 = arith.constant 4096 : i32
    %dma_wait3A_510 = tpu.memref_slice %arg9[%dma_wait3A_509] : memref<12800xi32, #tpu.memory_space<vmem>> -> memref<512xi32, #tpu.memory_space<vmem>>
    %dma_wait3A_511 = arith.constant 4096 : i32
    %dma_wait3A_512 = tpu.memref_slice %arg7[%dma_wait3A_511] : memref<12800xi32, #tpu.memory_space<vmem>> -> memref<512xi32, #tpu.memory_space<vmem>>
    %dma_wait3A_513 = arith.constant 0 : i32
    %dma_wait3A_514 = tpu.memref_slice %arg4[%dma_wait3A_513] : memref<3276800xi32, #tpu.memory_space<hbm>> -> memref<3276800xi32, #tpu.memory_space<hbm>>
    tpu.wait_indirect_dma semaphore(%arg12 : memref<!tpu.dma_semaphore, #tpu.memory_space<semaphore_mem>>) src(%dma_wait3A_514 : memref<3276800xi32, #tpu.memory_space<hbm>>) dst(%dma_wait3A_510 : memref<512xi32, #tpu.memory_space<vmem>>)
    %dma_wait3A_515 = arith.constant 4096 : i32
    %dma_wait3A_516 = tpu.memref_slice %arg8[%dma_wait3A_515] : memref<12800xi32, #tpu.memory_space<vmem>> -> memref<512xi32, #tpu.memory_space<vmem>>
    %dma_wait3A_517 = tpu.memref_slice %arg3[%add3A_125] : memref<524288xi32, #tpu.memory_space<hbm>> -> memref<512xi32, #tpu.memory_space<hbm>>
    %dma_wait3A_518 = arith.constant 4096 : i32
    %dma_wait3A_519 = tpu.memref_slice %arg8[%dma_wait3A_518] : memref<12800xi32, #tpu.memory_space<vmem>> -> memref<512xi32, #tpu.memory_space<vmem>>
    %dma_wait3A_520 = tpu.memref_slice %arg3[%add3A_125] : memref<524288xi32, #tpu.memory_space<hbm>> -> memref<512xi32, #tpu.memory_space<hbm>>
    tpu.wait_dma2 semaphore(%arg13 : memref<!tpu.dma_semaphore, #tpu.memory_space<semaphore_mem>>) src(%dma_wait3A_520 : memref<512xi32, #tpu.memory_space<hbm>>) dst(%dma_wait3A_519 : memref<512xi32, #tpu.memory_space<vmem>>)
    %scan3A_521 = arith.constant 0 : i32
    %scan3A_522 = arith.constant 0 : i32
    %scan3A_523 = arith.constant 32 : i32
    %scan3A_524 = arith.addi %scan3A_522, %scan3A_523 : i32
    %scan3A_525 = arith.constant 1 : i32
    %scan3A_526 = scf.for %scan3A_841 = %scan3A_522 to %scan3A_524 step %scan3A_525 iter_args(%scan3A_842 = %scan3A_521) -> (i32)  : i32 {
      %mul3A_843 = arith.constant 16 : i32
      %mul3A_844 = arith.muli %scan3A_841, %mul3A_843 : i32
      %add3A_845 = arith.constant 4096 : i32
      %add3A_846 = arith.addi %add3A_845, %mul3A_844 : i32
      %get3A = arith.index_cast %add3A_846 : i32 to index
      %get3A_847 = tpu.vector_load %arg9[%get3A] {strides = array<i32>} : memref<12800xi32, #tpu.memory_space<vmem>>, vector<16xi32>,
      %get3A_848 = vector.shape_cast %get3A_847 : vector<16xi32> to vector<16xi32>
      %get3A_849 = arith.index_cast %add3A_846 : i32 to index
      %get3A_850 = tpu.vector_load %arg8[%get3A_849] {strides = array<i32>} : memref<12800xi32, #tpu.memory_space<vmem>>, vector<16xi32>,
      %get3A_851 = vector.shape_cast %get3A_850 : vector<16xi32> to vector<16xi32>
      %shift_left3A = arith.constant 16 : i32
      %shift_left3A_852 = vector.broadcast %shift_left3A : i32 to vector<16xi32>
      %shift_left3A_853 = arith.shli %get3A_848, %shift_left3A_852 : vector<16xi32>
      %bitcast_convert_type3A = tpu.bitcast %shift_left3A_853 : vector<16xi32> -> vector<16xf32>
      %and3A = arith.andi %get3A_848, %broadcast_in_dim3A_358 : vector<16xi32>
      %bitcast_convert_type3A_854 = tpu.bitcast %and3A : vector<16xi32> -> vector<16xf32>
      %shift_left3A_855 = arith.constant 16 : i32
      %shift_left3A_856 = vector.broadcast %shift_left3A_855 : i32 to vector<16xi32>
      %shift_left3A_857 = arith.shli %get3A_851, %shift_left3A_856 : vector<16xi32>
      %bitcast_convert_type3A_858 = tpu.bitcast %shift_left3A_857 : vector<16xi32> -> vector<16xf32>
      %and3A_859 = arith.andi %get3A_851, %broadcast_in_dim3A_358 : vector<16xi32>
      %bitcast_convert_type3A_860 = tpu.bitcast %and3A_859 : vector<16xi32> -> vector<16xf32>
      %mul3A_861 = arith.mulf %bitcast_convert_type3A, %bitcast_convert_type3A_858 : vector<16xf32>
      %mul3A_862 = arith.mulf %bitcast_convert_type3A_854, %bitcast_convert_type3A_860 : vector<16xf32>
      %add3A_863 = arith.addf %mul3A_861, %mul3A_862 : vector<16xf32>
      %mul3A_864 = arith.constant 16 : i32
      %mul3A_865 = arith.muli %scan3A_841, %mul3A_864 : i32
      %get3A_866 = arith.index_cast %mul3A_865 : i32 to index
      %get3A_867 = tpu.vector_load %arg11[%get3A_866] {strides = array<i32>} : memref<512xf32, #tpu.memory_space<vmem>>, vector<16xf32>,
      %get3A_868 = vector.shape_cast %get3A_867 : vector<16xf32> to vector<16xf32>
      %add3A_869 = arith.addf %get3A_868, %add3A_863 : vector<16xf32>
      %swap3A = arith.index_cast %mul3A_865 : i32 to index
      %swap3A_870 = tpu.vector_load %arg11[%swap3A] {strides = array<i32>} : memref<512xf32, #tpu.memory_space<vmem>>, vector<16xf32>,
      %swap3A_871 = vector.shape_cast %swap3A_870 : vector<16xf32> to vector<16xf32>
      %swap3A_872 = vector.shape_cast %add3A_869 : vector<16xf32> to vector<16xf32>
      tpu.vector_store %arg11[%swap3A], %swap3A_872 {strides = array<i32>} : memref<512xf32, #tpu.memory_space<vmem>>, vector<16xf32>,
      %scan3A_873 = arith.constant 0 : i32
      scf.yield %scan3A_873 : i32
    }
    %scan3A_527 = arith.constant 32 : i32
    %dma_wait3A_528 = arith.constant 4608 : i32
    %dma_wait3A_529 = tpu.memref_slice %arg9[%dma_wait3A_528] : memref<12800xi32, #tpu.memory_space<vmem>> -> memref<512xi32, #tpu.memory_space<vmem>>
    %dma_wait3A_530 = arith.constant 4608 : i32
    %dma_wait3A_531 = tpu.memref_slice %arg7[%dma_wait3A_530] : memref<12800xi32, #tpu.memory_space<vmem>> -> memref<512xi32, #tpu.memory_space<vmem>>
    %dma_wait3A_532 = arith.constant 0 : i32
    %dma_wait3A_533 = tpu.memref_slice %arg4[%dma_wait3A_532] : memref<3276800xi32, #tpu.memory_space<hbm>> -> memref<3276800xi32, #tpu.memory_space<hbm>>
    tpu.wait_indirect_dma semaphore(%arg12 : memref<!tpu.dma_semaphore, #tpu.memory_space<semaphore_mem>>) src(%dma_wait3A_533 : memref<3276800xi32, #tpu.memory_space<hbm>>) dst(%dma_wait3A_529 : memref<512xi32, #tpu.memory_space<vmem>>)
    %dma_wait3A_534 = arith.constant 4608 : i32
    %dma_wait3A_535 = tpu.memref_slice %arg8[%dma_wait3A_534] : memref<12800xi32, #tpu.memory_space<vmem>> -> memref<512xi32, #tpu.memory_space<vmem>>
    %dma_wait3A_536 = tpu.memref_slice %arg3[%add3A_139] : memref<524288xi32, #tpu.memory_space<hbm>> -> memref<512xi32, #tpu.memory_space<hbm>>
    %dma_wait3A_537 = arith.constant 4608 : i32
    %dma_wait3A_538 = tpu.memref_slice %arg8[%dma_wait3A_537] : memref<12800xi32, #tpu.memory_space<vmem>> -> memref<512xi32, #tpu.memory_space<vmem>>
    %dma_wait3A_539 = tpu.memref_slice %arg3[%add3A_139] : memref<524288xi32, #tpu.memory_space<hbm>> -> memref<512xi32, #tpu.memory_space<hbm>>
    tpu.wait_dma2 semaphore(%arg13 : memref<!tpu.dma_semaphore, #tpu.memory_space<semaphore_mem>>) src(%dma_wait3A_539 : memref<512xi32, #tpu.memory_space<hbm>>) dst(%dma_wait3A_538 : memref<512xi32, #tpu.memory_space<vmem>>)
    %scan3A_540 = arith.constant 0 : i32
    %scan3A_541 = arith.constant 0 : i32
    %scan3A_542 = arith.constant 32 : i32
    %scan3A_543 = arith.addi %scan3A_541, %scan3A_542 : i32
    %scan3A_544 = arith.constant 1 : i32
    %scan3A_545 = scf.for %scan3A_841 = %scan3A_541 to %scan3A_543 step %scan3A_544 iter_args(%scan3A_842 = %scan3A_540) -> (i32)  : i32 {
      %mul3A_843 = arith.constant 16 : i32
      %mul3A_844 = arith.muli %scan3A_841, %mul3A_843 : i32
      %add3A_845 = arith.constant 4608 : i32
      %add3A_846 = arith.addi %add3A_845, %mul3A_844 : i32
      %get3A = arith.index_cast %add3A_846 : i32 to index
      %get3A_847 = tpu.vector_load %arg9[%get3A] {strides = array<i32>} : memref<12800xi32, #tpu.memory_space<vmem>>, vector<16xi32>,
      %get3A_848 = vector.shape_cast %get3A_847 : vector<16xi32> to vector<16xi32>
      %get3A_849 = arith.index_cast %add3A_846 : i32 to index
      %get3A_850 = tpu.vector_load %arg8[%get3A_849] {strides = array<i32>} : memref<12800xi32, #tpu.memory_space<vmem>>, vector<16xi32>,
      %get3A_851 = vector.shape_cast %get3A_850 : vector<16xi32> to vector<16xi32>
      %shift_left3A = arith.constant 16 : i32
      %shift_left3A_852 = vector.broadcast %shift_left3A : i32 to vector<16xi32>
      %shift_left3A_853 = arith.shli %get3A_848, %shift_left3A_852 : vector<16xi32>
      %bitcast_convert_type3A = tpu.bitcast %shift_left3A_853 : vector<16xi32> -> vector<16xf32>
      %and3A = arith.andi %get3A_848, %broadcast_in_dim3A_358 : vector<16xi32>
      %bitcast_convert_type3A_854 = tpu.bitcast %and3A : vector<16xi32> -> vector<16xf32>
      %shift_left3A_855 = arith.constant 16 : i32
      %shift_left3A_856 = vector.broadcast %shift_left3A_855 : i32 to vector<16xi32>
      %shift_left3A_857 = arith.shli %get3A_851, %shift_left3A_856 : vector<16xi32>
      %bitcast_convert_type3A_858 = tpu.bitcast %shift_left3A_857 : vector<16xi32> -> vector<16xf32>
      %and3A_859 = arith.andi %get3A_851, %broadcast_in_dim3A_358 : vector<16xi32>
      %bitcast_convert_type3A_860 = tpu.bitcast %and3A_859 : vector<16xi32> -> vector<16xf32>
      %mul3A_861 = arith.mulf %bitcast_convert_type3A, %bitcast_convert_type3A_858 : vector<16xf32>
      %mul3A_862 = arith.mulf %bitcast_convert_type3A_854, %bitcast_convert_type3A_860 : vector<16xf32>
      %add3A_863 = arith.addf %mul3A_861, %mul3A_862 : vector<16xf32>
      %mul3A_864 = arith.constant 16 : i32
      %mul3A_865 = arith.muli %scan3A_841, %mul3A_864 : i32
      %get3A_866 = arith.index_cast %mul3A_865 : i32 to index
      %get3A_867 = tpu.vector_load %arg11[%get3A_866] {strides = array<i32>} : memref<512xf32, #tpu.memory_space<vmem>>, vector<16xf32>,
      %get3A_868 = vector.shape_cast %get3A_867 : vector<16xf32> to vector<16xf32>
      %add3A_869 = arith.addf %get3A_868, %add3A_863 : vector<16xf32>
      %swap3A = arith.index_cast %mul3A_865 : i32 to index
      %swap3A_870 = tpu.vector_load %arg11[%swap3A] {strides = array<i32>} : memref<512xf32, #tpu.memory_space<vmem>>, vector<16xf32>,
      %swap3A_871 = vector.shape_cast %swap3A_870 : vector<16xf32> to vector<16xf32>
      %swap3A_872 = vector.shape_cast %add3A_869 : vector<16xf32> to vector<16xf32>
      tpu.vector_store %arg11[%swap3A], %swap3A_872 {strides = array<i32>} : memref<512xf32, #tpu.memory_space<vmem>>, vector<16xf32>,
      %scan3A_873 = arith.constant 0 : i32
      scf.yield %scan3A_873 : i32
    }
    %scan3A_546 = arith.constant 32 : i32
    %dma_wait3A_547 = arith.constant 5120 : i32
    %dma_wait3A_548 = tpu.memref_slice %arg9[%dma_wait3A_547] : memref<12800xi32, #tpu.memory_space<vmem>> -> memref<512xi32, #tpu.memory_space<vmem>>
    %dma_wait3A_549 = arith.constant 5120 : i32
    %dma_wait3A_550 = tpu.memref_slice %arg7[%dma_wait3A_549] : memref<12800xi32, #tpu.memory_space<vmem>> -> memref<512xi32, #tpu.memory_space<vmem>>
    %dma_wait3A_551 = arith.constant 0 : i32
    %dma_wait3A_552 = tpu.memref_slice %arg4[%dma_wait3A_551] : memref<3276800xi32, #tpu.memory_space<hbm>> -> memref<3276800xi32, #tpu.memory_space<hbm>>
    tpu.wait_indirect_dma semaphore(%arg12 : memref<!tpu.dma_semaphore, #tpu.memory_space<semaphore_mem>>) src(%dma_wait3A_552 : memref<3276800xi32, #tpu.memory_space<hbm>>) dst(%dma_wait3A_548 : memref<512xi32, #tpu.memory_space<vmem>>)
    %dma_wait3A_553 = arith.constant 5120 : i32
    %dma_wait3A_554 = tpu.memref_slice %arg8[%dma_wait3A_553] : memref<12800xi32, #tpu.memory_space<vmem>> -> memref<512xi32, #tpu.memory_space<vmem>>
    %dma_wait3A_555 = tpu.memref_slice %arg3[%add3A_153] : memref<524288xi32, #tpu.memory_space<hbm>> -> memref<512xi32, #tpu.memory_space<hbm>>
    %dma_wait3A_556 = arith.constant 5120 : i32
    %dma_wait3A_557 = tpu.memref_slice %arg8[%dma_wait3A_556] : memref<12800xi32, #tpu.memory_space<vmem>> -> memref<512xi32, #tpu.memory_space<vmem>>
    %dma_wait3A_558 = tpu.memref_slice %arg3[%add3A_153] : memref<524288xi32, #tpu.memory_space<hbm>> -> memref<512xi32, #tpu.memory_space<hbm>>
    tpu.wait_dma2 semaphore(%arg13 : memref<!tpu.dma_semaphore, #tpu.memory_space<semaphore_mem>>) src(%dma_wait3A_558 : memref<512xi32, #tpu.memory_space<hbm>>) dst(%dma_wait3A_557 : memref<512xi32, #tpu.memory_space<vmem>>)
    %scan3A_559 = arith.constant 0 : i32
    %scan3A_560 = arith.constant 0 : i32
    %scan3A_561 = arith.constant 32 : i32
    %scan3A_562 = arith.addi %scan3A_560, %scan3A_561 : i32
    %scan3A_563 = arith.constant 1 : i32
    %scan3A_564 = scf.for %scan3A_841 = %scan3A_560 to %scan3A_562 step %scan3A_563 iter_args(%scan3A_842 = %scan3A_559) -> (i32)  : i32 {
      %mul3A_843 = arith.constant 16 : i32
      %mul3A_844 = arith.muli %scan3A_841, %mul3A_843 : i32
      %add3A_845 = arith.constant 5120 : i32
      %add3A_846 = arith.addi %add3A_845, %mul3A_844 : i32
      %get3A = arith.index_cast %add3A_846 : i32 to index
      %get3A_847 = tpu.vector_load %arg9[%get3A] {strides = array<i32>} : memref<12800xi32, #tpu.memory_space<vmem>>, vector<16xi32>,
      %get3A_848 = vector.shape_cast %get3A_847 : vector<16xi32> to vector<16xi32>
      %get3A_849 = arith.index_cast %add3A_846 : i32 to index
      %get3A_850 = tpu.vector_load %arg8[%get3A_849] {strides = array<i32>} : memref<12800xi32, #tpu.memory_space<vmem>>, vector<16xi32>,
      %get3A_851 = vector.shape_cast %get3A_850 : vector<16xi32> to vector<16xi32>
      %shift_left3A = arith.constant 16 : i32
      %shift_left3A_852 = vector.broadcast %shift_left3A : i32 to vector<16xi32>
      %shift_left3A_853 = arith.shli %get3A_848, %shift_left3A_852 : vector<16xi32>
      %bitcast_convert_type3A = tpu.bitcast %shift_left3A_853 : vector<16xi32> -> vector<16xf32>
      %and3A = arith.andi %get3A_848, %broadcast_in_dim3A_358 : vector<16xi32>
      %bitcast_convert_type3A_854 = tpu.bitcast %and3A : vector<16xi32> -> vector<16xf32>
      %shift_left3A_855 = arith.constant 16 : i32
      %shift_left3A_856 = vector.broadcast %shift_left3A_855 : i32 to vector<16xi32>
      %shift_left3A_857 = arith.shli %get3A_851, %shift_left3A_856 : vector<16xi32>
      %bitcast_convert_type3A_858 = tpu.bitcast %shift_left3A_857 : vector<16xi32> -> vector<16xf32>
      %and3A_859 = arith.andi %get3A_851, %broadcast_in_dim3A_358 : vector<16xi32>
      %bitcast_convert_type3A_860 = tpu.bitcast %and3A_859 : vector<16xi32> -> vector<16xf32>
      %mul3A_861 = arith.mulf %bitcast_convert_type3A, %bitcast_convert_type3A_858 : vector<16xf32>
      %mul3A_862 = arith.mulf %bitcast_convert_type3A_854, %bitcast_convert_type3A_860 : vector<16xf32>
      %add3A_863 = arith.addf %mul3A_861, %mul3A_862 : vector<16xf32>
      %mul3A_864 = arith.constant 16 : i32
      %mul3A_865 = arith.muli %scan3A_841, %mul3A_864 : i32
      %get3A_866 = arith.index_cast %mul3A_865 : i32 to index
      %get3A_867 = tpu.vector_load %arg11[%get3A_866] {strides = array<i32>} : memref<512xf32, #tpu.memory_space<vmem>>, vector<16xf32>,
      %get3A_868 = vector.shape_cast %get3A_867 : vector<16xf32> to vector<16xf32>
      %add3A_869 = arith.addf %get3A_868, %add3A_863 : vector<16xf32>
      %swap3A = arith.index_cast %mul3A_865 : i32 to index
      %swap3A_870 = tpu.vector_load %arg11[%swap3A] {strides = array<i32>} : memref<512xf32, #tpu.memory_space<vmem>>, vector<16xf32>,
      %swap3A_871 = vector.shape_cast %swap3A_870 : vector<16xf32> to vector<16xf32>
      %swap3A_872 = vector.shape_cast %add3A_869 : vector<16xf32> to vector<16xf32>
      tpu.vector_store %arg11[%swap3A], %swap3A_872 {strides = array<i32>} : memref<512xf32, #tpu.memory_space<vmem>>, vector<16xf32>,
      %scan3A_873 = arith.constant 0 : i32
      scf.yield %scan3A_873 : i32
    }
    %scan3A_565 = arith.constant 32 : i32
    %dma_wait3A_566 = arith.constant 5632 : i32
    %dma_wait3A_567 = tpu.memref_slice %arg9[%dma_wait3A_566] : memref<12800xi32, #tpu.memory_space<vmem>> -> memref<512xi32, #tpu.memory_space<vmem>>
    %dma_wait3A_568 = arith.constant 5632 : i32
    %dma_wait3A_569 = tpu.memref_slice %arg7[%dma_wait3A_568] : memref<12800xi32, #tpu.memory_space<vmem>> -> memref<512xi32, #tpu.memory_space<vmem>>
    %dma_wait3A_570 = arith.constant 0 : i32
    %dma_wait3A_571 = tpu.memref_slice %arg4[%dma_wait3A_570] : memref<3276800xi32, #tpu.memory_space<hbm>> -> memref<3276800xi32, #tpu.memory_space<hbm>>
    tpu.wait_indirect_dma semaphore(%arg12 : memref<!tpu.dma_semaphore, #tpu.memory_space<semaphore_mem>>) src(%dma_wait3A_571 : memref<3276800xi32, #tpu.memory_space<hbm>>) dst(%dma_wait3A_567 : memref<512xi32, #tpu.memory_space<vmem>>)
    %dma_wait3A_572 = arith.constant 5632 : i32
    %dma_wait3A_573 = tpu.memref_slice %arg8[%dma_wait3A_572] : memref<12800xi32, #tpu.memory_space<vmem>> -> memref<512xi32, #tpu.memory_space<vmem>>
    %dma_wait3A_574 = tpu.memref_slice %arg3[%add3A_167] : memref<524288xi32, #tpu.memory_space<hbm>> -> memref<512xi32, #tpu.memory_space<hbm>>
    %dma_wait3A_575 = arith.constant 5632 : i32
    %dma_wait3A_576 = tpu.memref_slice %arg8[%dma_wait3A_575] : memref<12800xi32, #tpu.memory_space<vmem>> -> memref<512xi32, #tpu.memory_space<vmem>>
    %dma_wait3A_577 = tpu.memref_slice %arg3[%add3A_167] : memref<524288xi32, #tpu.memory_space<hbm>> -> memref<512xi32, #tpu.memory_space<hbm>>
    tpu.wait_dma2 semaphore(%arg13 : memref<!tpu.dma_semaphore, #tpu.memory_space<semaphore_mem>>) src(%dma_wait3A_577 : memref<512xi32, #tpu.memory_space<hbm>>) dst(%dma_wait3A_576 : memref<512xi32, #tpu.memory_space<vmem>>)
    %scan3A_578 = arith.constant 0 : i32
    %scan3A_579 = arith.constant 0 : i32
    %scan3A_580 = arith.constant 32 : i32
    %scan3A_581 = arith.addi %scan3A_579, %scan3A_580 : i32
    %scan3A_582 = arith.constant 1 : i32
    %scan3A_583 = scf.for %scan3A_841 = %scan3A_579 to %scan3A_581 step %scan3A_582 iter_args(%scan3A_842 = %scan3A_578) -> (i32)  : i32 {
      %mul3A_843 = arith.constant 16 : i32
      %mul3A_844 = arith.muli %scan3A_841, %mul3A_843 : i32
      %add3A_845 = arith.constant 5632 : i32
      %add3A_846 = arith.addi %add3A_845, %mul3A_844 : i32
      %get3A = arith.index_cast %add3A_846 : i32 to index
      %get3A_847 = tpu.vector_load %arg9[%get3A] {strides = array<i32>} : memref<12800xi32, #tpu.memory_space<vmem>>, vector<16xi32>,
      %get3A_848 = vector.shape_cast %get3A_847 : vector<16xi32> to vector<16xi32>
      %get3A_849 = arith.index_cast %add3A_846 : i32 to index
      %get3A_850 = tpu.vector_load %arg8[%get3A_849] {strides = array<i32>} : memref<12800xi32, #tpu.memory_space<vmem>>, vector<16xi32>,
      %get3A_851 = vector.shape_cast %get3A_850 : vector<16xi32> to vector<16xi32>
      %shift_left3A = arith.constant 16 : i32
      %shift_left3A_852 = vector.broadcast %shift_left3A : i32 to vector<16xi32>
      %shift_left3A_853 = arith.shli %get3A_848, %shift_left3A_852 : vector<16xi32>
      %bitcast_convert_type3A = tpu.bitcast %shift_left3A_853 : vector<16xi32> -> vector<16xf32>
      %and3A = arith.andi %get3A_848, %broadcast_in_dim3A_358 : vector<16xi32>
      %bitcast_convert_type3A_854 = tpu.bitcast %and3A : vector<16xi32> -> vector<16xf32>
      %shift_left3A_855 = arith.constant 16 : i32
      %shift_left3A_856 = vector.broadcast %shift_left3A_855 : i32 to vector<16xi32>
      %shift_left3A_857 = arith.shli %get3A_851, %shift_left3A_856 : vector<16xi32>
      %bitcast_convert_type3A_858 = tpu.bitcast %shift_left3A_857 : vector<16xi32> -> vector<16xf32>
      %and3A_859 = arith.andi %get3A_851, %broadcast_in_dim3A_358 : vector<16xi32>
      %bitcast_convert_type3A_860 = tpu.bitcast %and3A_859 : vector<16xi32> -> vector<16xf32>
      %mul3A_861 = arith.mulf %bitcast_convert_type3A, %bitcast_convert_type3A_858 : vector<16xf32>
      %mul3A_862 = arith.mulf %bitcast_convert_type3A_854, %bitcast_convert_type3A_860 : vector<16xf32>
      %add3A_863 = arith.addf %mul3A_861, %mul3A_862 : vector<16xf32>
      %mul3A_864 = arith.constant 16 : i32
      %mul3A_865 = arith.muli %scan3A_841, %mul3A_864 : i32
      %get3A_866 = arith.index_cast %mul3A_865 : i32 to index
      %get3A_867 = tpu.vector_load %arg11[%get3A_866] {strides = array<i32>} : memref<512xf32, #tpu.memory_space<vmem>>, vector<16xf32>,
      %get3A_868 = vector.shape_cast %get3A_867 : vector<16xf32> to vector<16xf32>
      %add3A_869 = arith.addf %get3A_868, %add3A_863 : vector<16xf32>
      %swap3A = arith.index_cast %mul3A_865 : i32 to index
      %swap3A_870 = tpu.vector_load %arg11[%swap3A] {strides = array<i32>} : memref<512xf32, #tpu.memory_space<vmem>>, vector<16xf32>,
      %swap3A_871 = vector.shape_cast %swap3A_870 : vector<16xf32> to vector<16xf32>
      %swap3A_872 = vector.shape_cast %add3A_869 : vector<16xf32> to vector<16xf32>
      tpu.vector_store %arg11[%swap3A], %swap3A_872 {strides = array<i32>} : memref<512xf32, #tpu.memory_space<vmem>>, vector<16xf32>,
      %scan3A_873 = arith.constant 0 : i32
      scf.yield %scan3A_873 : i32
    }
    %scan3A_584 = arith.constant 32 : i32
    %dma_wait3A_585 = arith.constant 6144 : i32
    %dma_wait3A_586 = tpu.memref_slice %arg9[%dma_wait3A_585] : memref<12800xi32, #tpu.memory_space<vmem>> -> memref<512xi32, #tpu.memory_space<vmem>>
    %dma_wait3A_587 = arith.constant 6144 : i32
    %dma_wait3A_588 = tpu.memref_slice %arg7[%dma_wait3A_587] : memref<12800xi32, #tpu.memory_space<vmem>> -> memref<512xi32, #tpu.memory_space<vmem>>
    %dma_wait3A_589 = arith.constant 0 : i32
    %dma_wait3A_590 = tpu.memref_slice %arg4[%dma_wait3A_589] : memref<3276800xi32, #tpu.memory_space<hbm>> -> memref<3276800xi32, #tpu.memory_space<hbm>>
    tpu.wait_indirect_dma semaphore(%arg12 : memref<!tpu.dma_semaphore, #tpu.memory_space<semaphore_mem>>) src(%dma_wait3A_590 : memref<3276800xi32, #tpu.memory_space<hbm>>) dst(%dma_wait3A_586 : memref<512xi32, #tpu.memory_space<vmem>>)
    %dma_wait3A_591 = arith.constant 6144 : i32
    %dma_wait3A_592 = tpu.memref_slice %arg8[%dma_wait3A_591] : memref<12800xi32, #tpu.memory_space<vmem>> -> memref<512xi32, #tpu.memory_space<vmem>>
    %dma_wait3A_593 = tpu.memref_slice %arg3[%add3A_181] : memref<524288xi32, #tpu.memory_space<hbm>> -> memref<512xi32, #tpu.memory_space<hbm>>
    %dma_wait3A_594 = arith.constant 6144 : i32
    %dma_wait3A_595 = tpu.memref_slice %arg8[%dma_wait3A_594] : memref<12800xi32, #tpu.memory_space<vmem>> -> memref<512xi32, #tpu.memory_space<vmem>>
    %dma_wait3A_596 = tpu.memref_slice %arg3[%add3A_181] : memref<524288xi32, #tpu.memory_space<hbm>> -> memref<512xi32, #tpu.memory_space<hbm>>
    tpu.wait_dma2 semaphore(%arg13 : memref<!tpu.dma_semaphore, #tpu.memory_space<semaphore_mem>>) src(%dma_wait3A_596 : memref<512xi32, #tpu.memory_space<hbm>>) dst(%dma_wait3A_595 : memref<512xi32, #tpu.memory_space<vmem>>)
    %scan3A_597 = arith.constant 0 : i32
    %scan3A_598 = arith.constant 0 : i32
    %scan3A_599 = arith.constant 32 : i32
    %scan3A_600 = arith.addi %scan3A_598, %scan3A_599 : i32
    %scan3A_601 = arith.constant 1 : i32
    %scan3A_602 = scf.for %scan3A_841 = %scan3A_598 to %scan3A_600 step %scan3A_601 iter_args(%scan3A_842 = %scan3A_597) -> (i32)  : i32 {
      %mul3A_843 = arith.constant 16 : i32
      %mul3A_844 = arith.muli %scan3A_841, %mul3A_843 : i32
      %add3A_845 = arith.constant 6144 : i32
      %add3A_846 = arith.addi %add3A_845, %mul3A_844 : i32
      %get3A = arith.index_cast %add3A_846 : i32 to index
      %get3A_847 = tpu.vector_load %arg9[%get3A] {strides = array<i32>} : memref<12800xi32, #tpu.memory_space<vmem>>, vector<16xi32>,
      %get3A_848 = vector.shape_cast %get3A_847 : vector<16xi32> to vector<16xi32>
      %get3A_849 = arith.index_cast %add3A_846 : i32 to index
      %get3A_850 = tpu.vector_load %arg8[%get3A_849] {strides = array<i32>} : memref<12800xi32, #tpu.memory_space<vmem>>, vector<16xi32>,
      %get3A_851 = vector.shape_cast %get3A_850 : vector<16xi32> to vector<16xi32>
      %shift_left3A = arith.constant 16 : i32
      %shift_left3A_852 = vector.broadcast %shift_left3A : i32 to vector<16xi32>
      %shift_left3A_853 = arith.shli %get3A_848, %shift_left3A_852 : vector<16xi32>
      %bitcast_convert_type3A = tpu.bitcast %shift_left3A_853 : vector<16xi32> -> vector<16xf32>
      %and3A = arith.andi %get3A_848, %broadcast_in_dim3A_358 : vector<16xi32>
      %bitcast_convert_type3A_854 = tpu.bitcast %and3A : vector<16xi32> -> vector<16xf32>
      %shift_left3A_855 = arith.constant 16 : i32
      %shift_left3A_856 = vector.broadcast %shift_left3A_855 : i32 to vector<16xi32>
      %shift_left3A_857 = arith.shli %get3A_851, %shift_left3A_856 : vector<16xi32>
      %bitcast_convert_type3A_858 = tpu.bitcast %shift_left3A_857 : vector<16xi32> -> vector<16xf32>
      %and3A_859 = arith.andi %get3A_851, %broadcast_in_dim3A_358 : vector<16xi32>
      %bitcast_convert_type3A_860 = tpu.bitcast %and3A_859 : vector<16xi32> -> vector<16xf32>
      %mul3A_861 = arith.mulf %bitcast_convert_type3A, %bitcast_convert_type3A_858 : vector<16xf32>
      %mul3A_862 = arith.mulf %bitcast_convert_type3A_854, %bitcast_convert_type3A_860 : vector<16xf32>
      %add3A_863 = arith.addf %mul3A_861, %mul3A_862 : vector<16xf32>
      %mul3A_864 = arith.constant 16 : i32
      %mul3A_865 = arith.muli %scan3A_841, %mul3A_864 : i32
      %get3A_866 = arith.index_cast %mul3A_865 : i32 to index
      %get3A_867 = tpu.vector_load %arg11[%get3A_866] {strides = array<i32>} : memref<512xf32, #tpu.memory_space<vmem>>, vector<16xf32>,
      %get3A_868 = vector.shape_cast %get3A_867 : vector<16xf32> to vector<16xf32>
      %add3A_869 = arith.addf %get3A_868, %add3A_863 : vector<16xf32>
      %swap3A = arith.index_cast %mul3A_865 : i32 to index
      %swap3A_870 = tpu.vector_load %arg11[%swap3A] {strides = array<i32>} : memref<512xf32, #tpu.memory_space<vmem>>, vector<16xf32>,
      %swap3A_871 = vector.shape_cast %swap3A_870 : vector<16xf32> to vector<16xf32>
      %swap3A_872 = vector.shape_cast %add3A_869 : vector<16xf32> to vector<16xf32>
      tpu.vector_store %arg11[%swap3A], %swap3A_872 {strides = array<i32>} : memref<512xf32, #tpu.memory_space<vmem>>, vector<16xf32>,
      %scan3A_873 = arith.constant 0 : i32
      scf.yield %scan3A_873 : i32
    }
    %scan3A_603 = arith.constant 32 : i32
    %dma_wait3A_604 = arith.constant 6656 : i32
    %dma_wait3A_605 = tpu.memref_slice %arg9[%dma_wait3A_604] : memref<12800xi32, #tpu.memory_space<vmem>> -> memref<512xi32, #tpu.memory_space<vmem>>
    %dma_wait3A_606 = arith.constant 6656 : i32
    %dma_wait3A_607 = tpu.memref_slice %arg7[%dma_wait3A_606] : memref<12800xi32, #tpu.memory_space<vmem>> -> memref<512xi32, #tpu.memory_space<vmem>>
    %dma_wait3A_608 = arith.constant 0 : i32
    %dma_wait3A_609 = tpu.memref_slice %arg4[%dma_wait3A_608] : memref<3276800xi32, #tpu.memory_space<hbm>> -> memref<3276800xi32, #tpu.memory_space<hbm>>
    tpu.wait_indirect_dma semaphore(%arg12 : memref<!tpu.dma_semaphore, #tpu.memory_space<semaphore_mem>>) src(%dma_wait3A_609 : memref<3276800xi32, #tpu.memory_space<hbm>>) dst(%dma_wait3A_605 : memref<512xi32, #tpu.memory_space<vmem>>)
    %dma_wait3A_610 = arith.constant 6656 : i32
    %dma_wait3A_611 = tpu.memref_slice %arg8[%dma_wait3A_610] : memref<12800xi32, #tpu.memory_space<vmem>> -> memref<512xi32, #tpu.memory_space<vmem>>
    %dma_wait3A_612 = tpu.memref_slice %arg3[%add3A_195] : memref<524288xi32, #tpu.memory_space<hbm>> -> memref<512xi32, #tpu.memory_space<hbm>>
    %dma_wait3A_613 = arith.constant 6656 : i32
    %dma_wait3A_614 = tpu.memref_slice %arg8[%dma_wait3A_613] : memref<12800xi32, #tpu.memory_space<vmem>> -> memref<512xi32, #tpu.memory_space<vmem>>
    %dma_wait3A_615 = tpu.memref_slice %arg3[%add3A_195] : memref<524288xi32, #tpu.memory_space<hbm>> -> memref<512xi32, #tpu.memory_space<hbm>>
    tpu.wait_dma2 semaphore(%arg13 : memref<!tpu.dma_semaphore, #tpu.memory_space<semaphore_mem>>) src(%dma_wait3A_615 : memref<512xi32, #tpu.memory_space<hbm>>) dst(%dma_wait3A_614 : memref<512xi32, #tpu.memory_space<vmem>>)
    %scan3A_616 = arith.constant 0 : i32
    %scan3A_617 = arith.constant 0 : i32
    %scan3A_618 = arith.constant 32 : i32
    %scan3A_619 = arith.addi %scan3A_617, %scan3A_618 : i32
    %scan3A_620 = arith.constant 1 : i32
    %scan3A_621 = scf.for %scan3A_841 = %scan3A_617 to %scan3A_619 step %scan3A_620 iter_args(%scan3A_842 = %scan3A_616) -> (i32)  : i32 {
      %mul3A_843 = arith.constant 16 : i32
      %mul3A_844 = arith.muli %scan3A_841, %mul3A_843 : i32
      %add3A_845 = arith.constant 6656 : i32
      %add3A_846 = arith.addi %add3A_845, %mul3A_844 : i32
      %get3A = arith.index_cast %add3A_846 : i32 to index
      %get3A_847 = tpu.vector_load %arg9[%get3A] {strides = array<i32>} : memref<12800xi32, #tpu.memory_space<vmem>>, vector<16xi32>,
      %get3A_848 = vector.shape_cast %get3A_847 : vector<16xi32> to vector<16xi32>
      %get3A_849 = arith.index_cast %add3A_846 : i32 to index
      %get3A_850 = tpu.vector_load %arg8[%get3A_849] {strides = array<i32>} : memref<12800xi32, #tpu.memory_space<vmem>>, vector<16xi32>,
      %get3A_851 = vector.shape_cast %get3A_850 : vector<16xi32> to vector<16xi32>
      %shift_left3A = arith.constant 16 : i32
      %shift_left3A_852 = vector.broadcast %shift_left3A : i32 to vector<16xi32>
      %shift_left3A_853 = arith.shli %get3A_848, %shift_left3A_852 : vector<16xi32>
      %bitcast_convert_type3A = tpu.bitcast %shift_left3A_853 : vector<16xi32> -> vector<16xf32>
      %and3A = arith.andi %get3A_848, %broadcast_in_dim3A_358 : vector<16xi32>
      %bitcast_convert_type3A_854 = tpu.bitcast %and3A : vector<16xi32> -> vector<16xf32>
      %shift_left3A_855 = arith.constant 16 : i32
      %shift_left3A_856 = vector.broadcast %shift_left3A_855 : i32 to vector<16xi32>
      %shift_left3A_857 = arith.shli %get3A_851, %shift_left3A_856 : vector<16xi32>
      %bitcast_convert_type3A_858 = tpu.bitcast %shift_left3A_857 : vector<16xi32> -> vector<16xf32>
      %and3A_859 = arith.andi %get3A_851, %broadcast_in_dim3A_358 : vector<16xi32>
      %bitcast_convert_type3A_860 = tpu.bitcast %and3A_859 : vector<16xi32> -> vector<16xf32>
      %mul3A_861 = arith.mulf %bitcast_convert_type3A, %bitcast_convert_type3A_858 : vector<16xf32>
      %mul3A_862 = arith.mulf %bitcast_convert_type3A_854, %bitcast_convert_type3A_860 : vector<16xf32>
      %add3A_863 = arith.addf %mul3A_861, %mul3A_862 : vector<16xf32>
      %mul3A_864 = arith.constant 16 : i32
      %mul3A_865 = arith.muli %scan3A_841, %mul3A_864 : i32
      %get3A_866 = arith.index_cast %mul3A_865 : i32 to index
      %get3A_867 = tpu.vector_load %arg11[%get3A_866] {strides = array<i32>} : memref<512xf32, #tpu.memory_space<vmem>>, vector<16xf32>,
      %get3A_868 = vector.shape_cast %get3A_867 : vector<16xf32> to vector<16xf32>
      %add3A_869 = arith.addf %get3A_868, %add3A_863 : vector<16xf32>
      %swap3A = arith.index_cast %mul3A_865 : i32 to index
      %swap3A_870 = tpu.vector_load %arg11[%swap3A] {strides = array<i32>} : memref<512xf32, #tpu.memory_space<vmem>>, vector<16xf32>,
      %swap3A_871 = vector.shape_cast %swap3A_870 : vector<16xf32> to vector<16xf32>
      %swap3A_872 = vector.shape_cast %add3A_869 : vector<16xf32> to vector<16xf32>
      tpu.vector_store %arg11[%swap3A], %swap3A_872 {strides = array<i32>} : memref<512xf32, #tpu.memory_space<vmem>>, vector<16xf32>,
      %scan3A_873 = arith.constant 0 : i32
      scf.yield %scan3A_873 : i32
    }
    %scan3A_622 = arith.constant 32 : i32
    %dma_wait3A_623 = arith.constant 7168 : i32
    %dma_wait3A_624 = tpu.memref_slice %arg9[%dma_wait3A_623] : memref<12800xi32, #tpu.memory_space<vmem>> -> memref<512xi32, #tpu.memory_space<vmem>>
    %dma_wait3A_625 = arith.constant 7168 : i32
    %dma_wait3A_626 = tpu.memref_slice %arg7[%dma_wait3A_625] : memref<12800xi32, #tpu.memory_space<vmem>> -> memref<512xi32, #tpu.memory_space<vmem>>
    %dma_wait3A_627 = arith.constant 0 : i32
    %dma_wait3A_628 = tpu.memref_slice %arg4[%dma_wait3A_627] : memref<3276800xi32, #tpu.memory_space<hbm>> -> memref<3276800xi32, #tpu.memory_space<hbm>>
    tpu.wait_indirect_dma semaphore(%arg12 : memref<!tpu.dma_semaphore, #tpu.memory_space<semaphore_mem>>) src(%dma_wait3A_628 : memref<3276800xi32, #tpu.memory_space<hbm>>) dst(%dma_wait3A_624 : memref<512xi32, #tpu.memory_space<vmem>>)
    %dma_wait3A_629 = arith.constant 7168 : i32
    %dma_wait3A_630 = tpu.memref_slice %arg8[%dma_wait3A_629] : memref<12800xi32, #tpu.memory_space<vmem>> -> memref<512xi32, #tpu.memory_space<vmem>>
    %dma_wait3A_631 = tpu.memref_slice %arg3[%add3A_209] : memref<524288xi32, #tpu.memory_space<hbm>> -> memref<512xi32, #tpu.memory_space<hbm>>
    %dma_wait3A_632 = arith.constant 7168 : i32
    %dma_wait3A_633 = tpu.memref_slice %arg8[%dma_wait3A_632] : memref<12800xi32, #tpu.memory_space<vmem>> -> memref<512xi32, #tpu.memory_space<vmem>>
    %dma_wait3A_634 = tpu.memref_slice %arg3[%add3A_209] : memref<524288xi32, #tpu.memory_space<hbm>> -> memref<512xi32, #tpu.memory_space<hbm>>
    tpu.wait_dma2 semaphore(%arg13 : memref<!tpu.dma_semaphore, #tpu.memory_space<semaphore_mem>>) src(%dma_wait3A_634 : memref<512xi32, #tpu.memory_space<hbm>>) dst(%dma_wait3A_633 : memref<512xi32, #tpu.memory_space<vmem>>)
    %scan3A_635 = arith.constant 0 : i32
    %scan3A_636 = arith.constant 0 : i32
    %scan3A_637 = arith.constant 32 : i32
    %scan3A_638 = arith.addi %scan3A_636, %scan3A_637 : i32
    %scan3A_639 = arith.constant 1 : i32
    %scan3A_640 = scf.for %scan3A_841 = %scan3A_636 to %scan3A_638 step %scan3A_639 iter_args(%scan3A_842 = %scan3A_635) -> (i32)  : i32 {
      %mul3A_843 = arith.constant 16 : i32
      %mul3A_844 = arith.muli %scan3A_841, %mul3A_843 : i32
      %add3A_845 = arith.constant 7168 : i32
      %add3A_846 = arith.addi %add3A_845, %mul3A_844 : i32
      %get3A = arith.index_cast %add3A_846 : i32 to index
      %get3A_847 = tpu.vector_load %arg9[%get3A] {strides = array<i32>} : memref<12800xi32, #tpu.memory_space<vmem>>, vector<16xi32>,
      %get3A_848 = vector.shape_cast %get3A_847 : vector<16xi32> to vector<16xi32>
      %get3A_849 = arith.index_cast %add3A_846 : i32 to index
      %get3A_850 = tpu.vector_load %arg8[%get3A_849] {strides = array<i32>} : memref<12800xi32, #tpu.memory_space<vmem>>, vector<16xi32>,
      %get3A_851 = vector.shape_cast %get3A_850 : vector<16xi32> to vector<16xi32>
      %shift_left3A = arith.constant 16 : i32
      %shift_left3A_852 = vector.broadcast %shift_left3A : i32 to vector<16xi32>
      %shift_left3A_853 = arith.shli %get3A_848, %shift_left3A_852 : vector<16xi32>
      %bitcast_convert_type3A = tpu.bitcast %shift_left3A_853 : vector<16xi32> -> vector<16xf32>
      %and3A = arith.andi %get3A_848, %broadcast_in_dim3A_358 : vector<16xi32>
      %bitcast_convert_type3A_854 = tpu.bitcast %and3A : vector<16xi32> -> vector<16xf32>
      %shift_left3A_855 = arith.constant 16 : i32
      %shift_left3A_856 = vector.broadcast %shift_left3A_855 : i32 to vector<16xi32>
      %shift_left3A_857 = arith.shli %get3A_851, %shift_left3A_856 : vector<16xi32>
      %bitcast_convert_type3A_858 = tpu.bitcast %shift_left3A_857 : vector<16xi32> -> vector<16xf32>
      %and3A_859 = arith.andi %get3A_851, %broadcast_in_dim3A_358 : vector<16xi32>
      %bitcast_convert_type3A_860 = tpu.bitcast %and3A_859 : vector<16xi32> -> vector<16xf32>
      %mul3A_861 = arith.mulf %bitcast_convert_type3A, %bitcast_convert_type3A_858 : vector<16xf32>
      %mul3A_862 = arith.mulf %bitcast_convert_type3A_854, %bitcast_convert_type3A_860 : vector<16xf32>
      %add3A_863 = arith.addf %mul3A_861, %mul3A_862 : vector<16xf32>
      %mul3A_864 = arith.constant 16 : i32
      %mul3A_865 = arith.muli %scan3A_841, %mul3A_864 : i32
      %get3A_866 = arith.index_cast %mul3A_865 : i32 to index
      %get3A_867 = tpu.vector_load %arg11[%get3A_866] {strides = array<i32>} : memref<512xf32, #tpu.memory_space<vmem>>, vector<16xf32>,
      %get3A_868 = vector.shape_cast %get3A_867 : vector<16xf32> to vector<16xf32>
      %add3A_869 = arith.addf %get3A_868, %add3A_863 : vector<16xf32>
      %swap3A = arith.index_cast %mul3A_865 : i32 to index
      %swap3A_870 = tpu.vector_load %arg11[%swap3A] {strides = array<i32>} : memref<512xf32, #tpu.memory_space<vmem>>, vector<16xf32>,
      %swap3A_871 = vector.shape_cast %swap3A_870 : vector<16xf32> to vector<16xf32>
      %swap3A_872 = vector.shape_cast %add3A_869 : vector<16xf32> to vector<16xf32>
      tpu.vector_store %arg11[%swap3A], %swap3A_872 {strides = array<i32>} : memref<512xf32, #tpu.memory_space<vmem>>, vector<16xf32>,
      %scan3A_873 = arith.constant 0 : i32
      scf.yield %scan3A_873 : i32
    }
    %scan3A_641 = arith.constant 32 : i32
    %dma_wait3A_642 = arith.constant 7680 : i32
    %dma_wait3A_643 = tpu.memref_slice %arg9[%dma_wait3A_642] : memref<12800xi32, #tpu.memory_space<vmem>> -> memref<512xi32, #tpu.memory_space<vmem>>
    %dma_wait3A_644 = arith.constant 7680 : i32
    %dma_wait3A_645 = tpu.memref_slice %arg7[%dma_wait3A_644] : memref<12800xi32, #tpu.memory_space<vmem>> -> memref<512xi32, #tpu.memory_space<vmem>>
    %dma_wait3A_646 = arith.constant 0 : i32
    %dma_wait3A_647 = tpu.memref_slice %arg4[%dma_wait3A_646] : memref<3276800xi32, #tpu.memory_space<hbm>> -> memref<3276800xi32, #tpu.memory_space<hbm>>
    tpu.wait_indirect_dma semaphore(%arg12 : memref<!tpu.dma_semaphore, #tpu.memory_space<semaphore_mem>>) src(%dma_wait3A_647 : memref<3276800xi32, #tpu.memory_space<hbm>>) dst(%dma_wait3A_643 : memref<512xi32, #tpu.memory_space<vmem>>)
    %dma_wait3A_648 = arith.constant 7680 : i32
    %dma_wait3A_649 = tpu.memref_slice %arg8[%dma_wait3A_648] : memref<12800xi32, #tpu.memory_space<vmem>> -> memref<512xi32, #tpu.memory_space<vmem>>
    %dma_wait3A_650 = tpu.memref_slice %arg3[%add3A_223] : memref<524288xi32, #tpu.memory_space<hbm>> -> memref<512xi32, #tpu.memory_space<hbm>>
    %dma_wait3A_651 = arith.constant 7680 : i32
    %dma_wait3A_652 = tpu.memref_slice %arg8[%dma_wait3A_651] : memref<12800xi32, #tpu.memory_space<vmem>> -> memref<512xi32, #tpu.memory_space<vmem>>
    %dma_wait3A_653 = tpu.memref_slice %arg3[%add3A_223] : memref<524288xi32, #tpu.memory_space<hbm>> -> memref<512xi32, #tpu.memory_space<hbm>>
    tpu.wait_dma2 semaphore(%arg13 : memref<!tpu.dma_semaphore, #tpu.memory_space<semaphore_mem>>) src(%dma_wait3A_653 : memref<512xi32, #tpu.memory_space<hbm>>) dst(%dma_wait3A_652 : memref<512xi32, #tpu.memory_space<vmem>>)
    %scan3A_654 = arith.constant 0 : i32
    %scan3A_655 = arith.constant 0 : i32
    %scan3A_656 = arith.constant 32 : i32
    %scan3A_657 = arith.addi %scan3A_655, %scan3A_656 : i32
    %scan3A_658 = arith.constant 1 : i32
    %scan3A_659 = scf.for %scan3A_841 = %scan3A_655 to %scan3A_657 step %scan3A_658 iter_args(%scan3A_842 = %scan3A_654) -> (i32)  : i32 {
      %mul3A_843 = arith.constant 16 : i32
      %mul3A_844 = arith.muli %scan3A_841, %mul3A_843 : i32
      %add3A_845 = arith.constant 7680 : i32
      %add3A_846 = arith.addi %add3A_845, %mul3A_844 : i32
      %get3A = arith.index_cast %add3A_846 : i32 to index
      %get3A_847 = tpu.vector_load %arg9[%get3A] {strides = array<i32>} : memref<12800xi32, #tpu.memory_space<vmem>>, vector<16xi32>,
      %get3A_848 = vector.shape_cast %get3A_847 : vector<16xi32> to vector<16xi32>
      %get3A_849 = arith.index_cast %add3A_846 : i32 to index
      %get3A_850 = tpu.vector_load %arg8[%get3A_849] {strides = array<i32>} : memref<12800xi32, #tpu.memory_space<vmem>>, vector<16xi32>,
      %get3A_851 = vector.shape_cast %get3A_850 : vector<16xi32> to vector<16xi32>
      %shift_left3A = arith.constant 16 : i32
      %shift_left3A_852 = vector.broadcast %shift_left3A : i32 to vector<16xi32>
      %shift_left3A_853 = arith.shli %get3A_848, %shift_left3A_852 : vector<16xi32>
      %bitcast_convert_type3A = tpu.bitcast %shift_left3A_853 : vector<16xi32> -> vector<16xf32>
      %and3A = arith.andi %get3A_848, %broadcast_in_dim3A_358 : vector<16xi32>
      %bitcast_convert_type3A_854 = tpu.bitcast %and3A : vector<16xi32> -> vector<16xf32>
      %shift_left3A_855 = arith.constant 16 : i32
      %shift_left3A_856 = vector.broadcast %shift_left3A_855 : i32 to vector<16xi32>
      %shift_left3A_857 = arith.shli %get3A_851, %shift_left3A_856 : vector<16xi32>
      %bitcast_convert_type3A_858 = tpu.bitcast %shift_left3A_857 : vector<16xi32> -> vector<16xf32>
      %and3A_859 = arith.andi %get3A_851, %broadcast_in_dim3A_358 : vector<16xi32>
      %bitcast_convert_type3A_860 = tpu.bitcast %and3A_859 : vector<16xi32> -> vector<16xf32>
      %mul3A_861 = arith.mulf %bitcast_convert_type3A, %bitcast_convert_type3A_858 : vector<16xf32>
      %mul3A_862 = arith.mulf %bitcast_convert_type3A_854, %bitcast_convert_type3A_860 : vector<16xf32>
      %add3A_863 = arith.addf %mul3A_861, %mul3A_862 : vector<16xf32>
      %mul3A_864 = arith.constant 16 : i32
      %mul3A_865 = arith.muli %scan3A_841, %mul3A_864 : i32
      %get3A_866 = arith.index_cast %mul3A_865 : i32 to index
      %get3A_867 = tpu.vector_load %arg11[%get3A_866] {strides = array<i32>} : memref<512xf32, #tpu.memory_space<vmem>>, vector<16xf32>,
      %get3A_868 = vector.shape_cast %get3A_867 : vector<16xf32> to vector<16xf32>
      %add3A_869 = arith.addf %get3A_868, %add3A_863 : vector<16xf32>
      %swap3A = arith.index_cast %mul3A_865 : i32 to index
      %swap3A_870 = tpu.vector_load %arg11[%swap3A] {strides = array<i32>} : memref<512xf32, #tpu.memory_space<vmem>>, vector<16xf32>,
      %swap3A_871 = vector.shape_cast %swap3A_870 : vector<16xf32> to vector<16xf32>
      %swap3A_872 = vector.shape_cast %add3A_869 : vector<16xf32> to vector<16xf32>
      tpu.vector_store %arg11[%swap3A], %swap3A_872 {strides = array<i32>} : memref<512xf32, #tpu.memory_space<vmem>>, vector<16xf32>,
      %scan3A_873 = arith.constant 0 : i32
      scf.yield %scan3A_873 : i32
    }
    %scan3A_660 = arith.constant 32 : i32
    %dma_wait3A_661 = arith.constant 8192 : i32
    %dma_wait3A_662 = tpu.memref_slice %arg9[%dma_wait3A_661] : memref<12800xi32, #tpu.memory_space<vmem>> -> memref<512xi32, #tpu.memory_space<vmem>>
    %dma_wait3A_663 = arith.constant 8192 : i32
    %dma_wait3A_664 = tpu.memref_slice %arg7[%dma_wait3A_663] : memref<12800xi32, #tpu.memory_space<vmem>> -> memref<512xi32, #tpu.memory_space<vmem>>
    %dma_wait3A_665 = arith.constant 0 : i32
    %dma_wait3A_666 = tpu.memref_slice %arg4[%dma_wait3A_665] : memref<3276800xi32, #tpu.memory_space<hbm>> -> memref<3276800xi32, #tpu.memory_space<hbm>>
    tpu.wait_indirect_dma semaphore(%arg12 : memref<!tpu.dma_semaphore, #tpu.memory_space<semaphore_mem>>) src(%dma_wait3A_666 : memref<3276800xi32, #tpu.memory_space<hbm>>) dst(%dma_wait3A_662 : memref<512xi32, #tpu.memory_space<vmem>>)
    %dma_wait3A_667 = arith.constant 8192 : i32
    %dma_wait3A_668 = tpu.memref_slice %arg8[%dma_wait3A_667] : memref<12800xi32, #tpu.memory_space<vmem>> -> memref<512xi32, #tpu.memory_space<vmem>>
    %dma_wait3A_669 = tpu.memref_slice %arg3[%add3A_237] : memref<524288xi32, #tpu.memory_space<hbm>> -> memref<512xi32, #tpu.memory_space<hbm>>
    %dma_wait3A_670 = arith.constant 8192 : i32
    %dma_wait3A_671 = tpu.memref_slice %arg8[%dma_wait3A_670] : memref<12800xi32, #tpu.memory_space<vmem>> -> memref<512xi32, #tpu.memory_space<vmem>>
    %dma_wait3A_672 = tpu.memref_slice %arg3[%add3A_237] : memref<524288xi32, #tpu.memory_space<hbm>> -> memref<512xi32, #tpu.memory_space<hbm>>
    tpu.wait_dma2 semaphore(%arg13 : memref<!tpu.dma_semaphore, #tpu.memory_space<semaphore_mem>>) src(%dma_wait3A_672 : memref<512xi32, #tpu.memory_space<hbm>>) dst(%dma_wait3A_671 : memref<512xi32, #tpu.memory_space<vmem>>)
    %scan3A_673 = arith.constant 0 : i32
    %scan3A_674 = arith.constant 0 : i32
    %scan3A_675 = arith.constant 32 : i32
    %scan3A_676 = arith.addi %scan3A_674, %scan3A_675 : i32
    %scan3A_677 = arith.constant 1 : i32
    %scan3A_678 = scf.for %scan3A_841 = %scan3A_674 to %scan3A_676 step %scan3A_677 iter_args(%scan3A_842 = %scan3A_673) -> (i32)  : i32 {
      %mul3A_843 = arith.constant 16 : i32
      %mul3A_844 = arith.muli %scan3A_841, %mul3A_843 : i32
      %add3A_845 = arith.constant 8192 : i32
      %add3A_846 = arith.addi %add3A_845, %mul3A_844 : i32
      %get3A = arith.index_cast %add3A_846 : i32 to index
      %get3A_847 = tpu.vector_load %arg9[%get3A] {strides = array<i32>} : memref<12800xi32, #tpu.memory_space<vmem>>, vector<16xi32>,
      %get3A_848 = vector.shape_cast %get3A_847 : vector<16xi32> to vector<16xi32>
      %get3A_849 = arith.index_cast %add3A_846 : i32 to index
      %get3A_850 = tpu.vector_load %arg8[%get3A_849] {strides = array<i32>} : memref<12800xi32, #tpu.memory_space<vmem>>, vector<16xi32>,
      %get3A_851 = vector.shape_cast %get3A_850 : vector<16xi32> to vector<16xi32>
      %shift_left3A = arith.constant 16 : i32
      %shift_left3A_852 = vector.broadcast %shift_left3A : i32 to vector<16xi32>
      %shift_left3A_853 = arith.shli %get3A_848, %shift_left3A_852 : vector<16xi32>
      %bitcast_convert_type3A = tpu.bitcast %shift_left3A_853 : vector<16xi32> -> vector<16xf32>
      %and3A = arith.andi %get3A_848, %broadcast_in_dim3A_358 : vector<16xi32>
      %bitcast_convert_type3A_854 = tpu.bitcast %and3A : vector<16xi32> -> vector<16xf32>
      %shift_left3A_855 = arith.constant 16 : i32
      %shift_left3A_856 = vector.broadcast %shift_left3A_855 : i32 to vector<16xi32>
      %shift_left3A_857 = arith.shli %get3A_851, %shift_left3A_856 : vector<16xi32>
      %bitcast_convert_type3A_858 = tpu.bitcast %shift_left3A_857 : vector<16xi32> -> vector<16xf32>
      %and3A_859 = arith.andi %get3A_851, %broadcast_in_dim3A_358 : vector<16xi32>
      %bitcast_convert_type3A_860 = tpu.bitcast %and3A_859 : vector<16xi32> -> vector<16xf32>
      %mul3A_861 = arith.mulf %bitcast_convert_type3A, %bitcast_convert_type3A_858 : vector<16xf32>
      %mul3A_862 = arith.mulf %bitcast_convert_type3A_854, %bitcast_convert_type3A_860 : vector<16xf32>
      %add3A_863 = arith.addf %mul3A_861, %mul3A_862 : vector<16xf32>
      %mul3A_864 = arith.constant 16 : i32
      %mul3A_865 = arith.muli %scan3A_841, %mul3A_864 : i32
      %get3A_866 = arith.index_cast %mul3A_865 : i32 to index
      %get3A_867 = tpu.vector_load %arg11[%get3A_866] {strides = array<i32>} : memref<512xf32, #tpu.memory_space<vmem>>, vector<16xf32>,
      %get3A_868 = vector.shape_cast %get3A_867 : vector<16xf32> to vector<16xf32>
      %add3A_869 = arith.addf %get3A_868, %add3A_863 : vector<16xf32>
      %swap3A = arith.index_cast %mul3A_865 : i32 to index
      %swap3A_870 = tpu.vector_load %arg11[%swap3A] {strides = array<i32>} : memref<512xf32, #tpu.memory_space<vmem>>, vector<16xf32>,
      %swap3A_871 = vector.shape_cast %swap3A_870 : vector<16xf32> to vector<16xf32>
      %swap3A_872 = vector.shape_cast %add3A_869 : vector<16xf32> to vector<16xf32>
      tpu.vector_store %arg11[%swap3A], %swap3A_872 {strides = array<i32>} : memref<512xf32, #tpu.memory_space<vmem>>, vector<16xf32>,
      %scan3A_873 = arith.constant 0 : i32
      scf.yield %scan3A_873 : i32
    }
    %scan3A_679 = arith.constant 32 : i32
    %dma_wait3A_680 = arith.constant 8704 : i32
    %dma_wait3A_681 = tpu.memref_slice %arg9[%dma_wait3A_680] : memref<12800xi32, #tpu.memory_space<vmem>> -> memref<512xi32, #tpu.memory_space<vmem>>
    %dma_wait3A_682 = arith.constant 8704 : i32
    %dma_wait3A_683 = tpu.memref_slice %arg7[%dma_wait3A_682] : memref<12800xi32, #tpu.memory_space<vmem>> -> memref<512xi32, #tpu.memory_space<vmem>>
    %dma_wait3A_684 = arith.constant 0 : i32
    %dma_wait3A_685 = tpu.memref_slice %arg4[%dma_wait3A_684] : memref<3276800xi32, #tpu.memory_space<hbm>> -> memref<3276800xi32, #tpu.memory_space<hbm>>
    tpu.wait_indirect_dma semaphore(%arg12 : memref<!tpu.dma_semaphore, #tpu.memory_space<semaphore_mem>>) src(%dma_wait3A_685 : memref<3276800xi32, #tpu.memory_space<hbm>>) dst(%dma_wait3A_681 : memref<512xi32, #tpu.memory_space<vmem>>)
    %dma_wait3A_686 = arith.constant 8704 : i32
    %dma_wait3A_687 = tpu.memref_slice %arg8[%dma_wait3A_686] : memref<12800xi32, #tpu.memory_space<vmem>> -> memref<512xi32, #tpu.memory_space<vmem>>
    %dma_wait3A_688 = tpu.memref_slice %arg3[%add3A_251] : memref<524288xi32, #tpu.memory_space<hbm>> -> memref<512xi32, #tpu.memory_space<hbm>>
    %dma_wait3A_689 = arith.constant 8704 : i32
    %dma_wait3A_690 = tpu.memref_slice %arg8[%dma_wait3A_689] : memref<12800xi32, #tpu.memory_space<vmem>> -> memref<512xi32, #tpu.memory_space<vmem>>
    %dma_wait3A_691 = tpu.memref_slice %arg3[%add3A_251] : memref<524288xi32, #tpu.memory_space<hbm>> -> memref<512xi32, #tpu.memory_space<hbm>>
    tpu.wait_dma2 semaphore(%arg13 : memref<!tpu.dma_semaphore, #tpu.memory_space<semaphore_mem>>) src(%dma_wait3A_691 : memref<512xi32, #tpu.memory_space<hbm>>) dst(%dma_wait3A_690 : memref<512xi32, #tpu.memory_space<vmem>>)
    %scan3A_692 = arith.constant 0 : i32
    %scan3A_693 = arith.constant 0 : i32
    %scan3A_694 = arith.constant 32 : i32
    %scan3A_695 = arith.addi %scan3A_693, %scan3A_694 : i32
    %scan3A_696 = arith.constant 1 : i32
    %scan3A_697 = scf.for %scan3A_841 = %scan3A_693 to %scan3A_695 step %scan3A_696 iter_args(%scan3A_842 = %scan3A_692) -> (i32)  : i32 {
      %mul3A_843 = arith.constant 16 : i32
      %mul3A_844 = arith.muli %scan3A_841, %mul3A_843 : i32
      %add3A_845 = arith.constant 8704 : i32
      %add3A_846 = arith.addi %add3A_845, %mul3A_844 : i32
      %get3A = arith.index_cast %add3A_846 : i32 to index
      %get3A_847 = tpu.vector_load %arg9[%get3A] {strides = array<i32>} : memref<12800xi32, #tpu.memory_space<vmem>>, vector<16xi32>,
      %get3A_848 = vector.shape_cast %get3A_847 : vector<16xi32> to vector<16xi32>
      %get3A_849 = arith.index_cast %add3A_846 : i32 to index
      %get3A_850 = tpu.vector_load %arg8[%get3A_849] {strides = array<i32>} : memref<12800xi32, #tpu.memory_space<vmem>>, vector<16xi32>,
      %get3A_851 = vector.shape_cast %get3A_850 : vector<16xi32> to vector<16xi32>
      %shift_left3A = arith.constant 16 : i32
      %shift_left3A_852 = vector.broadcast %shift_left3A : i32 to vector<16xi32>
      %shift_left3A_853 = arith.shli %get3A_848, %shift_left3A_852 : vector<16xi32>
      %bitcast_convert_type3A = tpu.bitcast %shift_left3A_853 : vector<16xi32> -> vector<16xf32>
      %and3A = arith.andi %get3A_848, %broadcast_in_dim3A_358 : vector<16xi32>
      %bitcast_convert_type3A_854 = tpu.bitcast %and3A : vector<16xi32> -> vector<16xf32>
      %shift_left3A_855 = arith.constant 16 : i32
      %shift_left3A_856 = vector.broadcast %shift_left3A_855 : i32 to vector<16xi32>
      %shift_left3A_857 = arith.shli %get3A_851, %shift_left3A_856 : vector<16xi32>
      %bitcast_convert_type3A_858 = tpu.bitcast %shift_left3A_857 : vector<16xi32> -> vector<16xf32>
      %and3A_859 = arith.andi %get3A_851, %broadcast_in_dim3A_358 : vector<16xi32>
      %bitcast_convert_type3A_860 = tpu.bitcast %and3A_859 : vector<16xi32> -> vector<16xf32>
      %mul3A_861 = arith.mulf %bitcast_convert_type3A, %bitcast_convert_type3A_858 : vector<16xf32>
      %mul3A_862 = arith.mulf %bitcast_convert_type3A_854, %bitcast_convert_type3A_860 : vector<16xf32>
      %add3A_863 = arith.addf %mul3A_861, %mul3A_862 : vector<16xf32>
      %mul3A_864 = arith.constant 16 : i32
      %mul3A_865 = arith.muli %scan3A_841, %mul3A_864 : i32
      %get3A_866 = arith.index_cast %mul3A_865 : i32 to index
      %get3A_867 = tpu.vector_load %arg11[%get3A_866] {strides = array<i32>} : memref<512xf32, #tpu.memory_space<vmem>>, vector<16xf32>,
      %get3A_868 = vector.shape_cast %get3A_867 : vector<16xf32> to vector<16xf32>
      %add3A_869 = arith.addf %get3A_868, %add3A_863 : vector<16xf32>
      %swap3A = arith.index_cast %mul3A_865 : i32 to index
      %swap3A_870 = tpu.vector_load %arg11[%swap3A] {strides = array<i32>} : memref<512xf32, #tpu.memory_space<vmem>>, vector<16xf32>,
      %swap3A_871 = vector.shape_cast %swap3A_870 : vector<16xf32> to vector<16xf32>
      %swap3A_872 = vector.shape_cast %add3A_869 : vector<16xf32> to vector<16xf32>
      tpu.vector_store %arg11[%swap3A], %swap3A_872 {strides = array<i32>} : memref<512xf32, #tpu.memory_space<vmem>>, vector<16xf32>,
      %scan3A_873 = arith.constant 0 : i32
      scf.yield %scan3A_873 : i32
    }
    %scan3A_698 = arith.constant 32 : i32
    %dma_wait3A_699 = arith.constant 9216 : i32
    %dma_wait3A_700 = tpu.memref_slice %arg9[%dma_wait3A_699] : memref<12800xi32, #tpu.memory_space<vmem>> -> memref<512xi32, #tpu.memory_space<vmem>>
    %dma_wait3A_701 = arith.constant 9216 : i32
    %dma_wait3A_702 = tpu.memref_slice %arg7[%dma_wait3A_701] : memref<12800xi32, #tpu.memory_space<vmem>> -> memref<512xi32, #tpu.memory_space<vmem>>
    %dma_wait3A_703 = arith.constant 0 : i32
    %dma_wait3A_704 = tpu.memref_slice %arg4[%dma_wait3A_703] : memref<3276800xi32, #tpu.memory_space<hbm>> -> memref<3276800xi32, #tpu.memory_space<hbm>>
    tpu.wait_indirect_dma semaphore(%arg12 : memref<!tpu.dma_semaphore, #tpu.memory_space<semaphore_mem>>) src(%dma_wait3A_704 : memref<3276800xi32, #tpu.memory_space<hbm>>) dst(%dma_wait3A_700 : memref<512xi32, #tpu.memory_space<vmem>>)
    %dma_wait3A_705 = arith.constant 9216 : i32
    %dma_wait3A_706 = tpu.memref_slice %arg8[%dma_wait3A_705] : memref<12800xi32, #tpu.memory_space<vmem>> -> memref<512xi32, #tpu.memory_space<vmem>>
    %dma_wait3A_707 = tpu.memref_slice %arg3[%add3A_265] : memref<524288xi32, #tpu.memory_space<hbm>> -> memref<512xi32, #tpu.memory_space<hbm>>
    %dma_wait3A_708 = arith.constant 9216 : i32
    %dma_wait3A_709 = tpu.memref_slice %arg8[%dma_wait3A_708] : memref<12800xi32, #tpu.memory_space<vmem>> -> memref<512xi32, #tpu.memory_space<vmem>>
    %dma_wait3A_710 = tpu.memref_slice %arg3[%add3A_265] : memref<524288xi32, #tpu.memory_space<hbm>> -> memref<512xi32, #tpu.memory_space<hbm>>
    tpu.wait_dma2 semaphore(%arg13 : memref<!tpu.dma_semaphore, #tpu.memory_space<semaphore_mem>>) src(%dma_wait3A_710 : memref<512xi32, #tpu.memory_space<hbm>>) dst(%dma_wait3A_709 : memref<512xi32, #tpu.memory_space<vmem>>)
    %scan3A_711 = arith.constant 0 : i32
    %scan3A_712 = arith.constant 0 : i32
    %scan3A_713 = arith.constant 32 : i32
    %scan3A_714 = arith.addi %scan3A_712, %scan3A_713 : i32
    %scan3A_715 = arith.constant 1 : i32
    %scan3A_716 = scf.for %scan3A_841 = %scan3A_712 to %scan3A_714 step %scan3A_715 iter_args(%scan3A_842 = %scan3A_711) -> (i32)  : i32 {
      %mul3A_843 = arith.constant 16 : i32
      %mul3A_844 = arith.muli %scan3A_841, %mul3A_843 : i32
      %add3A_845 = arith.constant 9216 : i32
      %add3A_846 = arith.addi %add3A_845, %mul3A_844 : i32
      %get3A = arith.index_cast %add3A_846 : i32 to index
      %get3A_847 = tpu.vector_load %arg9[%get3A] {strides = array<i32>} : memref<12800xi32, #tpu.memory_space<vmem>>, vector<16xi32>,
      %get3A_848 = vector.shape_cast %get3A_847 : vector<16xi32> to vector<16xi32>
      %get3A_849 = arith.index_cast %add3A_846 : i32 to index
      %get3A_850 = tpu.vector_load %arg8[%get3A_849] {strides = array<i32>} : memref<12800xi32, #tpu.memory_space<vmem>>, vector<16xi32>,
      %get3A_851 = vector.shape_cast %get3A_850 : vector<16xi32> to vector<16xi32>
      %shift_left3A = arith.constant 16 : i32
      %shift_left3A_852 = vector.broadcast %shift_left3A : i32 to vector<16xi32>
      %shift_left3A_853 = arith.shli %get3A_848, %shift_left3A_852 : vector<16xi32>
      %bitcast_convert_type3A = tpu.bitcast %shift_left3A_853 : vector<16xi32> -> vector<16xf32>
      %and3A = arith.andi %get3A_848, %broadcast_in_dim3A_358 : vector<16xi32>
      %bitcast_convert_type3A_854 = tpu.bitcast %and3A : vector<16xi32> -> vector<16xf32>
      %shift_left3A_855 = arith.constant 16 : i32
      %shift_left3A_856 = vector.broadcast %shift_left3A_855 : i32 to vector<16xi32>
      %shift_left3A_857 = arith.shli %get3A_851, %shift_left3A_856 : vector<16xi32>
      %bitcast_convert_type3A_858 = tpu.bitcast %shift_left3A_857 : vector<16xi32> -> vector<16xf32>
      %and3A_859 = arith.andi %get3A_851, %broadcast_in_dim3A_358 : vector<16xi32>
      %bitcast_convert_type3A_860 = tpu.bitcast %and3A_859 : vector<16xi32> -> vector<16xf32>
      %mul3A_861 = arith.mulf %bitcast_convert_type3A, %bitcast_convert_type3A_858 : vector<16xf32>
      %mul3A_862 = arith.mulf %bitcast_convert_type3A_854, %bitcast_convert_type3A_860 : vector<16xf32>
      %add3A_863 = arith.addf %mul3A_861, %mul3A_862 : vector<16xf32>
      %mul3A_864 = arith.constant 16 : i32
      %mul3A_865 = arith.muli %scan3A_841, %mul3A_864 : i32
      %get3A_866 = arith.index_cast %mul3A_865 : i32 to index
      %get3A_867 = tpu.vector_load %arg11[%get3A_866] {strides = array<i32>} : memref<512xf32, #tpu.memory_space<vmem>>, vector<16xf32>,
      %get3A_868 = vector.shape_cast %get3A_867 : vector<16xf32> to vector<16xf32>
      %add3A_869 = arith.addf %get3A_868, %add3A_863 : vector<16xf32>
      %swap3A = arith.index_cast %mul3A_865 : i32 to index
      %swap3A_870 = tpu.vector_load %arg11[%swap3A] {strides = array<i32>} : memref<512xf32, #tpu.memory_space<vmem>>, vector<16xf32>,
      %swap3A_871 = vector.shape_cast %swap3A_870 : vector<16xf32> to vector<16xf32>
      %swap3A_872 = vector.shape_cast %add3A_869 : vector<16xf32> to vector<16xf32>
      tpu.vector_store %arg11[%swap3A], %swap3A_872 {strides = array<i32>} : memref<512xf32, #tpu.memory_space<vmem>>, vector<16xf32>,
      %scan3A_873 = arith.constant 0 : i32
      scf.yield %scan3A_873 : i32
    }
    %scan3A_717 = arith.constant 32 : i32
    %dma_wait3A_718 = arith.constant 9728 : i32
    %dma_wait3A_719 = tpu.memref_slice %arg9[%dma_wait3A_718] : memref<12800xi32, #tpu.memory_space<vmem>> -> memref<512xi32, #tpu.memory_space<vmem>>
    %dma_wait3A_720 = arith.constant 9728 : i32
    %dma_wait3A_721 = tpu.memref_slice %arg7[%dma_wait3A_720] : memref<12800xi32, #tpu.memory_space<vmem>> -> memref<512xi32, #tpu.memory_space<vmem>>
    %dma_wait3A_722 = arith.constant 0 : i32
    %dma_wait3A_723 = tpu.memref_slice %arg4[%dma_wait3A_722] : memref<3276800xi32, #tpu.memory_space<hbm>> -> memref<3276800xi32, #tpu.memory_space<hbm>>
    tpu.wait_indirect_dma semaphore(%arg12 : memref<!tpu.dma_semaphore, #tpu.memory_space<semaphore_mem>>) src(%dma_wait3A_723 : memref<3276800xi32, #tpu.memory_space<hbm>>) dst(%dma_wait3A_719 : memref<512xi32, #tpu.memory_space<vmem>>)
    %dma_wait3A_724 = arith.constant 9728 : i32
    %dma_wait3A_725 = tpu.memref_slice %arg8[%dma_wait3A_724] : memref<12800xi32, #tpu.memory_space<vmem>> -> memref<512xi32, #tpu.memory_space<vmem>>
    %dma_wait3A_726 = tpu.memref_slice %arg3[%add3A_279] : memref<524288xi32, #tpu.memory_space<hbm>> -> memref<512xi32, #tpu.memory_space<hbm>>
    %dma_wait3A_727 = arith.constant 9728 : i32
    %dma_wait3A_728 = tpu.memref_slice %arg8[%dma_wait3A_727] : memref<12800xi32, #tpu.memory_space<vmem>> -> memref<512xi32, #tpu.memory_space<vmem>>
    %dma_wait3A_729 = tpu.memref_slice %arg3[%add3A_279] : memref<524288xi32, #tpu.memory_space<hbm>> -> memref<512xi32, #tpu.memory_space<hbm>>
    tpu.wait_dma2 semaphore(%arg13 : memref<!tpu.dma_semaphore, #tpu.memory_space<semaphore_mem>>) src(%dma_wait3A_729 : memref<512xi32, #tpu.memory_space<hbm>>) dst(%dma_wait3A_728 : memref<512xi32, #tpu.memory_space<vmem>>)
    %scan3A_730 = arith.constant 0 : i32
    %scan3A_731 = arith.constant 0 : i32
    %scan3A_732 = arith.constant 32 : i32
    %scan3A_733 = arith.addi %scan3A_731, %scan3A_732 : i32
    %scan3A_734 = arith.constant 1 : i32
    %scan3A_735 = scf.for %scan3A_841 = %scan3A_731 to %scan3A_733 step %scan3A_734 iter_args(%scan3A_842 = %scan3A_730) -> (i32)  : i32 {
      %mul3A_843 = arith.constant 16 : i32
      %mul3A_844 = arith.muli %scan3A_841, %mul3A_843 : i32
      %add3A_845 = arith.constant 9728 : i32
      %add3A_846 = arith.addi %add3A_845, %mul3A_844 : i32
      %get3A = arith.index_cast %add3A_846 : i32 to index
      %get3A_847 = tpu.vector_load %arg9[%get3A] {strides = array<i32>} : memref<12800xi32, #tpu.memory_space<vmem>>, vector<16xi32>,
      %get3A_848 = vector.shape_cast %get3A_847 : vector<16xi32> to vector<16xi32>
      %get3A_849 = arith.index_cast %add3A_846 : i32 to index
      %get3A_850 = tpu.vector_load %arg8[%get3A_849] {strides = array<i32>} : memref<12800xi32, #tpu.memory_space<vmem>>, vector<16xi32>,
      %get3A_851 = vector.shape_cast %get3A_850 : vector<16xi32> to vector<16xi32>
      %shift_left3A = arith.constant 16 : i32
      %shift_left3A_852 = vector.broadcast %shift_left3A : i32 to vector<16xi32>
      %shift_left3A_853 = arith.shli %get3A_848, %shift_left3A_852 : vector<16xi32>
      %bitcast_convert_type3A = tpu.bitcast %shift_left3A_853 : vector<16xi32> -> vector<16xf32>
      %and3A = arith.andi %get3A_848, %broadcast_in_dim3A_358 : vector<16xi32>
      %bitcast_convert_type3A_854 = tpu.bitcast %and3A : vector<16xi32> -> vector<16xf32>
      %shift_left3A_855 = arith.constant 16 : i32
      %shift_left3A_856 = vector.broadcast %shift_left3A_855 : i32 to vector<16xi32>
      %shift_left3A_857 = arith.shli %get3A_851, %shift_left3A_856 : vector<16xi32>
      %bitcast_convert_type3A_858 = tpu.bitcast %shift_left3A_857 : vector<16xi32> -> vector<16xf32>
      %and3A_859 = arith.andi %get3A_851, %broadcast_in_dim3A_358 : vector<16xi32>
      %bitcast_convert_type3A_860 = tpu.bitcast %and3A_859 : vector<16xi32> -> vector<16xf32>
      %mul3A_861 = arith.mulf %bitcast_convert_type3A, %bitcast_convert_type3A_858 : vector<16xf32>
      %mul3A_862 = arith.mulf %bitcast_convert_type3A_854, %bitcast_convert_type3A_860 : vector<16xf32>
      %add3A_863 = arith.addf %mul3A_861, %mul3A_862 : vector<16xf32>
      %mul3A_864 = arith.constant 16 : i32
      %mul3A_865 = arith.muli %scan3A_841, %mul3A_864 : i32
      %get3A_866 = arith.index_cast %mul3A_865 : i32 to index
      %get3A_867 = tpu.vector_load %arg11[%get3A_866] {strides = array<i32>} : memref<512xf32, #tpu.memory_space<vmem>>, vector<16xf32>,
      %get3A_868 = vector.shape_cast %get3A_867 : vector<16xf32> to vector<16xf32>
      %add3A_869 = arith.addf %get3A_868, %add3A_863 : vector<16xf32>
      %swap3A = arith.index_cast %mul3A_865 : i32 to index
      %swap3A_870 = tpu.vector_load %arg11[%swap3A] {strides = array<i32>} : memref<512xf32, #tpu.memory_space<vmem>>, vector<16xf32>,
      %swap3A_871 = vector.shape_cast %swap3A_870 : vector<16xf32> to vector<16xf32>
      %swap3A_872 = vector.shape_cast %add3A_869 : vector<16xf32> to vector<16xf32>
      tpu.vector_store %arg11[%swap3A], %swap3A_872 {strides = array<i32>} : memref<512xf32, #tpu.memory_space<vmem>>, vector<16xf32>,
      %scan3A_873 = arith.constant 0 : i32
      scf.yield %scan3A_873 : i32
    }
    %scan3A_736 = arith.constant 32 : i32
    %dma_wait3A_737 = arith.constant 10240 : i32
    %dma_wait3A_738 = tpu.memref_slice %arg9[%dma_wait3A_737] : memref<12800xi32, #tpu.memory_space<vmem>> -> memref<512xi32, #tpu.memory_space<vmem>>
    %dma_wait3A_739 = arith.constant 10240 : i32
    %dma_wait3A_740 = tpu.memref_slice %arg7[%dma_wait3A_739] : memref<12800xi32, #tpu.memory_space<vmem>> -> memref<512xi32, #tpu.memory_space<vmem>>
    %dma_wait3A_741 = arith.constant 0 : i32
    %dma_wait3A_742 = tpu.memref_slice %arg4[%dma_wait3A_741] : memref<3276800xi32, #tpu.memory_space<hbm>> -> memref<3276800xi32, #tpu.memory_space<hbm>>
    tpu.wait_indirect_dma semaphore(%arg12 : memref<!tpu.dma_semaphore, #tpu.memory_space<semaphore_mem>>) src(%dma_wait3A_742 : memref<3276800xi32, #tpu.memory_space<hbm>>) dst(%dma_wait3A_738 : memref<512xi32, #tpu.memory_space<vmem>>)
    %dma_wait3A_743 = arith.constant 10240 : i32
    %dma_wait3A_744 = tpu.memref_slice %arg8[%dma_wait3A_743] : memref<12800xi32, #tpu.memory_space<vmem>> -> memref<512xi32, #tpu.memory_space<vmem>>
    %dma_wait3A_745 = tpu.memref_slice %arg3[%add3A_293] : memref<524288xi32, #tpu.memory_space<hbm>> -> memref<512xi32, #tpu.memory_space<hbm>>
    %dma_wait3A_746 = arith.constant 10240 : i32
    %dma_wait3A_747 = tpu.memref_slice %arg8[%dma_wait3A_746] : memref<12800xi32, #tpu.memory_space<vmem>> -> memref<512xi32, #tpu.memory_space<vmem>>
    %dma_wait3A_748 = tpu.memref_slice %arg3[%add3A_293] : memref<524288xi32, #tpu.memory_space<hbm>> -> memref<512xi32, #tpu.memory_space<hbm>>
    tpu.wait_dma2 semaphore(%arg13 : memref<!tpu.dma_semaphore, #tpu.memory_space<semaphore_mem>>) src(%dma_wait3A_748 : memref<512xi32, #tpu.memory_space<hbm>>) dst(%dma_wait3A_747 : memref<512xi32, #tpu.memory_space<vmem>>)
    %scan3A_749 = arith.constant 0 : i32
    %scan3A_750 = arith.constant 0 : i32
    %scan3A_751 = arith.constant 32 : i32
    %scan3A_752 = arith.addi %scan3A_750, %scan3A_751 : i32
    %scan3A_753 = arith.constant 1 : i32
    %scan3A_754 = scf.for %scan3A_841 = %scan3A_750 to %scan3A_752 step %scan3A_753 iter_args(%scan3A_842 = %scan3A_749) -> (i32)  : i32 {
      %mul3A_843 = arith.constant 16 : i32
      %mul3A_844 = arith.muli %scan3A_841, %mul3A_843 : i32
      %add3A_845 = arith.constant 10240 : i32
      %add3A_846 = arith.addi %add3A_845, %mul3A_844 : i32
      %get3A = arith.index_cast %add3A_846 : i32 to index
      %get3A_847 = tpu.vector_load %arg9[%get3A] {strides = array<i32>} : memref<12800xi32, #tpu.memory_space<vmem>>, vector<16xi32>,
      %get3A_848 = vector.shape_cast %get3A_847 : vector<16xi32> to vector<16xi32>
      %get3A_849 = arith.index_cast %add3A_846 : i32 to index
      %get3A_850 = tpu.vector_load %arg8[%get3A_849] {strides = array<i32>} : memref<12800xi32, #tpu.memory_space<vmem>>, vector<16xi32>,
      %get3A_851 = vector.shape_cast %get3A_850 : vector<16xi32> to vector<16xi32>
      %shift_left3A = arith.constant 16 : i32
      %shift_left3A_852 = vector.broadcast %shift_left3A : i32 to vector<16xi32>
      %shift_left3A_853 = arith.shli %get3A_848, %shift_left3A_852 : vector<16xi32>
      %bitcast_convert_type3A = tpu.bitcast %shift_left3A_853 : vector<16xi32> -> vector<16xf32>
      %and3A = arith.andi %get3A_848, %broadcast_in_dim3A_358 : vector<16xi32>
      %bitcast_convert_type3A_854 = tpu.bitcast %and3A : vector<16xi32> -> vector<16xf32>
      %shift_left3A_855 = arith.constant 16 : i32
      %shift_left3A_856 = vector.broadcast %shift_left3A_855 : i32 to vector<16xi32>
      %shift_left3A_857 = arith.shli %get3A_851, %shift_left3A_856 : vector<16xi32>
      %bitcast_convert_type3A_858 = tpu.bitcast %shift_left3A_857 : vector<16xi32> -> vector<16xf32>
      %and3A_859 = arith.andi %get3A_851, %broadcast_in_dim3A_358 : vector<16xi32>
      %bitcast_convert_type3A_860 = tpu.bitcast %and3A_859 : vector<16xi32> -> vector<16xf32>
      %mul3A_861 = arith.mulf %bitcast_convert_type3A, %bitcast_convert_type3A_858 : vector<16xf32>
      %mul3A_862 = arith.mulf %bitcast_convert_type3A_854, %bitcast_convert_type3A_860 : vector<16xf32>
      %add3A_863 = arith.addf %mul3A_861, %mul3A_862 : vector<16xf32>
      %mul3A_864 = arith.constant 16 : i32
      %mul3A_865 = arith.muli %scan3A_841, %mul3A_864 : i32
      %get3A_866 = arith.index_cast %mul3A_865 : i32 to index
      %get3A_867 = tpu.vector_load %arg11[%get3A_866] {strides = array<i32>} : memref<512xf32, #tpu.memory_space<vmem>>, vector<16xf32>,
      %get3A_868 = vector.shape_cast %get3A_867 : vector<16xf32> to vector<16xf32>
      %add3A_869 = arith.addf %get3A_868, %add3A_863 : vector<16xf32>
      %swap3A = arith.index_cast %mul3A_865 : i32 to index
      %swap3A_870 = tpu.vector_load %arg11[%swap3A] {strides = array<i32>} : memref<512xf32, #tpu.memory_space<vmem>>, vector<16xf32>,
      %swap3A_871 = vector.shape_cast %swap3A_870 : vector<16xf32> to vector<16xf32>
      %swap3A_872 = vector.shape_cast %add3A_869 : vector<16xf32> to vector<16xf32>
      tpu.vector_store %arg11[%swap3A], %swap3A_872 {strides = array<i32>} : memref<512xf32, #tpu.memory_space<vmem>>, vector<16xf32>,
      %scan3A_873 = arith.constant 0 : i32
      scf.yield %scan3A_873 : i32
    }
    %scan3A_755 = arith.constant 32 : i32
    %dma_wait3A_756 = arith.constant 10752 : i32
    %dma_wait3A_757 = tpu.memref_slice %arg9[%dma_wait3A_756] : memref<12800xi32, #tpu.memory_space<vmem>> -> memref<512xi32, #tpu.memory_space<vmem>>
    %dma_wait3A_758 = arith.constant 10752 : i32
    %dma_wait3A_759 = tpu.memref_slice %arg7[%dma_wait3A_758] : memref<12800xi32, #tpu.memory_space<vmem>> -> memref<512xi32, #tpu.memory_space<vmem>>
    %dma_wait3A_760 = arith.constant 0 : i32
    %dma_wait3A_761 = tpu.memref_slice %arg4[%dma_wait3A_760] : memref<3276800xi32, #tpu.memory_space<hbm>> -> memref<3276800xi32, #tpu.memory_space<hbm>>
    tpu.wait_indirect_dma semaphore(%arg12 : memref<!tpu.dma_semaphore, #tpu.memory_space<semaphore_mem>>) src(%dma_wait3A_761 : memref<3276800xi32, #tpu.memory_space<hbm>>) dst(%dma_wait3A_757 : memref<512xi32, #tpu.memory_space<vmem>>)
    %dma_wait3A_762 = arith.constant 10752 : i32
    %dma_wait3A_763 = tpu.memref_slice %arg8[%dma_wait3A_762] : memref<12800xi32, #tpu.memory_space<vmem>> -> memref<512xi32, #tpu.memory_space<vmem>>
    %dma_wait3A_764 = tpu.memref_slice %arg3[%add3A_307] : memref<524288xi32, #tpu.memory_space<hbm>> -> memref<512xi32, #tpu.memory_space<hbm>>
    %dma_wait3A_765 = arith.constant 10752 : i32
    %dma_wait3A_766 = tpu.memref_slice %arg8[%dma_wait3A_765] : memref<12800xi32, #tpu.memory_space<vmem>> -> memref<512xi32, #tpu.memory_space<vmem>>
    %dma_wait3A_767 = tpu.memref_slice %arg3[%add3A_307] : memref<524288xi32, #tpu.memory_space<hbm>> -> memref<512xi32, #tpu.memory_space<hbm>>
    tpu.wait_dma2 semaphore(%arg13 : memref<!tpu.dma_semaphore, #tpu.memory_space<semaphore_mem>>) src(%dma_wait3A_767 : memref<512xi32, #tpu.memory_space<hbm>>) dst(%dma_wait3A_766 : memref<512xi32, #tpu.memory_space<vmem>>)
    %scan3A_768 = arith.constant 0 : i32
    %scan3A_769 = arith.constant 0 : i32
    %scan3A_770 = arith.constant 32 : i32
    %scan3A_771 = arith.addi %scan3A_769, %scan3A_770 : i32
    %scan3A_772 = arith.constant 1 : i32
    %scan3A_773 = scf.for %scan3A_841 = %scan3A_769 to %scan3A_771 step %scan3A_772 iter_args(%scan3A_842 = %scan3A_768) -> (i32)  : i32 {
      %mul3A_843 = arith.constant 16 : i32
      %mul3A_844 = arith.muli %scan3A_841, %mul3A_843 : i32
      %add3A_845 = arith.constant 10752 : i32
      %add3A_846 = arith.addi %add3A_845, %mul3A_844 : i32
      %get3A = arith.index_cast %add3A_846 : i32 to index
      %get3A_847 = tpu.vector_load %arg9[%get3A] {strides = array<i32>} : memref<12800xi32, #tpu.memory_space<vmem>>, vector<16xi32>,
      %get3A_848 = vector.shape_cast %get3A_847 : vector<16xi32> to vector<16xi32>
      %get3A_849 = arith.index_cast %add3A_846 : i32 to index
      %get3A_850 = tpu.vector_load %arg8[%get3A_849] {strides = array<i32>} : memref<12800xi32, #tpu.memory_space<vmem>>, vector<16xi32>,
      %get3A_851 = vector.shape_cast %get3A_850 : vector<16xi32> to vector<16xi32>
      %shift_left3A = arith.constant 16 : i32
      %shift_left3A_852 = vector.broadcast %shift_left3A : i32 to vector<16xi32>
      %shift_left3A_853 = arith.shli %get3A_848, %shift_left3A_852 : vector<16xi32>
      %bitcast_convert_type3A = tpu.bitcast %shift_left3A_853 : vector<16xi32> -> vector<16xf32>
      %and3A = arith.andi %get3A_848, %broadcast_in_dim3A_358 : vector<16xi32>
      %bitcast_convert_type3A_854 = tpu.bitcast %and3A : vector<16xi32> -> vector<16xf32>
      %shift_left3A_855 = arith.constant 16 : i32
      %shift_left3A_856 = vector.broadcast %shift_left3A_855 : i32 to vector<16xi32>
      %shift_left3A_857 = arith.shli %get3A_851, %shift_left3A_856 : vector<16xi32>
      %bitcast_convert_type3A_858 = tpu.bitcast %shift_left3A_857 : vector<16xi32> -> vector<16xf32>
      %and3A_859 = arith.andi %get3A_851, %broadcast_in_dim3A_358 : vector<16xi32>
      %bitcast_convert_type3A_860 = tpu.bitcast %and3A_859 : vector<16xi32> -> vector<16xf32>
      %mul3A_861 = arith.mulf %bitcast_convert_type3A, %bitcast_convert_type3A_858 : vector<16xf32>
      %mul3A_862 = arith.mulf %bitcast_convert_type3A_854, %bitcast_convert_type3A_860 : vector<16xf32>
      %add3A_863 = arith.addf %mul3A_861, %mul3A_862 : vector<16xf32>
      %mul3A_864 = arith.constant 16 : i32
      %mul3A_865 = arith.muli %scan3A_841, %mul3A_864 : i32
      %get3A_866 = arith.index_cast %mul3A_865 : i32 to index
      %get3A_867 = tpu.vector_load %arg11[%get3A_866] {strides = array<i32>} : memref<512xf32, #tpu.memory_space<vmem>>, vector<16xf32>,
      %get3A_868 = vector.shape_cast %get3A_867 : vector<16xf32> to vector<16xf32>
      %add3A_869 = arith.addf %get3A_868, %add3A_863 : vector<16xf32>
      %swap3A = arith.index_cast %mul3A_865 : i32 to index
      %swap3A_870 = tpu.vector_load %arg11[%swap3A] {strides = array<i32>} : memref<512xf32, #tpu.memory_space<vmem>>, vector<16xf32>,
      %swap3A_871 = vector.shape_cast %swap3A_870 : vector<16xf32> to vector<16xf32>
      %swap3A_872 = vector.shape_cast %add3A_869 : vector<16xf32> to vector<16xf32>
      tpu.vector_store %arg11[%swap3A], %swap3A_872 {strides = array<i32>} : memref<512xf32, #tpu.memory_space<vmem>>, vector<16xf32>,
      %scan3A_873 = arith.constant 0 : i32
      scf.yield %scan3A_873 : i32
    }
    %scan3A_774 = arith.constant 32 : i32
    %dma_wait3A_775 = arith.constant 11264 : i32
    %dma_wait3A_776 = tpu.memref_slice %arg9[%dma_wait3A_775] : memref<12800xi32, #tpu.memory_space<vmem>> -> memref<512xi32, #tpu.memory_space<vmem>>
    %dma_wait3A_777 = arith.constant 11264 : i32
    %dma_wait3A_778 = tpu.memref_slice %arg7[%dma_wait3A_777] : memref<12800xi32, #tpu.memory_space<vmem>> -> memref<512xi32, #tpu.memory_space<vmem>>
    %dma_wait3A_779 = arith.constant 0 : i32
    %dma_wait3A_780 = tpu.memref_slice %arg4[%dma_wait3A_779] : memref<3276800xi32, #tpu.memory_space<hbm>> -> memref<3276800xi32, #tpu.memory_space<hbm>>
    tpu.wait_indirect_dma semaphore(%arg12 : memref<!tpu.dma_semaphore, #tpu.memory_space<semaphore_mem>>) src(%dma_wait3A_780 : memref<3276800xi32, #tpu.memory_space<hbm>>) dst(%dma_wait3A_776 : memref<512xi32, #tpu.memory_space<vmem>>)
    %dma_wait3A_781 = arith.constant 11264 : i32
    %dma_wait3A_782 = tpu.memref_slice %arg8[%dma_wait3A_781] : memref<12800xi32, #tpu.memory_space<vmem>> -> memref<512xi32, #tpu.memory_space<vmem>>
    %dma_wait3A_783 = tpu.memref_slice %arg3[%add3A_321] : memref<524288xi32, #tpu.memory_space<hbm>> -> memref<512xi32, #tpu.memory_space<hbm>>
    %dma_wait3A_784 = arith.constant 11264 : i32
    %dma_wait3A_785 = tpu.memref_slice %arg8[%dma_wait3A_784] : memref<12800xi32, #tpu.memory_space<vmem>> -> memref<512xi32, #tpu.memory_space<vmem>>
    %dma_wait3A_786 = tpu.memref_slice %arg3[%add3A_321] : memref<524288xi32, #tpu.memory_space<hbm>> -> memref<512xi32, #tpu.memory_space<hbm>>
    tpu.wait_dma2 semaphore(%arg13 : memref<!tpu.dma_semaphore, #tpu.memory_space<semaphore_mem>>) src(%dma_wait3A_786 : memref<512xi32, #tpu.memory_space<hbm>>) dst(%dma_wait3A_785 : memref<512xi32, #tpu.memory_space<vmem>>)
    %scan3A_787 = arith.constant 0 : i32
    %scan3A_788 = arith.constant 0 : i32
    %scan3A_789 = arith.constant 32 : i32
    %scan3A_790 = arith.addi %scan3A_788, %scan3A_789 : i32
    %scan3A_791 = arith.constant 1 : i32
    %scan3A_792 = scf.for %scan3A_841 = %scan3A_788 to %scan3A_790 step %scan3A_791 iter_args(%scan3A_842 = %scan3A_787) -> (i32)  : i32 {
      %mul3A_843 = arith.constant 16 : i32
      %mul3A_844 = arith.muli %scan3A_841, %mul3A_843 : i32
      %add3A_845 = arith.constant 11264 : i32
      %add3A_846 = arith.addi %add3A_845, %mul3A_844 : i32
      %get3A = arith.index_cast %add3A_846 : i32 to index
      %get3A_847 = tpu.vector_load %arg9[%get3A] {strides = array<i32>} : memref<12800xi32, #tpu.memory_space<vmem>>, vector<16xi32>,
      %get3A_848 = vector.shape_cast %get3A_847 : vector<16xi32> to vector<16xi32>
      %get3A_849 = arith.index_cast %add3A_846 : i32 to index
      %get3A_850 = tpu.vector_load %arg8[%get3A_849] {strides = array<i32>} : memref<12800xi32, #tpu.memory_space<vmem>>, vector<16xi32>,
      %get3A_851 = vector.shape_cast %get3A_850 : vector<16xi32> to vector<16xi32>
      %shift_left3A = arith.constant 16 : i32
      %shift_left3A_852 = vector.broadcast %shift_left3A : i32 to vector<16xi32>
      %shift_left3A_853 = arith.shli %get3A_848, %shift_left3A_852 : vector<16xi32>
      %bitcast_convert_type3A = tpu.bitcast %shift_left3A_853 : vector<16xi32> -> vector<16xf32>
      %and3A = arith.andi %get3A_848, %broadcast_in_dim3A_358 : vector<16xi32>
      %bitcast_convert_type3A_854 = tpu.bitcast %and3A : vector<16xi32> -> vector<16xf32>
      %shift_left3A_855 = arith.constant 16 : i32
      %shift_left3A_856 = vector.broadcast %shift_left3A_855 : i32 to vector<16xi32>
      %shift_left3A_857 = arith.shli %get3A_851, %shift_left3A_856 : vector<16xi32>
      %bitcast_convert_type3A_858 = tpu.bitcast %shift_left3A_857 : vector<16xi32> -> vector<16xf32>
      %and3A_859 = arith.andi %get3A_851, %broadcast_in_dim3A_358 : vector<16xi32>
      %bitcast_convert_type3A_860 = tpu.bitcast %and3A_859 : vector<16xi32> -> vector<16xf32>
      %mul3A_861 = arith.mulf %bitcast_convert_type3A, %bitcast_convert_type3A_858 : vector<16xf32>
      %mul3A_862 = arith.mulf %bitcast_convert_type3A_854, %bitcast_convert_type3A_860 : vector<16xf32>
      %add3A_863 = arith.addf %mul3A_861, %mul3A_862 : vector<16xf32>
      %mul3A_864 = arith.constant 16 : i32
      %mul3A_865 = arith.muli %scan3A_841, %mul3A_864 : i32
      %get3A_866 = arith.index_cast %mul3A_865 : i32 to index
      %get3A_867 = tpu.vector_load %arg11[%get3A_866] {strides = array<i32>} : memref<512xf32, #tpu.memory_space<vmem>>, vector<16xf32>,
      %get3A_868 = vector.shape_cast %get3A_867 : vector<16xf32> to vector<16xf32>
      %add3A_869 = arith.addf %get3A_868, %add3A_863 : vector<16xf32>
      %swap3A = arith.index_cast %mul3A_865 : i32 to index
      %swap3A_870 = tpu.vector_load %arg11[%swap3A] {strides = array<i32>} : memref<512xf32, #tpu.memory_space<vmem>>, vector<16xf32>,
      %swap3A_871 = vector.shape_cast %swap3A_870 : vector<16xf32> to vector<16xf32>
      %swap3A_872 = vector.shape_cast %add3A_869 : vector<16xf32> to vector<16xf32>
      tpu.vector_store %arg11[%swap3A], %swap3A_872 {strides = array<i32>} : memref<512xf32, #tpu.memory_space<vmem>>, vector<16xf32>,
      %scan3A_873 = arith.constant 0 : i32
      scf.yield %scan3A_873 : i32
    }
    %scan3A_793 = arith.constant 32 : i32
    %dma_wait3A_794 = arith.constant 11776 : i32
    %dma_wait3A_795 = tpu.memref_slice %arg9[%dma_wait3A_794] : memref<12800xi32, #tpu.memory_space<vmem>> -> memref<512xi32, #tpu.memory_space<vmem>>
    %dma_wait3A_796 = arith.constant 11776 : i32
    %dma_wait3A_797 = tpu.memref_slice %arg7[%dma_wait3A_796] : memref<12800xi32, #tpu.memory_space<vmem>> -> memref<512xi32, #tpu.memory_space<vmem>>
    %dma_wait3A_798 = arith.constant 0 : i32
    %dma_wait3A_799 = tpu.memref_slice %arg4[%dma_wait3A_798] : memref<3276800xi32, #tpu.memory_space<hbm>> -> memref<3276800xi32, #tpu.memory_space<hbm>>
    tpu.wait_indirect_dma semaphore(%arg12 : memref<!tpu.dma_semaphore, #tpu.memory_space<semaphore_mem>>) src(%dma_wait3A_799 : memref<3276800xi32, #tpu.memory_space<hbm>>) dst(%dma_wait3A_795 : memref<512xi32, #tpu.memory_space<vmem>>)
    %dma_wait3A_800 = arith.constant 11776 : i32
    %dma_wait3A_801 = tpu.memref_slice %arg8[%dma_wait3A_800] : memref<12800xi32, #tpu.memory_space<vmem>> -> memref<512xi32, #tpu.memory_space<vmem>>
    %dma_wait3A_802 = tpu.memref_slice %arg3[%add3A_335] : memref<524288xi32, #tpu.memory_space<hbm>> -> memref<512xi32, #tpu.memory_space<hbm>>
    %dma_wait3A_803 = arith.constant 11776 : i32
    %dma_wait3A_804 = tpu.memref_slice %arg8[%dma_wait3A_803] : memref<12800xi32, #tpu.memory_space<vmem>> -> memref<512xi32, #tpu.memory_space<vmem>>
    %dma_wait3A_805 = tpu.memref_slice %arg3[%add3A_335] : memref<524288xi32, #tpu.memory_space<hbm>> -> memref<512xi32, #tpu.memory_space<hbm>>
    tpu.wait_dma2 semaphore(%arg13 : memref<!tpu.dma_semaphore, #tpu.memory_space<semaphore_mem>>) src(%dma_wait3A_805 : memref<512xi32, #tpu.memory_space<hbm>>) dst(%dma_wait3A_804 : memref<512xi32, #tpu.memory_space<vmem>>)
    %scan3A_806 = arith.constant 0 : i32
    %scan3A_807 = arith.constant 0 : i32
    %scan3A_808 = arith.constant 32 : i32
    %scan3A_809 = arith.addi %scan3A_807, %scan3A_808 : i32
    %scan3A_810 = arith.constant 1 : i32
    %scan3A_811 = scf.for %scan3A_841 = %scan3A_807 to %scan3A_809 step %scan3A_810 iter_args(%scan3A_842 = %scan3A_806) -> (i32)  : i32 {
      %mul3A_843 = arith.constant 16 : i32
      %mul3A_844 = arith.muli %scan3A_841, %mul3A_843 : i32
      %add3A_845 = arith.constant 11776 : i32
      %add3A_846 = arith.addi %add3A_845, %mul3A_844 : i32
      %get3A = arith.index_cast %add3A_846 : i32 to index
      %get3A_847 = tpu.vector_load %arg9[%get3A] {strides = array<i32>} : memref<12800xi32, #tpu.memory_space<vmem>>, vector<16xi32>,
      %get3A_848 = vector.shape_cast %get3A_847 : vector<16xi32> to vector<16xi32>
      %get3A_849 = arith.index_cast %add3A_846 : i32 to index
      %get3A_850 = tpu.vector_load %arg8[%get3A_849] {strides = array<i32>} : memref<12800xi32, #tpu.memory_space<vmem>>, vector<16xi32>,
      %get3A_851 = vector.shape_cast %get3A_850 : vector<16xi32> to vector<16xi32>
      %shift_left3A = arith.constant 16 : i32
      %shift_left3A_852 = vector.broadcast %shift_left3A : i32 to vector<16xi32>
      %shift_left3A_853 = arith.shli %get3A_848, %shift_left3A_852 : vector<16xi32>
      %bitcast_convert_type3A = tpu.bitcast %shift_left3A_853 : vector<16xi32> -> vector<16xf32>
      %and3A = arith.andi %get3A_848, %broadcast_in_dim3A_358 : vector<16xi32>
      %bitcast_convert_type3A_854 = tpu.bitcast %and3A : vector<16xi32> -> vector<16xf32>
      %shift_left3A_855 = arith.constant 16 : i32
      %shift_left3A_856 = vector.broadcast %shift_left3A_855 : i32 to vector<16xi32>
      %shift_left3A_857 = arith.shli %get3A_851, %shift_left3A_856 : vector<16xi32>
      %bitcast_convert_type3A_858 = tpu.bitcast %shift_left3A_857 : vector<16xi32> -> vector<16xf32>
      %and3A_859 = arith.andi %get3A_851, %broadcast_in_dim3A_358 : vector<16xi32>
      %bitcast_convert_type3A_860 = tpu.bitcast %and3A_859 : vector<16xi32> -> vector<16xf32>
      %mul3A_861 = arith.mulf %bitcast_convert_type3A, %bitcast_convert_type3A_858 : vector<16xf32>
      %mul3A_862 = arith.mulf %bitcast_convert_type3A_854, %bitcast_convert_type3A_860 : vector<16xf32>
      %add3A_863 = arith.addf %mul3A_861, %mul3A_862 : vector<16xf32>
      %mul3A_864 = arith.constant 16 : i32
      %mul3A_865 = arith.muli %scan3A_841, %mul3A_864 : i32
      %get3A_866 = arith.index_cast %mul3A_865 : i32 to index
      %get3A_867 = tpu.vector_load %arg11[%get3A_866] {strides = array<i32>} : memref<512xf32, #tpu.memory_space<vmem>>, vector<16xf32>,
      %get3A_868 = vector.shape_cast %get3A_867 : vector<16xf32> to vector<16xf32>
      %add3A_869 = arith.addf %get3A_868, %add3A_863 : vector<16xf32>
      %swap3A = arith.index_cast %mul3A_865 : i32 to index
      %swap3A_870 = tpu.vector_load %arg11[%swap3A] {strides = array<i32>} : memref<512xf32, #tpu.memory_space<vmem>>, vector<16xf32>,
      %swap3A_871 = vector.shape_cast %swap3A_870 : vector<16xf32> to vector<16xf32>
      %swap3A_872 = vector.shape_cast %add3A_869 : vector<16xf32> to vector<16xf32>
      tpu.vector_store %arg11[%swap3A], %swap3A_872 {strides = array<i32>} : memref<512xf32, #tpu.memory_space<vmem>>, vector<16xf32>,
      %scan3A_873 = arith.constant 0 : i32
      scf.yield %scan3A_873 : i32
    }
    %scan3A_812 = arith.constant 32 : i32
    %dma_wait3A_813 = arith.constant 12288 : i32
    %dma_wait3A_814 = tpu.memref_slice %arg9[%dma_wait3A_813] : memref<12800xi32, #tpu.memory_space<vmem>> -> memref<512xi32, #tpu.memory_space<vmem>>
    %dma_wait3A_815 = arith.constant 12288 : i32
    %dma_wait3A_816 = tpu.memref_slice %arg7[%dma_wait3A_815] : memref<12800xi32, #tpu.memory_space<vmem>> -> memref<512xi32, #tpu.memory_space<vmem>>
    %dma_wait3A_817 = arith.constant 0 : i32
    %dma_wait3A_818 = tpu.memref_slice %arg4[%dma_wait3A_817] : memref<3276800xi32, #tpu.memory_space<hbm>> -> memref<3276800xi32, #tpu.memory_space<hbm>>
    tpu.wait_indirect_dma semaphore(%arg12 : memref<!tpu.dma_semaphore, #tpu.memory_space<semaphore_mem>>) src(%dma_wait3A_818 : memref<3276800xi32, #tpu.memory_space<hbm>>) dst(%dma_wait3A_814 : memref<512xi32, #tpu.memory_space<vmem>>)
    %dma_wait3A_819 = arith.constant 12288 : i32
    %dma_wait3A_820 = tpu.memref_slice %arg8[%dma_wait3A_819] : memref<12800xi32, #tpu.memory_space<vmem>> -> memref<512xi32, #tpu.memory_space<vmem>>
    %dma_wait3A_821 = tpu.memref_slice %arg3[%add3A_349] : memref<524288xi32, #tpu.memory_space<hbm>> -> memref<512xi32, #tpu.memory_space<hbm>>
    %dma_wait3A_822 = arith.constant 12288 : i32
    %dma_wait3A_823 = tpu.memref_slice %arg8[%dma_wait3A_822] : memref<12800xi32, #tpu.memory_space<vmem>> -> memref<512xi32, #tpu.memory_space<vmem>>
    %dma_wait3A_824 = tpu.memref_slice %arg3[%add3A_349] : memref<524288xi32, #tpu.memory_space<hbm>> -> memref<512xi32, #tpu.memory_space<hbm>>
    tpu.wait_dma2 semaphore(%arg13 : memref<!tpu.dma_semaphore, #tpu.memory_space<semaphore_mem>>) src(%dma_wait3A_824 : memref<512xi32, #tpu.memory_space<hbm>>) dst(%dma_wait3A_823 : memref<512xi32, #tpu.memory_space<vmem>>)
    %scan3A_825 = arith.constant 0 : i32
    %scan3A_826 = arith.constant 0 : i32
    %scan3A_827 = arith.constant 32 : i32
    %scan3A_828 = arith.addi %scan3A_826, %scan3A_827 : i32
    %scan3A_829 = arith.constant 1 : i32
    %scan3A_830 = scf.for %scan3A_841 = %scan3A_826 to %scan3A_828 step %scan3A_829 iter_args(%scan3A_842 = %scan3A_825) -> (i32)  : i32 {
      %mul3A_843 = arith.constant 16 : i32
      %mul3A_844 = arith.muli %scan3A_841, %mul3A_843 : i32
      %add3A_845 = arith.constant 12288 : i32
      %add3A_846 = arith.addi %add3A_845, %mul3A_844 : i32
      %get3A = arith.index_cast %add3A_846 : i32 to index
      %get3A_847 = tpu.vector_load %arg9[%get3A] {strides = array<i32>} : memref<12800xi32, #tpu.memory_space<vmem>>, vector<16xi32>,
      %get3A_848 = vector.shape_cast %get3A_847 : vector<16xi32> to vector<16xi32>
      %get3A_849 = arith.index_cast %add3A_846 : i32 to index
      %get3A_850 = tpu.vector_load %arg8[%get3A_849] {strides = array<i32>} : memref<12800xi32, #tpu.memory_space<vmem>>, vector<16xi32>,
      %get3A_851 = vector.shape_cast %get3A_850 : vector<16xi32> to vector<16xi32>
      %shift_left3A = arith.constant 16 : i32
      %shift_left3A_852 = vector.broadcast %shift_left3A : i32 to vector<16xi32>
      %shift_left3A_853 = arith.shli %get3A_848, %shift_left3A_852 : vector<16xi32>
      %bitcast_convert_type3A = tpu.bitcast %shift_left3A_853 : vector<16xi32> -> vector<16xf32>
      %and3A = arith.andi %get3A_848, %broadcast_in_dim3A_358 : vector<16xi32>
      %bitcast_convert_type3A_854 = tpu.bitcast %and3A : vector<16xi32> -> vector<16xf32>
      %shift_left3A_855 = arith.constant 16 : i32
      %shift_left3A_856 = vector.broadcast %shift_left3A_855 : i32 to vector<16xi32>
      %shift_left3A_857 = arith.shli %get3A_851, %shift_left3A_856 : vector<16xi32>
      %bitcast_convert_type3A_858 = tpu.bitcast %shift_left3A_857 : vector<16xi32> -> vector<16xf32>
      %and3A_859 = arith.andi %get3A_851, %broadcast_in_dim3A_358 : vector<16xi32>
      %bitcast_convert_type3A_860 = tpu.bitcast %and3A_859 : vector<16xi32> -> vector<16xf32>
      %mul3A_861 = arith.mulf %bitcast_convert_type3A, %bitcast_convert_type3A_858 : vector<16xf32>
      %mul3A_862 = arith.mulf %bitcast_convert_type3A_854, %bitcast_convert_type3A_860 : vector<16xf32>
      %add3A_863 = arith.addf %mul3A_861, %mul3A_862 : vector<16xf32>
      %mul3A_864 = arith.constant 16 : i32
      %mul3A_865 = arith.muli %scan3A_841, %mul3A_864 : i32
      %get3A_866 = arith.index_cast %mul3A_865 : i32 to index
      %get3A_867 = tpu.vector_load %arg11[%get3A_866] {strides = array<i32>} : memref<512xf32, #tpu.memory_space<vmem>>, vector<16xf32>,
      %get3A_868 = vector.shape_cast %get3A_867 : vector<16xf32> to vector<16xf32>
      %add3A_869 = arith.addf %get3A_868, %add3A_863 : vector<16xf32>
      %swap3A = arith.index_cast %mul3A_865 : i32 to index
      %swap3A_870 = tpu.vector_load %arg11[%swap3A] {strides = array<i32>} : memref<512xf32, #tpu.memory_space<vmem>>, vector<16xf32>,
      %swap3A_871 = vector.shape_cast %swap3A_870 : vector<16xf32> to vector<16xf32>
      %swap3A_872 = vector.shape_cast %add3A_869 : vector<16xf32> to vector<16xf32>
      tpu.vector_store %arg11[%swap3A], %swap3A_872 {strides = array<i32>} : memref<512xf32, #tpu.memory_space<vmem>>, vector<16xf32>,
      %scan3A_873 = arith.constant 0 : i32
      scf.yield %scan3A_873 : i32
    }
    %scan3A_831 = arith.constant 32 : i32
    %dma_wait3A_832 = tpu.memref_slice %arg5[%mul3A_2] : memref<16384xf32, #tpu.memory_space<hbm>> -> memref<512xf32, #tpu.memory_space<hbm>>
    %dma_wait3A_833 = tpu.memref_slice %arg5[%mul3A_2] : memref<16384xf32, #tpu.memory_space<hbm>> -> memref<512xf32, #tpu.memory_space<hbm>>
    tpu.wait_dma2 semaphore(%arg13 : memref<!tpu.dma_semaphore, #tpu.memory_space<semaphore_mem>>) src(%dma_wait3A_833 : memref<512xf32, #tpu.memory_space<hbm>>) dst(%arg10 : memref<512xf32, #tpu.memory_space<vmem>>)
    %scan3A_834 = arith.constant 0 : i32
    %scan3A_835 = arith.constant 0 : i32
    %scan3A_836 = arith.constant 32 : i32
    %scan3A_837 = arith.addi %scan3A_835, %scan3A_836 : i32
    %scan3A_838 = arith.constant 1 : i32
    %scan3A_839 = scf.for %scan3A_841 = %scan3A_835 to %scan3A_837 step %scan3A_838 iter_args(%scan3A_842 = %scan3A_834) -> (i32)  : i32 {
      %mul3A_843 = arith.constant 16 : i32
      %mul3A_844 = arith.muli %scan3A_841, %mul3A_843 : i32
      %get3A = arith.index_cast %mul3A_844 : i32 to index
      %get3A_845 = tpu.vector_load %arg11[%get3A] {strides = array<i32>} : memref<512xf32, #tpu.memory_space<vmem>>, vector<16xf32>,
      %get3A_846 = vector.shape_cast %get3A_845 : vector<16xf32> to vector<16xf32>
      %get3A_847 = arith.index_cast %mul3A_844 : i32 to index
      %get3A_848 = tpu.vector_load %arg10[%get3A_847] {strides = array<i32>} : memref<512xf32, #tpu.memory_space<vmem>>, vector<16xf32>,
      %get3A_849 = vector.shape_cast %get3A_848 : vector<16xf32> to vector<16xf32>
      %add3A_850 = arith.addf %get3A_846, %get3A_849 : vector<16xf32>
      %swap3A = arith.index_cast %mul3A_844 : i32 to index
      %swap3A_851 = tpu.vector_load %arg11[%swap3A] {strides = array<i32>} : memref<512xf32, #tpu.memory_space<vmem>>, vector<16xf32>,
      %swap3A_852 = vector.shape_cast %swap3A_851 : vector<16xf32> to vector<16xf32>
      %swap3A_853 = vector.shape_cast %add3A_850 : vector<16xf32> to vector<16xf32>
      tpu.vector_store %arg11[%swap3A], %swap3A_853 {strides = array<i32>} : memref<512xf32, #tpu.memory_space<vmem>>, vector<16xf32>,
      %scan3A_854 = arith.constant 0 : i32
      scf.yield %scan3A_854 : i32
    }
    %scan3A_840 = arith.constant 32 : i32
    "tpu.region"() ({
      %run_scoped3A = tpu.sem_alloc : memref<!tpu.dma_semaphore, #tpu.memory_space<semaphore_mem>>
      %dma_start3A_841 = tpu.memref_slice %arg6[%mul3A_2] : memref<16384xf32, #tpu.memory_space<hbm>> -> memref<512xf32, #tpu.memory_space<hbm>>
      %dma_start3A_842 = tpu.memref_slice %arg6[%mul3A_2] : memref<16384xf32, #tpu.memory_space<hbm>> -> memref<512xf32, #tpu.memory_space<hbm>>
      tpu.enqueue_dma source(%arg11 : memref<512xf32, #tpu.memory_space<vmem>>) target(%dma_start3A_842 : memref<512xf32, #tpu.memory_space<hbm>>) target_semaphore(%run_scoped3A : memref<!tpu.dma_semaphore, #tpu.memory_space<semaphore_mem>>)
      %dma_wait3A_843 = tpu.memref_slice %arg6[%mul3A_2] : memref<16384xf32, #tpu.memory_space<hbm>> -> memref<512xf32, #tpu.memory_space<hbm>>
      %dma_wait3A_844 = tpu.memref_slice %arg6[%mul3A_2] : memref<16384xf32, #tpu.memory_space<hbm>> -> memref<512xf32, #tpu.memory_space<hbm>>
      tpu.wait_dma2 semaphore(%run_scoped3A : memref<!tpu.dma_semaphore, #tpu.memory_space<semaphore_mem>>) src(%arg11 : memref<512xf32, #tpu.memory_space<vmem>>) dst(%dma_wait3A_844 : memref<512xf32, #tpu.memory_space<hbm>>)
      tpu.yield
    }) : () -> ()
    return
  }
}

module attributes {stable_mosaic.version = 14 : i64} {
  func.func @_tc_body(%arg0: i32, %arg1: memref<1024x128xf32, #tpu.memory_space<vmem>>, %arg2: memref<128x64xf32, #tpu.memory_space<vmem>>, %arg3: memref<64x1xf32, #tpu.memory_space<vmem>>, %arg4: memref<1x1x1024xi32, #tpu.memory_space<vmem>>, %arg5: memref<50x6400xf32, #tpu.memory_space<vmem>>, %arg6: memref<32x8x128xi32, #tpu.memory_space<vmem>>, %arg7: memref<256x128xi32, #tpu.memory_space<vmem>>, %arg8: memref<50x32x128xi32, #tpu.memory_space<vmem>>) attributes {dimension_semantics = [#tpu.dimension_semantics<arbitrary>], iteration_bounds = array<i64: 16>, scalar_prefetch = 0 : i64, scratch_operands = 0 : i64, tpu.core_type = #tpu.core_type<tc>, window_params = [{transform_indices = @transform_0, window_bounds = array<i64: 1024, 128>}, {pipeline_mode = #tpu.pipeline_mode<synchronous>, transform_indices = @transform_1, window_bounds = array<i64: 128, 64>}, {pipeline_mode = #tpu.pipeline_mode<synchronous>, transform_indices = @transform_2, window_bounds = array<i64: 64, 1>}, {transform_indices = @transform_3, window_bounds = array<i64: 1, 1, 1024>}, {transform_indices = @transform_4, window_bounds = array<i64: 50, 6400>}, {transform_indices = @transform_5, window_bounds = array<i64: 32, 8, 128>}, {transform_indices = @transform_6, window_bounds = array<i64: 256, 128>}, {transform_indices = @transform_7, window_bounds = array<i64: 50, 32, 128>}]} {
    %get3A = arith.constant 0 : index
    %get3A_0 = arith.constant 0 : index
    %get3A_1 = vector.load %arg2[%get3A, %get3A_0] : memref<128x64xf32, #tpu.memory_space<vmem>>, vector<128x64xf32>
    %get3A_2 = arith.constant 0 : index
    %get3A_3 = arith.constant 0 : index
    %get3A_4 = vector.load %arg1[%get3A_2, %get3A_3] : memref<1024x128xf32, #tpu.memory_space<vmem>>, vector<1024x128xf32>
    %dot_general3A = arith.constant dense<0.000000e+00> : vector<64x1024xf32>
    %dot_general3A_5 = tpu.matmul %get3A_1, %get3A_4, %dot_general3A {dimension_numbers = #tpu.dot_dimension_numbers<[0], [1], [1], [0], [0, 1, 1, 0], [], []>, transpose_lhs_hint = false} : vector<128x64xf32>, vector<1024x128xf32>, vector<64x1024xf32> -> vector<64x1024xf32>
    %get3A_6 = arith.constant 0 : index
    %get3A_7 = arith.constant 0 : index
    %get3A_8 = vector.load %arg3[%get3A_6, %get3A_7] : memref<64x1xf32, #tpu.memory_space<vmem>>, vector<64x1xf32>
    %add3A = vector.broadcast %get3A_8 : vector<64x1xf32> to vector<64x1024xf32>
    %add3A_9 = arith.addf %dot_general3A_5, %add3A : vector<64x1024xf32>
    %gt3A = arith.constant 0.000000e+00 : f32
    %gt3A_10 = vector.broadcast %gt3A : f32 to vector<64x1024xf32>
    %gt3A_11 = arith.cmpf ogt, %add3A_9, %gt3A_10 : vector<64x1024xf32>
    %exp3A = math.exp %add3A_9 : vector<64x1024xf32>
    %sub3A = arith.constant 1.000000e+00 : f32
    %sub3A_12 = vector.broadcast %sub3A : f32 to vector<64x1024xf32>
    %sub3A_13 = arith.subf %exp3A, %sub3A_12 : vector<64x1024xf32>
    %mul3A = arith.constant 1.67326319 : f32
    %mul3A_14 = vector.broadcast %mul3A : f32 to vector<64x1024xf32>
    %mul3A_15 = arith.mulf %mul3A_14, %sub3A_13 : vector<64x1024xf32>
    %select_n3A = arith.select %gt3A_11, %add3A_9, %mul3A_15 : vector<64x1024xi1>, vector<64x1024xf32>
    %mul3A_16 = arith.constant 1.05070102 : f32
    %mul3A_17 = vector.broadcast %mul3A_16 : f32 to vector<64x1024xf32>
    %mul3A_18 = arith.mulf %mul3A_17, %select_n3A : vector<64x1024xf32>
    %slice3A = vector.extract_strided_slice %mul3A_18 {offsets = [0, 0], sizes = [50, 1024], strides = [1, 1]} : vector<64x1024xf32> to vector<50x1024xf32>
    %bitcast_convert_type3A = tpu.bitcast %slice3A : vector<50x1024xf32> -> vector<50x1024xi32>
    %reshape3A = vector.shape_cast %bitcast_convert_type3A : vector<50x1024xi32> to vector<25x2x1024xi32>
    %slice3A_19 = vector.extract_strided_slice %reshape3A {offsets = [0, 0, 0], sizes = [25, 1, 1024], strides = [1, 1, 1]} : vector<25x2x1024xi32> to vector<25x1x1024xi32>
    %squeeze3A = vector.shape_cast %slice3A_19 : vector<25x1x1024xi32> to vector<25x1024xi32>
    %add3A_20 = arith.constant 32767 : i32
    %add3A_21 = vector.broadcast %add3A_20 : i32 to vector<25x1024xi32>
    %add3A_22 = arith.addi %squeeze3A, %add3A_21 : vector<25x1024xi32>
    %shift_right_arithmetic3A = arith.constant 16 : i32
    %shift_right_arithmetic3A_23 = vector.broadcast %shift_right_arithmetic3A : i32 to vector<25x1024xi32>
    %shift_right_arithmetic3A_24 = arith.shrsi %squeeze3A, %shift_right_arithmetic3A_23 : vector<25x1024xi32>
    %and3A = arith.constant 1 : i32
    %and3A_25 = vector.broadcast %and3A : i32 to vector<25x1024xi32>
    %and3A_26 = arith.andi %shift_right_arithmetic3A_24, %and3A_25 : vector<25x1024xi32>
    %add3A_27 = arith.addi %add3A_22, %and3A_26 : vector<25x1024xi32>
    %shift_right_logical3A = arith.constant 16 : i32
    %shift_right_logical3A_28 = vector.broadcast %shift_right_logical3A : i32 to vector<25x1024xi32>
    %shift_right_logical3A_29 = arith.shrui %add3A_27, %shift_right_logical3A_28 : vector<25x1024xi32>
    %slice3A_30 = vector.extract_strided_slice %reshape3A {offsets = [0, 1, 0], sizes = [25, 1, 1024], strides = [1, 1, 1]} : vector<25x2x1024xi32> to vector<25x1x1024xi32>
    %squeeze3A_31 = vector.shape_cast %slice3A_30 : vector<25x1x1024xi32> to vector<25x1024xi32>
    %add3A_32 = arith.constant 32767 : i32
    %add3A_33 = vector.broadcast %add3A_32 : i32 to vector<25x1024xi32>
    %add3A_34 = arith.addi %squeeze3A_31, %add3A_33 : vector<25x1024xi32>
    %shift_right_arithmetic3A_35 = arith.constant 16 : i32
    %shift_right_arithmetic3A_36 = vector.broadcast %shift_right_arithmetic3A_35 : i32 to vector<25x1024xi32>
    %shift_right_arithmetic3A_37 = arith.shrsi %squeeze3A_31, %shift_right_arithmetic3A_36 : vector<25x1024xi32>
    %and3A_38 = arith.constant 1 : i32
    %and3A_39 = vector.broadcast %and3A_38 : i32 to vector<25x1024xi32>
    %and3A_40 = arith.andi %shift_right_arithmetic3A_37, %and3A_39 : vector<25x1024xi32>
    %add3A_41 = arith.addi %add3A_34, %and3A_40 : vector<25x1024xi32>
    %and3A_42 = arith.constant -65536 : i32
    %and3A_43 = vector.broadcast %and3A_42 : i32 to vector<25x1024xi32>
    %and3A_44 = arith.andi %add3A_41, %and3A_43 : vector<25x1024xi32>
    %or3A = arith.ori %shift_right_logical3A_29, %and3A_44 : vector<25x1024xi32>
    %broadcast_in_dim3A = arith.constant 0 : i32
    %broadcast_in_dim3A_45 = vector.broadcast %broadcast_in_dim3A : i32 to vector<7x1024xi32>
    %concatenate3A = tpu.concatenate %or3A, %broadcast_in_dim3A_45 in 0 : vector<25x1024xi32>, vector<7x1024xi32> -> vector<32x1024xi32>
    %reshape3A_46 = vector.shape_cast %concatenate3A : vector<32x1024xi32> to vector<32x8x128xi32>
    %swap3A = arith.constant 0 : index
    %swap3A_47 = arith.constant 0 : index
    %swap3A_48 = arith.constant 0 : index
    %swap3A_49 = vector.load %arg6[%swap3A, %swap3A_47, %swap3A_48] : memref<32x8x128xi32, #tpu.memory_space<vmem>>, vector<32x8x128xi32>
    tpu.vector_store %arg6[%swap3A, %swap3A_47, %swap3A_48], %reshape3A_46 {strides = array<i32>} : memref<32x8x128xi32, #tpu.memory_space<vmem>>, vector<32x8x128xi32>,
    %get3A_50 = arith.constant 0 : index
    %get3A_51 = arith.constant 0 : index
    %get3A_52 = arith.constant 0 : index
    %get3A_53 = vector.load %arg4[%get3A_50, %get3A_51, %get3A_52] : memref<1x1x1024xi32, #tpu.memory_space<vmem>>, vector<1x1x1024xi32>
    %get3A_54 = vector.shape_cast %get3A_53 : vector<1x1x1024xi32> to vector<1024xi32>
    %reshape3A_55 = vector.shape_cast %get3A_54 : vector<1024xi32> to vector<2x1x512xi32>
    %shift_right_arithmetic3A_56 = arith.constant 7 : i32
    %shift_right_arithmetic3A_57 = vector.broadcast %shift_right_arithmetic3A_56 : i32 to vector<2x1x512xi32>
    %shift_right_arithmetic3A_58 = arith.shrsi %reshape3A_55, %shift_right_arithmetic3A_57 : vector<2x1x512xi32>
    %mul3A_59 = arith.constant 4096 : i32
    %mul3A_60 = vector.broadcast %mul3A_59 : i32 to vector<2x1x512xi32>
    %mul3A_61 = arith.muli %shift_right_arithmetic3A_58, %mul3A_60 : vector<2x1x512xi32>
    %and3A_62 = arith.constant 127 : i32
    %and3A_63 = vector.broadcast %and3A_62 : i32 to vector<2x1x512xi32>
    %and3A_64 = arith.andi %reshape3A_55, %and3A_63 : vector<2x1x512xi32>
    %add3A_65 = arith.addi %mul3A_61, %and3A_64 : vector<2x1x512xi32>
    %iota3A = tpu.iota {dimensions = array<i32: 1>} : vector<1x32x1xi32>
    %mul3A_66 = arith.constant 128 : i32
    %mul3A_67 = vector.broadcast %mul3A_66 : i32 to vector<1x32x1xi32>
    %mul3A_68 = arith.muli %iota3A, %mul3A_67 : vector<1x32x1xi32>
    %add3A_69 = vector.broadcast %add3A_65 : vector<2x1x512xi32> to vector<2x32x512xi32>
    %add3A_70 = vector.broadcast %mul3A_68 : vector<1x32x1xi32> to vector<2x32x512xi32>
    %add3A_71 = arith.addi %add3A_69, %add3A_70 : vector<2x32x512xi32>
    %reshape3A_72 = vector.shape_cast %add3A_71 : vector<2x32x512xi32> to vector<64x512xi32>
    %reshape3A_73 = vector.shape_cast %reshape3A_72 : vector<64x512xi32> to vector<256x128xi32>
    %swap3A_74 = arith.constant 0 : index
    %swap3A_75 = arith.constant 0 : index
    %swap3A_76 = vector.load %arg7[%swap3A_74, %swap3A_75] : memref<256x128xi32, #tpu.memory_space<vmem>>, vector<256x128xi32>
    tpu.vector_store %arg7[%swap3A_74, %swap3A_75], %reshape3A_73 {strides = array<i32>} : memref<256x128xi32, #tpu.memory_space<vmem>>, vector<256x128xi32>,
    %get3A_77 = arith.constant 0 : index
    %get3A_78 = arith.constant 0 : index
    %get3A_79 = vector.load %arg5[%get3A_77, %get3A_78] : memref<50x6400xf32, #tpu.memory_space<vmem>>, vector<50x6400xf32>
    %bitcast_convert_type3A_80 = tpu.bitcast %get3A_79 : vector<50x6400xf32> -> vector<50x6400xi32>
    %reshape3A_81 = vector.shape_cast %bitcast_convert_type3A_80 : vector<50x6400xi32> to vector<25x2x6400xi32>
    %slice3A_82 = vector.extract_strided_slice %reshape3A_81 {offsets = [0, 0, 0], sizes = [25, 1, 6400], strides = [1, 1, 1]} : vector<25x2x6400xi32> to vector<25x1x6400xi32>
    %squeeze3A_83 = vector.shape_cast %slice3A_82 : vector<25x1x6400xi32> to vector<25x6400xi32>
    %add3A_84 = arith.constant 32767 : i32
    %add3A_85 = vector.broadcast %add3A_84 : i32 to vector<25x6400xi32>
    %add3A_86 = arith.addi %squeeze3A_83, %add3A_85 : vector<25x6400xi32>
    %shift_right_arithmetic3A_87 = arith.constant 16 : i32
    %shift_right_arithmetic3A_88 = vector.broadcast %shift_right_arithmetic3A_87 : i32 to vector<25x6400xi32>
    %shift_right_arithmetic3A_89 = arith.shrsi %squeeze3A_83, %shift_right_arithmetic3A_88 : vector<25x6400xi32>
    %and3A_90 = arith.constant 1 : i32
    %and3A_91 = vector.broadcast %and3A_90 : i32 to vector<25x6400xi32>
    %and3A_92 = arith.andi %shift_right_arithmetic3A_89, %and3A_91 : vector<25x6400xi32>
    %add3A_93 = arith.addi %add3A_86, %and3A_92 : vector<25x6400xi32>
    %shift_right_logical3A_94 = arith.constant 16 : i32
    %shift_right_logical3A_95 = vector.broadcast %shift_right_logical3A_94 : i32 to vector<25x6400xi32>
    %shift_right_logical3A_96 = arith.shrui %add3A_93, %shift_right_logical3A_95 : vector<25x6400xi32>
    %slice3A_97 = vector.extract_strided_slice %reshape3A_81 {offsets = [0, 1, 0], sizes = [25, 1, 6400], strides = [1, 1, 1]} : vector<25x2x6400xi32> to vector<25x1x6400xi32>
    %squeeze3A_98 = vector.shape_cast %slice3A_97 : vector<25x1x6400xi32> to vector<25x6400xi32>
    %add3A_99 = arith.constant 32767 : i32
    %add3A_100 = vector.broadcast %add3A_99 : i32 to vector<25x6400xi32>
    %add3A_101 = arith.addi %squeeze3A_98, %add3A_100 : vector<25x6400xi32>
    %shift_right_arithmetic3A_102 = arith.constant 16 : i32
    %shift_right_arithmetic3A_103 = vector.broadcast %shift_right_arithmetic3A_102 : i32 to vector<25x6400xi32>
    %shift_right_arithmetic3A_104 = arith.shrsi %squeeze3A_98, %shift_right_arithmetic3A_103 : vector<25x6400xi32>
    %and3A_105 = arith.constant 1 : i32
    %and3A_106 = vector.broadcast %and3A_105 : i32 to vector<25x6400xi32>
    %and3A_107 = arith.andi %shift_right_arithmetic3A_104, %and3A_106 : vector<25x6400xi32>
    %add3A_108 = arith.addi %add3A_101, %and3A_107 : vector<25x6400xi32>
    %and3A_109 = arith.constant -65536 : i32
    %and3A_110 = vector.broadcast %and3A_109 : i32 to vector<25x6400xi32>
    %and3A_111 = arith.andi %add3A_108, %and3A_110 : vector<25x6400xi32>
    %or3A_112 = arith.ori %shift_right_logical3A_96, %and3A_111 : vector<25x6400xi32>
    %broadcast_in_dim3A_113 = arith.constant 0 : i32
    %broadcast_in_dim3A_114 = vector.broadcast %broadcast_in_dim3A_113 : i32 to vector<7x6400xi32>
    %concatenate3A_115 = tpu.concatenate %or3A_112, %broadcast_in_dim3A_114 in 0 : vector<25x6400xi32>, vector<7x6400xi32> -> vector<32x6400xi32>
    %reshape3A_116 = vector.shape_cast %concatenate3A_115 : vector<32x6400xi32> to vector<32x50x128xi32>
    %transpose3A = tpu.transpose %reshape3A_116, [1, 0, 2] : vector<32x50x128xi32> -> vector<50x32x128xi32>
    %swap3A_117 = arith.constant 0 : index
    %swap3A_118 = arith.constant 0 : index
    %swap3A_119 = arith.constant 0 : index
    %swap3A_120 = vector.load %arg8[%swap3A_117, %swap3A_118, %swap3A_119] : memref<50x32x128xi32, #tpu.memory_space<vmem>>, vector<50x32x128xi32>
    tpu.vector_store %arg8[%swap3A_117, %swap3A_118, %swap3A_119], %transpose3A {strides = array<i32>} : memref<50x32x128xi32, #tpu.memory_space<vmem>>, vector<50x32x128xi32>,
    return
  }
  func.func @transform_0(%arg0: i32) -> (i32, i32) {
    %c0_i32 = arith.constant 0 : i32
    %c0_i32_0 = arith.constant 0 : i32
    return %arg0, %c0_i32 : i32, i32
  }
  func.func @transform_1(%arg0: i32) -> (i32, i32) {
    %c0_i32 = arith.constant 0 : i32
    %c0_i32_0 = arith.constant 0 : i32
    %c0_i32_1 = arith.constant 0 : i32
    return %c0_i32, %c0_i32_0 : i32, i32
  }
  func.func @transform_2(%arg0: i32) -> (i32, i32) {
    %c0_i32 = arith.constant 0 : i32
    %c0_i32_0 = arith.constant 0 : i32
    %c0_i32_1 = arith.constant 0 : i32
    return %c0_i32, %c0_i32_0 : i32, i32
  }
  func.func @transform_3(%arg0: i32) -> (i32, i32, i32) {
    %c0_i32 = arith.constant 0 : i32
    %c0_i32_0 = arith.constant 0 : i32
    %c0_i32_1 = arith.constant 0 : i32
    return %arg0, %c0_i32, %c0_i32_0 : i32, i32, i32
  }
  func.func @transform_4(%arg0: i32) -> (i32, i32) {
    %c0_i32 = arith.constant 0 : i32
    %c0_i32_0 = arith.constant 0 : i32
    return %c0_i32, %arg0 : i32, i32
  }
  func.func @transform_5(%arg0: i32) -> (i32, i32, i32) {
    %c0_i32 = arith.constant 0 : i32
    %c0_i32_0 = arith.constant 0 : i32
    %c0_i32_1 = arith.constant 0 : i32
    return %c0_i32, %arg0, %c0_i32_0 : i32, i32, i32
  }
  func.func @transform_6(%arg0: i32) -> (i32, i32) {
    %c0_i32 = arith.constant 0 : i32
    %c0_i32_0 = arith.constant 0 : i32
    return %arg0, %c0_i32 : i32, i32
  }
  func.func @transform_7(%arg0: i32) -> (i32, i32, i32) {
    %c0_i32 = arith.constant 0 : i32
    %c0_i32_0 = arith.constant 0 : i32
    %c0_i32_1 = arith.constant 0 : i32
    return %arg0, %c0_i32, %c0_i32_0 : i32, i32, i32
  }
}

</mosaic_0001>

<sc_bundles>
// kernel: kernel.5.cloned.1.call-start
scs
__scs_entry_jumppad:
0x0: {  	(pc) =	sbr.rel $0x88, $3  }
0x1: {  	(tag) =	ssettag $0x0;
	lr =	simm.s32 $0x1  }
0x2: {  	[smem:$0x3F99] =	sst lr;
	_ =	strace $0xD0000000  }
0x3: {  	_ = 	snop  }
0x4: {  	_ = 	snop  }
0x5: {  	_ = 	snop  }
0x6: {  	_ = 	snop  }
0x7: {  	_ = 	snop  }
__scs_overlays_trampoline_lowered:
0x8: {  	[smem:$0x3FA8] =	sst s0  }
0x9: {  	[smem:$0x3FA9] =	sst s1  }
0xa: {  	[smem:$0x3FAA] =	sst s2  }
0xb: {  	[smem:$0x3FAB] =	sst s3  }
0xc: {  	[smem:$0x3FAC] =	sst s4  }
0xd: {  	[smem:$0x3FAD] =	sst s5  }
0xe: {  	[smem:$0x3FAE] =	sst s6  }
0xf: {  	[smem:$0x3FAF] =	sst s7  }
0x10: {  	[smem:$0x3FB0] =	sst s8  }
0x11: {  	[smem:$0x3FB1] =	sst s9;
	s0 =	simm.s32 @!p0 $0x0  }
0x12: {  	s1 =	sld [smem:$0x3F97];
	s0 =	simm.s32 @p0 $0x1  }
0x13: {  	[smem:$0x3FB2] =	sst s0;
	s0 =	simm.s32 @!p1 $0x0  }
0x14: {  	s2 =	sld [smem:$0x3F96];
	s0 =	simm.s32 @p1 $0x1  }
0x15: {  	[smem:$0x3FB3] =	sst s0;
	s0 =	simm.s32 @!p2 $0x0  }
0x16: {  	s3 =	sld [smem:$0x3FDB];
	s0 =	simm.s32 @p2 $0x1  }
0x17: {  	s4 =	simm.s32 $0x1BF5;
	[smem:$0x3FB5] =	sst s0  }
0x18: {  	s0 =	sld [smem:$0x3F98];
	_ =	swait.ge [sflag:s4], $0x0  }
0x19: {  	s7 =	sld [smem:$0x3F99]  }
0x1a: {  	s8 =	sadd.s32 $0xFFFFE003, lr  }
0x1b: {  	s9 =	sadd.s32 $0xFFFFFEF7, lr;
	s5 =	simm.s32 $0xFFFFFFFF;
	p2 =	slt.u32 s8, $0xFFFFF086  }
0x1c: {  	p1 =	slt.u32 s9, $0xF7A;
	s5 =	simm.s32 @!p2 $0x0  }
0x1d: {  	s5 =	simm.s32 @p1 $0x1;
	p0 =	seq.s32 s7, s2  }
0x1e: {  	s7 =	smul.u32 @!p0 $0xF7A, s2;
	p2 =	seq.s32 @!p0 s5, $0x0  }
0x1f: {  	s9 =	smul.u32 $0xF7A, s1;
	s8 =	simm.s32 @!p0 $0x1BF5;
	p2 =	por !p2, p0  }
0x20: {  	[sflag:s8] =	ssyncset.s32 @!p0 $0xFFFFF086;
	s6 =	sadd.s32 @!p0 s3, s7;
	s7 =	simm.s32 @!p0 $0x108  }
0x21: {  	s3 =	sadd.s32 s3, s9;
	s6 =	sadd.s32 @!p0 $0x88, s6;
	s7 =	simm.s32 @p2 $0x1082  }
0x22: {  	[simem:s7], [sflag:s8] =	dma.local @!p0 [hbm:s6], $0xF7A  }
0x23: {  	s9 =	sor.u32 $0xD0000000, s2;
	s6 =	simm.s32 $0x108;
	_ =	swait.ge @!p0 [sflag:s8], $0x0  }
0x24: {  	s3 =	sadd.s32 $0x88, s3;
	s6 =	simm.s32 @!p1 $0x1082;
	[sflag:s4] =	ssyncset.s32 $0xFFFFF086  }
0x25: {  	[simem:s6], [sflag:s4] =	dma.local [hbm:s3], $0xF7A  }
0x26: {  	[smem:$0x3F99] =	sst s1;
	(tag) =	ssettag s2;
	_ =	strace s9  }
0x27: {  	s1 =	sld [smem:$0x3FA9]  }
0x28: {  	s2 =	sld [smem:$0x3FAA]  }
0x29: {  	s4 =	sld [smem:$0x3FAC]  }
0x2a: {  	p0 =	seq.s32 s5, $0x0;
	s5 =	sld [smem:$0x3FAD]  }
0x2b: {  	s6 =	sld [smem:$0x3FAE]  }
0x2c: {  	s7 =	sld [smem:$0x3FAF]  }
0x2d: {  	s3 =	simm.s32 $0x108;
	s8 =	sld [smem:$0x3FB0]  }
0x2e: {  	s3 =	simm.s32 @!p0 $0x1082;
	s9 =	sld [smem:$0x3FB1]  }
0x2f: {  	lr =	sadd.s32 s0, s3;
	s0 =	sld [smem:$0x3FA8]  }
0x30: {  	s3 =	sld [smem:$0x3FAB]  }
0x31: {  	[smem:$0x3FB4] =	sst s10  }
0x32: {  	s10 =	sld [smem:$0x3FB2];
	_ =	sdelay $0x3  }
0x33: {  	p0 =	seq.s32 s10, $0x1;
	s10 =	sld [smem:$0x3FB4];
	_ =	sdelay $0x3  }
0x34: {  	[smem:$0x3FB4] =	sst s10  }
0x35: {  	s10 =	sld [smem:$0x3FB3];
	_ =	sdelay $0x3  }
0x36: {  	p1 =	seq.s32 s10, $0x1;
	s10 =	sld [smem:$0x3FB4];
	_ =	sdelay $0x3  }
0x37: {  	[smem:$0x3FB4] =	sst s10  }
0x38: {  	s10 =	sld [smem:$0x3FB5]  }
0x39: {  	_ = 	snop;
	(pc) =	sbr.ind lr, $3  }
0x3a: {  	_ = 	snop  }
0x3b: {  	_ = 	snop  }
0x3c: {  	p2 =	seq.s32 s10, $0x1;
	s10 =	sld [smem:$0x3FB4]  }
0x3d: {  	_ =	shalt  }
0x3e: {  	_ =	shalt  }
0x3f: {  	_ =	shalt  }
0x40: {  	_ =	shalt  }
0x41: {  	_ =	shalt  }
0x42: {  	_ =	shalt  }
0x43: {  	_ =	shalt  }
0x44: {  	_ =	shalt  }
0x45: {  	_ =	shalt  }
0x46: {  	_ =	shalt  }
0x47: {  	_ =	shalt  }
0x48: {  	_ =	shalt  }
0x49: {  	_ =	shalt  }
0x4a: {  	_ =	shalt  }
0x4b: {  	_ =	shalt  }
0x4c: {  	_ =	shalt  }
0x4d: {  	_ =	shalt  }
0x4e: {  	_ =	shalt  }
0x4f: {  	_ =	shalt  }
0x50: {  	_ =	shalt  }
0x51: {  	_ =	shalt  }
0x52: {  	_ =	shalt  }
0x53: {  	_ =	shalt  }
0x54: {  	_ =	shalt  }
0x55: {  	_ =	shalt  }
0x56: {  	_ =	shalt  }
0x57: {  	_ =	shalt  }
0x58: {  	_ =	shalt  }
0x59: {  	_ =	shalt  }
0x5a: {  	_ =	shalt  }
0x5b: {  	_ =	shalt  }
0x5c: {  	_ =	shalt  }
0x5d: {  	_ =	shalt  }
0x5e: {  	_ =	shalt  }
0x5f: {  	_ =	shalt  }
0x60: {  	_ =	shalt  }
0x61: {  	_ =	shalt  }
0x62: {  	_ =	shalt  }
0x63: {  	_ =	shalt  }
0x64: {  	_ =	shalt  }
0x65: {  	_ =	shalt  }
0x66: {  	_ =	shalt  }
0x67: {  	_ =	shalt  }
0x68: {  	_ =	shalt  }
0x69: {  	_ =	shalt  }
0x6a: {  	_ =	shalt  }
0x6b: {  	_ =	shalt  }
0x6c: {  	_ =	shalt  }
0x6d: {  	_ =	shalt  }
0x6e: {  	_ =	shalt  }
0x6f: {  	_ =	shalt  }
0x70: {  	_ =	shalt  }
0x71: {  	_ =	shalt  }
0x72: {  	_ =	shalt  }
0x73: {  	_ =	shalt  }
0x74: {  	_ =	shalt  }
0x75: {  	_ =	shalt  }
0x76: {  	_ =	shalt  }
0x77: {  	_ =	shalt  }
0x78: {  	_ =	shalt  }
0x79: {  	_ =	shalt  }
0x7a: {  	_ =	shalt  }
0x7b: {  	_ =	shalt  }
0x7c: {  	_ =	shalt  }
0x7d: {  	_ =	shalt  }
0x7e: {  	_ =	shalt  }
0x7f: {  	_ =	shalt  }
0x80: {  	_ =	shalt  }
0x81: {  	_ =	shalt  }
0x82: {  	_ =	shalt  }
0x83: {  	_ =	shalt  }
0x84: {  	_ =	shalt  }
0x85: {  	_ =	shalt  }
0x86: {  	_ =	shalt  }
0x87: {  	_ =	shalt  }
.Lfunc_end0:
.L_simem_size_0:
called_computation_lowered:
.L_overlay_start_0:
0x88: {  	s2 =	sld [smem:$0x3FD9]  }
0x89: {  	s3 =	sld [smem:$0x3FFE];
	_ =	sdelay $0x1  }
0x8a: {  	s1 =	srdreg.scid  }
0x8b: {  	s0 =	sand.u32 $0x1, s1  }
0x8c: {  	s14 =	sshll.u32 s0, $0xA;
	s2 =	sadd.s32 s3, s2  }
0x8d: {  	s2 =	sadd.s32 s2, s14  }
0x8e: {  	[smem:$0x3FC0] =	sst s2  }
0x8f: {  	_ = 	snop  }
0x90: {  	s2 =	sld [smem:$0x3FC9]  }
0x91: {  	s15 =	sld [smem:$0x3FD0]  }
0x92: {  	s4 =	sld [smem:$0x3FC4]  }
0x93: {  	s5 =	sld [smem:$0x3FC3]  }
0x94: {  	s7 =	simm.s32 $0xA;
	s8 =	simm.s32 $0x10;
	s6 =	sld [smem:$0x3FC2]  }
0x95: {  	[smem:s8], [sflag:s7] =	dma.local [hbm:s15], $0x1  }
0x96: {  	_ =	swait.eq [sflag:s7], $0x1  }
0x97: {  	[sflag:s7] =	ssyncset.done $0x0  }
0x98: {  	s16 =	sld [smem:$0x11];
	[sflag:s7] =	ssyncadd.s32 $0xFFFFFFFF  }
0x99: {  	s17 =	sld [smem:$0x12];
	(tm) =	ssettm $0x1  }
0x9a: {  	s18 =	sld [smem:$0x3FFB];
	_ =	sdelay $0x3  }
0x9b: {  	_ =	strace s18  }
0x9c: {  	s8 =	sld [smem:$0x3FFC];
	_ =	sdelay $0x3  }
0x9d: {  	_ =	strace s8  }
0x9e: {  	s8 =	sld [smem:$0x3FFD];
	_ =	sdelay $0x3  }
0x9f: {  	_ =	strace s8  }
0xa0: {  	_ =	strace $0x8FFFFFFF  }
0xa1: {  	s19 =	sld [smem:$0x3FDB];
	_ =	sdelay $0x1  }
0xa2: {  	s9 =	simm.s32 $_scs_section_size  }
0xa3: {  	s10 =	simm.s32 $_size__tile_overlayer_lowered;
	s11 =	simm.s32 $_tile_overlayer_lowered  }
0xa4: {  	s22 =	simm.s32 $0x1BFF;
	s21 =	sshll.u32 s11, $0x1;
	s8 =	sadd.s32 s9, s19  }
0xa5: {  	s12 =	simm.s32 $0x0;
	s20 =	sshll.u32 s10, $0x1;
	s10 =	sadd.s32 s21, s8  }
0xa6: {  	[timem:s12], [sflag:s22] =	dma.local [hbm:s10], s20  }
0xa7: {  	_ =	swait.ge [sflag:s22], s20  }
0xa8: {  	s9 =	ssub.s32 $0x0, s20;
	[sflag:s22] =	ssyncset.done $0x0  }
0xa9: {  	[sflag:s22] =	ssyncadd.s32 s9;
	_ =	sdelay $0x1  }
0xaa: {  	s23 =	simm.s32 $0x1B8B  }
0xab: {  	_ =	swait.ge [sflag:s23], $0x1  }
0xac: {  	[sflag:s23] =	ssyncset.done $0x0  }
0xad: {  	s25 =	simm.s32 $0x1B8E;
	s24 =	sld [smem:$0x3FFE];
	[sflag:s23] =	ssyncadd.s32 $0xFFFFFFFF  }
0xae: {  	s26 =	simm.s32 $execute0_lowered;
	[smem:$0x3FD2] =	sst s25  }
0xaf: {  	s10 =	sshll.u32 s26, $0x1;
	_ =	strace $0x80000046;
	[dreg:$0x1] =	wrdreg $0xFFFFFFFF  }
0xb0: {  	s28 =	simm.s32 $_size_execute0_lowered;
	s8 =	sadd.s32 s8, s10;
	[dreg:$0x0] =	wrdreg $0x0  }
0xb1: {  	s10 =	sshll.u32 s28, $0x1;
	[dreg:$0x2] =	wrdreg s8  }
0xb2: {  	[dreg:$0x3] =	wrdreg s10  }
0xb3: {  	[dreg:$0x4] =	wrdreg $0xC0  }
0xb4: {  	_ =	task [dreg:s12], $0x5FFFF  }
0xb5: {  	[dreg:$0x1] =	wrdreg $0xFFFFFFFF  }
0xb6: {  	[dreg:$0x0] =	wrdreg $0x60  }
0xb7: {  	[dreg:$0x2] =	wrdreg s2  }
0xb8: {  	[dreg:$0x3] =	wrdreg s4  }
0xb9: {  	[dreg:$0x4] =	wrdreg s5  }
0xba: {  	[dreg:$0x5] =	wrdreg s6  }
0xbb: {  	[dreg:$0x6] =	wrdreg s24  }
0xbc: {  	[dreg:$0x7] =	wrdreg s16  }
0xbd: {  	[dreg:$0x8] =	wrdreg s17  }
0xbe: {  	[dreg:$0x9] =	wrdreg $0x9  }
0xbf: {  	_ =	task.clear_ibuf [dreg:s12], $0xAFFFF;
	_ =	strace $0x90000046  }
0xc0: {  	s29 =	simm.s32 $0x9;
	_ =	strace $0x80000048  }
0xc1: {  	_ =	swait.ge [sflag:s29], $0x1  }
0xc2: {  	[sflag:s29] =	ssyncadd.s32 $0xFFFFFFFF  }
0xc3: {  	_ =	strace $0x90000048  }
0xc4: {  	_ =	sfence  }
0xc5: {  	s30 =	sld [smem:$0x0];
	_ =	sdelay $0x2  }
0xc6: {  	s31 =	sshll.u32 s1, $0xD;
	s1 =	sshrl.u32 s1, $0x2  }
0xc7: {  	s3 =	sand.u32 $0x4000, s31;
	s1 =	sadd.s32 s1, s30  }
0xc8: {  	s0 =	sor.u32 s3, s0;
	s1 =	sshll.u32 s1, $0x11  }
0xc9: {  	s0 =	sor.u32 s1, s0  }
0xca: {  	s0 =	sadd.s32 $0x8F2B, s0  }
0xcb: {  	[sflag:s0] =	ssyncadd.remote.s32 $0x1  }
0xcc: {  	_ =	sfence.sel $0xFFFF  }
0xcd: {  	[dreg:$0x0] =	wrdreg $0xFFFFFFFF;
	(pc) =	sbr.abs _section_cstart, $3  }
0xce: {  	[dreg:$0x1] =	wrdreg $0xFFFFFFFF  }
0xcf: {  	_ =	task.clear_ibuf [dreg:s12], $0x2FFFF;
	_ =	strace $0x9FFFFFFF  }
0xd0: {  	(tm) =	ssettm $0x7FFFFFFF  }
0xd1: {  	_ =	shalt  }
tec
execute0_lowered:
.L_overlay_start_1:
0x0: {  	(tag) =	ssettag $0x1  }
0x1: {  	s6 =	rddreg [dreg:$0x0]  }
0x2: {  	s1 =	rddreg [dreg:$0x1]  }
0x3: {  	s2 =	rddreg [dreg:$0x2]  }
0x4: {  	s3 =	rddreg [dreg:$0x3]  }
0x5: {  	s12 =	rddreg [dreg:$0x4]  }
0x6: {  	s13 =	rddreg [dreg:$0x5]  }
0x7: {  	s14 =	rddreg [dreg:$0x6];
	s5 =	srdreg.scid  }
0x8: {  	s0 =	rddreg [dreg:$0x7];
	s4 =	stileid.u32;
	s15 =	sand.u32 $0x1, s5  }
0x9: {  	s5 =	simm.s32 $0x0;
	s7 =	sshll.u32 s4, $0x7;
	s8 =	sshll.u32 s15, $0x6  }
0xa: {  	[smem:$0x7FF] =	sst s5;
	s16 =	sor.u32 s8, s7  }
0xb: {  	_ =	strace $0x80000047;
	s7 =	sadd.s32 s6, s16;
	s6 =	simm.s32 $0x2  }
0xc: {  	[tilespmem:s5], [sflag:$0x2] =	stream.linear.gather [hbm4b:s7+s5], $0x200, $0x38;
	[tilespmem:$0x800] =	vst v63  }
0xd: {  	_ =	swait.ge [sflag:s6], $0x200  }
0xe: {  	[sflag:s6] =	ssyncset.done $0x0  }
0xf: {  	s8 =	simm.s32 $0x200;
	[sflag:s6] =	ssyncadd.s32 $0xFFFFFE00  }
0x10: {  	[tilespmem:s8], [sflag:$0x1] =	stream.indirect.gather [hbm4b:s1+s8], $0x1, s5, s8, $0xb8;
	[tilespmem:$0x800] =	vst v63  }
0x11: {  	s9 =	simm.s32 $0x400  }
0x12: {  	[tilespmem:s9], [sflag:$0x1] =	stream.indirect.gather [hbm4b:s2+s8], $0x1, s5, s8, $0xb8;
	[tilespmem:$0x800] =	vst v63  }
0x13: {  	s10 =	simm.s32 $0x600;
	s11 =	simm.s32 $0x1  }
0x14: {  	[tilespmem:s10], [sflag:$0x1] =	stream.indirect.gather [hbm4b:s3+s8], $0x1, s5, s8, $0xb8;
	[tilespmem:$0x800] =	vst v63  }
0x15: {  	_ =	swait.ge [sflag:s11], $0x200  }
0x16: {  	[sflag:s11] =	ssyncset.done $0x0  }
0x17: {  	[sflag:s11] =	ssyncadd.s32 $0xFFFFFE00  }
0x18: {  	_ =	swait.ge [sflag:s11], $0x200  }
0x19: {  	[sflag:s11] =	ssyncset.done $0x0  }
0x1a: {  	[sflag:s11] =	ssyncadd.s32 $0xFFFFFE00  }
0x1b: {  	_ =	swait.ge [sflag:s11], $0x200  }
0x1c: {  	s12 =	sadd.s32 s16, s12;
	[sflag:s11] =	ssyncset.done $0x0  }
0x1d: {  	s15 =	ssub.s32 $0x2, s15;
	s12 =	sadd.s32 $0x1600, s12;
	[sflag:s11] =	ssyncadd.s32 $0xFFFFFE00  }
0x1e: {  	[hbm4b:s12+s5] =	stream.linear.scatter [tilespmem:s8], [sflag:$0x2], $0x200, $0x38;
	[tilespmem:$0x800] =	vst v63  }
0x1f: {  	s17 =	sshrl.u32 s15, $0x1;
	_ =	swait.ge [sflag:s6], $0x200  }
0x20: {  	s15 =	ssub.s32 s15, s17;
	[sflag:s6] =	ssyncset.done $0x0  }
0x21: {  	s13 =	sadd.s32 s13, s16;
	s15 =	smax.u32 s15, $0x1;
	[sflag:s6] =	ssyncadd.s32 $0xFFFFFE00  }
0x22: {  	[hbm4b:s13+s5] =	stream.linear.scatter [tilespmem:s9], [sflag:$0x2], $0x200, $0x38;
	[tilespmem:$0x800] =	vst v63  }
0x23: {  	p0 =	sne.s32 s15, $0x1;
	_ =	swait.ge [sflag:s6], $0x200  }
.Ltmp0:
0x24: {  	[sflag:s6] =	ssyncset.done $0x0;
	(pc) =	sbr.rel @!p0 .LBB2_2-.Ltmp0, $4  }
0x25: {  	s14 =	sadd.s32 s14, s16;
	[sflag:s6] =	ssyncadd.s32 $0xFFFFFE00  }
0x26: {  	[hbm4b:s14+s5] =	stream.linear.scatter [tilespmem:s10], [sflag:$0x2], $0x200, $0x38;
	[tilespmem:$0x800] =	vst v63  }
0x27: {  	_ =	swait.ge [sflag:s6], $0x200  }
0x28: {  	s15 =	sadd.s32 $0xFFFFFFFF, s15;
	[sflag:s6] =	ssyncset.done $0x0  }
.LBB2_1:
0x29: {  	p0 =	sne.s32 s15, $0x1;
	s15 =	sadd.s32 $0xFFFFFFFF, s15;
	[sflag:s6] =	ssyncadd.s32 $0xFFFFFE00  }
0x2a: {  	[tilespmem:s5], [sflag:$0x2] =	stream.linear.gather [hbm4b:s7+s5], $0x200, $0x38;
	[tilespmem:$0x800] =	vst v63  }
0x2b: {  	_ =	swait.ge [sflag:s6], $0x200  }
0x2c: {  	[sflag:s6] =	ssyncset.done $0x0  }
0x2d: {  	[sflag:s6] =	ssyncadd.s32 $0xFFFFFE00  }
0x2e: {  	[tilespmem:s8], [sflag:$0x1] =	stream.indirect.gather [hbm4b:s1+s8], $0x1, s5, s8, $0xb8;
	[tilespmem:$0x800] =	vst v63  }
0x2f: {  	_ = 	snop  }
0x30: {  	[tilespmem:s9], [sflag:$0x1] =	stream.indirect.gather [hbm4b:s2+s8], $0x1, s5, s8, $0xb8;
	[tilespmem:$0x800] =	vst v63  }
0x31: {  	_ = 	snop  }
0x32: {  	[tilespmem:s10], [sflag:$0x1] =	stream.indirect.gather [hbm4b:s3+s8], $0x1, s5, s8, $0xb8;
	[tilespmem:$0x800] =	vst v63  }
0x33: {  	_ =	swait.ge [sflag:s11], $0x200  }
0x34: {  	[sflag:s11] =	ssyncset.done $0x0  }
0x35: {  	[sflag:s11] =	ssyncadd.s32 $0xFFFFFE00  }
0x36: {  	_ =	swait.ge [sflag:s11], $0x200  }
0x37: {  	[sflag:s11] =	ssyncset.done $0x0  }
0x38: {  	[sflag:s11] =	ssyncadd.s32 $0xFFFFFE00  }
0x39: {  	_ =	swait.ge [sflag:s11], $0x200  }
0x3a: {  	[sflag:s11] =	ssyncset.done $0x0  }
0x3b: {  	[sflag:s11] =	ssyncadd.s32 $0xFFFFFE00  }
0x3c: {  	[hbm4b:s12+s5] =	stream.linear.scatter [tilespmem:s8], [sflag:$0x2], $0x200, $0x38;
	[tilespmem:$0x800] =	vst v63  }
0x3d: {  	_ =	swait.ge [sflag:s6], $0x200  }
0x3e: {  	[sflag:s6] =	ssyncset.done $0x0  }
0x3f: {  	[sflag:s6] =	ssyncadd.s32 $0xFFFFFE00  }
0x40: {  	[hbm4b:s13+s5] =	stream.linear.scatter [tilespmem:s9], [sflag:$0x2], $0x200, $0x38;
	[tilespmem:$0x800] =	vst v63  }
0x41: {  	_ =	swait.ge [sflag:s6], $0x200  }
.Ltmp1:
0x42: {  	[sflag:s6] =	ssyncset.done $0x0;
	(pc) =	sbr.rel @p0 .LBB2_1-.Ltmp1, $4  }
0x43: {  	[sflag:s6] =	ssyncadd.s32 $0xFFFFFE00  }
0x44: {  	[hbm4b:s14+s5] =	stream.linear.scatter [tilespmem:s10], [sflag:$0x2], $0x200, $0x38;
	[tilespmem:$0x800] =	vst v63  }
0x45: {  	_ =	swait.ge [sflag:s6], $0x200  }
0x46: {  	[sflag:s6] =	ssyncset.done $0x0  }
.LBB2_2:
0x47: {  	[sflag:s6] =	ssyncadd.s32 $0xFFFFFE00  }
0x48: {  	_ =	sfence.sel $0x180000  }
0x49: {  	[bflag:$0x0] =	sbarrier.arrive $0xFFFF  }
0x4a: {  	p0 =	sne.s32 s4, $0x0;
	_ =	strace $0x90000047  }
0x4b: {  	s0 =	sadd.s32 @!p0 $0x100000, s0;
	[bflag:$0x2] =	sbarrier.arrive $0xFFFF  }
0x4c: {  	[sflag:s0] =	ssyncadd.tile.s32 @!p0 $0x1;
	_ =	shalt  }
.Lfunc_end2:
_tile_overlayer_lowered:
.L_overlay_start_2:
0x4d: {  	(tag) =	ssettag $0x2  }
0x4e: {  	s0 =	rddreg [dreg:$0x0];
	s2 =	stileid.u32  }
0x4f: {  	s1 =	rddreg [dreg:$0x1];
	p0 =	sne.s32 s2, $0x0  }
0x50: {  	s3 =	rddreg [dreg:$0x2];
	[bflag:$0x3] =	sbarrier.arrive $0xFFFF;
	s2 =	simm.s32 @!p0 $0x1C02  }
0x51: {  	[timem:s3], [sflag:s2] =	dma.local @!p0 [hbm:s0], s1  }
0x52: {  	s0 =	simm.s32 @!p0 $0x2  }
0x53: {  	_ =	swait.ge @!p0 [sflag:s0], s1  }
0x54: {  	s1 =	ssub.s32 @!p0 $0x0, s1;
	[sflag:s0] =	ssyncset.done @!p0 $0x0  }
0x55: {  	[sflag:s0] =	ssyncadd.s32 @!p0 s1  }
0x56: {  	[bflag:$0x3] =	sbarrier.arrive $0xFFFF  }
0x57: {  	_ =	shalt  }

// kernel: kernel.8.cloned.1.call-start
scs
__scs_entry_jumppad:
0x0: {  	(pc) =	sbr.rel $0x88, $3  }
0x1: {  	(tag) =	ssettag $0x0;
	lr =	simm.s32 $0x1  }
0x2: {  	[smem:$0x3F99] =	sst lr;
	_ =	strace $0xD0000000  }
0x3: {  	_ = 	snop  }
0x4: {  	_ = 	snop  }
0x5: {  	_ = 	snop  }
0x6: {  	_ = 	snop  }
0x7: {  	_ = 	snop  }
__scs_overlays_trampoline_lowered:
0x8: {  	[smem:$0x3FA8] =	sst s0  }
0x9: {  	[smem:$0x3FA9] =	sst s1  }
0xa: {  	[smem:$0x3FAA] =	sst s2  }
0xb: {  	[smem:$0x3FAB] =	sst s3  }
0xc: {  	[smem:$0x3FAC] =	sst s4  }
0xd: {  	[smem:$0x3FAD] =	sst s5  }
0xe: {  	[smem:$0x3FAE] =	sst s6  }
0xf: {  	[smem:$0x3FAF] =	sst s7  }
0x10: {  	[smem:$0x3FB0] =	sst s8  }
0x11: {  	[smem:$0x3FB1] =	sst s9;
	s0 =	simm.s32 @!p0 $0x0  }
0x12: {  	s1 =	sld [smem:$0x3F97];
	s0 =	simm.s32 @p0 $0x1  }
0x13: {  	[smem:$0x3FB2] =	sst s0;
	s0 =	simm.s32 @!p1 $0x0  }
0x14: {  	s2 =	sld [smem:$0x3F96];
	s0 =	simm.s32 @p1 $0x1  }
0x15: {  	[smem:$0x3FB3] =	sst s0;
	s0 =	simm.s32 @!p2 $0x0  }
0x16: {  	s3 =	sld [smem:$0x3FDB];
	s0 =	simm.s32 @p2 $0x1  }
0x17: {  	s4 =	simm.s32 $0x1BF5;
	[smem:$0x3FB5] =	sst s0  }
0x18: {  	s0 =	sld [smem:$0x3F98];
	_ =	swait.ge [sflag:s4], $0x0  }
0x19: {  	s7 =	sld [smem:$0x3F99]  }
0x1a: {  	s8 =	sadd.s32 $0xFFFFE003, lr  }
0x1b: {  	s9 =	sadd.s32 $0xFFFFFEF7, lr;
	s5 =	simm.s32 $0xFFFFFFFF;
	p2 =	slt.u32 s8, $0xFFFFF086  }
0x1c: {  	p1 =	slt.u32 s9, $0xF7A;
	s5 =	simm.s32 @!p2 $0x0  }
0x1d: {  	s5 =	simm.s32 @p1 $0x1;
	p0 =	seq.s32 s7, s2  }
0x1e: {  	s7 =	smul.u32 @!p0 $0xF7A, s2;
	p2 =	seq.s32 @!p0 s5, $0x0  }
0x1f: {  	s9 =	smul.u32 $0xF7A, s1;
	s8 =	simm.s32 @!p0 $0x1BF5;
	p2 =	por !p2, p0  }
0x20: {  	[sflag:s8] =	ssyncset.s32 @!p0 $0xFFFFF086;
	s6 =	sadd.s32 @!p0 s3, s7;
	s7 =	simm.s32 @!p0 $0x108  }
0x21: {  	s3 =	sadd.s32 s3, s9;
	s6 =	sadd.s32 @!p0 $0x88, s6;
	s7 =	simm.s32 @p2 $0x1082  }
0x22: {  	[simem:s7], [sflag:s8] =	dma.local @!p0 [hbm:s6], $0xF7A  }
0x23: {  	s9 =	sor.u32 $0xD0000000, s2;
	s6 =	simm.s32 $0x108;
	_ =	swait.ge @!p0 [sflag:s8], $0x0  }
0x24: {  	s3 =	sadd.s32 $0x88, s3;
	s6 =	simm.s32 @!p1 $0x1082;
	[sflag:s4] =	ssyncset.s32 $0xFFFFF086  }
0x25: {  	[simem:s6], [sflag:s4] =	dma.local [hbm:s3], $0xF7A  }
0x26: {  	[smem:$0x3F99] =	sst s1;
	(tag) =	ssettag s2;
	_ =	strace s9  }
0x27: {  	s1 =	sld [smem:$0x3FA9]  }
0x28: {  	s2 =	sld [smem:$0x3FAA]  }
0x29: {  	s4 =	sld [smem:$0x3FAC]  }
0x2a: {  	p0 =	seq.s32 s5, $0x0;
	s5 =	sld [smem:$0x3FAD]  }
0x2b: {  	s6 =	sld [smem:$0x3FAE]  }
0x2c: {  	s7 =	sld [smem:$0x3FAF]  }
0x2d: {  	s3 =	simm.s32 $0x108;
	s8 =	sld [smem:$0x3FB0]  }
0x2e: {  	s3 =	simm.s32 @!p0 $0x1082;
	s9 =	sld [smem:$0x3FB1]  }
0x2f: {  	lr =	sadd.s32 s0, s3;
	s0 =	sld [smem:$0x3FA8]  }
0x30: {  	s3 =	sld [smem:$0x3FAB]  }
0x31: {  	[smem:$0x3FB4] =	sst s10  }
0x32: {  	s10 =	sld [smem:$0x3FB2];
	_ =	sdelay $0x3  }
0x33: {  	p0 =	seq.s32 s10, $0x1;
	s10 =	sld [smem:$0x3FB4];
	_ =	sdelay $0x3  }
0x34: {  	[smem:$0x3FB4] =	sst s10  }
0x35: {  	s10 =	sld [smem:$0x3FB3];
	_ =	sdelay $0x3  }
0x36: {  	p1 =	seq.s32 s10, $0x1;
	s10 =	sld [smem:$0x3FB4];
	_ =	sdelay $0x3  }
0x37: {  	[smem:$0x3FB4] =	sst s10  }
0x38: {  	s10 =	sld [smem:$0x3FB5]  }
0x39: {  	_ = 	snop;
	(pc) =	sbr.ind lr, $3  }
0x3a: {  	_ = 	snop  }
0x3b: {  	_ = 	snop  }
0x3c: {  	p2 =	seq.s32 s10, $0x1;
	s10 =	sld [smem:$0x3FB4]  }
0x3d: {  	_ =	shalt  }
0x3e: {  	_ =	shalt  }
0x3f: {  	_ =	shalt  }
0x40: {  	_ =	shalt  }
0x41: {  	_ =	shalt  }
0x42: {  	_ =	shalt  }
0x43: {  	_ =	shalt  }
0x44: {  	_ =	shalt  }
0x45: {  	_ =	shalt  }
0x46: {  	_ =	shalt  }
0x47: {  	_ =	shalt  }
0x48: {  	_ =	shalt  }
0x49: {  	_ =	shalt  }
0x4a: {  	_ =	shalt  }
0x4b: {  	_ =	shalt  }
0x4c: {  	_ =	shalt  }
0x4d: {  	_ =	shalt  }
0x4e: {  	_ =	shalt  }
0x4f: {  	_ =	shalt  }
0x50: {  	_ =	shalt  }
0x51: {  	_ =	shalt  }
0x52: {  	_ =	shalt  }
0x53: {  	_ =	shalt  }
0x54: {  	_ =	shalt  }
0x55: {  	_ =	shalt  }
0x56: {  	_ =	shalt  }
0x57: {  	_ =	shalt  }
0x58: {  	_ =	shalt  }
0x59: {  	_ =	shalt  }
0x5a: {  	_ =	shalt  }
0x5b: {  	_ =	shalt  }
0x5c: {  	_ =	shalt  }
0x5d: {  	_ =	shalt  }
0x5e: {  	_ =	shalt  }
0x5f: {  	_ =	shalt  }
0x60: {  	_ =	shalt  }
0x61: {  	_ =	shalt  }
0x62: {  	_ =	shalt  }
0x63: {  	_ =	shalt  }
0x64: {  	_ =	shalt  }
0x65: {  	_ =	shalt  }
0x66: {  	_ =	shalt  }
0x67: {  	_ =	shalt  }
0x68: {  	_ =	shalt  }
0x69: {  	_ =	shalt  }
0x6a: {  	_ =	shalt  }
0x6b: {  	_ =	shalt  }
0x6c: {  	_ =	shalt  }
0x6d: {  	_ =	shalt  }
0x6e: {  	_ =	shalt  }
0x6f: {  	_ =	shalt  }
0x70: {  	_ =	shalt  }
0x71: {  	_ =	shalt  }
0x72: {  	_ =	shalt  }
0x73: {  	_ =	shalt  }
0x74: {  	_ =	shalt  }
0x75: {  	_ =	shalt  }
0x76: {  	_ =	shalt  }
0x77: {  	_ =	shalt  }
0x78: {  	_ =	shalt  }
0x79: {  	_ =	shalt  }
0x7a: {  	_ =	shalt  }
0x7b: {  	_ =	shalt  }
0x7c: {  	_ =	shalt  }
0x7d: {  	_ =	shalt  }
0x7e: {  	_ =	shalt  }
0x7f: {  	_ =	shalt  }
0x80: {  	_ =	shalt  }
0x81: {  	_ =	shalt  }
0x82: {  	_ =	shalt  }
0x83: {  	_ =	shalt  }
0x84: {  	_ =	shalt  }
0x85: {  	_ =	shalt  }
0x86: {  	_ =	shalt  }
0x87: {  	_ =	shalt  }
.Lfunc_end0:
.L_simem_size_0:
called_computation.1_lowered:
.L_overlay_start_0:
0x88: {  	s2 =	sld [smem:$0x3FD9]  }
0x89: {  	s3 =	sld [smem:$0x3FFE];
	_ =	sdelay $0x1  }
0x8a: {  	s1 =	srdreg.scid  }
0x8b: {  	s0 =	sand.u32 $0x1, s1  }
0x8c: {  	s14 =	sshll.u32 s0, $0xA;
	s2 =	sadd.s32 s3, s2  }
0x8d: {  	s2 =	sadd.s32 s2, s14  }
0x8e: {  	[smem:$0x3FC0] =	sst s2  }
0x8f: {  	_ = 	snop  }
0x90: {  	s2 =	sld [smem:$0x3FD0];
	_ =	sdelay $0x2  }
0x91: {  	s15 =	simm.s32 $0xA;
	s4 =	simm.s32 $0x10  }
0x92: {  	[smem:s4], [sflag:s15] =	dma.local [hbm:s2], $0x1  }
0x93: {  	_ =	swait.eq [sflag:s15], $0x1  }
0x94: {  	[sflag:s15] =	ssyncset.done $0x0  }
0x95: {  	[sflag:s15] =	ssyncadd.s32 $0xFFFFFFFF  }
0x96: {  	s16 =	sld [smem:$0x10];
	(tm) =	ssettm $0x1  }
0x97: {  	s17 =	sld [smem:$0x3FFB];
	_ =	sdelay $0x3  }
0x98: {  	_ =	strace s17  }
0x99: {  	s3 =	sld [smem:$0x3FFC];
	_ =	sdelay $0x3  }
0x9a: {  	_ =	strace s3  }
0x9b: {  	s3 =	sld [smem:$0x3FFD];
	_ =	sdelay $0x3  }
0x9c: {  	_ =	strace s3  }
0x9d: {  	_ =	strace $0x8FFFFFFF  }
0x9e: {  	s18 =	sld [smem:$0x3FDB];
	_ =	sdelay $0x1  }
0x9f: {  	s19 =	simm.s32 $_scs_section_size  }
0xa0: {  	s5 =	simm.s32 $_size__tile_overlayer_lowered;
	s6 =	simm.s32 $_tile_overlayer_lowered  }
0xa1: {  	s22 =	simm.s32 $0x1BFF;
	s21 =	sshll.u32 s6, $0x1;
	s3 =	sadd.s32 s19, s18  }
0xa2: {  	s7 =	simm.s32 $0x0;
	s20 =	sshll.u32 s5, $0x1;
	s5 =	sadd.s32 s21, s3  }
0xa3: {  	[timem:s7], [sflag:s22] =	dma.local [hbm:s5], s20  }
0xa4: {  	_ =	swait.ge [sflag:s22], s20  }
0xa5: {  	s4 =	ssub.s32 $0x0, s20;
	[sflag:s22] =	ssyncset.done $0x0  }
0xa6: {  	[sflag:s22] =	ssyncadd.s32 s4;
	_ =	sdelay $0x1  }
0xa7: {  	s23 =	simm.s32 $0x1B8B  }
0xa8: {  	_ =	swait.ge [sflag:s23], $0x1  }
0xa9: {  	[sflag:s23] =	ssyncset.done $0x0  }
0xaa: {  	s25 =	simm.s32 $0x1B8E;
	s24 =	sld [smem:$0x3FFE];
	[sflag:s23] =	ssyncadd.s32 $0xFFFFFFFF  }
0xab: {  	s26 =	simm.s32 $execute0_lowered;
	[smem:$0x3FD2] =	sst s25  }
0xac: {  	s5 =	sshll.u32 s26, $0x1;
	_ =	strace $0x80000049;
	[dreg:$0x1] =	wrdreg $0xFFFFFFFF  }
0xad: {  	s28 =	simm.s32 $_size_execute0_lowered;
	s3 =	sadd.s32 s3, s5;
	[dreg:$0x0] =	wrdreg $0x0  }
0xae: {  	s5 =	sshll.u32 s28, $0x1;
	[dreg:$0x2] =	wrdreg s3  }
0xaf: {  	[dreg:$0x3] =	wrdreg s5  }
0xb0: {  	[dreg:$0x4] =	wrdreg $0xC0  }
0xb1: {  	_ =	task [dreg:s7], $0x5FFFF  }
0xb2: {  	[dreg:$0x1] =	wrdreg $0xFFFFFFFF  }
0xb3: {  	[dreg:$0x0] =	wrdreg $0x60  }
0xb4: {  	[dreg:$0x2] =	wrdreg s24  }
0xb5: {  	[dreg:$0x3] =	wrdreg s16  }
0xb6: {  	[dreg:$0x4] =	wrdreg $0x9  }
0xb7: {  	_ =	task.clear_ibuf [dreg:s7], $0x5FFFF;
	_ =	strace $0x90000049  }
0xb8: {  	s29 =	simm.s32 $0x9;
	_ =	strace $0x8000004B  }
0xb9: {  	_ =	swait.ge [sflag:s29], $0x1  }
0xba: {  	[sflag:s29] =	ssyncadd.s32 $0xFFFFFFFF  }
0xbb: {  	_ =	strace $0x9000004B  }
0xbc: {  	_ =	sfence  }
0xbd: {  	s30 =	sld [smem:$0x0];
	_ =	sdelay $0x2  }
0xbe: {  	s31 =	sshll.u32 s1, $0xD;
	s1 =	sshrl.u32 s1, $0x2  }
0xbf: {  	s3 =	sand.u32 $0x4000, s31;
	s1 =	sadd.s32 s1, s30  }
0xc0: {  	s0 =	sor.u32 s3, s0;
	s1 =	sshll.u32 s1, $0x11  }
0xc1: {  	s0 =	sor.u32 s1, s0  }
0xc2: {  	s0 =	sadd.s32 $0x8F2B, s0  }
0xc3: {  	[sflag:s0] =	ssyncadd.remote.s32 $0x1  }
0xc4: {  	_ =	sfence.sel $0xFFFF  }
0xc5: {  	[dreg:$0x0] =	wrdreg $0xFFFFFFFF;
	(pc) =	sbr.abs _section_cstart, $3  }
0xc6: {  	[dreg:$0x1] =	wrdreg $0xFFFFFFFF  }
0xc7: {  	_ =	task.clear_ibuf [dreg:s7], $0x2FFFF;
	_ =	strace $0x9FFFFFFF  }
0xc8: {  	(tm) =	ssettm $0x7FFFFFFF  }
0xc9: {  	_ =	shalt  }
tec
execute0_lowered:
.L_overlay_start_1:
0x0: {  	(tag) =	ssettag $0x1  }
0x1: {  	s0 =	rddreg [dreg:$0x0]  }
0x2: {  	s1 =	srdreg.scid;
	s2 =	stileid.u32  }
0x3: {  	s4 =	rddreg [dreg:$0x1];
	s1 =	sand.u32 $0x1, s1;
	s3 =	sshll.u32 s2, $0x1  }
0x4: {  	s8 =	simm.s32 $0x0;
	s2 =	simm.s32 $0x0;
	s5 =	sor.u32 s1, s3  }
0x5: {  	[smem:$0x7FF] =	sst s2;
	s1 =	ssub.s32 $0x2, s1;
	s3 =	sshll.u32 s5, $0xB  }
0x6: {  	_ =	strace $0x8000004A;
	s5 =	sshll.u32 s5, $0x6;
	s7 =	sshrl.u32 s1, $0x1  }
0x7: {  	s6 =	sadd.s32 s3, s0;
	s3 =	sadd.s32 $0x1E00, s0;
	s0 =	sadd.s32 s5, s0  }
0x8: {  	s7 =	ssub.s32 s1, s7;
	s19 =	sadd.s32 $0x65E00, s6;
	s20 =	sadd.s32 $0x75E00, s0  }
0x9: {  	s21 =	sadd.s32 $0x76600, s0;
	s22 =	sadd.s32 $0x76E00, s0;
	s23 =	sadd.s32 $0x77600, s0  }
0xa: {  	s24 =	sadd.s32 $0x77E00, s0;
	s25 =	sadd.s32 $0x78600, s0;
	[dreg:$0x3] =	wrdreg s19  }
0xb: {  	s26 =	sadd.s32 $0x78E00, s0;
	s12 =	sadd.s32 $0x79600, s0;
	[dreg:$0x4] =	wrdreg s20  }
0xc: {  	s13 =	sadd.s32 $0x79E00, s0;
	s14 =	sadd.s32 $0x7A600, s0;
	[dreg:$0x5] =	wrdreg s21  }
0xd: {  	s15 =	sadd.s32 $0x7AE00, s0;
	s16 =	sadd.s32 $0x7B600, s0;
	[dreg:$0x6] =	wrdreg s22  }
0xe: {  	s17 =	sadd.s32 $0x7BE00, s0;
	s18 =	sadd.s32 $0x7C600, s0;
	[dreg:$0x7] =	wrdreg s23  }
0xf: {  	s28 =	sadd.s32 $0x80600, s0;
	s29 =	sadd.s32 $0x80E00, s0;
	[dreg:$0x8] =	wrdreg s24  }
0x10: {  	s30 =	sadd.s32 $0x81600, s0;
	s31 =	sadd.s32 $0x81E00, s0;
	[dreg:$0x9] =	wrdreg s25  }
0x11: {  	s1 =	sadd.s32 $0x1600, s0;
	s6 =	simm.s32 $0x1;
	[dreg:$0xa] =	wrdreg s26  }
0x12: {  	s19 =	sadd.s32 $0x7CE00, s0;
	s20 =	sadd.s32 $0x7D600, s0;
	s21 =	sadd.s32 $0x7DE00, s0  }
0x13: {  	s22 =	sadd.s32 s4, s5;
	s23 =	sadd.s32 $0x7E600, s0;
	s24 =	sadd.s32 $0x7EE00, s0  }
0x14: {  	s25 =	sadd.s32 $0x7F600, s0;
	s26 =	sadd.s32 $0x7FE00, s0;
	s0 =	smax.u32 s7, $0x1  }
0x15: {  	s4 =	simm.s32 $0x3;
	s5 =	simm.s32 $0x200;
	s7 =	simm.s32 $0x2  }
.LBB2_1:
0x16: {  	s9 =	rddreg [dreg:$0x3]  }
0x17: {  	[tilespmem:s2], [sflag:$0x3] =	stream.linear.gather [hbm4b:s9+s2], $0x3200, $0x38;
	[tilespmem:$0x9A00] =	vst v63  }
0x18: {  	_ =	swait.ge [sflag:s4], $0x3200  }
0x19: {  	[sflag:s4] =	ssyncset.done $0x0  }
0x1a: {  	s10 =	simm.s32 $0x6400;
	[sflag:s4] =	ssyncadd.s32 $0xFFFFCE00  }
0x1b: {  	[tilespmem:s10], [sflag:$0x1] =	stream.indirect.gather [hbm4b:s3+s5], $0x1, s2, s5, $0xb8;
	[tilespmem:$0x9A00] =	vst v63  }
0x1c: {  	s11 =	rddreg [dreg:$0x4];
	s10 =	simm.s32 $0x3200  }
0x1d: {  	[tilespmem:s10], [sflag:$0x2] =	stream.linear.gather [hbm4b:s11+s2], $0x200, $0x38;
	[tilespmem:$0x9A00] =	vst v63  }
0x1e: {  	s11 =	simm.s32 $0x6600  }
0x1f: {  	[tilespmem:s11], [sflag:$0x1] =	stream.indirect.gather [hbm4b:s3+s5], $0x1, s5, s5, $0xb8;
	[tilespmem:$0x9A00] =	vst v63  }
0x20: {  	s10 =	rddreg [dreg:$0x5];
	s11 =	simm.s32 $0x3400  }
0x21: {  	[tilespmem:s11], [sflag:$0x2] =	stream.linear.gather [hbm4b:s10+s2], $0x200, $0x38;
	[tilespmem:$0x9A00] =	vst v63  }
0x22: {  	s10 =	simm.s32 $0x400;
	s11 =	simm.s32 $0x6800  }
0x23: {  	[tilespmem:s11], [sflag:$0x1] =	stream.indirect.gather [hbm4b:s3+s5], $0x1, s10, s5, $0xb8;
	[tilespmem:$0x9A00] =	vst v63  }
0x24: {  	s10 =	rddreg [dreg:$0x6];
	s11 =	simm.s32 $0x3600  }
0x25: {  	[tilespmem:s11], [sflag:$0x2] =	stream.linear.gather [hbm4b:s10+s2], $0x200, $0x38;
	[tilespmem:$0x9A00] =	vst v63  }
0x26: {  	s10 =	simm.s32 $0x600;
	s11 =	simm.s32 $0x6A00  }
0x27: {  	[tilespmem:s11], [sflag:$0x1] =	stream.indirect.gather [hbm4b:s3+s5], $0x1, s10, s5, $0xb8;
	[tilespmem:$0x9A00] =	vst v63  }
0x28: {  	s10 =	rddreg [dreg:$0x7];
	s11 =	simm.s32 $0x3800  }
0x29: {  	[tilespmem:s11], [sflag:$0x2] =	stream.linear.gather [hbm4b:s10+s2], $0x200, $0x38;
	[tilespmem:$0x9A00] =	vst v63  }
0x2a: {  	s10 =	simm.s32 $0x800;
	s11 =	simm.s32 $0x6C00  }
0x2b: {  	[tilespmem:s11], [sflag:$0x1] =	stream.indirect.gather [hbm4b:s3+s5], $0x1, s10, s5, $0xb8;
	[tilespmem:$0x9A00] =	vst v63  }
0x2c: {  	s10 =	rddreg [dreg:$0x8];
	s11 =	simm.s32 $0x3A00  }
0x2d: {  	[tilespmem:s11], [sflag:$0x2] =	stream.linear.gather [hbm4b:s10+s2], $0x200, $0x38;
	[tilespmem:$0x9A00] =	vst v63  }
0x2e: {  	s10 =	simm.s32 $0xA00;
	s11 =	simm.s32 $0x6E00  }
0x2f: {  	[tilespmem:s11], [sflag:$0x1] =	stream.indirect.gather [hbm4b:s3+s5], $0x1, s10, s5, $0xb8;
	[tilespmem:$0x9A00] =	vst v63  }
0x30: {  	s10 =	rddreg [dreg:$0x9];
	s11 =	simm.s32 $0x3C00  }
0x31: {  	[tilespmem:s11], [sflag:$0x2] =	stream.linear.gather [hbm4b:s10+s2], $0x200, $0x38;
	[tilespmem:$0x9A00] =	vst v63  }
0x32: {  	s10 =	simm.s32 $0xC00;
	s11 =	simm.s32 $0x7000  }
0x33: {  	[tilespmem:s11], [sflag:$0x1] =	stream.indirect.gather [hbm4b:s3+s5], $0x1, s10, s5, $0xb8;
	[tilespmem:$0x9A00] =	vst v63  }
0x34: {  	s10 =	rddreg [dreg:$0xa];
	s11 =	simm.s32 $0x3E00  }
0x35: {  	[tilespmem:s11], [sflag:$0x2] =	stream.linear.gather [hbm4b:s10+s2], $0x200, $0x38;
	[tilespmem:$0x9A00] =	vst v63  }
0x36: {  	s10 =	simm.s32 $0xE00;
	s11 =	simm.s32 $0x7200  }
0x37: {  	[tilespmem:s11], [sflag:$0x1] =	stream.indirect.gather [hbm4b:s3+s5], $0x1, s10, s5, $0xb8;
	[tilespmem:$0x9A00] =	vst v63  }
0x38: {  	s11 =	simm.s32 $0x4000  }
0x39: {  	[tilespmem:s11], [sflag:$0x2] =	stream.linear.gather [hbm4b:s12+s2], $0x200, $0x38;
	[tilespmem:$0x9A00] =	vst v63  }
0x3a: {  	s10 =	simm.s32 $0x1000;
	s11 =	simm.s32 $0x7400  }
0x3b: {  	[tilespmem:s11], [sflag:$0x1] =	stream.indirect.gather [hbm4b:s3+s5], $0x1, s10, s5, $0xb8;
	[tilespmem:$0x9A00] =	vst v63  }
0x3c: {  	s11 =	simm.s32 $0x4200  }
0x3d: {  	[tilespmem:s11], [sflag:$0x2] =	stream.linear.gather [hbm4b:s13+s2], $0x200, $0x38;
	[tilespmem:$0x9A00] =	vst v63  }
0x3e: {  	s10 =	simm.s32 $0x1200;
	s11 =	simm.s32 $0x7600  }
0x3f: {  	[tilespmem:s11], [sflag:$0x1] =	stream.indirect.gather [hbm4b:s3+s5], $0x1, s10, s5, $0xb8;
	[tilespmem:$0x9A00] =	vst v63  }
0x40: {  	s11 =	simm.s32 $0x4400  }
0x41: {  	[tilespmem:s11], [sflag:$0x2] =	stream.linear.gather [hbm4b:s14+s2], $0x200, $0x38;
	[tilespmem:$0x9A00] =	vst v63  }
0x42: {  	s10 =	simm.s32 $0x1400;
	s11 =	simm.s32 $0x7800  }
0x43: {  	[tilespmem:s11], [sflag:$0x1] =	stream.indirect.gather [hbm4b:s3+s5], $0x1, s10, s5, $0xb8;
	[tilespmem:$0x9A00] =	vst v63  }
0x44: {  	s11 =	simm.s32 $0x4600  }
0x45: {  	[tilespmem:s11], [sflag:$0x2] =	stream.linear.gather [hbm4b:s15+s2], $0x200, $0x38;
	[tilespmem:$0x9A00] =	vst v63  }
0x46: {  	s10 =	simm.s32 $0x1600;
	s11 =	simm.s32 $0x7A00  }
0x47: {  	[tilespmem:s11], [sflag:$0x1] =	stream.indirect.gather [hbm4b:s3+s5], $0x1, s10, s5, $0xb8;
	[tilespmem:$0x9A00] =	vst v63  }
0x48: {  	s11 =	simm.s32 $0x4800  }
0x49: {  	[tilespmem:s11], [sflag:$0x2] =	stream.linear.gather [hbm4b:s16+s2], $0x200, $0x38;
	[tilespmem:$0x9A00] =	vst v63  }
0x4a: {  	s10 =	simm.s32 $0x1800;
	s11 =	simm.s32 $0x7C00  }
0x4b: {  	[tilespmem:s11], [sflag:$0x1] =	stream.indirect.gather [hbm4b:s3+s5], $0x1, s10, s5, $0xb8;
	[tilespmem:$0x9A00] =	vst v63  }
0x4c: {  	s11 =	simm.s32 $0x4A00  }
0x4d: {  	[tilespmem:s11], [sflag:$0x2] =	stream.linear.gather [hbm4b:s17+s2], $0x200, $0x38;
	[tilespmem:$0x9A00] =	vst v63  }
0x4e: {  	s10 =	simm.s32 $0x1A00;
	s11 =	simm.s32 $0x7E00  }
0x4f: {  	[tilespmem:s11], [sflag:$0x1] =	stream.indirect.gather [hbm4b:s3+s5], $0x1, s10, s5, $0xb8;
	[tilespmem:$0x9A00] =	vst v63  }
0x50: {  	s11 =	simm.s32 $0x4C00  }
0x51: {  	[tilespmem:s11], [sflag:$0x2] =	stream.linear.gather [hbm4b:s18+s2], $0x200, $0x38;
	[tilespmem:$0x9A00] =	vst v63  }
0x52: {  	s10 =	simm.s32 $0x1C00;
	s11 =	simm.s32 $0x8000  }
0x53: {  	[tilespmem:s11], [sflag:$0x1] =	stream.indirect.gather [hbm4b:s3+s5], $0x1, s10, s5, $0xb8;
	[tilespmem:$0x9A00] =	vst v63  }
0x54: {  	s11 =	simm.s32 $0x4E00  }
0x55: {  	[tilespmem:s11], [sflag:$0x2] =	stream.linear.gather [hbm4b:s19+s2], $0x200, $0x38;
	[tilespmem:$0x9A00] =	vst v63  }
0x56: {  	s10 =	simm.s32 $0x1E00;
	s11 =	simm.s32 $0x8200  }
0x57: {  	[tilespmem:s11], [sflag:$0x1] =	stream.indirect.gather [hbm4b:s3+s5], $0x1, s10, s5, $0xb8;
	[tilespmem:$0x9A00] =	vst v63  }
0x58: {  	s11 =	simm.s32 $0x5000  }
0x59: {  	[tilespmem:s11], [sflag:$0x2] =	stream.linear.gather [hbm4b:s20+s2], $0x200, $0x38;
	[tilespmem:$0x9A00] =	vst v63  }
0x5a: {  	s10 =	simm.s32 $0x2000;
	s11 =	simm.s32 $0x8400  }
0x5b: {  	[tilespmem:s11], [sflag:$0x1] =	stream.indirect.gather [hbm4b:s3+s5], $0x1, s10, s5, $0xb8;
	[tilespmem:$0x9A00] =	vst v63  }
0x5c: {  	s11 =	simm.s32 $0x5200  }
0x5d: {  	[tilespmem:s11], [sflag:$0x2] =	stream.linear.gather [hbm4b:s21+s2], $0x200, $0x38;
	[tilespmem:$0x9A00] =	vst v63  }
0x5e: {  	s10 =	simm.s32 $0x2200;
	s11 =	simm.s32 $0x8600  }
0x5f: {  	[tilespmem:s11], [sflag:$0x1] =	stream.indirect.gather [hbm4b:s3+s5], $0x1, s10, s5, $0xb8;
	[tilespmem:$0x9A00] =	vst v63  }
0x60: {  	s11 =	simm.s32 $0x5400  }
0x61: {  	[tilespmem:s11], [sflag:$0x2] =	stream.linear.gather [hbm4b:s23+s2], $0x200, $0x38;
	[tilespmem:$0x9A00] =	vst v63  }
0x62: {  	s10 =	simm.s32 $0x2400;
	s11 =	simm.s32 $0x8800  }
0x63: {  	[tilespmem:s11], [sflag:$0x1] =	stream.indirect.gather [hbm4b:s3+s5], $0x1, s10, s5, $0xb8;
	[tilespmem:$0x9A00] =	vst v63  }
0x64: {  	s11 =	simm.s32 $0x5600  }
0x65: {  	[tilespmem:s11], [sflag:$0x2] =	stream.linear.gather [hbm4b:s24+s2], $0x200, $0x38;
	[tilespmem:$0x9A00] =	vst v63  }
0x66: {  	s10 =	simm.s32 $0x2600;
	s11 =	simm.s32 $0x8A00  }
0x67: {  	[tilespmem:s11], [sflag:$0x1] =	stream.indirect.gather [hbm4b:s3+s5], $0x1, s10, s5, $0xb8;
	[tilespmem:$0x9A00] =	vst v63  }
0x68: {  	s11 =	simm.s32 $0x5800  }
0x69: {  	[tilespmem:s11], [sflag:$0x2] =	stream.linear.gather [hbm4b:s25+s2], $0x200, $0x38;
	[tilespmem:$0x9A00] =	vst v63  }
0x6a: {  	s10 =	simm.s32 $0x2800;
	s11 =	simm.s32 $0x8C00  }
0x6b: {  	[tilespmem:s11], [sflag:$0x1] =	stream.indirect.gather [hbm4b:s3+s5], $0x1, s10, s5, $0xb8;
	[tilespmem:$0x9A00] =	vst v63  }
0x6c: {  	s11 =	simm.s32 $0x5A00  }
0x6d: {  	[tilespmem:s11], [sflag:$0x2] =	stream.linear.gather [hbm4b:s26+s2], $0x200, $0x38;
	[tilespmem:$0x9A00] =	vst v63  }
0x6e: {  	s10 =	simm.s32 $0x2A00;
	s11 =	simm.s32 $0x8E00  }
0x6f: {  	[tilespmem:s11], [sflag:$0x1] =	stream.indirect.gather [hbm4b:s3+s5], $0x1, s10, s5, $0xb8;
	[tilespmem:$0x9A00] =	vst v63  }
0x70: {  	s11 =	simm.s32 $0x5C00  }
0x71: {  	[tilespmem:s11], [sflag:$0x2] =	stream.linear.gather [hbm4b:s28+s2], $0x200, $0x38;
	[tilespmem:$0x9A00] =	vst v63  }
0x72: {  	s10 =	simm.s32 $0x2C00;
	s11 =	simm.s32 $0x9000  }
0x73: {  	[tilespmem:s11], [sflag:$0x1] =	stream.indirect.gather [hbm4b:s3+s5], $0x1, s10, s5, $0xb8;
	[tilespmem:$0x9A00] =	vst v63  }
0x74: {  	s11 =	simm.s32 $0x5E00  }
0x75: {  	[tilespmem:s11], [sflag:$0x2] =	stream.linear.gather [hbm4b:s29+s2], $0x200, $0x38;
	[tilespmem:$0x9A00] =	vst v63  }
0x76: {  	s10 =	simm.s32 $0x2E00;
	s11 =	simm.s32 $0x9200  }
0x77: {  	[tilespmem:s11], [sflag:$0x1] =	stream.indirect.gather [hbm4b:s3+s5], $0x1, s10, s5, $0xb8;
	[tilespmem:$0x9A00] =	vst v63  }
0x78: {  	s11 =	simm.s32 $0x6000  }
0x79: {  	[tilespmem:s11], [sflag:$0x2] =	stream.linear.gather [hbm4b:s30+s2], $0x200, $0x38;
	[tilespmem:$0x9A00] =	vst v63  }
0x7a: {  	s10 =	simm.s32 $0x3000;
	s11 =	simm.s32 $0x9400  }
0x7b: {  	[tilespmem:s11], [sflag:$0x1] =	stream.indirect.gather [hbm4b:s3+s5], $0x1, s10, s5, $0xb8;
	[tilespmem:$0x9A00] =	vst v63  }
0x7c: {  	s10 =	simm.s32 $0x6200  }
0x7d: {  	[tilespmem:s10], [sflag:$0x2] =	stream.linear.gather [hbm4b:s31+s2], $0x200, $0x38;
	[tilespmem:$0x9A00] =	vst v63  }
0x7e: {  	s11 =	simm.s32 $0x9600  }
0x7f: {  	[tilespmem:s11], [sflag:$0x2] =	stream.linear.gather [hbm4b:s1+s2], $0x200, $0x38;
	[tilespmem:$0x9A00] =	vst v63  }
0x80: {  	_ =	swait.ge [sflag:s6], $0x200  }
0x81: {  	[sflag:s6] =	ssyncset.done $0x0  }
0x82: {  	[sflag:s6] =	ssyncadd.s32 $0xFFFFFE00  }
0x83: {  	_ =	swait.ge [sflag:s7], $0x200  }
0x84: {  	[sflag:s7] =	ssyncset.done $0x0  }
0x85: {  	s9 =	simm.s32 $0x0;
	[sflag:s7] =	ssyncadd.s32 $0xFFFFFE00  }
0x86: {  	v0 =	vld [tilespmem:s9+$0x6400]  }
0x87: {  	v1 =	vld [tilespmem:s9+$0x3200];
	_ =	sdelay $0x3  }
0x88: {  	v2 =	vshll.u32 v0, $0x10  }
0x89: {  	s10 =	simm.s32 $0x10;
	v0 =	vand.u32 $0xFFFF0000, v0;
	v3 =	vshll.u32 v1, $0x10;
	v1 =	vand.u32 $0xFFFF0000, v1  }
0x8a: {  	v2 =	vmul.f32 v3, v2;
	v3 =	vmul.f32 v1, v0;
	v0 =	vld [tilespmem:s10+$0x6400]  }
0x8b: {  	v1 =	vld [tilespmem:s10+$0x3200];
	_ =	sdelay $0x1  }
0x8c: {  	s11 =	simm.s32 $0x80;
	v2 =	vadd.f32 v3, v2  }
.LBB2_2:
0x8d: {  	p0 =	sne.s32 s11, $0x7C0  }
.Ltmp0:
0x8e: {  	v3 =	vshll.u32 v0, $0x10;
	[tilespmem:s9+$0x9800] =	vst v2;
	s9 =	smov.u32 s10;
	s10 =	sshra.s32 s11, $0x2;
	(pc) =	sbr.rel @p0 .LBB2_2-.Ltmp0, $3  }
0x8f: {  	s11 =	sadd.s32 $0x40, s11;
	v2 =	vand.u32 $0xFFFF0000, v0;
	v0 =	vld [tilespmem:s10+$0x6400];
	v4 =	vshll.u32 v1, $0x10;
	v5 =	vand.u32 $0xFFFF0000, v1  }
0x90: {  	v1 =	vld [tilespmem:s10+$0x3200];
	v3 =	vmul.f32 v4, v3;
	v2 =	vmul.f32 v5, v2;
	_ =	sdelay $0x1  }
0x91: {  	v2 =	vadd.f32 v2, v3  }
0x92: {  	_ = 	snop  }
0x93: {  	v3 =	vshll.u32 v0, $0x10  }
0x94: {  	v0 =	vand.u32 $0xFFFF0000, v0;
	v4 =	vshll.u32 v1, $0x10;
	v1 =	vand.u32 $0xFFFF0000, v1  }
0x95: {  	v3 =	vmul.f32 v4, v3;
	v0 =	vmul.f32 v1, v0;
	_ =	sdelay $0x1  }
0x96: {  	v0 =	vadd.f32 v0, v3  }
0x97: {  	[tilespmem:s9+$0x9800] =	vst v2  }
0x98: {  	[tilespmem:s10+$0x9800] =	vst v0  }
0x99: {  	_ =	swait.ge [sflag:s6], $0x200  }
0x9a: {  	[sflag:s6] =	ssyncset.done $0x0  }
0x9b: {  	[sflag:s6] =	ssyncadd.s32 $0xFFFFFE00  }
0x9c: {  	_ =	swait.ge [sflag:s7], $0x200  }
0x9d: {  	[sflag:s7] =	ssyncset.done $0x0  }
0x9e: {  	s9 =	simm.s32 $0x0;
	[sflag:s7] =	ssyncadd.s32 $0xFFFFFE00  }
0x9f: {  	v0 =	vld [tilespmem:s9+$0x6600]  }
0xa0: {  	v1 =	vld [tilespmem:s9+$0x3400];
	_ =	sdelay $0x3  }
0xa1: {  	v2 =	vshll.u32 v0, $0x10  }
0xa2: {  	v3 =	vand.u32 $0xFFFF0000, v0;
	v4 =	vshll.u32 v1, $0x10;
	v1 =	vand.u32 $0xFFFF0000, v1;
	v0 =	vld [tilespmem:s9+$0x9800]  }
0xa3: {  	s10 =	simm.s32 $0x10;
	v2 =	vmul.f32 v4, v2;
	v3 =	vmul.f32 v1, v3  }
0xa4: {  	s11 =	simm.s32 $0x80;
	v1 =	vld [tilespmem:s10+$0x6600]  }
.LBB2_4:
0xa5: {  	p0 =	sne.s32 s11, $0x7C0;
	v4 =	vld [tilespmem:s10+$0x3400];
	v2 =	vadd.f32 v3, v2;
	_ =	sdelay $0x1  }
0xa6: {  	v0 =	vadd.f32 v2, v0  }
.Ltmp1:
0xa7: {  	(pc) =	sbr.rel @p0 .LBB2_4-.Ltmp1, $4  }
0xa8: {  	v2 =	vshll.u32 v1, $0x10;
	[tilespmem:s9+$0x9800] =	vst v0;
	s9 =	smov.u32 s10  }
0xa9: {  	v1 =	vand.u32 $0xFFFF0000, v1;
	v3 =	vshll.u32 v4, $0x10;
	v4 =	vand.u32 $0xFFFF0000, v4;
	v0 =	vld [tilespmem:s9+$0x9800]  }
0xaa: {  	s10 =	sshra.s32 s11, $0x2;
	v2 =	vmul.f32 v3, v2;
	v3 =	vmul.f32 v4, v1  }
0xab: {  	s11 =	sadd.s32 $0x40, s11;
	v1 =	vld [tilespmem:s10+$0x6600]  }
0xac: {  	v4 =	vld [tilespmem:s10+$0x3400];
	v2 =	vadd.f32 v3, v2;
	_ =	sdelay $0x1  }
0xad: {  	v0 =	vadd.f32 v2, v0;
	_ =	sdelay $0x1  }
0xae: {  	v2 =	vshll.u32 v1, $0x10;
	[tilespmem:s9+$0x9800] =	vst v0  }
0xaf: {  	v0 =	vand.u32 $0xFFFF0000, v1;
	v1 =	vshll.u32 v4, $0x10;
	v3 =	vand.u32 $0xFFFF0000, v4;
	v4 =	vld [tilespmem:s10+$0x9800]  }
0xb0: {  	v1 =	vmul.f32 v1, v2;
	v0 =	vmul.f32 v3, v0;
	_ =	sdelay $0x1  }
0xb1: {  	v0 =	vadd.f32 v0, v1;
	_ =	sdelay $0x1  }
0xb2: {  	v0 =	vadd.f32 v0, v4;
	_ =	sdelay $0x1  }
0xb3: {  	[tilespmem:s10+$0x9800] =	vst v0  }
0xb4: {  	_ =	swait.ge [sflag:s6], $0x200  }
0xb5: {  	[sflag:s6] =	ssyncset.done $0x0  }
0xb6: {  	[sflag:s6] =	ssyncadd.s32 $0xFFFFFE00  }
0xb7: {  	_ =	swait.ge [sflag:s7], $0x200  }
0xb8: {  	[sflag:s7] =	ssyncset.done $0x0  }
0xb9: {  	s9 =	simm.s32 $0x0;
	[sflag:s7] =	ssyncadd.s32 $0xFFFFFE00  }
0xba: {  	v0 =	vld [tilespmem:s9+$0x6800]  }
0xbb: {  	v1 =	vld [tilespmem:s9+$0x3600];
	_ =	sdelay $0x3  }
0xbc: {  	v2 =	vshll.u32 v0, $0x10  }
0xbd: {  	v3 =	vand.u32 $0xFFFF0000, v0;
	v4 =	vshll.u32 v1, $0x10;
	v1 =	vand.u32 $0xFFFF0000, v1;
	v0 =	vld [tilespmem:s9+$0x9800]  }
0xbe: {  	s10 =	simm.s32 $0x10;
	v2 =	vmul.f32 v4, v2;
	v3 =	vmul.f32 v1, v3  }
0xbf: {  	s11 =	simm.s32 $0x80;
	v1 =	vld [tilespmem:s10+$0x6800]  }
.LBB2_6:
0xc0: {  	p0 =	sne.s32 s11, $0x7C0;
	v4 =	vld [tilespmem:s10+$0x3600];
	v2 =	vadd.f32 v3, v2;
	_ =	sdelay $0x1  }
0xc1: {  	v0 =	vadd.f32 v2, v0  }
.Ltmp2:
0xc2: {  	(pc) =	sbr.rel @p0 .LBB2_6-.Ltmp2, $4  }
0xc3: {  	v2 =	vshll.u32 v1, $0x10;
	[tilespmem:s9+$0x9800] =	vst v0;
	s9 =	smov.u32 s10  }
0xc4: {  	v1 =	vand.u32 $0xFFFF0000, v1;
	v3 =	vshll.u32 v4, $0x10;
	v4 =	vand.u32 $0xFFFF0000, v4;
	v0 =	vld [tilespmem:s9+$0x9800]  }
0xc5: {  	s10 =	sshra.s32 s11, $0x2;
	v2 =	vmul.f32 v3, v2;
	v3 =	vmul.f32 v4, v1  }
0xc6: {  	s11 =	sadd.s32 $0x40, s11;
	v1 =	vld [tilespmem:s10+$0x6800]  }
0xc7: {  	v4 =	vld [tilespmem:s10+$0x3600];
	v2 =	vadd.f32 v3, v2;
	_ =	sdelay $0x1  }
0xc8: {  	v0 =	vadd.f32 v2, v0;
	_ =	sdelay $0x1  }
0xc9: {  	v2 =	vshll.u32 v1, $0x10;
	[tilespmem:s9+$0x9800] =	vst v0  }
0xca: {  	v0 =	vand.u32 $0xFFFF0000, v1;
	v1 =	vshll.u32 v4, $0x10;
	v3 =	vand.u32 $0xFFFF0000, v4;
	v4 =	vld [tilespmem:s10+$0x9800]  }
0xcb: {  	v1 =	vmul.f32 v1, v2;
	v0 =	vmul.f32 v3, v0;
	_ =	sdelay $0x1  }
0xcc: {  	v0 =	vadd.f32 v0, v1;
	_ =	sdelay $0x1  }
0xcd: {  	v0 =	vadd.f32 v0, v4;
	_ =	sdelay $0x1  }
0xce: {  	[tilespmem:s10+$0x9800] =	vst v0  }
0xcf: {  	_ =	swait.ge [sflag:s6], $0x200  }
0xd0: {  	[sflag:s6] =	ssyncset.done $0x0  }
0xd1: {  	[sflag:s6] =	ssyncadd.s32 $0xFFFFFE00  }
0xd2: {  	_ =	swait.ge [sflag:s7], $0x200  }
0xd3: {  	[sflag:s7] =	ssyncset.done $0x0  }
0xd4: {  	s9 =	simm.s32 $0x0;
	[sflag:s7] =	ssyncadd.s32 $0xFFFFFE00  }
0xd5: {  	v0 =	vld [tilespmem:s9+$0x6A00]  }
0xd6: {  	v1 =	vld [tilespmem:s9+$0x3800];
	_ =	sdelay $0x3  }
0xd7: {  	v2 =	vshll.u32 v0, $0x10  }
0xd8: {  	v3 =	vand.u32 $0xFFFF0000, v0;
	v4 =	vshll.u32 v1, $0x10;
	v1 =	vand.u32 $0xFFFF0000, v1;
	v0 =	vld [tilespmem:s9+$0x9800]  }
0xd9: {  	s10 =	simm.s32 $0x10;
	v2 =	vmul.f32 v4, v2;
	v3 =	vmul.f32 v1, v3  }
0xda: {  	s11 =	simm.s32 $0x80;
	v1 =	vld [tilespmem:s10+$0x6A00]  }
.LBB2_8:
0xdb: {  	p0 =	sne.s32 s11, $0x7C0;
	v4 =	vld [tilespmem:s10+$0x3800];
	v2 =	vadd.f32 v3, v2;
	_ =	sdelay $0x1  }
0xdc: {  	v0 =	vadd.f32 v2, v0  }
.Ltmp3:
0xdd: {  	(pc) =	sbr.rel @p0 .LBB2_8-.Ltmp3, $4  }
0xde: {  	v2 =	vshll.u32 v1, $0x10;
	[tilespmem:s9+$0x9800] =	vst v0;
	s9 =	smov.u32 s10  }
0xdf: {  	v1 =	vand.u32 $0xFFFF0000, v1;
	v3 =	vshll.u32 v4, $0x10;
	v4 =	vand.u32 $0xFFFF0000, v4;
	v0 =	vld [tilespmem:s9+$0x9800]  }
0xe0: {  	s10 =	sshra.s32 s11, $0x2;
	v2 =	vmul.f32 v3, v2;
	v3 =	vmul.f32 v4, v1  }
0xe1: {  	s11 =	sadd.s32 $0x40, s11;
	v1 =	vld [tilespmem:s10+$0x6A00]  }
0xe2: {  	v4 =	vld [tilespmem:s10+$0x3800];
	v2 =	vadd.f32 v3, v2;
	_ =	sdelay $0x1  }
0xe3: {  	v0 =	vadd.f32 v2, v0;
	_ =	sdelay $0x1  }
0xe4: {  	v2 =	vshll.u32 v1, $0x10;
	[tilespmem:s9+$0x9800] =	vst v0  }
0xe5: {  	v0 =	vand.u32 $0xFFFF0000, v1;
	v1 =	vshll.u32 v4, $0x10;
	v3 =	vand.u32 $0xFFFF0000, v4;
	v4 =	vld [tilespmem:s10+$0x9800]  }
0xe6: {  	v1 =	vmul.f32 v1, v2;
	v0 =	vmul.f32 v3, v0;
	_ =	sdelay $0x1  }
0xe7: {  	v0 =	vadd.f32 v0, v1;
	_ =	sdelay $0x1  }
0xe8: {  	v0 =	vadd.f32 v0, v4;
	_ =	sdelay $0x1  }
0xe9: {  	[tilespmem:s10+$0x9800] =	vst v0  }
0xea: {  	_ =	swait.ge [sflag:s6], $0x200  }
0xeb: {  	[sflag:s6] =	ssyncset.done $0x0  }
0xec: {  	[sflag:s6] =	ssyncadd.s32 $0xFFFFFE00  }
0xed: {  	_ =	swait.ge [sflag:s7], $0x200  }
0xee: {  	[sflag:s7] =	ssyncset.done $0x0  }
0xef: {  	s9 =	simm.s32 $0x0;
	[sflag:s7] =	ssyncadd.s32 $0xFFFFFE00  }
0xf0: {  	v0 =	vld [tilespmem:s9+$0x6C00]  }
0xf1: {  	v1 =	vld [tilespmem:s9+$0x3A00];
	_ =	sdelay $0x3  }
0xf2: {  	v2 =	vshll.u32 v0, $0x10  }
0xf3: {  	v3 =	vand.u32 $0xFFFF0000, v0;
	v4 =	vshll.u32 v1, $0x10;
	v1 =	vand.u32 $0xFFFF0000, v1;
	v0 =	vld [tilespmem:s9+$0x9800]  }
0xf4: {  	s10 =	simm.s32 $0x10;
	v2 =	vmul.f32 v4, v2;
	v3 =	vmul.f32 v1, v3  }
0xf5: {  	s11 =	simm.s32 $0x80;
	v1 =	vld [tilespmem:s10+$0x6C00]  }
.LBB2_10:
0xf6: {  	p0 =	sne.s32 s11, $0x7C0;
	v4 =	vld [tilespmem:s10+$0x3A00];
	v2 =	vadd.f32 v3, v2;
	_ =	sdelay $0x1  }
0xf7: {  	v0 =	vadd.f32 v2, v0  }
.Ltmp4:
0xf8: {  	(pc) =	sbr.rel @p0 .LBB2_10-.Ltmp4, $4  }
0xf9: {  	v2 =	vshll.u32 v1, $0x10;
	[tilespmem:s9+$0x9800] =	vst v0;
	s9 =	smov.u32 s10  }
0xfa: {  	v1 =	vand.u32 $0xFFFF0000, v1;
	v3 =	vshll.u32 v4, $0x10;
	v4 =	vand.u32 $0xFFFF0000, v4;
	v0 =	vld [tilespmem:s9+$0x9800]  }
0xfb: {  	s10 =	sshra.s32 s11, $0x2;
	v2 =	vmul.f32 v3, v2;
	v3 =	vmul.f32 v4, v1  }
0xfc: {  	s11 =	sadd.s32 $0x40, s11;
	v1 =	vld [tilespmem:s10+$0x6C00]  }
0xfd: {  	v4 =	vld [tilespmem:s10+$0x3A00];
	v2 =	vadd.f32 v3, v2;
	_ =	sdelay $0x1  }
0xfe: {  	v0 =	vadd.f32 v2, v0;
	_ =	sdelay $0x1  }
0xff: {  	v2 =	vshll.u32 v1, $0x10;
	[tilespmem:s9+$0x9800] =	vst v0  }
0x100: {  	v0 =	vand.u32 $0xFFFF0000, v1;
	v1 =	vshll.u32 v4, $0x10;
	v3 =	vand.u32 $0xFFFF0000, v4;
	v4 =	vld [tilespmem:s10+$0x9800]  }
0x101: {  	v1 =	vmul.f32 v1, v2;
	v0 =	vmul.f32 v3, v0;
	_ =	sdelay $0x1  }
0x102: {  	v0 =	vadd.f32 v0, v1;
	_ =	sdelay $0x1  }
0x103: {  	v0 =	vadd.f32 v0, v4;
	_ =	sdelay $0x1  }
0x104: {  	[tilespmem:s10+$0x9800] =	vst v0  }
0x105: {  	_ =	swait.ge [sflag:s6], $0x200  }
0x106: {  	[sflag:s6] =	ssyncset.done $0x0  }
0x107: {  	[sflag:s6] =	ssyncadd.s32 $0xFFFFFE00  }
0x108: {  	_ =	swait.ge [sflag:s7], $0x200  }
0x109: {  	[sflag:s7] =	ssyncset.done $0x0  }
0x10a: {  	s9 =	simm.s32 $0x0;
	[sflag:s7] =	ssyncadd.s32 $0xFFFFFE00  }
0x10b: {  	v0 =	vld [tilespmem:s9+$0x6E00]  }
0x10c: {  	v1 =	vld [tilespmem:s9+$0x3C00];
	_ =	sdelay $0x3  }
0x10d: {  	v2 =	vshll.u32 v0, $0x10  }
0x10e: {  	v3 =	vand.u32 $0xFFFF0000, v0;
	v4 =	vshll.u32 v1, $0x10;
	v1 =	vand.u32 $0xFFFF0000, v1;
	v0 =	vld [tilespmem:s9+$0x9800]  }
0x10f: {  	s10 =	simm.s32 $0x10;
	v2 =	vmul.f32 v4, v2;
	v3 =	vmul.f32 v1, v3  }
0x110: {  	s11 =	simm.s32 $0x80;
	v1 =	vld [tilespmem:s10+$0x6E00]  }
.LBB2_12:
0x111: {  	p0 =	sne.s32 s11, $0x7C0;
	v4 =	vld [tilespmem:s10+$0x3C00];
	v2 =	vadd.f32 v3, v2;
	_ =	sdelay $0x1  }
0x112: {  	v0 =	vadd.f32 v2, v0  }
.Ltmp5:
0x113: {  	(pc) =	sbr.rel @p0 .LBB2_12-.Ltmp5, $4  }
0x114: {  	v2 =	vshll.u32 v1, $0x10;
	[tilespmem:s9+$0x9800] =	vst v0;
	s9 =	smov.u32 s10  }
0x115: {  	v1 =	vand.u32 $0xFFFF0000, v1;
	v3 =	vshll.u32 v4, $0x10;
	v4 =	vand.u32 $0xFFFF0000, v4;
	v0 =	vld [tilespmem:s9+$0x9800]  }
0x116: {  	s10 =	sshra.s32 s11, $0x2;
	v2 =	vmul.f32 v3, v2;
	v3 =	vmul.f32 v4, v1  }
0x117: {  	s11 =	sadd.s32 $0x40, s11;
	v1 =	vld [tilespmem:s10+$0x6E00]  }
0x118: {  	v4 =	vld [tilespmem:s10+$0x3C00];
	v2 =	vadd.f32 v3, v2;
	_ =	sdelay $0x1  }
0x119: {  	v0 =	vadd.f32 v2, v0;
	_ =	sdelay $0x1  }
0x11a: {  	v2 =	vshll.u32 v1, $0x10;
	[tilespmem:s9+$0x9800] =	vst v0  }
0x11b: {  	v0 =	vand.u32 $0xFFFF0000, v1;
	v1 =	vshll.u32 v4, $0x10;
	v3 =	vand.u32 $0xFFFF0000, v4;
	v4 =	vld [tilespmem:s10+$0x9800]  }
0x11c: {  	v1 =	vmul.f32 v1, v2;
	v0 =	vmul.f32 v3, v0;
	_ =	sdelay $0x1  }
0x11d: {  	v0 =	vadd.f32 v0, v1;
	_ =	sdelay $0x1  }
0x11e: {  	v0 =	vadd.f32 v0, v4;
	_ =	sdelay $0x1  }
0x11f: {  	[tilespmem:s10+$0x9800] =	vst v0  }
0x120: {  	_ =	swait.ge [sflag:s6], $0x200  }
0x121: {  	[sflag:s6] =	ssyncset.done $0x0  }
0x122: {  	[sflag:s6] =	ssyncadd.s32 $0xFFFFFE00  }
0x123: {  	_ =	swait.ge [sflag:s7], $0x200  }
0x124: {  	[sflag:s7] =	ssyncset.done $0x0  }
0x125: {  	s9 =	simm.s32 $0x0;
	[sflag:s7] =	ssyncadd.s32 $0xFFFFFE00  }
0x126: {  	v0 =	vld [tilespmem:s9+$0x7000]  }
0x127: {  	v1 =	vld [tilespmem:s9+$0x3E00];
	_ =	sdelay $0x3  }
0x128: {  	v2 =	vshll.u32 v0, $0x10  }
0x129: {  	v3 =	vand.u32 $0xFFFF0000, v0;
	v4 =	vshll.u32 v1, $0x10;
	v1 =	vand.u32 $0xFFFF0000, v1;
	v0 =	vld [tilespmem:s9+$0x9800]  }
0x12a: {  	s10 =	simm.s32 $0x10;
	v2 =	vmul.f32 v4, v2;
	v3 =	vmul.f32 v1, v3  }
0x12b: {  	s11 =	simm.s32 $0x80;
	v1 =	vld [tilespmem:s10+$0x7000]  }
.LBB2_14:
0x12c: {  	p0 =	sne.s32 s11, $0x7C0;
	v4 =	vld [tilespmem:s10+$0x3E00];
	v2 =	vadd.f32 v3, v2;
	_ =	sdelay $0x1  }
0x12d: {  	v0 =	vadd.f32 v2, v0  }
.Ltmp6:
0x12e: {  	(pc) =	sbr.rel @p0 .LBB2_14-.Ltmp6, $4  }
0x12f: {  	v2 =	vshll.u32 v1, $0x10;
	[tilespmem:s9+$0x9800] =	vst v0;
	s9 =	smov.u32 s10  }
0x130: {  	v1 =	vand.u32 $0xFFFF0000, v1;
	v3 =	vshll.u32 v4, $0x10;
	v4 =	vand.u32 $0xFFFF0000, v4;
	v0 =	vld [tilespmem:s9+$0x9800]  }
0x131: {  	s10 =	sshra.s32 s11, $0x2;
	v2 =	vmul.f32 v3, v2;
	v3 =	vmul.f32 v4, v1  }
0x132: {  	s11 =	sadd.s32 $0x40, s11;
	v1 =	vld [tilespmem:s10+$0x7000]  }
0x133: {  	v4 =	vld [tilespmem:s10+$0x3E00];
	v2 =	vadd.f32 v3, v2;
	_ =	sdelay $0x1  }
0x134: {  	v0 =	vadd.f32 v2, v0;
	_ =	sdelay $0x1  }
0x135: {  	v2 =	vshll.u32 v1, $0x10;
	[tilespmem:s9+$0x9800] =	vst v0  }
0x136: {  	v0 =	vand.u32 $0xFFFF0000, v1;
	v1 =	vshll.u32 v4, $0x10;
	v3 =	vand.u32 $0xFFFF0000, v4;
	v4 =	vld [tilespmem:s10+$0x9800]  }
0x137: {  	v1 =	vmul.f32 v1, v2;
	v0 =	vmul.f32 v3, v0;
	_ =	sdelay $0x1  }
0x138: {  	v0 =	vadd.f32 v0, v1;
	_ =	sdelay $0x1  }
0x139: {  	v0 =	vadd.f32 v0, v4;
	_ =	sdelay $0x1  }
0x13a: {  	[tilespmem:s10+$0x9800] =	vst v0  }
0x13b: {  	_ =	swait.ge [sflag:s6], $0x200  }
0x13c: {  	[sflag:s6] =	ssyncset.done $0x0  }
0x13d: {  	[sflag:s6] =	ssyncadd.s32 $0xFFFFFE00  }
0x13e: {  	_ =	swait.ge [sflag:s7], $0x200  }
0x13f: {  	[sflag:s7] =	ssyncset.done $0x0  }
0x140: {  	s9 =	simm.s32 $0x0;
	[sflag:s7] =	ssyncadd.s32 $0xFFFFFE00  }
0x141: {  	v0 =	vld [tilespmem:s9+$0x7200]  }
0x142: {  	v1 =	vld [tilespmem:s9+$0x4000];
	_ =	sdelay $0x3  }
0x143: {  	v2 =	vshll.u32 v0, $0x10  }
0x144: {  	v3 =	vand.u32 $0xFFFF0000, v0;
	v4 =	vshll.u32 v1, $0x10;
	v1 =	vand.u32 $0xFFFF0000, v1;
	v0 =	vld [tilespmem:s9+$0x9800]  }
0x145: {  	s10 =	simm.s32 $0x10;
	v2 =	vmul.f32 v4, v2;
	v3 =	vmul.f32 v1, v3  }
0x146: {  	s11 =	simm.s32 $0x80;
	v1 =	vld [tilespmem:s10+$0x7200]  }
.LBB2_16:
0x147: {  	p0 =	sne.s32 s11, $0x7C0;
	v4 =	vld [tilespmem:s10+$0x4000];
	v2 =	vadd.f32 v3, v2;
	_ =	sdelay $0x1  }
0x148: {  	v0 =	vadd.f32 v2, v0  }
.Ltmp7:
0x149: {  	(pc) =	sbr.rel @p0 .LBB2_16-.Ltmp7, $4  }
0x14a: {  	v2 =	vshll.u32 v1, $0x10;
	[tilespmem:s9+$0x9800] =	vst v0;
	s9 =	smov.u32 s10  }
0x14b: {  	v1 =	vand.u32 $0xFFFF0000, v1;
	v3 =	vshll.u32 v4, $0x10;
	v4 =	vand.u32 $0xFFFF0000, v4;
	v0 =	vld [tilespmem:s9+$0x9800]  }
0x14c: {  	s10 =	sshra.s32 s11, $0x2;
	v2 =	vmul.f32 v3, v2;
	v3 =	vmul.f32 v4, v1  }
0x14d: {  	s11 =	sadd.s32 $0x40, s11;
	v1 =	vld [tilespmem:s10+$0x7200]  }
0x14e: {  	v4 =	vld [tilespmem:s10+$0x4000];
	v2 =	vadd.f32 v3, v2;
	_ =	sdelay $0x1  }
0x14f: {  	v0 =	vadd.f32 v2, v0;
	_ =	sdelay $0x1  }
0x150: {  	v2 =	vshll.u32 v1, $0x10;
	[tilespmem:s9+$0x9800] =	vst v0  }
0x151: {  	v0 =	vand.u32 $0xFFFF0000, v1;
	v1 =	vshll.u32 v4, $0x10;
	v3 =	vand.u32 $0xFFFF0000, v4;
	v4 =	vld [tilespmem:s10+$0x9800]  }
0x152: {  	v1 =	vmul.f32 v1, v2;
	v0 =	vmul.f32 v3, v0;
	_ =	sdelay $0x1  }
0x153: {  	v0 =	vadd.f32 v0, v1;
	_ =	sdelay $0x1  }
0x154: {  	v0 =	vadd.f32 v0, v4;
	_ =	sdelay $0x1  }
0x155: {  	[tilespmem:s10+$0x9800] =	vst v0  }
0x156: {  	_ =	swait.ge [sflag:s6], $0x200  }
0x157: {  	[sflag:s6] =	ssyncset.done $0x0  }
0x158: {  	[sflag:s6] =	ssyncadd.s32 $0xFFFFFE00  }
0x159: {  	_ =	swait.ge [sflag:s7], $0x200  }
0x15a: {  	[sflag:s7] =	ssyncset.done $0x0  }
0x15b: {  	s9 =	simm.s32 $0x0;
	[sflag:s7] =	ssyncadd.s32 $0xFFFFFE00  }
0x15c: {  	v0 =	vld [tilespmem:s9+$0x7400]  }
0x15d: {  	v1 =	vld [tilespmem:s9+$0x4200];
	_ =	sdelay $0x3  }
0x15e: {  	v2 =	vshll.u32 v0, $0x10  }
0x15f: {  	v3 =	vand.u32 $0xFFFF0000, v0;
	v4 =	vshll.u32 v1, $0x10;
	v1 =	vand.u32 $0xFFFF0000, v1;
	v0 =	vld [tilespmem:s9+$0x9800]  }
0x160: {  	s10 =	simm.s32 $0x10;
	v2 =	vmul.f32 v4, v2;
	v3 =	vmul.f32 v1, v3  }
0x161: {  	s11 =	simm.s32 $0x80;
	v1 =	vld [tilespmem:s10+$0x7400]  }
.LBB2_18:
0x162: {  	p0 =	sne.s32 s11, $0x7C0;
	v4 =	vld [tilespmem:s10+$0x4200];
	v2 =	vadd.f32 v3, v2;
	_ =	sdelay $0x1  }
0x163: {  	v0 =	vadd.f32 v2, v0  }
.Ltmp8:
0x164: {  	(pc) =	sbr.rel @p0 .LBB2_18-.Ltmp8, $4  }
0x165: {  	v2 =	vshll.u32 v1, $0x10;
	[tilespmem:s9+$0x9800] =	vst v0;
	s9 =	smov.u32 s10  }
0x166: {  	v1 =	vand.u32 $0xFFFF0000, v1;
	v3 =	vshll.u32 v4, $0x10;
	v4 =	vand.u32 $0xFFFF0000, v4;
	v0 =	vld [tilespmem:s9+$0x9800]  }
0x167: {  	s10 =	sshra.s32 s11, $0x2;
	v2 =	vmul.f32 v3, v2;
	v3 =	vmul.f32 v4, v1  }
0x168: {  	s11 =	sadd.s32 $0x40, s11;
	v1 =	vld [tilespmem:s10+$0x7400]  }
0x169: {  	v4 =	vld [tilespmem:s10+$0x4200];
	v2 =	vadd.f32 v3, v2;
	_ =	sdelay $0x1  }
0x16a: {  	v0 =	vadd.f32 v2, v0;
	_ =	sdelay $0x1  }
0x16b: {  	v2 =	vshll.u32 v1, $0x10;
	[tilespmem:s9+$0x9800] =	vst v0  }
0x16c: {  	v0 =	vand.u32 $0xFFFF0000, v1;
	v1 =	vshll.u32 v4, $0x10;
	v3 =	vand.u32 $0xFFFF0000, v4;
	v4 =	vld [tilespmem:s10+$0x9800]  }
0x16d: {  	v1 =	vmul.f32 v1, v2;
	v0 =	vmul.f32 v3, v0;
	_ =	sdelay $0x1  }
0x16e: {  	v0 =	vadd.f32 v0, v1;
	_ =	sdelay $0x1  }
0x16f: {  	v0 =	vadd.f32 v0, v4;
	_ =	sdelay $0x1  }
0x170: {  	[tilespmem:s10+$0x9800] =	vst v0  }
0x171: {  	_ =	swait.ge [sflag:s6], $0x200  }
0x172: {  	[sflag:s6] =	ssyncset.done $0x0  }
0x173: {  	[sflag:s6] =	ssyncadd.s32 $0xFFFFFE00  }
0x174: {  	_ =	swait.ge [sflag:s7], $0x200  }
0x175: {  	[sflag:s7] =	ssyncset.done $0x0  }
0x176: {  	s9 =	simm.s32 $0x0;
	[sflag:s7] =	ssyncadd.s32 $0xFFFFFE00  }
0x177: {  	v0 =	vld [tilespmem:s9+$0x7600]  }
0x178: {  	v1 =	vld [tilespmem:s9+$0x4400];
	_ =	sdelay $0x3  }
0x179: {  	v2 =	vshll.u32 v0, $0x10  }
0x17a: {  	v3 =	vand.u32 $0xFFFF0000, v0;
	v4 =	vshll.u32 v1, $0x10;
	v1 =	vand.u32 $0xFFFF0000, v1;
	v0 =	vld [tilespmem:s9+$0x9800]  }
0x17b: {  	s10 =	simm.s32 $0x10;
	v2 =	vmul.f32 v4, v2;
	v3 =	vmul.f32 v1, v3  }
0x17c: {  	s11 =	simm.s32 $0x80;
	v1 =	vld [tilespmem:s10+$0x7600]  }
.LBB2_20:
0x17d: {  	p0 =	sne.s32 s11, $0x7C0;
	v4 =	vld [tilespmem:s10+$0x4400];
	v2 =	vadd.f32 v3, v2;
	_ =	sdelay $0x1  }
0x17e: {  	v0 =	vadd.f32 v2, v0  }
.Ltmp9:
0x17f: {  	(pc) =	sbr.rel @p0 .LBB2_20-.Ltmp9, $4  }
0x180: {  	v2 =	vshll.u32 v1, $0x10;
	[tilespmem:s9+$0x9800] =	vst v0;
	s9 =	smov.u32 s10  }
0x181: {  	v1 =	vand.u32 $0xFFFF0000, v1;
	v3 =	vshll.u32 v4, $0x10;
	v4 =	vand.u32 $0xFFFF0000, v4;
	v0 =	vld [tilespmem:s9+$0x9800]  }
0x182: {  	s10 =	sshra.s32 s11, $0x2;
	v2 =	vmul.f32 v3, v2;
	v3 =	vmul.f32 v4, v1  }
0x183: {  	s11 =	sadd.s32 $0x40, s11;
	v1 =	vld [tilespmem:s10+$0x7600]  }
0x184: {  	v4 =	vld [tilespmem:s10+$0x4400];
	v2 =	vadd.f32 v3, v2;
	_ =	sdelay $0x1  }
0x185: {  	v0 =	vadd.f32 v2, v0;
	_ =	sdelay $0x1  }
0x186: {  	v2 =	vshll.u32 v1, $0x10;
	[tilespmem:s9+$0x9800] =	vst v0  }
0x187: {  	v0 =	vand.u32 $0xFFFF0000, v1;
	v1 =	vshll.u32 v4, $0x10;
	v3 =	vand.u32 $0xFFFF0000, v4;
	v4 =	vld [tilespmem:s10+$0x9800]  }
0x188: {  	v1 =	vmul.f32 v1, v2;
	v0 =	vmul.f32 v3, v0;
	_ =	sdelay $0x1  }
0x189: {  	v0 =	vadd.f32 v0, v1;
	_ =	sdelay $0x1  }
0x18a: {  	v0 =	vadd.f32 v0, v4;
	_ =	sdelay $0x1  }
0x18b: {  	[tilespmem:s10+$0x9800] =	vst v0  }
0x18c: {  	_ =	swait.ge [sflag:s6], $0x200  }
0x18d: {  	[sflag:s6] =	ssyncset.done $0x0  }
0x18e: {  	[sflag:s6] =	ssyncadd.s32 $0xFFFFFE00  }
0x18f: {  	_ =	swait.ge [sflag:s7], $0x200  }
0x190: {  	[sflag:s7] =	ssyncset.done $0x0  }
0x191: {  	s9 =	simm.s32 $0x0;
	[sflag:s7] =	ssyncadd.s32 $0xFFFFFE00  }
0x192: {  	v0 =	vld [tilespmem:s9+$0x7800]  }
0x193: {  	v1 =	vld [tilespmem:s9+$0x4600];
	_ =	sdelay $0x3  }
0x194: {  	v2 =	vshll.u32 v0, $0x10  }
0x195: {  	v3 =	vand.u32 $0xFFFF0000, v0;
	v4 =	vshll.u32 v1, $0x10;
	v1 =	vand.u32 $0xFFFF0000, v1;
	v0 =	vld [tilespmem:s9+$0x9800]  }
0x196: {  	s10 =	simm.s32 $0x10;
	v2 =	vmul.f32 v4, v2;
	v3 =	vmul.f32 v1, v3  }
0x197: {  	s11 =	simm.s32 $0x80;
	v1 =	vld [tilespmem:s10+$0x7800]  }
.LBB2_22:
0x198: {  	p0 =	sne.s32 s11, $0x7C0;
	v4 =	vld [tilespmem:s10+$0x4600];
	v2 =	vadd.f32 v3, v2;
	_ =	sdelay $0x1  }
0x199: {  	v0 =	vadd.f32 v2, v0  }
.Ltmp10:
0x19a: {  	(pc) =	sbr.rel @p0 .LBB2_22-.Ltmp10, $4  }
0x19b: {  	v2 =	vshll.u32 v1, $0x10;
	[tilespmem:s9+$0x9800] =	vst v0;
	s9 =	smov.u32 s10  }
0x19c: {  	v1 =	vand.u32 $0xFFFF0000, v1;
	v3 =	vshll.u32 v4, $0x10;
	v4 =	vand.u32 $0xFFFF0000, v4;
	v0 =	vld [tilespmem:s9+$0x9800]  }
0x19d: {  	s10 =	sshra.s32 s11, $0x2;
	v2 =	vmul.f32 v3, v2;
	v3 =	vmul.f32 v4, v1  }
0x19e: {  	s11 =	sadd.s32 $0x40, s11;
	v1 =	vld [tilespmem:s10+$0x7800]  }
0x19f: {  	v4 =	vld [tilespmem:s10+$0x4600];
	v2 =	vadd.f32 v3, v2;
	_ =	sdelay $0x1  }
0x1a0: {  	v0 =	vadd.f32 v2, v0;
	_ =	sdelay $0x1  }
0x1a1: {  	v2 =	vshll.u32 v1, $0x10;
	[tilespmem:s9+$0x9800] =	vst v0  }
0x1a2: {  	v0 =	vand.u32 $0xFFFF0000, v1;
	v1 =	vshll.u32 v4, $0x10;
	v3 =	vand.u32 $0xFFFF0000, v4;
	v4 =	vld [tilespmem:s10+$0x9800]  }
0x1a3: {  	v1 =	vmul.f32 v1, v2;
	v0 =	vmul.f32 v3, v0;
	_ =	sdelay $0x1  }
0x1a4: {  	v0 =	vadd.f32 v0, v1;
	_ =	sdelay $0x1  }
0x1a5: {  	v0 =	vadd.f32 v0, v4;
	_ =	sdelay $0x1  }
0x1a6: {  	[tilespmem:s10+$0x9800] =	vst v0  }
0x1a7: {  	_ =	swait.ge [sflag:s6], $0x200  }
0x1a8: {  	[sflag:s6] =	ssyncset.done $0x0  }
0x1a9: {  	[sflag:s6] =	ssyncadd.s32 $0xFFFFFE00  }
0x1aa: {  	_ =	swait.ge [sflag:s7], $0x200  }
0x1ab: {  	[sflag:s7] =	ssyncset.done $0x0  }
0x1ac: {  	s9 =	simm.s32 $0x0;
	[sflag:s7] =	ssyncadd.s32 $0xFFFFFE00  }
0x1ad: {  	v0 =	vld [tilespmem:s9+$0x7A00]  }
0x1ae: {  	v1 =	vld [tilespmem:s9+$0x4800];
	_ =	sdelay $0x3  }
0x1af: {  	v2 =	vshll.u32 v0, $0x10  }
0x1b0: {  	v3 =	vand.u32 $0xFFFF0000, v0;
	v4 =	vshll.u32 v1, $0x10;
	v1 =	vand.u32 $0xFFFF0000, v1;
	v0 =	vld [tilespmem:s9+$0x9800]  }
0x1b1: {  	s10 =	simm.s32 $0x10;
	v2 =	vmul.f32 v4, v2;
	v3 =	vmul.f32 v1, v3  }
0x1b2: {  	s11 =	simm.s32 $0x80;
	v1 =	vld [tilespmem:s10+$0x7A00]  }
.LBB2_24:
0x1b3: {  	p0 =	sne.s32 s11, $0x7C0;
	v4 =	vld [tilespmem:s10+$0x4800];
	v2 =	vadd.f32 v3, v2;
	_ =	sdelay $0x1  }
0x1b4: {  	v0 =	vadd.f32 v2, v0  }
.Ltmp11:
0x1b5: {  	(pc) =	sbr.rel @p0 .LBB2_24-.Ltmp11, $4  }
0x1b6: {  	v2 =	vshll.u32 v1, $0x10;
	[tilespmem:s9+$0x9800] =	vst v0;
	s9 =	smov.u32 s10  }
0x1b7: {  	v1 =	vand.u32 $0xFFFF0000, v1;
	v3 =	vshll.u32 v4, $0x10;
	v4 =	vand.u32 $0xFFFF0000, v4;
	v0 =	vld [tilespmem:s9+$0x9800]  }
0x1b8: {  	s10 =	sshra.s32 s11, $0x2;
	v2 =	vmul.f32 v3, v2;
	v3 =	vmul.f32 v4, v1  }
0x1b9: {  	s11 =	sadd.s32 $0x40, s11;
	v1 =	vld [tilespmem:s10+$0x7A00]  }
0x1ba: {  	v4 =	vld [tilespmem:s10+$0x4800];
	v2 =	vadd.f32 v3, v2;
	_ =	sdelay $0x1  }
0x1bb: {  	v0 =	vadd.f32 v2, v0;
	_ =	sdelay $0x1  }
0x1bc: {  	v2 =	vshll.u32 v1, $0x10;
	[tilespmem:s9+$0x9800] =	vst v0  }
0x1bd: {  	v0 =	vand.u32 $0xFFFF0000, v1;
	v1 =	vshll.u32 v4, $0x10;
	v3 =	vand.u32 $0xFFFF0000, v4;
	v4 =	vld [tilespmem:s10+$0x9800]  }
0x1be: {  	v1 =	vmul.f32 v1, v2;
	v0 =	vmul.f32 v3, v0;
	_ =	sdelay $0x1  }
0x1bf: {  	v0 =	vadd.f32 v0, v1;
	_ =	sdelay $0x1  }
0x1c0: {  	v0 =	vadd.f32 v0, v4;
	_ =	sdelay $0x1  }
0x1c1: {  	[tilespmem:s10+$0x9800] =	vst v0  }
0x1c2: {  	_ =	swait.ge [sflag:s6], $0x200  }
0x1c3: {  	[sflag:s6] =	ssyncset.done $0x0  }
0x1c4: {  	[sflag:s6] =	ssyncadd.s32 $0xFFFFFE00  }
0x1c5: {  	_ =	swait.ge [sflag:s7], $0x200  }
0x1c6: {  	[sflag:s7] =	ssyncset.done $0x0  }
0x1c7: {  	s9 =	simm.s32 $0x0;
	[sflag:s7] =	ssyncadd.s32 $0xFFFFFE00  }
0x1c8: {  	v0 =	vld [tilespmem:s9+$0x7C00]  }
0x1c9: {  	v1 =	vld [tilespmem:s9+$0x4A00];
	_ =	sdelay $0x3  }
0x1ca: {  	v2 =	vshll.u32 v0, $0x10  }
0x1cb: {  	v3 =	vand.u32 $0xFFFF0000, v0;
	v4 =	vshll.u32 v1, $0x10;
	v1 =	vand.u32 $0xFFFF0000, v1;
	v0 =	vld [tilespmem:s9+$0x9800]  }
0x1cc: {  	s10 =	simm.s32 $0x10;
	v2 =	vmul.f32 v4, v2;
	v3 =	vmul.f32 v1, v3  }
0x1cd: {  	s11 =	simm.s32 $0x80;
	v1 =	vld [tilespmem:s10+$0x7C00]  }
.LBB2_26:
0x1ce: {  	p0 =	sne.s32 s11, $0x7C0;
	v4 =	vld [tilespmem:s10+$0x4A00];
	v2 =	vadd.f32 v3, v2;
	_ =	sdelay $0x1  }
0x1cf: {  	v0 =	vadd.f32 v2, v0  }
.Ltmp12:
0x1d0: {  	(pc) =	sbr.rel @p0 .LBB2_26-.Ltmp12, $4  }
0x1d1: {  	v2 =	vshll.u32 v1, $0x10;
	[tilespmem:s9+$0x9800] =	vst v0;
	s9 =	smov.u32 s10  }
0x1d2: {  	v1 =	vand.u32 $0xFFFF0000, v1;
	v3 =	vshll.u32 v4, $0x10;
	v4 =	vand.u32 $0xFFFF0000, v4;
	v0 =	vld [tilespmem:s9+$0x9800]  }
0x1d3: {  	s10 =	sshra.s32 s11, $0x2;
	v2 =	vmul.f32 v3, v2;
	v3 =	vmul.f32 v4, v1  }
0x1d4: {  	s11 =	sadd.s32 $0x40, s11;
	v1 =	vld [tilespmem:s10+$0x7C00]  }
0x1d5: {  	v4 =	vld [tilespmem:s10+$0x4A00];
	v2 =	vadd.f32 v3, v2;
	_ =	sdelay $0x1  }
0x1d6: {  	v0 =	vadd.f32 v2, v0;
	_ =	sdelay $0x1  }
0x1d7: {  	v2 =	vshll.u32 v1, $0x10;
	[tilespmem:s9+$0x9800] =	vst v0  }
0x1d8: {  	v0 =	vand.u32 $0xFFFF0000, v1;
	v1 =	vshll.u32 v4, $0x10;
	v3 =	vand.u32 $0xFFFF0000, v4;
	v4 =	vld [tilespmem:s10+$0x9800]  }
0x1d9: {  	v1 =	vmul.f32 v1, v2;
	v0 =	vmul.f32 v3, v0;
	_ =	sdelay $0x1  }
0x1da: {  	v0 =	vadd.f32 v0, v1;
	_ =	sdelay $0x1  }
0x1db: {  	v0 =	vadd.f32 v0, v4;
	_ =	sdelay $0x1  }
0x1dc: {  	[tilespmem:s10+$0x9800] =	vst v0  }
0x1dd: {  	_ =	swait.ge [sflag:s6], $0x200  }
0x1de: {  	[sflag:s6] =	ssyncset.done $0x0  }
0x1df: {  	[sflag:s6] =	ssyncadd.s32 $0xFFFFFE00  }
0x1e0: {  	_ =	swait.ge [sflag:s7], $0x200  }
0x1e1: {  	[sflag:s7] =	ssyncset.done $0x0  }
0x1e2: {  	s9 =	simm.s32 $0x0;
	[sflag:s7] =	ssyncadd.s32 $0xFFFFFE00  }
0x1e3: {  	v0 =	vld [tilespmem:s9+$0x7E00]  }
0x1e4: {  	v1 =	vld [tilespmem:s9+$0x4C00];
	_ =	sdelay $0x3  }
0x1e5: {  	v2 =	vshll.u32 v0, $0x10  }
0x1e6: {  	v3 =	vand.u32 $0xFFFF0000, v0;
	v4 =	vshll.u32 v1, $0x10;
	v1 =	vand.u32 $0xFFFF0000, v1;
	v0 =	vld [tilespmem:s9+$0x9800]  }
0x1e7: {  	s10 =	simm.s32 $0x10;
	v2 =	vmul.f32 v4, v2;
	v3 =	vmul.f32 v1, v3  }
0x1e8: {  	s11 =	simm.s32 $0x80;
	v1 =	vld [tilespmem:s10+$0x7E00]  }
.LBB2_28:
0x1e9: {  	p0 =	sne.s32 s11, $0x7C0;
	v4 =	vld [tilespmem:s10+$0x4C00];
	v2 =	vadd.f32 v3, v2;
	_ =	sdelay $0x1  }
0x1ea: {  	v0 =	vadd.f32 v2, v0  }
.Ltmp13:
0x1eb: {  	(pc) =	sbr.rel @p0 .LBB2_28-.Ltmp13, $4  }
0x1ec: {  	v2 =	vshll.u32 v1, $0x10;
	[tilespmem:s9+$0x9800] =	vst v0;
	s9 =	smov.u32 s10  }
0x1ed: {  	v1 =	vand.u32 $0xFFFF0000, v1;
	v3 =	vshll.u32 v4, $0x10;
	v4 =	vand.u32 $0xFFFF0000, v4;
	v0 =	vld [tilespmem:s9+$0x9800]  }
0x1ee: {  	s10 =	sshra.s32 s11, $0x2;
	v2 =	vmul.f32 v3, v2;
	v3 =	vmul.f32 v4, v1  }
0x1ef: {  	s11 =	sadd.s32 $0x40, s11;
	v1 =	vld [tilespmem:s10+$0x7E00]  }
0x1f0: {  	v4 =	vld [tilespmem:s10+$0x4C00];
	v2 =	vadd.f32 v3, v2;
	_ =	sdelay $0x1  }
0x1f1: {  	v0 =	vadd.f32 v2, v0;
	_ =	sdelay $0x1  }
0x1f2: {  	v2 =	vshll.u32 v1, $0x10;
	[tilespmem:s9+$0x9800] =	vst v0  }
0x1f3: {  	v0 =	vand.u32 $0xFFFF0000, v1;
	v1 =	vshll.u32 v4, $0x10;
	v3 =	vand.u32 $0xFFFF0000, v4;
	v4 =	vld [tilespmem:s10+$0x9800]  }
0x1f4: {  	v1 =	vmul.f32 v1, v2;
	v0 =	vmul.f32 v3, v0;
	_ =	sdelay $0x1  }
0x1f5: {  	v0 =	vadd.f32 v0, v1;
	_ =	sdelay $0x1  }
0x1f6: {  	v0 =	vadd.f32 v0, v4;
	_ =	sdelay $0x1  }
0x1f7: {  	[tilespmem:s10+$0x9800] =	vst v0  }
0x1f8: {  	_ =	swait.ge [sflag:s6], $0x200  }
0x1f9: {  	[sflag:s6] =	ssyncset.done $0x0  }
0x1fa: {  	[sflag:s6] =	ssyncadd.s32 $0xFFFFFE00  }
0x1fb: {  	_ =	swait.ge [sflag:s7], $0x200  }
0x1fc: {  	[sflag:s7] =	ssyncset.done $0x0  }
0x1fd: {  	s9 =	simm.s32 $0x0;
	[sflag:s7] =	ssyncadd.s32 $0xFFFFFE00  }
0x1fe: {  	v0 =	vld [tilespmem:s9+$0x8000]  }
0x1ff: {  	v1 =	vld [tilespmem:s9+$0x4E00];
	_ =	sdelay $0x3  }
0x200: {  	v2 =	vshll.u32 v0, $0x10  }
0x201: {  	v3 =	vand.u32 $0xFFFF0000, v0;
	v4 =	vshll.u32 v1, $0x10;
	v1 =	vand.u32 $0xFFFF0000, v1;
	v0 =	vld [tilespmem:s9+$0x9800]  }
0x202: {  	s10 =	simm.s32 $0x10;
	v2 =	vmul.f32 v4, v2;
	v3 =	vmul.f32 v1, v3  }
0x203: {  	s11 =	simm.s32 $0x80;
	v1 =	vld [tilespmem:s10+$0x8000]  }
.LBB2_30:
0x204: {  	p0 =	sne.s32 s11, $0x7C0;
	v4 =	vld [tilespmem:s10+$0x4E00];
	v2 =	vadd.f32 v3, v2;
	_ =	sdelay $0x1  }
0x205: {  	v0 =	vadd.f32 v2, v0  }
.Ltmp14:
0x206: {  	(pc) =	sbr.rel @p0 .LBB2_30-.Ltmp14, $4  }
0x207: {  	v2 =	vshll.u32 v1, $0x10;
	[tilespmem:s9+$0x9800] =	vst v0;
	s9 =	smov.u32 s10  }
0x208: {  	v1 =	vand.u32 $0xFFFF0000, v1;
	v3 =	vshll.u32 v4, $0x10;
	v4 =	vand.u32 $0xFFFF0000, v4;
	v0 =	vld [tilespmem:s9+$0x9800]  }
0x209: {  	s10 =	sshra.s32 s11, $0x2;
	v2 =	vmul.f32 v3, v2;
	v3 =	vmul.f32 v4, v1  }
0x20a: {  	s11 =	sadd.s32 $0x40, s11;
	v1 =	vld [tilespmem:s10+$0x8000]  }
0x20b: {  	v4 =	vld [tilespmem:s10+$0x4E00];
	v2 =	vadd.f32 v3, v2;
	_ =	sdelay $0x1  }
0x20c: {  	v0 =	vadd.f32 v2, v0;
	_ =	sdelay $0x1  }
0x20d: {  	v2 =	vshll.u32 v1, $0x10;
	[tilespmem:s9+$0x9800] =	vst v0  }
0x20e: {  	v0 =	vand.u32 $0xFFFF0000, v1;
	v1 =	vshll.u32 v4, $0x10;
	v3 =	vand.u32 $0xFFFF0000, v4;
	v4 =	vld [tilespmem:s10+$0x9800]  }
0x20f: {  	v1 =	vmul.f32 v1, v2;
	v0 =	vmul.f32 v3, v0;
	_ =	sdelay $0x1  }
0x210: {  	v0 =	vadd.f32 v0, v1;
	_ =	sdelay $0x1  }
0x211: {  	v0 =	vadd.f32 v0, v4;
	_ =	sdelay $0x1  }
0x212: {  	[tilespmem:s10+$0x9800] =	vst v0  }
0x213: {  	_ =	swait.ge [sflag:s6], $0x200  }
0x214: {  	[sflag:s6] =	ssyncset.done $0x0  }
0x215: {  	[sflag:s6] =	ssyncadd.s32 $0xFFFFFE00  }
0x216: {  	_ =	swait.ge [sflag:s7], $0x200  }
0x217: {  	[sflag:s7] =	ssyncset.done $0x0  }
0x218: {  	s9 =	simm.s32 $0x0;
	[sflag:s7] =	ssyncadd.s32 $0xFFFFFE00  }
0x219: {  	v0 =	vld [tilespmem:s9+$0x8200]  }
0x21a: {  	v1 =	vld [tilespmem:s9+$0x5000];
	_ =	sdelay $0x3  }
0x21b: {  	v2 =	vshll.u32 v0, $0x10  }
0x21c: {  	v3 =	vand.u32 $0xFFFF0000, v0;
	v4 =	vshll.u32 v1, $0x10;
	v1 =	vand.u32 $0xFFFF0000, v1;
	v0 =	vld [tilespmem:s9+$0x9800]  }
0x21d: {  	s10 =	simm.s32 $0x10;
	v2 =	vmul.f32 v4, v2;
	v3 =	vmul.f32 v1, v3  }
0x21e: {  	s11 =	simm.s32 $0x80;
	v1 =	vld [tilespmem:s10+$0x8200]  }
.LBB2_32:
0x21f: {  	p0 =	sne.s32 s11, $0x7C0;
	v4 =	vld [tilespmem:s10+$0x5000];
	v2 =	vadd.f32 v3, v2;
	_ =	sdelay $0x1  }
0x220: {  	v0 =	vadd.f32 v2, v0  }
.Ltmp15:
0x221: {  	(pc) =	sbr.rel @p0 .LBB2_32-.Ltmp15, $4  }
0x222: {  	v2 =	vshll.u32 v1, $0x10;
	[tilespmem:s9+$0x9800] =	vst v0;
	s9 =	smov.u32 s10  }
0x223: {  	v1 =	vand.u32 $0xFFFF0000, v1;
	v3 =	vshll.u32 v4, $0x10;
	v4 =	vand.u32 $0xFFFF0000, v4;
	v0 =	vld [tilespmem:s9+$0x9800]  }
0x224: {  	s10 =	sshra.s32 s11, $0x2;
	v2 =	vmul.f32 v3, v2;
	v3 =	vmul.f32 v4, v1  }
0x225: {  	s11 =	sadd.s32 $0x40, s11;
	v1 =	vld [tilespmem:s10+$0x8200]  }
0x226: {  	v4 =	vld [tilespmem:s10+$0x5000];
	v2 =	vadd.f32 v3, v2;
	_ =	sdelay $0x1  }
0x227: {  	v0 =	vadd.f32 v2, v0;
	_ =	sdelay $0x1  }
0x228: {  	v2 =	vshll.u32 v1, $0x10;
	[tilespmem:s9+$0x9800] =	vst v0  }
0x229: {  	v0 =	vand.u32 $0xFFFF0000, v1;
	v1 =	vshll.u32 v4, $0x10;
	v3 =	vand.u32 $0xFFFF0000, v4;
	v4 =	vld [tilespmem:s10+$0x9800]  }
0x22a: {  	v1 =	vmul.f32 v1, v2;
	v0 =	vmul.f32 v3, v0;
	_ =	sdelay $0x1  }
0x22b: {  	v0 =	vadd.f32 v0, v1;
	_ =	sdelay $0x1  }
0x22c: {  	v0 =	vadd.f32 v0, v4;
	_ =	sdelay $0x1  }
0x22d: {  	[tilespmem:s10+$0x9800] =	vst v0  }
0x22e: {  	_ =	swait.ge [sflag:s6], $0x200  }
0x22f: {  	[sflag:s6] =	ssyncset.done $0x0  }
0x230: {  	[sflag:s6] =	ssyncadd.s32 $0xFFFFFE00  }
0x231: {  	_ =	swait.ge [sflag:s7], $0x200  }
0x232: {  	[sflag:s7] =	ssyncset.done $0x0  }
0x233: {  	s9 =	simm.s32 $0x0;
	[sflag:s7] =	ssyncadd.s32 $0xFFFFFE00  }
0x234: {  	v0 =	vld [tilespmem:s9+$0x8400]  }
0x235: {  	v1 =	vld [tilespmem:s9+$0x5200];
	_ =	sdelay $0x3  }
0x236: {  	v2 =	vshll.u32 v0, $0x10  }
0x237: {  	v3 =	vand.u32 $0xFFFF0000, v0;
	v4 =	vshll.u32 v1, $0x10;
	v1 =	vand.u32 $0xFFFF0000, v1;
	v0 =	vld [tilespmem:s9+$0x9800]  }
0x238: {  	s10 =	simm.s32 $0x10;
	v2 =	vmul.f32 v4, v2;
	v3 =	vmul.f32 v1, v3  }
0x239: {  	s11 =	simm.s32 $0x80;
	v1 =	vld [tilespmem:s10+$0x8400]  }
.LBB2_34:
0x23a: {  	p0 =	sne.s32 s11, $0x7C0;
	v4 =	vld [tilespmem:s10+$0x5200];
	v2 =	vadd.f32 v3, v2;
	_ =	sdelay $0x1  }
0x23b: {  	v0 =	vadd.f32 v2, v0  }
.Ltmp16:
0x23c: {  	(pc) =	sbr.rel @p0 .LBB2_34-.Ltmp16, $4  }
0x23d: {  	v2 =	vshll.u32 v1, $0x10;
	[tilespmem:s9+$0x9800] =	vst v0;
	s9 =	smov.u32 s10  }
0x23e: {  	v1 =	vand.u32 $0xFFFF0000, v1;
	v3 =	vshll.u32 v4, $0x10;
	v4 =	vand.u32 $0xFFFF0000, v4;
	v0 =	vld [tilespmem:s9+$0x9800]  }
0x23f: {  	s10 =	sshra.s32 s11, $0x2;
	v2 =	vmul.f32 v3, v2;
	v3 =	vmul.f32 v4, v1  }
0x240: {  	s11 =	sadd.s32 $0x40, s11;
	v1 =	vld [tilespmem:s10+$0x8400]  }
0x241: {  	v4 =	vld [tilespmem:s10+$0x5200];
	v2 =	vadd.f32 v3, v2;
	_ =	sdelay $0x1  }
0x242: {  	v0 =	vadd.f32 v2, v0;
	_ =	sdelay $0x1  }
0x243: {  	v2 =	vshll.u32 v1, $0x10;
	[tilespmem:s9+$0x9800] =	vst v0  }
0x244: {  	v0 =	vand.u32 $0xFFFF0000, v1;
	v1 =	vshll.u32 v4, $0x10;
	v3 =	vand.u32 $0xFFFF0000, v4;
	v4 =	vld [tilespmem:s10+$0x9800]  }
0x245: {  	v1 =	vmul.f32 v1, v2;
	v0 =	vmul.f32 v3, v0;
	_ =	sdelay $0x1  }
0x246: {  	v0 =	vadd.f32 v0, v1;
	_ =	sdelay $0x1  }
0x247: {  	v0 =	vadd.f32 v0, v4;
	_ =	sdelay $0x1  }
0x248: {  	[tilespmem:s10+$0x9800] =	vst v0  }
0x249: {  	_ =	swait.ge [sflag:s6], $0x200  }
0x24a: {  	[sflag:s6] =	ssyncset.done $0x0  }
0x24b: {  	[sflag:s6] =	ssyncadd.s32 $0xFFFFFE00  }
0x24c: {  	_ =	swait.ge [sflag:s7], $0x200  }
0x24d: {  	[sflag:s7] =	ssyncset.done $0x0  }
0x24e: {  	s9 =	simm.s32 $0x0;
	[sflag:s7] =	ssyncadd.s32 $0xFFFFFE00  }
0x24f: {  	v0 =	vld [tilespmem:s9+$0x8600]  }
0x250: {  	v1 =	vld [tilespmem:s9+$0x5400];
	_ =	sdelay $0x3  }
0x251: {  	v2 =	vshll.u32 v0, $0x10  }
0x252: {  	v3 =	vand.u32 $0xFFFF0000, v0;
	v4 =	vshll.u32 v1, $0x10;
	v1 =	vand.u32 $0xFFFF0000, v1;
	v0 =	vld [tilespmem:s9+$0x9800]  }
0x253: {  	s10 =	simm.s32 $0x10;
	v2 =	vmul.f32 v4, v2;
	v3 =	vmul.f32 v1, v3  }
0x254: {  	s11 =	simm.s32 $0x80;
	v1 =	vld [tilespmem:s10+$0x8600]  }
.LBB2_36:
0x255: {  	p0 =	sne.s32 s11, $0x7C0;
	v4 =	vld [tilespmem:s10+$0x5400];
	v2 =	vadd.f32 v3, v2;
	_ =	sdelay $0x1  }
0x256: {  	v0 =	vadd.f32 v2, v0  }
.Ltmp17:
0x257: {  	(pc) =	sbr.rel @p0 .LBB2_36-.Ltmp17, $4  }
0x258: {  	v2 =	vshll.u32 v1, $0x10;
	[tilespmem:s9+$0x9800] =	vst v0;
	s9 =	smov.u32 s10  }
0x259: {  	v1 =	vand.u32 $0xFFFF0000, v1;
	v3 =	vshll.u32 v4, $0x10;
	v4 =	vand.u32 $0xFFFF0000, v4;
	v0 =	vld [tilespmem:s9+$0x9800]  }
0x25a: {  	s10 =	sshra.s32 s11, $0x2;
	v2 =	vmul.f32 v3, v2;
	v3 =	vmul.f32 v4, v1  }
0x25b: {  	s11 =	sadd.s32 $0x40, s11;
	v1 =	vld [tilespmem:s10+$0x8600]  }
0x25c: {  	v4 =	vld [tilespmem:s10+$0x5400];
	v2 =	vadd.f32 v3, v2;
	_ =	sdelay $0x1  }
0x25d: {  	v0 =	vadd.f32 v2, v0;
	_ =	sdelay $0x1  }
0x25e: {  	v2 =	vshll.u32 v1, $0x10;
	[tilespmem:s9+$0x9800] =	vst v0  }
0x25f: {  	v0 =	vand.u32 $0xFFFF0000, v1;
	v1 =	vshll.u32 v4, $0x10;
	v3 =	vand.u32 $0xFFFF0000, v4;
	v4 =	vld [tilespmem:s10+$0x9800]  }
0x260: {  	v1 =	vmul.f32 v1, v2;
	v0 =	vmul.f32 v3, v0;
	_ =	sdelay $0x1  }
0x261: {  	v0 =	vadd.f32 v0, v1;
	_ =	sdelay $0x1  }
0x262: {  	v0 =	vadd.f32 v0, v4;
	_ =	sdelay $0x1  }
0x263: {  	[tilespmem:s10+$0x9800] =	vst v0  }
0x264: {  	_ =	swait.ge [sflag:s6], $0x200  }
0x265: {  	[sflag:s6] =	ssyncset.done $0x0  }
0x266: {  	[sflag:s6] =	ssyncadd.s32 $0xFFFFFE00  }
0x267: {  	_ =	swait.ge [sflag:s7], $0x200  }
0x268: {  	[sflag:s7] =	ssyncset.done $0x0  }
0x269: {  	s9 =	simm.s32 $0x0;
	[sflag:s7] =	ssyncadd.s32 $0xFFFFFE00  }
0x26a: {  	v0 =	vld [tilespmem:s9+$0x8800]  }
0x26b: {  	v1 =	vld [tilespmem:s9+$0x5600];
	_ =	sdelay $0x3  }
0x26c: {  	v2 =	vshll.u32 v0, $0x10  }
0x26d: {  	v3 =	vand.u32 $0xFFFF0000, v0;
	v4 =	vshll.u32 v1, $0x10;
	v1 =	vand.u32 $0xFFFF0000, v1;
	v0 =	vld [tilespmem:s9+$0x9800]  }
0x26e: {  	s10 =	simm.s32 $0x10;
	v2 =	vmul.f32 v4, v2;
	v3 =	vmul.f32 v1, v3  }
0x26f: {  	s11 =	simm.s32 $0x80;
	v1 =	vld [tilespmem:s10+$0x8800]  }
.LBB2_38:
0x270: {  	p0 =	sne.s32 s11, $0x7C0;
	v4 =	vld [tilespmem:s10+$0x5600];
	v2 =	vadd.f32 v3, v2;
	_ =	sdelay $0x1  }
0x271: {  	v0 =	vadd.f32 v2, v0  }
.Ltmp18:
0x272: {  	(pc) =	sbr.rel @p0 .LBB2_38-.Ltmp18, $4  }
0x273: {  	v2 =	vshll.u32 v1, $0x10;
	[tilespmem:s9+$0x9800] =	vst v0;
	s9 =	smov.u32 s10  }
0x274: {  	v1 =	vand.u32 $0xFFFF0000, v1;
	v3 =	vshll.u32 v4, $0x10;
	v4 =	vand.u32 $0xFFFF0000, v4;
	v0 =	vld [tilespmem:s9+$0x9800]  }
0x275: {  	s10 =	sshra.s32 s11, $0x2;
	v2 =	vmul.f32 v3, v2;
	v3 =	vmul.f32 v4, v1  }
0x276: {  	s11 =	sadd.s32 $0x40, s11;
	v1 =	vld [tilespmem:s10+$0x8800]  }
0x277: {  	v4 =	vld [tilespmem:s10+$0x5600];
	v2 =	vadd.f32 v3, v2;
	_ =	sdelay $0x1  }
0x278: {  	v0 =	vadd.f32 v2, v0;
	_ =	sdelay $0x1  }
0x279: {  	v2 =	vshll.u32 v1, $0x10;
	[tilespmem:s9+$0x9800] =	vst v0  }
0x27a: {  	v0 =	vand.u32 $0xFFFF0000, v1;
	v1 =	vshll.u32 v4, $0x10;
	v3 =	vand.u32 $0xFFFF0000, v4;
	v4 =	vld [tilespmem:s10+$0x9800]  }
0x27b: {  	v1 =	vmul.f32 v1, v2;
	v0 =	vmul.f32 v3, v0;
	_ =	sdelay $0x1  }
0x27c: {  	v0 =	vadd.f32 v0, v1;
	_ =	sdelay $0x1  }
0x27d: {  	v0 =	vadd.f32 v0, v4;
	_ =	sdelay $0x1  }
0x27e: {  	[tilespmem:s10+$0x9800] =	vst v0  }
0x27f: {  	_ =	swait.ge [sflag:s6], $0x200  }
0x280: {  	[sflag:s6] =	ssyncset.done $0x0  }
0x281: {  	[sflag:s6] =	ssyncadd.s32 $0xFFFFFE00  }
0x282: {  	_ =	swait.ge [sflag:s7], $0x200  }
0x283: {  	[sflag:s7] =	ssyncset.done $0x0  }
0x284: {  	s9 =	simm.s32 $0x0;
	[sflag:s7] =	ssyncadd.s32 $0xFFFFFE00  }
0x285: {  	v0 =	vld [tilespmem:s9+$0x8A00]  }
0x286: {  	v1 =	vld [tilespmem:s9+$0x5800];
	_ =	sdelay $0x3  }
0x287: {  	v2 =	vshll.u32 v0, $0x10  }
0x288: {  	v3 =	vand.u32 $0xFFFF0000, v0;
	v4 =	vshll.u32 v1, $0x10;
	v1 =	vand.u32 $0xFFFF0000, v1;
	v0 =	vld [tilespmem:s9+$0x9800]  }
0x289: {  	s10 =	simm.s32 $0x10;
	v2 =	vmul.f32 v4, v2;
	v3 =	vmul.f32 v1, v3  }
0x28a: {  	s11 =	simm.s32 $0x80;
	v1 =	vld [tilespmem:s10+$0x8A00]  }
.LBB2_40:
0x28b: {  	p0 =	sne.s32 s11, $0x7C0;
	v4 =	vld [tilespmem:s10+$0x5800];
	v2 =	vadd.f32 v3, v2;
	_ =	sdelay $0x1  }
0x28c: {  	v0 =	vadd.f32 v2, v0  }
.Ltmp19:
0x28d: {  	(pc) =	sbr.rel @p0 .LBB2_40-.Ltmp19, $4  }
0x28e: {  	v2 =	vshll.u32 v1, $0x10;
	[tilespmem:s9+$0x9800] =	vst v0;
	s9 =	smov.u32 s10  }
0x28f: {  	v1 =	vand.u32 $0xFFFF0000, v1;
	v3 =	vshll.u32 v4, $0x10;
	v4 =	vand.u32 $0xFFFF0000, v4;
	v0 =	vld [tilespmem:s9+$0x9800]  }
0x290: {  	s10 =	sshra.s32 s11, $0x2;
	v2 =	vmul.f32 v3, v2;
	v3 =	vmul.f32 v4, v1  }
0x291: {  	s11 =	sadd.s32 $0x40, s11;
	v1 =	vld [tilespmem:s10+$0x8A00]  }
0x292: {  	v4 =	vld [tilespmem:s10+$0x5800];
	v2 =	vadd.f32 v3, v2;
	_ =	sdelay $0x1  }
0x293: {  	v0 =	vadd.f32 v2, v0;
	_ =	sdelay $0x1  }
0x294: {  	v2 =	vshll.u32 v1, $0x10;
	[tilespmem:s9+$0x9800] =	vst v0  }
0x295: {  	v0 =	vand.u32 $0xFFFF0000, v1;
	v1 =	vshll.u32 v4, $0x10;
	v3 =	vand.u32 $0xFFFF0000, v4;
	v4 =	vld [tilespmem:s10+$0x9800]  }
0x296: {  	v1 =	vmul.f32 v1, v2;
	v0 =	vmul.f32 v3, v0;
	_ =	sdelay $0x1  }
0x297: {  	v0 =	vadd.f32 v0, v1;
	_ =	sdelay $0x1  }
0x298: {  	v0 =	vadd.f32 v0, v4;
	_ =	sdelay $0x1  }
0x299: {  	[tilespmem:s10+$0x9800] =	vst v0  }
0x29a: {  	_ =	swait.ge [sflag:s6], $0x200  }
0x29b: {  	[sflag:s6] =	ssyncset.done $0x0  }
0x29c: {  	[sflag:s6] =	ssyncadd.s32 $0xFFFFFE00  }
0x29d: {  	_ =	swait.ge [sflag:s7], $0x200  }
0x29e: {  	[sflag:s7] =	ssyncset.done $0x0  }
0x29f: {  	s9 =	simm.s32 $0x0;
	[sflag:s7] =	ssyncadd.s32 $0xFFFFFE00  }
0x2a0: {  	v0 =	vld [tilespmem:s9+$0x8C00]  }
0x2a1: {  	v1 =	vld [tilespmem:s9+$0x5A00];
	_ =	sdelay $0x3  }
0x2a2: {  	v2 =	vshll.u32 v0, $0x10  }
0x2a3: {  	v3 =	vand.u32 $0xFFFF0000, v0;
	v4 =	vshll.u32 v1, $0x10;
	v1 =	vand.u32 $0xFFFF0000, v1;
	v0 =	vld [tilespmem:s9+$0x9800]  }
0x2a4: {  	s10 =	simm.s32 $0x10;
	v2 =	vmul.f32 v4, v2;
	v3 =	vmul.f32 v1, v3  }
0x2a5: {  	s11 =	simm.s32 $0x80;
	v1 =	vld [tilespmem:s10+$0x8C00]  }
.LBB2_42:
0x2a6: {  	p0 =	sne.s32 s11, $0x7C0;
	v4 =	vld [tilespmem:s10+$0x5A00];
	v2 =	vadd.f32 v3, v2;
	_ =	sdelay $0x1  }
0x2a7: {  	v0 =	vadd.f32 v2, v0  }
.Ltmp20:
0x2a8: {  	(pc) =	sbr.rel @p0 .LBB2_42-.Ltmp20, $4  }
0x2a9: {  	v2 =	vshll.u32 v1, $0x10;
	[tilespmem:s9+$0x9800] =	vst v0;
	s9 =	smov.u32 s10  }
0x2aa: {  	v1 =	vand.u32 $0xFFFF0000, v1;
	v3 =	vshll.u32 v4, $0x10;
	v4 =	vand.u32 $0xFFFF0000, v4;
	v0 =	vld [tilespmem:s9+$0x9800]  }
0x2ab: {  	s10 =	sshra.s32 s11, $0x2;
	v2 =	vmul.f32 v3, v2;
	v3 =	vmul.f32 v4, v1  }
0x2ac: {  	s11 =	sadd.s32 $0x40, s11;
	v1 =	vld [tilespmem:s10+$0x8C00]  }
0x2ad: {  	v4 =	vld [tilespmem:s10+$0x5A00];
	v2 =	vadd.f32 v3, v2;
	_ =	sdelay $0x1  }
0x2ae: {  	v0 =	vadd.f32 v2, v0;
	_ =	sdelay $0x1  }
0x2af: {  	v2 =	vshll.u32 v1, $0x10;
	[tilespmem:s9+$0x9800] =	vst v0  }
0x2b0: {  	v0 =	vand.u32 $0xFFFF0000, v1;
	v1 =	vshll.u32 v4, $0x10;
	v3 =	vand.u32 $0xFFFF0000, v4;
	v4 =	vld [tilespmem:s10+$0x9800]  }
0x2b1: {  	v1 =	vmul.f32 v1, v2;
	v0 =	vmul.f32 v3, v0;
	_ =	sdelay $0x1  }
0x2b2: {  	v0 =	vadd.f32 v0, v1;
	_ =	sdelay $0x1  }
0x2b3: {  	v0 =	vadd.f32 v0, v4;
	_ =	sdelay $0x1  }
0x2b4: {  	[tilespmem:s10+$0x9800] =	vst v0  }
0x2b5: {  	_ =	swait.ge [sflag:s6], $0x200  }
0x2b6: {  	[sflag:s6] =	ssyncset.done $0x0  }
0x2b7: {  	[sflag:s6] =	ssyncadd.s32 $0xFFFFFE00  }
0x2b8: {  	_ =	swait.ge [sflag:s7], $0x200  }
0x2b9: {  	[sflag:s7] =	ssyncset.done $0x0  }
0x2ba: {  	s9 =	simm.s32 $0x0;
	[sflag:s7] =	ssyncadd.s32 $0xFFFFFE00  }
0x2bb: {  	v0 =	vld [tilespmem:s9+$0x8E00]  }
0x2bc: {  	v1 =	vld [tilespmem:s9+$0x5C00];
	_ =	sdelay $0x3  }
0x2bd: {  	v2 =	vshll.u32 v0, $0x10  }
0x2be: {  	v3 =	vand.u32 $0xFFFF0000, v0;
	v4 =	vshll.u32 v1, $0x10;
	v1 =	vand.u32 $0xFFFF0000, v1;
	v0 =	vld [tilespmem:s9+$0x9800]  }
0x2bf: {  	s10 =	simm.s32 $0x10;
	v2 =	vmul.f32 v4, v2;
	v3 =	vmul.f32 v1, v3  }
0x2c0: {  	s11 =	simm.s32 $0x80;
	v1 =	vld [tilespmem:s10+$0x8E00]  }
.LBB2_44:
0x2c1: {  	p0 =	sne.s32 s11, $0x7C0;
	v4 =	vld [tilespmem:s10+$0x5C00];
	v2 =	vadd.f32 v3, v2;
	_ =	sdelay $0x1  }
0x2c2: {  	v0 =	vadd.f32 v2, v0  }
.Ltmp21:
0x2c3: {  	(pc) =	sbr.rel @p0 .LBB2_44-.Ltmp21, $4  }
0x2c4: {  	v2 =	vshll.u32 v1, $0x10;
	[tilespmem:s9+$0x9800] =	vst v0;
	s9 =	smov.u32 s10  }
0x2c5: {  	v1 =	vand.u32 $0xFFFF0000, v1;
	v3 =	vshll.u32 v4, $0x10;
	v4 =	vand.u32 $0xFFFF0000, v4;
	v0 =	vld [tilespmem:s9+$0x9800]  }
0x2c6: {  	s10 =	sshra.s32 s11, $0x2;
	v2 =	vmul.f32 v3, v2;
	v3 =	vmul.f32 v4, v1  }
0x2c7: {  	s11 =	sadd.s32 $0x40, s11;
	v1 =	vld [tilespmem:s10+$0x8E00]  }
0x2c8: {  	v4 =	vld [tilespmem:s10+$0x5C00];
	v2 =	vadd.f32 v3, v2;
	_ =	sdelay $0x1  }
0x2c9: {  	v0 =	vadd.f32 v2, v0;
	_ =	sdelay $0x1  }
0x2ca: {  	v2 =	vshll.u32 v1, $0x10;
	[tilespmem:s9+$0x9800] =	vst v0  }
0x2cb: {  	v0 =	vand.u32 $0xFFFF0000, v1;
	v1 =	vshll.u32 v4, $0x10;
	v3 =	vand.u32 $0xFFFF0000, v4;
	v4 =	vld [tilespmem:s10+$0x9800]  }
0x2cc: {  	v1 =	vmul.f32 v1, v2;
	v0 =	vmul.f32 v3, v0;
	_ =	sdelay $0x1  }
0x2cd: {  	v0 =	vadd.f32 v0, v1;
	_ =	sdelay $0x1  }
0x2ce: {  	v0 =	vadd.f32 v0, v4;
	_ =	sdelay $0x1  }
0x2cf: {  	[tilespmem:s10+$0x9800] =	vst v0  }
0x2d0: {  	_ =	swait.ge [sflag:s6], $0x200  }
0x2d1: {  	[sflag:s6] =	ssyncset.done $0x0  }
0x2d2: {  	[sflag:s6] =	ssyncadd.s32 $0xFFFFFE00  }
0x2d3: {  	_ =	swait.ge [sflag:s7], $0x200  }
0x2d4: {  	[sflag:s7] =	ssyncset.done $0x0  }
0x2d5: {  	s9 =	simm.s32 $0x0;
	[sflag:s7] =	ssyncadd.s32 $0xFFFFFE00  }
0x2d6: {  	v0 =	vld [tilespmem:s9+$0x9000]  }
0x2d7: {  	v1 =	vld [tilespmem:s9+$0x5E00];
	_ =	sdelay $0x3  }
0x2d8: {  	v2 =	vshll.u32 v0, $0x10  }
0x2d9: {  	v3 =	vand.u32 $0xFFFF0000, v0;
	v4 =	vshll.u32 v1, $0x10;
	v1 =	vand.u32 $0xFFFF0000, v1;
	v0 =	vld [tilespmem:s9+$0x9800]  }
0x2da: {  	s10 =	simm.s32 $0x10;
	v2 =	vmul.f32 v4, v2;
	v3 =	vmul.f32 v1, v3  }
0x2db: {  	s11 =	simm.s32 $0x80;
	v1 =	vld [tilespmem:s10+$0x9000]  }
.LBB2_46:
0x2dc: {  	p0 =	sne.s32 s11, $0x7C0;
	v4 =	vld [tilespmem:s10+$0x5E00];
	v2 =	vadd.f32 v3, v2;
	_ =	sdelay $0x1  }
0x2dd: {  	v0 =	vadd.f32 v2, v0  }
.Ltmp22:
0x2de: {  	(pc) =	sbr.rel @p0 .LBB2_46-.Ltmp22, $4  }
0x2df: {  	v2 =	vshll.u32 v1, $0x10;
	[tilespmem:s9+$0x9800] =	vst v0;
	s9 =	smov.u32 s10  }
0x2e0: {  	v1 =	vand.u32 $0xFFFF0000, v1;
	v3 =	vshll.u32 v4, $0x10;
	v4 =	vand.u32 $0xFFFF0000, v4;
	v0 =	vld [tilespmem:s9+$0x9800]  }
0x2e1: {  	s10 =	sshra.s32 s11, $0x2;
	v2 =	vmul.f32 v3, v2;
	v3 =	vmul.f32 v4, v1  }
0x2e2: {  	s11 =	sadd.s32 $0x40, s11;
	v1 =	vld [tilespmem:s10+$0x9000]  }
0x2e3: {  	v4 =	vld [tilespmem:s10+$0x5E00];
	v2 =	vadd.f32 v3, v2;
	_ =	sdelay $0x1  }
0x2e4: {  	v0 =	vadd.f32 v2, v0;
	_ =	sdelay $0x1  }
0x2e5: {  	v2 =	vshll.u32 v1, $0x10;
	[tilespmem:s9+$0x9800] =	vst v0  }
0x2e6: {  	v0 =	vand.u32 $0xFFFF0000, v1;
	v1 =	vshll.u32 v4, $0x10;
	v3 =	vand.u32 $0xFFFF0000, v4;
	v4 =	vld [tilespmem:s10+$0x9800]  }
0x2e7: {  	v1 =	vmul.f32 v1, v2;
	v0 =	vmul.f32 v3, v0;
	_ =	sdelay $0x1  }
0x2e8: {  	v0 =	vadd.f32 v0, v1;
	_ =	sdelay $0x1  }
0x2e9: {  	v0 =	vadd.f32 v0, v4;
	_ =	sdelay $0x1  }
0x2ea: {  	[tilespmem:s10+$0x9800] =	vst v0  }
0x2eb: {  	_ =	swait.ge [sflag:s6], $0x200  }
0x2ec: {  	[sflag:s6] =	ssyncset.done $0x0  }
0x2ed: {  	[sflag:s6] =	ssyncadd.s32 $0xFFFFFE00  }
0x2ee: {  	_ =	swait.ge [sflag:s7], $0x200  }
0x2ef: {  	[sflag:s7] =	ssyncset.done $0x0  }
0x2f0: {  	s9 =	simm.s32 $0x0;
	[sflag:s7] =	ssyncadd.s32 $0xFFFFFE00  }
0x2f1: {  	v0 =	vld [tilespmem:s9+$0x9200]  }
0x2f2: {  	v1 =	vld [tilespmem:s9+$0x6000];
	_ =	sdelay $0x3  }
0x2f3: {  	v2 =	vshll.u32 v0, $0x10  }
0x2f4: {  	v3 =	vand.u32 $0xFFFF0000, v0;
	v4 =	vshll.u32 v1, $0x10;
	v1 =	vand.u32 $0xFFFF0000, v1;
	v0 =	vld [tilespmem:s9+$0x9800]  }
0x2f5: {  	s10 =	simm.s32 $0x10;
	v2 =	vmul.f32 v4, v2;
	v3 =	vmul.f32 v1, v3  }
0x2f6: {  	s11 =	simm.s32 $0x80;
	v1 =	vld [tilespmem:s10+$0x9200]  }
.LBB2_48:
0x2f7: {  	p0 =	sne.s32 s11, $0x7C0;
	v4 =	vld [tilespmem:s10+$0x6000];
	v2 =	vadd.f32 v3, v2;
	_ =	sdelay $0x1  }
0x2f8: {  	v0 =	vadd.f32 v2, v0  }
.Ltmp23:
0x2f9: {  	(pc) =	sbr.rel @p0 .LBB2_48-.Ltmp23, $4  }
0x2fa: {  	v2 =	vshll.u32 v1, $0x10;
	[tilespmem:s9+$0x9800] =	vst v0;
	s9 =	smov.u32 s10  }
0x2fb: {  	v1 =	vand.u32 $0xFFFF0000, v1;
	v3 =	vshll.u32 v4, $0x10;
	v4 =	vand.u32 $0xFFFF0000, v4;
	v0 =	vld [tilespmem:s9+$0x9800]  }
0x2fc: {  	s10 =	sshra.s32 s11, $0x2;
	v2 =	vmul.f32 v3, v2;
	v3 =	vmul.f32 v4, v1  }
0x2fd: {  	s11 =	sadd.s32 $0x40, s11;
	v1 =	vld [tilespmem:s10+$0x9200]  }
0x2fe: {  	v4 =	vld [tilespmem:s10+$0x6000];
	v2 =	vadd.f32 v3, v2;
	_ =	sdelay $0x1  }
0x2ff: {  	v0 =	vadd.f32 v2, v0;
	_ =	sdelay $0x1  }
0x300: {  	v2 =	vshll.u32 v1, $0x10;
	[tilespmem:s9+$0x9800] =	vst v0  }
0x301: {  	v0 =	vand.u32 $0xFFFF0000, v1;
	v1 =	vshll.u32 v4, $0x10;
	v3 =	vand.u32 $0xFFFF0000, v4;
	v4 =	vld [tilespmem:s10+$0x9800]  }
0x302: {  	v1 =	vmul.f32 v1, v2;
	v0 =	vmul.f32 v3, v0;
	_ =	sdelay $0x1  }
0x303: {  	v0 =	vadd.f32 v0, v1;
	_ =	sdelay $0x1  }
0x304: {  	v0 =	vadd.f32 v0, v4;
	_ =	sdelay $0x1  }
0x305: {  	[tilespmem:s10+$0x9800] =	vst v0  }
0x306: {  	_ =	swait.ge [sflag:s6], $0x200  }
0x307: {  	[sflag:s6] =	ssyncset.done $0x0  }
0x308: {  	[sflag:s6] =	ssyncadd.s32 $0xFFFFFE00  }
0x309: {  	_ =	swait.ge [sflag:s7], $0x200  }
0x30a: {  	[sflag:s7] =	ssyncset.done $0x0  }
0x30b: {  	s9 =	simm.s32 $0x0;
	[sflag:s7] =	ssyncadd.s32 $0xFFFFFE00  }
0x30c: {  	v0 =	vld [tilespmem:s9+$0x9400]  }
0x30d: {  	v1 =	vld [tilespmem:s9+$0x6200];
	_ =	sdelay $0x3  }
0x30e: {  	v2 =	vshll.u32 v0, $0x10  }
0x30f: {  	v3 =	vand.u32 $0xFFFF0000, v0;
	v4 =	vshll.u32 v1, $0x10;
	v1 =	vand.u32 $0xFFFF0000, v1;
	v0 =	vld [tilespmem:s9+$0x9800]  }
0x310: {  	s10 =	simm.s32 $0x10;
	v2 =	vmul.f32 v4, v2;
	v3 =	vmul.f32 v1, v3  }
0x311: {  	s11 =	simm.s32 $0x80;
	v1 =	vld [tilespmem:s10+$0x9400]  }
.LBB2_50:
0x312: {  	p0 =	sne.s32 s11, $0x7C0;
	v4 =	vld [tilespmem:s10+$0x6200];
	v2 =	vadd.f32 v3, v2;
	_ =	sdelay $0x1  }
0x313: {  	v0 =	vadd.f32 v2, v0  }
.Ltmp24:
0x314: {  	(pc) =	sbr.rel @p0 .LBB2_50-.Ltmp24, $4  }
0x315: {  	v2 =	vshll.u32 v1, $0x10;
	[tilespmem:s9+$0x9800] =	vst v0;
	s9 =	smov.u32 s10  }
0x316: {  	v1 =	vand.u32 $0xFFFF0000, v1;
	v3 =	vshll.u32 v4, $0x10;
	v4 =	vand.u32 $0xFFFF0000, v4;
	v0 =	vld [tilespmem:s9+$0x9800]  }
0x317: {  	s10 =	sshra.s32 s11, $0x2;
	v2 =	vmul.f32 v3, v2;
	v3 =	vmul.f32 v4, v1  }
0x318: {  	s11 =	sadd.s32 $0x40, s11;
	v1 =	vld [tilespmem:s10+$0x9400]  }
0x319: {  	v4 =	vld [tilespmem:s10+$0x6200];
	v2 =	vadd.f32 v3, v2;
	_ =	sdelay $0x1  }
0x31a: {  	v0 =	vadd.f32 v2, v0;
	_ =	sdelay $0x1  }
0x31b: {  	v2 =	vshll.u32 v1, $0x10;
	[tilespmem:s9+$0x9800] =	vst v0  }
0x31c: {  	v0 =	vand.u32 $0xFFFF0000, v1;
	v1 =	vshll.u32 v4, $0x10;
	v3 =	vand.u32 $0xFFFF0000, v4;
	v63 =	vld [tilespmem:s10+$0x9800]  }
0x31d: {  	v1 =	vmul.f32 v1, v2;
	v0 =	vmul.f32 v3, v0;
	_ =	sdelay $0x1  }
0x31e: {  	v0 =	vadd.f32 v0, v1;
	_ =	sdelay $0x1  }
0x31f: {  	v0 =	vadd.f32 v0, v63;
	_ =	sdelay $0x1  }
0x320: {  	[tilespmem:s10+$0x9800] =	vst v0  }
0x321: {  	_ =	swait.ge [sflag:s7], $0x200  }
0x322: {  	[sflag:s7] =	ssyncset.done $0x0  }
0x323: {  	s9 =	simm.s32 $0x0;
	[sflag:s7] =	ssyncadd.s32 $0xFFFFFE00  }
0x324: {  	s10 =	simm.s32 $0x40;
	v0 =	vld [tilespmem:s9+$0x9600]  }
.LBB2_52:
0x325: {  	p0 =	sne.s32 s10, $0x7C0;
	v1 =	vld [tilespmem:s9+$0x9800];
	_ =	sdelay $0x2  }
.Ltmp25:
0x326: {  	(pc) =	sbr.rel @p0 .LBB2_52-.Ltmp25, $4  }
0x327: {  	_ = 	snop  }
0x328: {  	v1 =	vadd.f32 v0, v1  }
0x329: {  	s11 =	sshra.s32 s10, $0x2  }
0x32a: {  	s10 =	sadd.s32 $0x40, s10;
	v0 =	vld [tilespmem:s11+$0x9600];
	[tilespmem:s9+$0x9800] =	vst v1;
	s9 =	smov.u32 s11  }
0x32b: {  	v1 =	vld [tilespmem:s9+$0x9800];
	_ =	sdelay $0x4  }
0x32c: {  	s8 =	sadd.s32 $0x1, s8;
	v0 =	vadd.f32 v0, v1  }
0x32d: {  	p0 =	sne.s32 s8, s0  }
.Ltmp26:
0x32e: {  	s11 =	simm.s32 $0x9800;
	[tilespmem:s9+$0x9800] =	vst v0;
	(pc) =	sbr.rel @p0 .LBB2_1-.Ltmp26, $4  }
0x32f: {  	[hbm4b:s22+s2] =	stream.linear.scatter [tilespmem:s11], [sflag:$0x3], $0x200, $0x38;
	[tilespmem:$0x9A00] =	vst v63  }
0x330: {  	_ =	swait.ge [sflag:s4], $0x200  }
0x331: {  	[sflag:s4] =	ssyncset.done $0x0  }
0x332: {  	[sflag:s4] =	ssyncadd.s32 $0xFFFFFE00  }
0x333: {  	_ =	sfence.sel $0x180000  }
0x334: {  	[bflag:$0x0] =	sbarrier.arrive $0xFFFF  }
0x335: {  	_ =	strace $0x9000004A  }
0x336: {  	s0 =	stileid.u32;
	[bflag:$0x2] =	sbarrier.arrive $0xFFFF  }
0x337: {  	p0 =	sne.s32 s0, $0x0;
	s0 =	rddreg [dreg:$0x2]  }
0x338: {  	s0 =	sadd.s32 @!p0 $0x100000, s0  }
0x339: {  	[sflag:s0] =	ssyncadd.tile.s32 @!p0 $0x1;
	_ =	shalt  }
.Lfunc_end2:
_tile_overlayer_lowered:
.L_overlay_start_2:
0x33a: {  	(tag) =	ssettag $0x2  }
0x33b: {  	s0 =	rddreg [dreg:$0x0];
	s2 =	stileid.u32  }
0x33c: {  	s1 =	rddreg [dreg:$0x1];
	p0 =	sne.s32 s2, $0x0  }
0x33d: {  	s3 =	rddreg [dreg:$0x2];
	[bflag:$0x3] =	sbarrier.arrive $0xFFFF;
	s2 =	simm.s32 @!p0 $0x1C03  }
0x33e: {  	[timem:s3], [sflag:s2] =	dma.local @!p0 [hbm:s0], s1  }
0x33f: {  	s0 =	simm.s32 @!p0 $0x3  }
0x340: {  	_ =	swait.ge @!p0 [sflag:s0], s1  }
0x341: {  	s1 =	ssub.s32 @!p0 $0x0, s1;
	[sflag:s0] =	ssyncset.done @!p0 $0x0  }
0x342: {  	[sflag:s0] =	ssyncadd.s32 @!p0 s1  }
0x343: {  	[bflag:$0x3] =	sbarrier.arrive $0xFFFF  }
0x344: {  	_ =	shalt  }

</sc_bundles>
